<compile_context>
chip_gen: v7x
topology: tpu7x:2x2x1
jax: 0.10.2.dev20260603
libtpu: 0.0.44.dev20260713+nightly
codegen_flags: <defaults>
</compile_context>

<pallas_src>
import functools

import jax
import jax.numpy as jnp
from jax import lax
from jax.experimental import pallas as pl
from jax.experimental.pallas import tpu as pltpu
from jax.experimental.pallas import tpu_sc as plsc

_STRIDE = 8
_ALPHA = 0.25
_CLS_WEIGHT = 0.8
_REG_WEIGHT = 0.2

_BS = 16
_H = 128
_W = 128
_NT = 8
_NCELL = _BS * _NT
_NFLAT = _BS * _H * _W
_HUGE_I = 2 ** 30
_NEG_INF = float("-inf")

_NC = 2
_NS = 16
_NW = _NC * _NS
_CHUNK = _NFLAT // _NW
_VROWS = _CHUNK // 16


def _dense_kernel(gxs, gys, offxs, offys, cells, pcls, pox, poy,
                  skeys, bcemap, ucells_out, params, sums, c0s):
    yi = lax.broadcasted_iota(jnp.int32, (_H, _W), 0)
    xi = lax.broadcasted_iota(jnp.int32, (_H, _W), 1)
    yif = yi.astype(jnp.float32)
    xif = xi.astype(jnp.float32)

    total_focal = jnp.float32(0.0)
    pos_focal = jnp.float32(0.0)
    npos_f = jnp.float32(0.0)
    reg_sum = jnp.float32(0.0)

    for b in range(_BS):
        slab = pcls[b * _H:(b + 1) * _H, :]
        cxf = gxs[b, _NT - 1].astype(jnp.float32)
        cyf = gys[b, _NT - 1].astype(jnp.float32)
        d2 = (xif - cxf) ** 2 + (yif - cyf) ** 2
        t = jnp.exp(-2.0 * d2)
        absp = jnp.abs(slab)
        bce = jnp.maximum(slab, 0.0) - slab * t + jnp.log1p(jnp.exp(-absp))
        p_t = jnp.exp(-bce)
        alpha = t * _ALPHA + (1.0 - t) * (1.0 - _ALPHA)
        one_m = 1.0 - p_t
        focal = alpha * one_m * one_m * bce
        pos = jnp.zeros((_H, _W), jnp.bool_)
        toffx = jnp.zeros((_H, _W), jnp.float32)
        toffy = jnp.zeros((_H, _W), jnp.float32)
        for j in range(_NT):
            hit = (xi == gxs[b, j]) & (yi == gys[b, j])
            pos = pos | hit
            toffx = jnp.where(hit, offxs[b, j], toffx)
            toffy = jnp.where(hit, offys[b, j], toffy)
        posf = pos.astype(jnp.float32)
        score = 1.0 / (1.0 + jnp.exp(-slab))
        msl = jnp.where(pos, _NEG_INF, score)
        ibits = lax.bitcast_convert_type(msl, jnp.int32)
        skeys[b * _H:(b + 1) * _H, :] = jnp.maximum(
            jnp.where(ibits >= 0, ibits, ibits ^ 0x7FFFFFFF), -1)
        bcemap[b * _H:(b + 1) * _H, :] = bce
        total_focal += jnp.sum(focal)
        pos_focal += jnp.sum(focal * posf)
        npos_f += jnp.sum(posf)
        pxs = pox[b * _H:(b + 1) * _H, :]
        pys = poy[b * _H:(b + 1) * _H, :]
        reg_sum += jnp.sum(posf * (jnp.abs(pxs - toffx) + jnp.abs(pys - toffy)))

    npos_i = npos_f.astype(jnp.int32)

    cv = cells[:]
    jmod = lax.broadcasted_iota(jnp.int32, (1, _NCELL), 1) % _NT
    dup = jnp.zeros((1, _NCELL), jnp.bool_)
    for d in range(1, _NT):
        shifted = jnp.concatenate(
            [cv[:, d:], jnp.full((1, d), _HUGE_I, jnp.int32)], axis=1)
        dup = dup | ((shifted == cv) & (jmod < _NT - d))
    uniqcells = jnp.where(dup, _HUGE_I, cv)
    ucells_out[:, :] = uniqcells

    skv = skeys[:, :]
    k = npos_i

    def vbody(i, tv):
        cand = tv + lax.shift_left(jnp.int32(1), 29 - i)
        c = jnp.sum((skv >= cand).astype(jnp.int32))
        return jnp.where(c >= k, cand, tv)

    tv = lax.fori_loop(0, 30, vbody, jnp.int32(0))

    count_gt = jnp.sum((skv >= tv + 1).astype(jnp.int32))
    need = k - count_gt

    pgrid = (lax.broadcasted_iota(jnp.int32, (_BS * _H, _W), 0) * _W
             + lax.broadcasted_iota(jnp.int32, (_BS * _H, _W), 1))
    eq = skv == tv

    def ibody(i, iv):
        cand = iv + lax.shift_left(jnp.int32(1), 17 - i)
        c = jnp.sum((eq & (pgrid <= cand)).astype(jnp.int32))
        return jnp.where(c < need, cand, iv)

    count_ge = jnp.sum((skv >= tv).astype(jnp.int32))
    n_idx_passes = jnp.where(count_ge == k, 0, 18)
    ismall = lax.fori_loop(0, n_idx_passes, ibody, jnp.int32(-1))
    ti = jnp.where(count_ge == k, jnp.int32(_NFLAT), ismall + 1)

    for w in range(_NW):
        c0s[w] = jnp.sum((uniqcells < w * _CHUNK).astype(jnp.int32))

    params[0] = tv
    params[1] = ti
    for q in range(2, 16):
        params[q] = 0
    sums[0] = total_focal
    sums[1] = pos_focal
    sums[2] = npos_f
    sums[3] = reg_sum
    for q in range(4, 8):
        sums[q] = 0.0


@functools.cache
def _make_sc_hard():
  mesh = plsc.VectorSubcoreMesh(
      core_axis_name="c", subcore_axis_name="s",
      num_cores=_NC, num_subcores=_NS)

  halo = 128

  @functools.partial(
      pl.kernel,
      out_type=jax.ShapeDtypeStruct((_NW, 16), jnp.float32),
      mesh=mesh,
      compiler_params=pltpu.CompilerParams(needs_layout_passes=False),
      scratch_types=[
          pltpu.VMEM((_CHUNK,), jnp.int32),
          pltpu.VMEM((_CHUNK + halo,), jnp.float32),
          pltpu.VMEM((16 * 128,), jnp.int32),
          pltpu.VMEM((_NT * 16,), jnp.int32),
          pltpu.VMEM((16,), jnp.int32),
          pltpu.VMEM((32,), jnp.int32),
          pltpu.VMEM((16,), jnp.float32),
      ],
  )
  def _sc_hard(skeys_hbm, bce_hbm, tcells_hbm, c0_hbm, params_hbm, out_hbm,
               chunk_v, bce_v, sel_v, tcells_v, c0_v, params_v, part_v):
    cid = lax.axis_index("c")
    sid = lax.axis_index("s")
    wid = sid * _NC + cid
    base = pl.multiple_of(wid * _CHUNK, 8)

    pltpu.sync_copy(skeys_hbm.at[pl.ds(base, _CHUNK)], chunk_v)
    lstart = pl.multiple_of(jnp.maximum(base - halo, 0), 8)
    pltpu.sync_copy(bce_hbm.at[pl.ds(lstart, halo)], bce_v.at[pl.ds(0, halo)])
    pltpu.sync_copy(bce_hbm.at[pl.ds(base, _CHUNK)],
                    bce_v.at[pl.ds(halo, _CHUNK)])
    tcb = pl.multiple_of(wid * (_NT * 16), 8)
    pltpu.sync_copy(tcells_hbm.at[pl.ds(tcb, _NT * 16)], tcells_v)
    c0b = pl.multiple_of(wid * 16, 8)
    pltpu.sync_copy(c0_hbm.at[pl.ds(c0b, 16)], c0_v)
    pltpu.sync_copy(params_hbm, params_v)

    def sbody(i, lanecnt):
      it = lax.iota(jnp.int32, 16)
      tvl = params_v[pl.ds(0, 16)]
      til = params_v[pl.ds(16, 16)]
      for u in range(2):
        v = chunk_v[pl.ds(pl.multiple_of((2 * i + u) * 16, 16), 16)]
        pv = base + (2 * i + u) * 16 + it
        gt = jnp.where(v > tvl, 1, 0)
        eq = jnp.where(v == tvl, 1, 0)
        le = jnp.where(pv <= til, 1, 0)
        seli = gt + eq * le
        plsc.store_scatter(sel_v, [it * 128 + lanecnt], pv, mask=(seli == 1))
        lanecnt = lanecnt + seli
      return lanecnt

    lanecnt = lax.fori_loop(
        0, _VROWS // 2, sbody, jnp.zeros((16,), jnp.int32))

    off = base - halo

    def gbody(s, carry):
      psum, lcv = carry
      it = lax.iota(jnp.int32, 16)
      pv = plsc.load_gather(sel_v, [it * 128 + s])
      valid = lcv > s
      posle = c0_v[...]
      for r in range(_NT):
        cr = tcells_v[pl.ds(r * 16, 16)]
        posle = posle + jnp.where(pv >= cr, 1, 0)
      lidx = jnp.where(valid, pv - posle - off, 0)
      vals = plsc.load_gather(bce_v, [lidx])
      return psum + jnp.where(valid, vals, 0.0), lcv

    psum, _ = lax.fori_loop(
        0, 128, gbody, (jnp.zeros((16,), jnp.float32), lanecnt))

    part_v[...] = psum
    pltpu.sync_copy(part_v, out_hbm.at[wid])

  return _sc_hard


@jax.jit
def _run(pred, targets):
    t0 = targets[:, :, 0]
    t1 = targets[:, :, 1]
    gx = jnp.minimum(t0 // _STRIDE, _W - 1)
    gy = jnp.minimum(t1 // _STRIDE, _H - 1)
    offx = (t0.astype(jnp.float32)
            - (gx * _STRIDE).astype(jnp.float32)) / _STRIDE
    offy = (t1.astype(jnp.float32)
            - (gy * _STRIDE).astype(jnp.float32)) / _STRIDE
    cells = (jnp.arange(_BS, dtype=jnp.int32)[:, None] * (_H * _W)
             + gy * _W + gx).reshape(1, _NCELL)
    pr = pred.reshape(_BS * _H * _W, 3)
    pox = pr[:, 0].reshape(_BS * _H, _W)
    poy = pr[:, 1].reshape(_BS * _H, _W)
    pcls = pr[:, 2].reshape(_BS * _H, _W)

    smem = pl.BlockSpec(memory_space=pltpu.SMEM)
    vmem = pl.BlockSpec(memory_space=pltpu.VMEM)
    skeys, bcemap, ucells, params, sums, c0s = pl.pallas_call(
        _dense_kernel,
        out_shape=[
            jax.ShapeDtypeStruct((_BS * _H, _W), jnp.int32),
            jax.ShapeDtypeStruct((_BS * _H, _W), jnp.float32),
            jax.ShapeDtypeStruct((1, _NCELL), jnp.int32),
            jax.ShapeDtypeStruct((16,), jnp.int32),
            jax.ShapeDtypeStruct((8,), jnp.float32),
            jax.ShapeDtypeStruct((_NW,), jnp.int32),
        ],
        in_specs=[smem, smem, smem, smem, vmem, vmem, vmem, vmem],
        out_specs=[vmem, vmem, vmem, smem, smem, smem],
    )(gx, gy, offx, offy, cells, pcls, pox, poy)

    u = ucells.reshape(_BS, _NT)
    rel = u - jnp.arange(_BS, dtype=jnp.int32)[:, None] * (_H * _W)
    tc_lo = jnp.where((rel >= 0) & (rel < _CHUNK), u, _HUGE_I)
    tc_hi = jnp.where((rel >= _CHUNK) & (rel < 2 * _CHUNK), u, _HUGE_I)
    tcells = jnp.stack([tc_lo, tc_hi], axis=1)
    tcells_splat = jnp.repeat(tcells.reshape(_NW * _NT), 16)
    c0_splat = jnp.repeat(c0s, 16)
    params_splat = jnp.repeat(params[:2], 16)
    hard_parts = _make_sc_hard()(
        skeys.reshape(_NFLAT), bcemap.reshape(_NFLAT),
        tcells_splat, c0_splat, params_splat)
    hard_sum = jnp.sum(hard_parts)

    total_focal = sums[0]
    pos_focal = sums[1]
    npos_f = sums[2]
    reg_sum = sums[3]
    nneg_f = jnp.float32(_NFLAT) - npos_f
    den_pos = jnp.maximum(npos_f, 1.0)
    pos_loss = pos_focal / den_pos
    neg_loss = (total_focal - pos_focal) / jnp.maximum(nneg_f, 1.0)
    hard_neg_loss = hard_sum / den_pos
    cls_loss = pos_loss + neg_loss + hard_neg_loss
    reg = reg_sum / (den_pos * 2.0)
    reg_loss = jnp.where(npos_f == 0.0, 0.0, reg / den_pos)
    return _CLS_WEIGHT * cls_loss + _REG_WEIGHT * reg_loss


def kernel(pred, targets):
    return _run(pred, targets)

# --- scband reference (transcript-rebuilt; emitter-appended) ---
"""Pipeline reference for scband-compute-loss2dpn-46497315946953 (READ-ONLY COPY).

The authoritative reference and input builder live on the scoring server;
editing this copy changes nothing except your own understanding.
"""

import jax, jax.numpy as jnp
import numpy as np

STRIDE = 8
GAMMA = 2.0
ALPHA = 0.25
CLS_WEIGHT = 0.8
REG_WEIGHT = 0.2


def _gaussian_heatmap(h, w, center, diameter, sigma_factor=6):
    sigma = diameter / sigma_factor
    y = np.arange(h, dtype=np.float32).reshape(-1, 1)
    x = np.arange(w, dtype=np.float32).reshape(1, -1)
    d2 = (x - center[1]) ** 2 + (y - center[0]) ** 2
    return np.exp(-d2 / (2.0 * sigma ** 2)).astype(np.float32)


def _build_targets(targets, bs, h, w):
    t_cls_map = jnp.zeros((bs, h, w), jnp.float32)
    t_off = jnp.zeros((bs, 1, h, w, 2), dtype=jnp.float32)
    pos = jnp.zeros((bs, 1, h, w, 1), dtype=bool)
    sigma = 3 / 6
    yg = jnp.arange(h, dtype=jnp.float32).reshape(1, -1, 1)
    xg = jnp.arange(w, dtype=jnp.float32).reshape(1, 1, -1)
    barange = jnp.arange(bs)
    for j in range(targets.shape[1]):
        t0 = targets[:, j, 0]
        t1 = targets[:, j, 1]
        validj = t0 >= 0
        gxj = jnp.minimum(t0 // STRIDE, w - 1)
        gyj = jnp.minimum(t1 // STRIDE, h - 1)
        cx = gxj.astype(jnp.float32).reshape(-1, 1, 1)
        cy = gyj.astype(jnp.float32).reshape(-1, 1, 1)
        d2 = (xg - cx) ** 2 + (yg - cy) ** 2
        heat = jnp.exp(-d2 / (2.0 * sigma ** 2))
        t_cls_map = jnp.where(validj.reshape(-1, 1, 1), heat, t_cls_map)
        bidx = jnp.where(validj, barange, bs)
        pos = pos.at[bidx, 0, gyj, gxj, 0].set(True, mode="drop")
        offx = (t0.astype(jnp.float32) - (gxj * STRIDE).astype(jnp.float32)) / STRIDE
        offy = (t1.astype(jnp.float32) - (gyj * STRIDE).astype(jnp.float32)) / STRIDE
        t_off = t_off.at[bidx, 0, gyj, gxj, 0].set(offx, mode="drop")
        t_off = t_off.at[bidx, 0, gyj, gxj, 1].set(offy, mode="drop")
    t_cls = t_cls_map.reshape(bs, 1, h, w, 1)
    return t_cls, t_off, pos


def _bce_logits(p, t):
    return jnp.maximum(p, 0.0) - p * t + jnp.log1p(jnp.exp(-jnp.abs(p)))


def setup_inputs(seed: int = 0):
    key = jax.random.key(seed)
    k1, k2 = jax.random.split(key)
    pred = jax.random.normal(k1, (16, 1, 128, 128, 3), dtype=jnp.float32)
    targets = jax.random.randint(k2, (16, 8, 2), 0, 1024, dtype=jnp.int32)
    return {"pred": pred, "targets": targets}


def reference(pred, targets):
    bs, _, h, w, _ = pred.shape
    p_offsets = pred[..., :2]
    p_cls = pred[..., 2:]
    t_cls, t_off, pos = _build_targets(targets, bs, h, w)
    neg = ~pos
    n_pos_a = pos.sum()
    n_neg_a = neg.sum()
    n_pos_f = n_pos_a.astype(jnp.float32)
    n_neg_f = n_neg_a.astype(jnp.float32)
    bce = _bce_logits(p_cls, t_cls)
    p_t = jnp.exp(-bce)
    alpha = t_cls * ALPHA + (1.0 - t_cls) * (1.0 - ALPHA)
    focal = alpha * (1.0 - p_t) ** GAMMA * bce
    pos_f = pos.astype(jnp.float32)
    neg_f = neg.astype(jnp.float32)
    pos_loss = (focal * pos_f).sum() / jnp.maximum(n_pos_f, 1.0)
    neg_loss = (focal * neg_f).sum() / jnp.maximum(n_neg_f, 1.0)
    scores = jax.nn.sigmoid(p_cls).reshape(-1)
    negflat = neg.reshape(-1)
    nflat = negflat.shape[0]
    masked_scores = jnp.where(negflat, scores, -jnp.inf)
    order = jnp.argsort(-masked_scores)
    compidx = jnp.cumsum(negflat.astype(jnp.int32)) - 1
    sel = (jnp.arange(nflat) < n_pos_a).astype(jnp.float32)
    # replicate original indexing: compacted-array indices written into flat mask
    hard_mask = jnp.zeros((nflat,), jnp.float32).at[compidx[order]].max(sel)
    hard_count = hard_mask.sum()
    hard_neg_loss = (bce.reshape(-1) * hard_mask).sum() / jnp.maximum(hard_count, 1.0)
    cls_loss = pos_loss + neg_loss + hard_neg_loss
    posrow = pos[..., 0].reshape(-1)
    po = p_offsets.reshape(-1, 2)
    to = t_off.reshape(-1, 2)
    rmask = posrow.astype(jnp.float32)[:, None]
    reg_sum = (jnp.abs(po - to) * rmask).sum()
    reg = reg_sum / (jnp.maximum(n_pos_f, 1.0) * 2.0)
    reg_loss = jnp.where(
        n_pos_a == 0,
        jnp.asarray(0.0, jnp.float32),
        reg / jnp.maximum(n_pos_f, 1.0),
    )
    total = CLS_WEIGHT * cls_loss + REG_WEIGHT * reg_loss
    return total

if __name__ == "__main__":
    import jax
    _d = setup_inputs()
    print(jax.jit(kernel)(*tuple(_d.values())))

</pallas_src>

<mosaic_0001>
#map = affine_map<(d0, d1) -> (0)>
#map1 = affine_map<(d0, d1) -> (0, 0)>
module attributes {stable_mosaic.version = 14 : i64} {
  func.func @_sc_hard(%arg0: i32, %arg1: i32, %arg2: memref<262144xi32, #tpu.memory_space<hbm>>, %arg3: memref<262144xf32, #tpu.memory_space<hbm>>, %arg4: memref<4096xi32, #tpu.memory_space<hbm>>, %arg5: memref<512xi32, #tpu.memory_space<hbm>>, %arg6: memref<32xi32, #tpu.memory_space<hbm>>, %arg7: memref<32x16xf32, #tpu.memory_space<hbm>>, %arg8: memref<8192xi32, #tpu.memory_space<vmem>>, %arg9: memref<8320xf32, #tpu.memory_space<vmem>>, %arg10: memref<2048xi32, #tpu.memory_space<vmem>>, %arg11: memref<128xi32, #tpu.memory_space<vmem>>, %arg12: memref<16xi32, #tpu.memory_space<vmem>>, %arg13: memref<32xi32, #tpu.memory_space<vmem>>, %arg14: memref<16xf32, #tpu.memory_space<vmem>>) attributes {dimension_semantics = [#tpu.dimension_semantics<core_parallel>, #tpu.dimension_semantics<subcore_parallel>], iteration_bounds = array<i64: 2, 16>, scalar_prefetch = 0 : i64, scratch_operands = 7 : i64, tpu.core_type = #tpu.core_type<sc_vector_subcore>, window_params = [{transform_indices = #map}, {transform_indices = #map}, {transform_indices = #map}, {transform_indices = #map}, {transform_indices = #map}, {transform_indices = #map1}]} {
    %mul3A = arith.constant 2 : i32
    %mul3A_0 = arith.muli %arg1, %mul3A : i32
    %add3A = arith.addi %mul3A_0, %arg0 : i32
    %mul3A_1 = arith.constant 8192 : i32
    %mul3A_2 = arith.muli %add3A, %mul3A_1 : i32
    %multiple_of3A = tpu.assume_multiple %mul3A_2, 8 : i32
    "tpu.region"() ({
      %run_scoped3A = tpu.sem_alloc : memref<!tpu.dma_semaphore, #tpu.memory_space<semaphore_mem>>
      %dma_start3A = tpu.memref_slice %arg2[%multiple_of3A] : memref<262144xi32, #tpu.memory_space<hbm>> -> memref<8192xi32, #tpu.memory_space<hbm>>
      %dma_start3A_29 = tpu.memref_slice %arg2[%multiple_of3A] : memref<262144xi32, #tpu.memory_space<hbm>> -> memref<8192xi32, #tpu.memory_space<hbm>>
      tpu.enqueue_dma source(%dma_start3A_29 : memref<8192xi32, #tpu.memory_space<hbm>>) target(%arg8 : memref<8192xi32, #tpu.memory_space<vmem>>) target_semaphore(%run_scoped3A : memref<!tpu.dma_semaphore, #tpu.memory_space<semaphore_mem>>)
      %dma_wait3A = tpu.memref_slice %arg2[%multiple_of3A] : memref<262144xi32, #tpu.memory_space<hbm>> -> memref<8192xi32, #tpu.memory_space<hbm>>
      %dma_wait3A_30 = tpu.memref_slice %arg2[%multiple_of3A] : memref<262144xi32, #tpu.memory_space<hbm>> -> memref<8192xi32, #tpu.memory_space<hbm>>
      tpu.wait_dma2 semaphore(%run_scoped3A : memref<!tpu.dma_semaphore, #tpu.memory_space<semaphore_mem>>) src(%dma_wait3A_30 : memref<8192xi32, #tpu.memory_space<hbm>>) dst(%arg8 : memref<8192xi32, #tpu.memory_space<vmem>>)
      tpu.yield
    }) : () -> ()
    %sub3A = arith.constant 128 : i32
    %sub3A_3 = arith.subi %multiple_of3A, %sub3A : i32
    %max3A = arith.constant 0 : i32
    %max3A_4 = arith.maxsi %sub3A_3, %max3A : i32
    %multiple_of3A_5 = tpu.assume_multiple %max3A_4, 8 : i32
    "tpu.region"() ({
      %run_scoped3A = tpu.sem_alloc : memref<!tpu.dma_semaphore, #tpu.memory_space<semaphore_mem>>
      %dma_start3A = arith.constant 0 : i32
      %dma_start3A_29 = tpu.memref_slice %arg9[%dma_start3A] : memref<8320xf32, #tpu.memory_space<vmem>> -> memref<128xf32, #tpu.memory_space<vmem>>
      %dma_start3A_30 = tpu.memref_slice %arg3[%multiple_of3A_5] : memref<262144xf32, #tpu.memory_space<hbm>> -> memref<128xf32, #tpu.memory_space<hbm>>
      %dma_start3A_31 = arith.constant 0 : i32
      %dma_start3A_32 = tpu.memref_slice %arg9[%dma_start3A_31] : memref<8320xf32, #tpu.memory_space<vmem>> -> memref<128xf32, #tpu.memory_space<vmem>>
      %dma_start3A_33 = tpu.memref_slice %arg3[%multiple_of3A_5] : memref<262144xf32, #tpu.memory_space<hbm>> -> memref<128xf32, #tpu.memory_space<hbm>>
      tpu.enqueue_dma source(%dma_start3A_33 : memref<128xf32, #tpu.memory_space<hbm>>) target(%dma_start3A_32 : memref<128xf32, #tpu.memory_space<vmem>>) target_semaphore(%run_scoped3A : memref<!tpu.dma_semaphore, #tpu.memory_space<semaphore_mem>>)
      %dma_wait3A = arith.constant 0 : i32
      %dma_wait3A_34 = tpu.memref_slice %arg9[%dma_wait3A] : memref<8320xf32, #tpu.memory_space<vmem>> -> memref<128xf32, #tpu.memory_space<vmem>>
      %dma_wait3A_35 = tpu.memref_slice %arg3[%multiple_of3A_5] : memref<262144xf32, #tpu.memory_space<hbm>> -> memref<128xf32, #tpu.memory_space<hbm>>
      %dma_wait3A_36 = arith.constant 0 : i32
      %dma_wait3A_37 = tpu.memref_slice %arg9[%dma_wait3A_36] : memref<8320xf32, #tpu.memory_space<vmem>> -> memref<128xf32, #tpu.memory_space<vmem>>
      %dma_wait3A_38 = tpu.memref_slice %arg3[%multiple_of3A_5] : memref<262144xf32, #tpu.memory_space<hbm>> -> memref<128xf32, #tpu.memory_space<hbm>>
      tpu.wait_dma2 semaphore(%run_scoped3A : memref<!tpu.dma_semaphore, #tpu.memory_space<semaphore_mem>>) src(%dma_wait3A_38 : memref<128xf32, #tpu.memory_space<hbm>>) dst(%dma_wait3A_37 : memref<128xf32, #tpu.memory_space<vmem>>)
      tpu.yield
    }) : () -> ()
    "tpu.region"() ({
      %run_scoped3A = tpu.sem_alloc : memref<!tpu.dma_semaphore, #tpu.memory_space<semaphore_mem>>
      %dma_start3A = arith.constant 128 : i32
      %dma_start3A_29 = tpu.memref_slice %arg9[%dma_start3A] : memref<8320xf32, #tpu.memory_space<vmem>> -> memref<8192xf32, #tpu.memory_space<vmem>>
      %dma_start3A_30 = tpu.memref_slice %arg3[%multiple_of3A] : memref<262144xf32, #tpu.memory_space<hbm>> -> memref<8192xf32, #tpu.memory_space<hbm>>
      %dma_start3A_31 = arith.constant 128 : i32
      %dma_start3A_32 = tpu.memref_slice %arg9[%dma_start3A_31] : memref<8320xf32, #tpu.memory_space<vmem>> -> memref<8192xf32, #tpu.memory_space<vmem>>
      %dma_start3A_33 = tpu.memref_slice %arg3[%multiple_of3A] : memref<262144xf32, #tpu.memory_space<hbm>> -> memref<8192xf32, #tpu.memory_space<hbm>>
      tpu.enqueue_dma source(%dma_start3A_33 : memref<8192xf32, #tpu.memory_space<hbm>>) target(%dma_start3A_32 : memref<8192xf32, #tpu.memory_space<vmem>>) target_semaphore(%run_scoped3A : memref<!tpu.dma_semaphore, #tpu.memory_space<semaphore_mem>>)
      %dma_wait3A = arith.constant 128 : i32
      %dma_wait3A_34 = tpu.memref_slice %arg9[%dma_wait3A] : memref<8320xf32, #tpu.memory_space<vmem>> -> memref<8192xf32, #tpu.memory_space<vmem>>
      %dma_wait3A_35 = tpu.memref_slice %arg3[%multiple_of3A] : memref<262144xf32, #tpu.memory_space<hbm>> -> memref<8192xf32, #tpu.memory_space<hbm>>
      %dma_wait3A_36 = arith.constant 128 : i32
      %dma_wait3A_37 = tpu.memref_slice %arg9[%dma_wait3A_36] : memref<8320xf32, #tpu.memory_space<vmem>> -> memref<8192xf32, #tpu.memory_space<vmem>>
      %dma_wait3A_38 = tpu.memref_slice %arg3[%multiple_of3A] : memref<262144xf32, #tpu.memory_space<hbm>> -> memref<8192xf32, #tpu.memory_space<hbm>>
      tpu.wait_dma2 semaphore(%run_scoped3A : memref<!tpu.dma_semaphore, #tpu.memory_space<semaphore_mem>>) src(%dma_wait3A_38 : memref<8192xf32, #tpu.memory_space<hbm>>) dst(%dma_wait3A_37 : memref<8192xf32, #tpu.memory_space<vmem>>)
      tpu.yield
    }) : () -> ()
    %mul3A_6 = arith.constant 128 : i32
    %mul3A_7 = arith.muli %add3A, %mul3A_6 : i32
    %multiple_of3A_8 = tpu.assume_multiple %mul3A_7, 8 : i32
    "tpu.region"() ({
      %run_scoped3A = tpu.sem_alloc : memref<!tpu.dma_semaphore, #tpu.memory_space<semaphore_mem>>
      %dma_start3A = tpu.memref_slice %arg4[%multiple_of3A_8] : memref<4096xi32, #tpu.memory_space<hbm>> -> memref<128xi32, #tpu.memory_space<hbm>>
      %dma_start3A_29 = tpu.memref_slice %arg4[%multiple_of3A_8] : memref<4096xi32, #tpu.memory_space<hbm>> -> memref<128xi32, #tpu.memory_space<hbm>>
      tpu.enqueue_dma source(%dma_start3A_29 : memref<128xi32, #tpu.memory_space<hbm>>) target(%arg11 : memref<128xi32, #tpu.memory_space<vmem>>) target_semaphore(%run_scoped3A : memref<!tpu.dma_semaphore, #tpu.memory_space<semaphore_mem>>)
      %dma_wait3A = tpu.memref_slice %arg4[%multiple_of3A_8] : memref<4096xi32, #tpu.memory_space<hbm>> -> memref<128xi32, #tpu.memory_space<hbm>>
      %dma_wait3A_30 = tpu.memref_slice %arg4[%multiple_of3A_8] : memref<4096xi32, #tpu.memory_space<hbm>> -> memref<128xi32, #tpu.memory_space<hbm>>
      tpu.wait_dma2 semaphore(%run_scoped3A : memref<!tpu.dma_semaphore, #tpu.memory_space<semaphore_mem>>) src(%dma_wait3A_30 : memref<128xi32, #tpu.memory_space<hbm>>) dst(%arg11 : memref<128xi32, #tpu.memory_space<vmem>>)
      tpu.yield
    }) : () -> ()
    %mul3A_9 = arith.constant 16 : i32
    %mul3A_10 = arith.muli %add3A, %mul3A_9 : i32
    %multiple_of3A_11 = tpu.assume_multiple %mul3A_10, 8 : i32
    "tpu.region"() ({
      %run_scoped3A = tpu.sem_alloc : memref<!tpu.dma_semaphore, #tpu.memory_space<semaphore_mem>>
      %dma_start3A = tpu.memref_slice %arg5[%multiple_of3A_11] : memref<512xi32, #tpu.memory_space<hbm>> -> memref<16xi32, #tpu.memory_space<hbm>>
      %dma_start3A_29 = tpu.memref_slice %arg5[%multiple_of3A_11] : memref<512xi32, #tpu.memory_space<hbm>> -> memref<16xi32, #tpu.memory_space<hbm>>
      tpu.enqueue_dma source(%dma_start3A_29 : memref<16xi32, #tpu.memory_space<hbm>>) target(%arg12 : memref<16xi32, #tpu.memory_space<vmem>>) target_semaphore(%run_scoped3A : memref<!tpu.dma_semaphore, #tpu.memory_space<semaphore_mem>>)
      %dma_wait3A = tpu.memref_slice %arg5[%multiple_of3A_11] : memref<512xi32, #tpu.memory_space<hbm>> -> memref<16xi32, #tpu.memory_space<hbm>>
      %dma_wait3A_30 = tpu.memref_slice %arg5[%multiple_of3A_11] : memref<512xi32, #tpu.memory_space<hbm>> -> memref<16xi32, #tpu.memory_space<hbm>>
      tpu.wait_dma2 semaphore(%run_scoped3A : memref<!tpu.dma_semaphore, #tpu.memory_space<semaphore_mem>>) src(%dma_wait3A_30 : memref<16xi32, #tpu.memory_space<hbm>>) dst(%arg12 : memref<16xi32, #tpu.memory_space<vmem>>)
      tpu.yield
    }) : () -> ()
    "tpu.region"() ({
      %run_scoped3A = tpu.sem_alloc : memref<!tpu.dma_semaphore, #tpu.memory_space<semaphore_mem>>
      tpu.enqueue_dma source(%arg6 : memref<32xi32, #tpu.memory_space<hbm>>) target(%arg13 : memref<32xi32, #tpu.memory_space<vmem>>) target_semaphore(%run_scoped3A : memref<!tpu.dma_semaphore, #tpu.memory_space<semaphore_mem>>)
      tpu.wait_dma2 semaphore(%run_scoped3A : memref<!tpu.dma_semaphore, #tpu.memory_space<semaphore_mem>>) src(%arg6 : memref<32xi32, #tpu.memory_space<hbm>>) dst(%arg13 : memref<32xi32, #tpu.memory_space<vmem>>)
      tpu.yield
    }) : () -> ()
    %broadcast_in_dim3A = arith.constant 0 : i32
    %broadcast_in_dim3A_12 = vector.broadcast %broadcast_in_dim3A : i32 to vector<16xi32>
    %scan3A = arith.constant 0 : i32
    %scan3A_13 = arith.constant 256 : i32
    %scan3A_14 = arith.addi %scan3A, %scan3A_13 : i32
    %scan3A_15 = arith.constant 1 : i32
    %scan3A_16 = scf.for %scan3A_29 = %scan3A to %scan3A_14 step %scan3A_15 iter_args(%scan3A_30 = %broadcast_in_dim3A_12) -> (vector<16xi32>)  : i32 {
      %iota3A = tpu.iota {dimensions = array<i32: 0>} : vector<16xi32>
      %get3A = arith.constant 0 : index
      %get3A_31 = tpu.vector_load %arg13[%get3A] {strides = array<i32>} : memref<32xi32, #tpu.memory_space<vmem>>, vector<16xi32>,
      %get3A_32 = arith.constant 16 : index
      %get3A_33 = tpu.vector_load %arg13[%get3A_32] {strides = array<i32>} : memref<32xi32, #tpu.memory_space<vmem>>, vector<16xi32>,
      %mul3A_34 = arith.constant 2 : i32
      %mul3A_35 = arith.muli %mul3A_34, %scan3A_29 : i32
      %add3A_36 = arith.constant 0 : i32
      %add3A_37 = arith.addi %mul3A_35, %add3A_36 : i32
      %mul3A_38 = arith.constant 16 : i32
      %mul3A_39 = arith.muli %add3A_37, %mul3A_38 : i32
      %multiple_of3A_40 = tpu.assume_multiple %mul3A_39, 16 : i32
      %get3A_41 = arith.index_cast %multiple_of3A_40 : i32 to index
      %get3A_42 = tpu.vector_load %arg8[%get3A_41] {strides = array<i32>} : memref<8192xi32, #tpu.memory_space<vmem>>, vector<16xi32>,
      %mul3A_43 = arith.constant 2 : i32
      %mul3A_44 = arith.muli %mul3A_43, %scan3A_29 : i32
      %add3A_45 = arith.constant 0 : i32
      %add3A_46 = arith.addi %mul3A_44, %add3A_45 : i32
      %mul3A_47 = arith.constant 16 : i32
      %mul3A_48 = arith.muli %add3A_46, %mul3A_47 : i32
      %add3A_49 = arith.addi %multiple_of3A, %mul3A_48 : i32
      %add3A_50 = vector.broadcast %add3A_49 : i32 to vector<16xi32>
      %add3A_51 = arith.addi %add3A_50, %iota3A : vector<16xi32>
      %gt3A = arith.cmpi sgt, %get3A_42, %get3A_31 : vector<16xi32>
      %jit3A = arith.constant 1 : i32
      %jit3A_52 = arith.constant 0 : i32
      %broadcast_in_dim3A_53 = vector.broadcast %jit3A : i32 to vector<16xi32>
      %broadcast_in_dim3A_54 = vector.broadcast %jit3A_52 : i32 to vector<16xi32>
      %select_n3A = arith.select %gt3A, %broadcast_in_dim3A_53, %broadcast_in_dim3A_54 : vector<16xi1>, vector<16xi32>
      %eq3A = arith.cmpi eq, %get3A_42, %get3A_31 : vector<16xi32>
      %jit3A_55 = arith.constant 1 : i32
      %jit3A_56 = arith.constant 0 : i32
      %broadcast_in_dim3A_57 = vector.broadcast %jit3A_55 : i32 to vector<16xi32>
      %broadcast_in_dim3A_58 = vector.broadcast %jit3A_56 : i32 to vector<16xi32>
      %select_n3A_59 = arith.select %eq3A, %broadcast_in_dim3A_57, %broadcast_in_dim3A_58 : vector<16xi1>, vector<16xi32>
      %le3A = arith.cmpi sle, %add3A_51, %get3A_33 : vector<16xi32>
      %jit3A_60 = arith.constant 1 : i32
      %jit3A_61 = arith.constant 0 : i32
      %broadcast_in_dim3A_62 = vector.broadcast %jit3A_60 : i32 to vector<16xi32>
      %broadcast_in_dim3A_63 = vector.broadcast %jit3A_61 : i32 to vector<16xi32>
      %select_n3A_64 = arith.select %le3A, %broadcast_in_dim3A_62, %broadcast_in_dim3A_63 : vector<16xi1>, vector<16xi32>
      %mul3A_65 = arith.muli %select_n3A_59, %select_n3A_64 : vector<16xi32>
      %add3A_66 = arith.addi %select_n3A, %mul3A_65 : vector<16xi32>
      %mul3A_67 = arith.constant 128 : i32
      %mul3A_68 = vector.broadcast %mul3A_67 : i32 to vector<16xi32>
      %mul3A_69 = arith.muli %iota3A, %mul3A_68 : vector<16xi32>
      %add3A_70 = arith.addi %mul3A_69, %scan3A_30 : vector<16xi32>
      %eq3A_71 = arith.constant 1 : i32
      %eq3A_72 = vector.broadcast %eq3A_71 : i32 to vector<16xi32>
      %eq3A_73 = arith.cmpi eq, %add3A_66, %eq3A_72 : vector<16xi32>
      tpu.vector_store_idx %arg10[%add3A_70], %add3A_51 masked %eq3A_73 : memref<2048xi32, #tpu.memory_space<vmem>>[vector<16xi32>], vector<16xi32>, vector<16xi1>
      %add3A_74 = arith.addi %scan3A_30, %add3A_66 : vector<16xi32>
      %mul3A_75 = arith.constant 2 : i32
      %mul3A_76 = arith.muli %mul3A_75, %scan3A_29 : i32
      %add3A_77 = arith.constant 1 : i32
      %add3A_78 = arith.addi %mul3A_76, %add3A_77 : i32
      %mul3A_79 = arith.constant 16 : i32
      %mul3A_80 = arith.muli %add3A_78, %mul3A_79 : i32
      %multiple_of3A_81 = tpu.assume_multiple %mul3A_80, 16 : i32
      %get3A_82 = arith.index_cast %multiple_of3A_81 : i32 to index
      %get3A_83 = tpu.vector_load %arg8[%get3A_82] {strides = array<i32>} : memref<8192xi32, #tpu.memory_space<vmem>>, vector<16xi32>,
      %mul3A_84 = arith.constant 2 : i32
      %mul3A_85 = arith.muli %mul3A_84, %scan3A_29 : i32
      %add3A_86 = arith.constant 1 : i32
      %add3A_87 = arith.addi %mul3A_85, %add3A_86 : i32
      %mul3A_88 = arith.constant 16 : i32
      %mul3A_89 = arith.muli %add3A_87, %mul3A_88 : i32
      %add3A_90 = arith.addi %multiple_of3A, %mul3A_89 : i32
      %add3A_91 = vector.broadcast %add3A_90 : i32 to vector<16xi32>
      %add3A_92 = arith.addi %add3A_91, %iota3A : vector<16xi32>
      %gt3A_93 = arith.cmpi sgt, %get3A_83, %get3A_31 : vector<16xi32>
      %jit3A_94 = arith.constant 1 : i32
      %jit3A_95 = arith.constant 0 : i32
      %broadcast_in_dim3A_96 = vector.broadcast %jit3A_94 : i32 to vector<16xi32>
      %broadcast_in_dim3A_97 = vector.broadcast %jit3A_95 : i32 to vector<16xi32>
      %select_n3A_98 = arith.select %gt3A_93, %broadcast_in_dim3A_96, %broadcast_in_dim3A_97 : vector<16xi1>, vector<16xi32>
      %eq3A_99 = arith.cmpi eq, %get3A_83, %get3A_31 : vector<16xi32>
      %jit3A_100 = arith.constant 1 : i32
      %jit3A_101 = arith.constant 0 : i32
      %broadcast_in_dim3A_102 = vector.broadcast %jit3A_100 : i32 to vector<16xi32>
      %broadcast_in_dim3A_103 = vector.broadcast %jit3A_101 : i32 to vector<16xi32>
      %select_n3A_104 = arith.select %eq3A_99, %broadcast_in_dim3A_102, %broadcast_in_dim3A_103 : vector<16xi1>, vector<16xi32>
      %le3A_105 = arith.cmpi sle, %add3A_92, %get3A_33 : vector<16xi32>
      %jit3A_106 = arith.constant 1 : i32
      %jit3A_107 = arith.constant 0 : i32
      %broadcast_in_dim3A_108 = vector.broadcast %jit3A_106 : i32 to vector<16xi32>
      %broadcast_in_dim3A_109 = vector.broadcast %jit3A_107 : i32 to vector<16xi32>
      %select_n3A_110 = arith.select %le3A_105, %broadcast_in_dim3A_108, %broadcast_in_dim3A_109 : vector<16xi1>, vector<16xi32>
      %mul3A_111 = arith.muli %select_n3A_104, %select_n3A_110 : vector<16xi32>
      %add3A_112 = arith.addi %select_n3A_98, %mul3A_111 : vector<16xi32>
      %mul3A_113 = arith.constant 128 : i32
      %mul3A_114 = vector.broadcast %mul3A_113 : i32 to vector<16xi32>
      %mul3A_115 = arith.muli %iota3A, %mul3A_114 : vector<16xi32>
      %add3A_116 = arith.addi %mul3A_115, %add3A_74 : vector<16xi32>
      %eq3A_117 = arith.constant 1 : i32
      %eq3A_118 = vector.broadcast %eq3A_117 : i32 to vector<16xi32>
      %eq3A_119 = arith.cmpi eq, %add3A_112, %eq3A_118 : vector<16xi32>
      tpu.vector_store_idx %arg10[%add3A_116], %add3A_92 masked %eq3A_119 : memref<2048xi32, #tpu.memory_space<vmem>>[vector<16xi32>], vector<16xi32>, vector<16xi1>
      %add3A_120 = arith.addi %add3A_74, %add3A_112 : vector<16xi32>
      scf.yield %add3A_120 : vector<16xi32>
    }
    %scan3A_17 = arith.constant 256 : i32
    %sub3A_18 = arith.constant 128 : i32
    %sub3A_19 = arith.subi %multiple_of3A, %sub3A_18 : i32
    %broadcast_in_dim3A_20 = arith.constant 0.000000e+00 : f32
    %broadcast_in_dim3A_21 = vector.broadcast %broadcast_in_dim3A_20 : f32 to vector<16xf32>
    %scan3A_22 = arith.constant 0 : i32
    %scan3A_23 = arith.constant 128 : i32
    %scan3A_24 = arith.addi %scan3A_22, %scan3A_23 : i32
    %scan3A_25 = arith.constant 1 : i32
    %scan3A_26 = scf.for %scan3A_29 = %scan3A_22 to %scan3A_24 step %scan3A_25 iter_args(%scan3A_30 = %broadcast_in_dim3A_21) -> (vector<16xf32>)  : i32 {
      %iota3A = tpu.iota {dimensions = array<i32: 0>} : vector<16xi32>
      %mul3A_31 = arith.constant 128 : i32
      %mul3A_32 = vector.broadcast %mul3A_31 : i32 to vector<16xi32>
      %mul3A_33 = arith.muli %iota3A, %mul3A_32 : vector<16xi32>
      %add3A_34 = vector.broadcast %scan3A_29 : i32 to vector<16xi32>
      %add3A_35 = arith.addi %mul3A_33, %add3A_34 : vector<16xi32>
      %gather3A = tpu.vector_load_idx %arg10[%add3A_35] : memref<2048xi32, #tpu.memory_space<vmem>>[vector<16xi32>], vector<16xi32>,
      %gt3A = vector.broadcast %scan3A_29 : i32 to vector<16xi32>
      %gt3A_36 = arith.cmpi sgt, %scan3A_16, %gt3A : vector<16xi32>
      %get3A = arith.constant 0 : index
      %get3A_37 = tpu.vector_load %arg12[%get3A] {strides = array<i32>} : memref<16xi32, #tpu.memory_space<vmem>>, vector<16xi32>,
      %get3A_38 = arith.constant 0 : index
      %get3A_39 = tpu.vector_load %arg11[%get3A_38] {strides = array<i32>} : memref<128xi32, #tpu.memory_space<vmem>>, vector<16xi32>,
      %ge3A = arith.cmpi sge, %gather3A, %get3A_39 : vector<16xi32>
      %jit3A = arith.constant 1 : i32
      %jit3A_40 = arith.constant 0 : i32
      %broadcast_in_dim3A_41 = vector.broadcast %jit3A : i32 to vector<16xi32>
      %broadcast_in_dim3A_42 = vector.broadcast %jit3A_40 : i32 to vector<16xi32>
      %select_n3A = arith.select %ge3A, %broadcast_in_dim3A_41, %broadcast_in_dim3A_42 : vector<16xi1>, vector<16xi32>
      %add3A_43 = arith.addi %get3A_37, %select_n3A : vector<16xi32>
      %get3A_44 = arith.constant 16 : index
      %get3A_45 = tpu.vector_load %arg11[%get3A_44] {strides = array<i32>} : memref<128xi32, #tpu.memory_space<vmem>>, vector<16xi32>,
      %ge3A_46 = arith.cmpi sge, %gather3A, %get3A_45 : vector<16xi32>
      %jit3A_47 = arith.constant 1 : i32
      %jit3A_48 = arith.constant 0 : i32
      %broadcast_in_dim3A_49 = vector.broadcast %jit3A_47 : i32 to vector<16xi32>
      %broadcast_in_dim3A_50 = vector.broadcast %jit3A_48 : i32 to vector<16xi32>
      %select_n3A_51 = arith.select %ge3A_46, %broadcast_in_dim3A_49, %broadcast_in_dim3A_50 : vector<16xi1>, vector<16xi32>
      %add3A_52 = arith.addi %add3A_43, %select_n3A_51 : vector<16xi32>
      %get3A_53 = arith.constant 32 : index
      %get3A_54 = tpu.vector_load %arg11[%get3A_53] {strides = array<i32>} : memref<128xi32, #tpu.memory_space<vmem>>, vector<16xi32>,
      %ge3A_55 = arith.cmpi sge, %gather3A, %get3A_54 : vector<16xi32>
      %jit3A_56 = arith.constant 1 : i32
      %jit3A_57 = arith.constant 0 : i32
      %broadcast_in_dim3A_58 = vector.broadcast %jit3A_56 : i32 to vector<16xi32>
      %broadcast_in_dim3A_59 = vector.broadcast %jit3A_57 : i32 to vector<16xi32>
      %select_n3A_60 = arith.select %ge3A_55, %broadcast_in_dim3A_58, %broadcast_in_dim3A_59 : vector<16xi1>, vector<16xi32>
      %add3A_61 = arith.addi %add3A_52, %select_n3A_60 : vector<16xi32>
      %get3A_62 = arith.constant 48 : index
      %get3A_63 = tpu.vector_load %arg11[%get3A_62] {strides = array<i32>} : memref<128xi32, #tpu.memory_space<vmem>>, vector<16xi32>,
      %ge3A_64 = arith.cmpi sge, %gather3A, %get3A_63 : vector<16xi32>
      %jit3A_65 = arith.constant 1 : i32
      %jit3A_66 = arith.constant 0 : i32
      %broadcast_in_dim3A_67 = vector.broadcast %jit3A_65 : i32 to vector<16xi32>
      %broadcast_in_dim3A_68 = vector.broadcast %jit3A_66 : i32 to vector<16xi32>
      %select_n3A_69 = arith.select %ge3A_64, %broadcast_in_dim3A_67, %broadcast_in_dim3A_68 : vector<16xi1>, vector<16xi32>
      %add3A_70 = arith.addi %add3A_61, %select_n3A_69 : vector<16xi32>
      %get3A_71 = arith.constant 64 : index
      %get3A_72 = tpu.vector_load %arg11[%get3A_71] {strides = array<i32>} : memref<128xi32, #tpu.memory_space<vmem>>, vector<16xi32>,
      %ge3A_73 = arith.cmpi sge, %gather3A, %get3A_72 : vector<16xi32>
      %jit3A_74 = arith.constant 1 : i32
      %jit3A_75 = arith.constant 0 : i32
      %broadcast_in_dim3A_76 = vector.broadcast %jit3A_74 : i32 to vector<16xi32>
      %broadcast_in_dim3A_77 = vector.broadcast %jit3A_75 : i32 to vector<16xi32>
      %select_n3A_78 = arith.select %ge3A_73, %broadcast_in_dim3A_76, %broadcast_in_dim3A_77 : vector<16xi1>, vector<16xi32>
      %add3A_79 = arith.addi %add3A_70, %select_n3A_78 : vector<16xi32>
      %get3A_80 = arith.constant 80 : index
      %get3A_81 = tpu.vector_load %arg11[%get3A_80] {strides = array<i32>} : memref<128xi32, #tpu.memory_space<vmem>>, vector<16xi32>,
      %ge3A_82 = arith.cmpi sge, %gather3A, %get3A_81 : vector<16xi32>
      %jit3A_83 = arith.constant 1 : i32
      %jit3A_84 = arith.constant 0 : i32
      %broadcast_in_dim3A_85 = vector.broadcast %jit3A_83 : i32 to vector<16xi32>
      %broadcast_in_dim3A_86 = vector.broadcast %jit3A_84 : i32 to vector<16xi32>
      %select_n3A_87 = arith.select %ge3A_82, %broadcast_in_dim3A_85, %broadcast_in_dim3A_86 : vector<16xi1>, vector<16xi32>
      %add3A_88 = arith.addi %add3A_79, %select_n3A_87 : vector<16xi32>
      %get3A_89 = arith.constant 96 : index
      %get3A_90 = tpu.vector_load %arg11[%get3A_89] {strides = array<i32>} : memref<128xi32, #tpu.memory_space<vmem>>, vector<16xi32>,
      %ge3A_91 = arith.cmpi sge, %gather3A, %get3A_90 : vector<16xi32>
      %jit3A_92 = arith.constant 1 : i32
      %jit3A_93 = arith.constant 0 : i32
      %broadcast_in_dim3A_94 = vector.broadcast %jit3A_92 : i32 to vector<16xi32>
      %broadcast_in_dim3A_95 = vector.broadcast %jit3A_93 : i32 to vector<16xi32>
      %select_n3A_96 = arith.select %ge3A_91, %broadcast_in_dim3A_94, %broadcast_in_dim3A_95 : vector<16xi1>, vector<16xi32>
      %add3A_97 = arith.addi %add3A_88, %select_n3A_96 : vector<16xi32>
      %get3A_98 = arith.constant 112 : index
      %get3A_99 = tpu.vector_load %arg11[%get3A_98] {strides = array<i32>} : memref<128xi32, #tpu.memory_space<vmem>>, vector<16xi32>,
      %ge3A_100 = arith.cmpi sge, %gather3A, %get3A_99 : vector<16xi32>
      %jit3A_101 = arith.constant 1 : i32
      %jit3A_102 = arith.constant 0 : i32
      %broadcast_in_dim3A_103 = vector.broadcast %jit3A_101 : i32 to vector<16xi32>
      %broadcast_in_dim3A_104 = vector.broadcast %jit3A_102 : i32 to vector<16xi32>
      %select_n3A_105 = arith.select %ge3A_100, %broadcast_in_dim3A_103, %broadcast_in_dim3A_104 : vector<16xi1>, vector<16xi32>
      %add3A_106 = arith.addi %add3A_97, %select_n3A_105 : vector<16xi32>
      %sub3A_107 = arith.subi %gather3A, %add3A_106 : vector<16xi32>
      %sub3A_108 = vector.broadcast %sub3A_19 : i32 to vector<16xi32>
      %sub3A_109 = arith.subi %sub3A_107, %sub3A_108 : vector<16xi32>
      %jit3A_110 = arith.constant 0 : i32
      %broadcast_in_dim3A_111 = vector.broadcast %jit3A_110 : i32 to vector<16xi32>
      %select_n3A_112 = arith.select %gt3A_36, %sub3A_109, %broadcast_in_dim3A_111 : vector<16xi1>, vector<16xi32>
      %gather3A_113 = tpu.vector_load_idx %arg9[%select_n3A_112] : memref<8320xf32, #tpu.memory_space<vmem>>[vector<16xi32>], vector<16xf32>,
      %jit3A_114 = arith.constant 0.000000e+00 : f32
      %broadcast_in_dim3A_115 = vector.broadcast %jit3A_114 : f32 to vector<16xf32>
      %select_n3A_116 = arith.select %gt3A_36, %gather3A_113, %broadcast_in_dim3A_115 : vector<16xi1>, vector<16xf32>
      %add3A_117 = arith.addf %scan3A_30, %select_n3A_116 : vector<16xf32>
      scf.yield %add3A_117 : vector<16xf32>
    }
    %scan3A_27 = arith.constant 128 : i32
    %swap3A = arith.constant 0 : index
    %swap3A_28 = tpu.vector_load %arg14[%swap3A] {strides = array<i32>} : memref<16xf32, #tpu.memory_space<vmem>>, vector<16xf32>,
    tpu.vector_store %arg14[%swap3A], %scan3A_26 {strides = array<i32>} : memref<16xf32, #tpu.memory_space<vmem>>, vector<16xf32>,
    "tpu.region"() ({
      %run_scoped3A = tpu.sem_alloc : memref<!tpu.dma_semaphore, #tpu.memory_space<semaphore_mem>>
      %dma_start3A = arith.constant 0 : i32
      %dma_start3A_29 = tpu.memref_slice %arg7[%add3A, %dma_start3A] : memref<32x16xf32, #tpu.memory_space<hbm>> -> memref<1x16xf32, #tpu.memory_space<hbm>>
      %dma_start3A_30 = tpu.memref_squeeze %dma_start3A_29 : memref<1x16xf32, #tpu.memory_space<hbm>> -> memref<16xf32, #tpu.memory_space<hbm>>
      %dma_start3A_31 = arith.constant 0 : i32
      %dma_start3A_32 = tpu.memref_slice %arg7[%add3A, %dma_start3A_31] : memref<32x16xf32, #tpu.memory_space<hbm>> -> memref<1x16xf32, #tpu.memory_space<hbm>>
      %dma_start3A_33 = tpu.memref_squeeze %dma_start3A_32 : memref<1x16xf32, #tpu.memory_space<hbm>> -> memref<16xf32, #tpu.memory_space<hbm>>
      tpu.enqueue_dma source(%arg14 : memref<16xf32, #tpu.memory_space<vmem>>) target(%dma_start3A_33 : memref<16xf32, #tpu.memory_space<hbm>>) target_semaphore(%run_scoped3A : memref<!tpu.dma_semaphore, #tpu.memory_space<semaphore_mem>>)
      %dma_wait3A = arith.constant 0 : i32
      %dma_wait3A_34 = tpu.memref_slice %arg7[%add3A, %dma_wait3A] : memref<32x16xf32, #tpu.memory_space<hbm>> -> memref<1x16xf32, #tpu.memory_space<hbm>>
      %dma_wait3A_35 = tpu.memref_squeeze %dma_wait3A_34 : memref<1x16xf32, #tpu.memory_space<hbm>> -> memref<16xf32, #tpu.memory_space<hbm>>
      %dma_wait3A_36 = arith.constant 0 : i32
      %dma_wait3A_37 = tpu.memref_slice %arg7[%add3A, %dma_wait3A_36] : memref<32x16xf32, #tpu.memory_space<hbm>> -> memref<1x16xf32, #tpu.memory_space<hbm>>
      %dma_wait3A_38 = tpu.memref_squeeze %dma_wait3A_37 : memref<1x16xf32, #tpu.memory_space<hbm>> -> memref<16xf32, #tpu.memory_space<hbm>>
      tpu.wait_dma2 semaphore(%run_scoped3A : memref<!tpu.dma_semaphore, #tpu.memory_space<semaphore_mem>>) src(%arg14 : memref<16xf32, #tpu.memory_space<vmem>>) dst(%dma_wait3A_38 : memref<16xf32, #tpu.memory_space<hbm>>)
      tpu.yield
    }) : () -> ()
    return
  }
}

module attributes {stable_mosaic.version = 14 : i64} {
  func.func @_dense_kernel(%arg0: memref<16x8xi32, #tpu.memory_space<smem>>, %arg1: memref<16x8xi32, #tpu.memory_space<smem>>, %arg2: memref<16x8xf32, #tpu.memory_space<smem>>, %arg3: memref<16x8xf32, #tpu.memory_space<smem>>, %arg4: memref<1x128xi32, #tpu.memory_space<vmem>>, %arg5: memref<2048x128xf32, #tpu.memory_space<vmem>>, %arg6: memref<2048x128xf32, #tpu.memory_space<vmem>>, %arg7: memref<2048x128xf32, #tpu.memory_space<vmem>>, %arg8: memref<2048x128xi32, #tpu.memory_space<vmem>>, %arg9: memref<2048x128xf32, #tpu.memory_space<vmem>>, %arg10: memref<1x128xi32, #tpu.memory_space<vmem>>, %arg11: memref<16xi32, #tpu.memory_space<smem>>, %arg12: memref<8xf32, #tpu.memory_space<smem>>, %arg13: memref<32xi32, #tpu.memory_space<smem>>) attributes {dimension_semantics = [], scalar_prefetch = 0 : i64, scratch_operands = 0 : i64, tpu.core_type = #tpu.core_type<tc>} {
    %iota3A = tpu.iota {dimensions = array<i32: 0>} : vector<128x128xi32>
    %iota3A_0 = tpu.iota {dimensions = array<i32: 1>} : vector<128x128xi32>
    %convert_element_type3A = arith.sitofp %iota3A : vector<128x128xi32> to vector<128x128xf32>
    %convert_element_type3A_1 = arith.sitofp %iota3A_0 : vector<128x128xi32> to vector<128x128xf32>
    %get3A = arith.constant 0 : index
    %get3A_2 = arith.constant 0 : index
    %get3A_3 = vector.load %arg5[%get3A, %get3A_2] : memref<2048x128xf32, #tpu.memory_space<vmem>>, vector<128x128xf32>
    %get3A_4 = arith.constant 0 : index
    %get3A_5 = arith.constant 7 : index
    %get3A_6 = memref.load %arg0[%get3A_4, %get3A_5] : memref<16x8xi32, #tpu.memory_space<smem>>
    %convert_element_type3A_7 = arith.sitofp %get3A_6 : i32 to f32
    %get3A_8 = arith.constant 0 : index
    %get3A_9 = arith.constant 7 : index
    %get3A_10 = memref.load %arg1[%get3A_8, %get3A_9] : memref<16x8xi32, #tpu.memory_space<smem>>
    %convert_element_type3A_11 = arith.sitofp %get3A_10 : i32 to f32
    %sub3A = vector.broadcast %convert_element_type3A_7 : f32 to vector<128x128xf32>
    %sub3A_12 = arith.subf %convert_element_type3A_1, %sub3A : vector<128x128xf32>
    %integer_pow3A = arith.mulf %sub3A_12, %sub3A_12 : vector<128x128xf32>
    %sub3A_13 = vector.broadcast %convert_element_type3A_11 : f32 to vector<128x128xf32>
    %sub3A_14 = arith.subf %convert_element_type3A, %sub3A_13 : vector<128x128xf32>
    %integer_pow3A_15 = arith.mulf %sub3A_14, %sub3A_14 : vector<128x128xf32>
    %add3A = arith.addf %integer_pow3A, %integer_pow3A_15 : vector<128x128xf32>
    %mul3A = arith.constant -2.000000e+00 : f32
    %mul3A_16 = vector.broadcast %mul3A : f32 to vector<128x128xf32>
    %mul3A_17 = arith.mulf %mul3A_16, %add3A : vector<128x128xf32>
    %exp3A = math.exp %mul3A_17 : vector<128x128xf32>
    %abs3A = math.absf %get3A_3 : vector<128x128xf32>
    %max3A = arith.constant 0.000000e+00 : f32
    %max3A_18 = vector.broadcast %max3A : f32 to vector<128x128xf32>
    %max3A_19 = arith.maximumf %get3A_3, %max3A_18 : vector<128x128xf32>
    %mul3A_20 = arith.mulf %get3A_3, %exp3A : vector<128x128xf32>
    %sub3A_21 = arith.subf %max3A_19, %mul3A_20 : vector<128x128xf32>
    %neg3A = arith.constant 0.000000e+00 : f32
    %neg3A_22 = vector.broadcast %neg3A : f32 to vector<128x128xf32>
    %neg3A_23 = arith.subf %neg3A_22, %abs3A : vector<128x128xf32>
    %exp3A_24 = math.exp %neg3A_23 : vector<128x128xf32>
    %log1p3A = math.log1p %exp3A_24 : vector<128x128xf32>
    %add3A_25 = arith.addf %sub3A_21, %log1p3A : vector<128x128xf32>
    %neg3A_26 = arith.constant 0.000000e+00 : f32
    %neg3A_27 = vector.broadcast %neg3A_26 : f32 to vector<128x128xf32>
    %neg3A_28 = arith.subf %neg3A_27, %add3A_25 : vector<128x128xf32>
    %exp3A_29 = math.exp %neg3A_28 : vector<128x128xf32>
    %mul3A_30 = arith.constant 2.500000e-01 : f32
    %mul3A_31 = vector.broadcast %mul3A_30 : f32 to vector<128x128xf32>
    %mul3A_32 = arith.mulf %exp3A, %mul3A_31 : vector<128x128xf32>
    %sub3A_33 = arith.constant 1.000000e+00 : f32
    %sub3A_34 = vector.broadcast %sub3A_33 : f32 to vector<128x128xf32>
    %sub3A_35 = arith.subf %sub3A_34, %exp3A : vector<128x128xf32>
    %mul3A_36 = arith.constant 7.500000e-01 : f32
    %mul3A_37 = vector.broadcast %mul3A_36 : f32 to vector<128x128xf32>
    %mul3A_38 = arith.mulf %sub3A_35, %mul3A_37 : vector<128x128xf32>
    %add3A_39 = arith.addf %mul3A_32, %mul3A_38 : vector<128x128xf32>
    %sub3A_40 = arith.constant 1.000000e+00 : f32
    %sub3A_41 = vector.broadcast %sub3A_40 : f32 to vector<128x128xf32>
    %sub3A_42 = arith.subf %sub3A_41, %exp3A_29 : vector<128x128xf32>
    %mul3A_43 = arith.mulf %add3A_39, %sub3A_42 : vector<128x128xf32>
    %mul3A_44 = arith.mulf %mul3A_43, %sub3A_42 : vector<128x128xf32>
    %mul3A_45 = arith.mulf %mul3A_44, %add3A_25 : vector<128x128xf32>
    %broadcast_in_dim3A = arith.constant false
    %broadcast_in_dim3A_46 = vector.broadcast %broadcast_in_dim3A : i1 to vector<128x128xi1>
    %broadcast_in_dim3A_47 = arith.constant 0.000000e+00 : f32
    %broadcast_in_dim3A_48 = vector.broadcast %broadcast_in_dim3A_47 : f32 to vector<128x128xf32>
    %broadcast_in_dim3A_49 = arith.constant 0.000000e+00 : f32
    %broadcast_in_dim3A_50 = vector.broadcast %broadcast_in_dim3A_49 : f32 to vector<128x128xf32>
    %get3A_51 = arith.constant 0 : index
    %get3A_52 = arith.constant 0 : index
    %get3A_53 = memref.load %arg0[%get3A_51, %get3A_52] : memref<16x8xi32, #tpu.memory_space<smem>>
    %eq3A = vector.broadcast %get3A_53 : i32 to vector<128x128xi32>
    %eq3A_54 = arith.cmpi eq, %iota3A_0, %eq3A : vector<128x128xi32>
    %get3A_55 = arith.constant 0 : index
    %get3A_56 = arith.constant 0 : index
    %get3A_57 = memref.load %arg1[%get3A_55, %get3A_56] : memref<16x8xi32, #tpu.memory_space<smem>>
    %eq3A_58 = vector.broadcast %get3A_57 : i32 to vector<128x128xi32>
    %eq3A_59 = arith.cmpi eq, %iota3A, %eq3A_58 : vector<128x128xi32>
    %and3A = arith.andi %eq3A_54, %eq3A_59 : vector<128x128xi1>
    %or3A = arith.ori %broadcast_in_dim3A_46, %and3A : vector<128x128xi1>
    %get3A_60 = arith.constant 0 : index
    %get3A_61 = arith.constant 0 : index
    %get3A_62 = memref.load %arg2[%get3A_60, %get3A_61] : memref<16x8xf32, #tpu.memory_space<smem>>
    %broadcast_in_dim3A_63 = vector.broadcast %get3A_62 : f32 to vector<128x128xf32>
    %select_n3A = arith.select %and3A, %broadcast_in_dim3A_63, %broadcast_in_dim3A_48 : vector<128x128xi1>, vector<128x128xf32>
    %get3A_64 = arith.constant 0 : index
    %get3A_65 = arith.constant 0 : index
    %get3A_66 = memref.load %arg3[%get3A_64, %get3A_65] : memref<16x8xf32, #tpu.memory_space<smem>>
    %broadcast_in_dim3A_67 = vector.broadcast %get3A_66 : f32 to vector<128x128xf32>
    %select_n3A_68 = arith.select %and3A, %broadcast_in_dim3A_67, %broadcast_in_dim3A_50 : vector<128x128xi1>, vector<128x128xf32>
    %get3A_69 = arith.constant 0 : index
    %get3A_70 = arith.constant 1 : index
    %get3A_71 = memref.load %arg0[%get3A_69, %get3A_70] : memref<16x8xi32, #tpu.memory_space<smem>>
    %eq3A_72 = vector.broadcast %get3A_71 : i32 to vector<128x128xi32>
    %eq3A_73 = arith.cmpi eq, %iota3A_0, %eq3A_72 : vector<128x128xi32>
    %get3A_74 = arith.constant 0 : index
    %get3A_75 = arith.constant 1 : index
    %get3A_76 = memref.load %arg1[%get3A_74, %get3A_75] : memref<16x8xi32, #tpu.memory_space<smem>>
    %eq3A_77 = vector.broadcast %get3A_76 : i32 to vector<128x128xi32>
    %eq3A_78 = arith.cmpi eq, %iota3A, %eq3A_77 : vector<128x128xi32>
    %and3A_79 = arith.andi %eq3A_73, %eq3A_78 : vector<128x128xi1>
    %or3A_80 = arith.ori %or3A, %and3A_79 : vector<128x128xi1>
    %get3A_81 = arith.constant 0 : index
    %get3A_82 = arith.constant 1 : index
    %get3A_83 = memref.load %arg2[%get3A_81, %get3A_82] : memref<16x8xf32, #tpu.memory_space<smem>>
    %broadcast_in_dim3A_84 = vector.broadcast %get3A_83 : f32 to vector<128x128xf32>
    %select_n3A_85 = arith.select %and3A_79, %broadcast_in_dim3A_84, %select_n3A : vector<128x128xi1>, vector<128x128xf32>
    %get3A_86 = arith.constant 0 : index
    %get3A_87 = arith.constant 1 : index
    %get3A_88 = memref.load %arg3[%get3A_86, %get3A_87] : memref<16x8xf32, #tpu.memory_space<smem>>
    %broadcast_in_dim3A_89 = vector.broadcast %get3A_88 : f32 to vector<128x128xf32>
    %select_n3A_90 = arith.select %and3A_79, %broadcast_in_dim3A_89, %select_n3A_68 : vector<128x128xi1>, vector<128x128xf32>
    %get3A_91 = arith.constant 0 : index
    %get3A_92 = arith.constant 2 : index
    %get3A_93 = memref.load %arg0[%get3A_91, %get3A_92] : memref<16x8xi32, #tpu.memory_space<smem>>
    %eq3A_94 = vector.broadcast %get3A_93 : i32 to vector<128x128xi32>
    %eq3A_95 = arith.cmpi eq, %iota3A_0, %eq3A_94 : vector<128x128xi32>
    %get3A_96 = arith.constant 0 : index
    %get3A_97 = arith.constant 2 : index
    %get3A_98 = memref.load %arg1[%get3A_96, %get3A_97] : memref<16x8xi32, #tpu.memory_space<smem>>
    %eq3A_99 = vector.broadcast %get3A_98 : i32 to vector<128x128xi32>
    %eq3A_100 = arith.cmpi eq, %iota3A, %eq3A_99 : vector<128x128xi32>
    %and3A_101 = arith.andi %eq3A_95, %eq3A_100 : vector<128x128xi1>
    %or3A_102 = arith.ori %or3A_80, %and3A_101 : vector<128x128xi1>
    %get3A_103 = arith.constant 0 : index
    %get3A_104 = arith.constant 2 : index
    %get3A_105 = memref.load %arg2[%get3A_103, %get3A_104] : memref<16x8xf32, #tpu.memory_space<smem>>
    %broadcast_in_dim3A_106 = vector.broadcast %get3A_105 : f32 to vector<128x128xf32>
    %select_n3A_107 = arith.select %and3A_101, %broadcast_in_dim3A_106, %select_n3A_85 : vector<128x128xi1>, vector<128x128xf32>
    %get3A_108 = arith.constant 0 : index
    %get3A_109 = arith.constant 2 : index
    %get3A_110 = memref.load %arg3[%get3A_108, %get3A_109] : memref<16x8xf32, #tpu.memory_space<smem>>
    %broadcast_in_dim3A_111 = vector.broadcast %get3A_110 : f32 to vector<128x128xf32>
    %select_n3A_112 = arith.select %and3A_101, %broadcast_in_dim3A_111, %select_n3A_90 : vector<128x128xi1>, vector<128x128xf32>
    %get3A_113 = arith.constant 0 : index
    %get3A_114 = arith.constant 3 : index
    %get3A_115 = memref.load %arg0[%get3A_113, %get3A_114] : memref<16x8xi32, #tpu.memory_space<smem>>
    %eq3A_116 = vector.broadcast %get3A_115 : i32 to vector<128x128xi32>
    %eq3A_117 = arith.cmpi eq, %iota3A_0, %eq3A_116 : vector<128x128xi32>
    %get3A_118 = arith.constant 0 : index
    %get3A_119 = arith.constant 3 : index
    %get3A_120 = memref.load %arg1[%get3A_118, %get3A_119] : memref<16x8xi32, #tpu.memory_space<smem>>
    %eq3A_121 = vector.broadcast %get3A_120 : i32 to vector<128x128xi32>
    %eq3A_122 = arith.cmpi eq, %iota3A, %eq3A_121 : vector<128x128xi32>
    %and3A_123 = arith.andi %eq3A_117, %eq3A_122 : vector<128x128xi1>
    %or3A_124 = arith.ori %or3A_102, %and3A_123 : vector<128x128xi1>
    %get3A_125 = arith.constant 0 : index
    %get3A_126 = arith.constant 3 : index
    %get3A_127 = memref.load %arg2[%get3A_125, %get3A_126] : memref<16x8xf32, #tpu.memory_space<smem>>
    %broadcast_in_dim3A_128 = vector.broadcast %get3A_127 : f32 to vector<128x128xf32>
    %select_n3A_129 = arith.select %and3A_123, %broadcast_in_dim3A_128, %select_n3A_107 : vector<128x128xi1>, vector<128x128xf32>
    %get3A_130 = arith.constant 0 : index
    %get3A_131 = arith.constant 3 : index
    %get3A_132 = memref.load %arg3[%get3A_130, %get3A_131] : memref<16x8xf32, #tpu.memory_space<smem>>
    %broadcast_in_dim3A_133 = vector.broadcast %get3A_132 : f32 to vector<128x128xf32>
    %select_n3A_134 = arith.select %and3A_123, %broadcast_in_dim3A_133, %select_n3A_112 : vector<128x128xi1>, vector<128x128xf32>
    %get3A_135 = arith.constant 0 : index
    %get3A_136 = arith.constant 4 : index
    %get3A_137 = memref.load %arg0[%get3A_135, %get3A_136] : memref<16x8xi32, #tpu.memory_space<smem>>
    %eq3A_138 = vector.broadcast %get3A_137 : i32 to vector<128x128xi32>
    %eq3A_139 = arith.cmpi eq, %iota3A_0, %eq3A_138 : vector<128x128xi32>
    %get3A_140 = arith.constant 0 : index
    %get3A_141 = arith.constant 4 : index
    %get3A_142 = memref.load %arg1[%get3A_140, %get3A_141] : memref<16x8xi32, #tpu.memory_space<smem>>
    %eq3A_143 = vector.broadcast %get3A_142 : i32 to vector<128x128xi32>
    %eq3A_144 = arith.cmpi eq, %iota3A, %eq3A_143 : vector<128x128xi32>
    %and3A_145 = arith.andi %eq3A_139, %eq3A_144 : vector<128x128xi1>
    %or3A_146 = arith.ori %or3A_124, %and3A_145 : vector<128x128xi1>
    %get3A_147 = arith.constant 0 : index
    %get3A_148 = arith.constant 4 : index
    %get3A_149 = memref.load %arg2[%get3A_147, %get3A_148] : memref<16x8xf32, #tpu.memory_space<smem>>
    %broadcast_in_dim3A_150 = vector.broadcast %get3A_149 : f32 to vector<128x128xf32>
    %select_n3A_151 = arith.select %and3A_145, %broadcast_in_dim3A_150, %select_n3A_129 : vector<128x128xi1>, vector<128x128xf32>
    %get3A_152 = arith.constant 0 : index
    %get3A_153 = arith.constant 4 : index
    %get3A_154 = memref.load %arg3[%get3A_152, %get3A_153] : memref<16x8xf32, #tpu.memory_space<smem>>
    %broadcast_in_dim3A_155 = vector.broadcast %get3A_154 : f32 to vector<128x128xf32>
    %select_n3A_156 = arith.select %and3A_145, %broadcast_in_dim3A_155, %select_n3A_134 : vector<128x128xi1>, vector<128x128xf32>
    %get3A_157 = arith.constant 0 : index
    %get3A_158 = arith.constant 5 : index
    %get3A_159 = memref.load %arg0[%get3A_157, %get3A_158] : memref<16x8xi32, #tpu.memory_space<smem>>
    %eq3A_160 = vector.broadcast %get3A_159 : i32 to vector<128x128xi32>
    %eq3A_161 = arith.cmpi eq, %iota3A_0, %eq3A_160 : vector<128x128xi32>
    %get3A_162 = arith.constant 0 : index
    %get3A_163 = arith.constant 5 : index
    %get3A_164 = memref.load %arg1[%get3A_162, %get3A_163] : memref<16x8xi32, #tpu.memory_space<smem>>
    %eq3A_165 = vector.broadcast %get3A_164 : i32 to vector<128x128xi32>
    %eq3A_166 = arith.cmpi eq, %iota3A, %eq3A_165 : vector<128x128xi32>
    %and3A_167 = arith.andi %eq3A_161, %eq3A_166 : vector<128x128xi1>
    %or3A_168 = arith.ori %or3A_146, %and3A_167 : vector<128x128xi1>
    %get3A_169 = arith.constant 0 : index
    %get3A_170 = arith.constant 5 : index
    %get3A_171 = memref.load %arg2[%get3A_169, %get3A_170] : memref<16x8xf32, #tpu.memory_space<smem>>
    %broadcast_in_dim3A_172 = vector.broadcast %get3A_171 : f32 to vector<128x128xf32>
    %select_n3A_173 = arith.select %and3A_167, %broadcast_in_dim3A_172, %select_n3A_151 : vector<128x128xi1>, vector<128x128xf32>
    %get3A_174 = arith.constant 0 : index
    %get3A_175 = arith.constant 5 : index
    %get3A_176 = memref.load %arg3[%get3A_174, %get3A_175] : memref<16x8xf32, #tpu.memory_space<smem>>
    %broadcast_in_dim3A_177 = vector.broadcast %get3A_176 : f32 to vector<128x128xf32>
    %select_n3A_178 = arith.select %and3A_167, %broadcast_in_dim3A_177, %select_n3A_156 : vector<128x128xi1>, vector<128x128xf32>
    %get3A_179 = arith.constant 0 : index
    %get3A_180 = arith.constant 6 : index
    %get3A_181 = memref.load %arg0[%get3A_179, %get3A_180] : memref<16x8xi32, #tpu.memory_space<smem>>
    %eq3A_182 = vector.broadcast %get3A_181 : i32 to vector<128x128xi32>
    %eq3A_183 = arith.cmpi eq, %iota3A_0, %eq3A_182 : vector<128x128xi32>
    %get3A_184 = arith.constant 0 : index
    %get3A_185 = arith.constant 6 : index
    %get3A_186 = memref.load %arg1[%get3A_184, %get3A_185] : memref<16x8xi32, #tpu.memory_space<smem>>
    %eq3A_187 = vector.broadcast %get3A_186 : i32 to vector<128x128xi32>
    %eq3A_188 = arith.cmpi eq, %iota3A, %eq3A_187 : vector<128x128xi32>
    %and3A_189 = arith.andi %eq3A_183, %eq3A_188 : vector<128x128xi1>
    %or3A_190 = arith.ori %or3A_168, %and3A_189 : vector<128x128xi1>
    %get3A_191 = arith.constant 0 : index
    %get3A_192 = arith.constant 6 : index
    %get3A_193 = memref.load %arg2[%get3A_191, %get3A_192] : memref<16x8xf32, #tpu.memory_space<smem>>
    %broadcast_in_dim3A_194 = vector.broadcast %get3A_193 : f32 to vector<128x128xf32>
    %select_n3A_195 = arith.select %and3A_189, %broadcast_in_dim3A_194, %select_n3A_173 : vector<128x128xi1>, vector<128x128xf32>
    %get3A_196 = arith.constant 0 : index
    %get3A_197 = arith.constant 6 : index
    %get3A_198 = memref.load %arg3[%get3A_196, %get3A_197] : memref<16x8xf32, #tpu.memory_space<smem>>
    %broadcast_in_dim3A_199 = vector.broadcast %get3A_198 : f32 to vector<128x128xf32>
    %select_n3A_200 = arith.select %and3A_189, %broadcast_in_dim3A_199, %select_n3A_178 : vector<128x128xi1>, vector<128x128xf32>
    %get3A_201 = arith.constant 0 : index
    %get3A_202 = arith.constant 7 : index
    %get3A_203 = memref.load %arg0[%get3A_201, %get3A_202] : memref<16x8xi32, #tpu.memory_space<smem>>
    %eq3A_204 = vector.broadcast %get3A_203 : i32 to vector<128x128xi32>
    %eq3A_205 = arith.cmpi eq, %iota3A_0, %eq3A_204 : vector<128x128xi32>
    %get3A_206 = arith.constant 0 : index
    %get3A_207 = arith.constant 7 : index
    %get3A_208 = memref.load %arg1[%get3A_206, %get3A_207] : memref<16x8xi32, #tpu.memory_space<smem>>
    %eq3A_209 = vector.broadcast %get3A_208 : i32 to vector<128x128xi32>
    %eq3A_210 = arith.cmpi eq, %iota3A, %eq3A_209 : vector<128x128xi32>
    %and3A_211 = arith.andi %eq3A_205, %eq3A_210 : vector<128x128xi1>
    %or3A_212 = arith.ori %or3A_190, %and3A_211 : vector<128x128xi1>
    %get3A_213 = arith.constant 0 : index
    %get3A_214 = arith.constant 7 : index
    %get3A_215 = memref.load %arg2[%get3A_213, %get3A_214] : memref<16x8xf32, #tpu.memory_space<smem>>
    %broadcast_in_dim3A_216 = vector.broadcast %get3A_215 : f32 to vector<128x128xf32>
    %select_n3A_217 = arith.select %and3A_211, %broadcast_in_dim3A_216, %select_n3A_195 : vector<128x128xi1>, vector<128x128xf32>
    %get3A_218 = arith.constant 0 : index
    %get3A_219 = arith.constant 7 : index
    %get3A_220 = memref.load %arg3[%get3A_218, %get3A_219] : memref<16x8xf32, #tpu.memory_space<smem>>
    %broadcast_in_dim3A_221 = vector.broadcast %get3A_220 : f32 to vector<128x128xf32>
    %select_n3A_222 = arith.select %and3A_211, %broadcast_in_dim3A_221, %select_n3A_200 : vector<128x128xi1>, vector<128x128xf32>
    %convert_element_type3A_223 = arith.extui %or3A_212 : vector<128x128xi1> to vector<128x128xi32>
    %convert_element_type3A_224 = arith.sitofp %convert_element_type3A_223 : vector<128x128xi32> to vector<128x128xf32>
    %neg3A_225 = arith.constant 0.000000e+00 : f32
    %neg3A_226 = vector.broadcast %neg3A_225 : f32 to vector<128x128xf32>
    %neg3A_227 = arith.subf %neg3A_226, %get3A_3 : vector<128x128xf32>
    %exp3A_228 = math.exp %neg3A_227 : vector<128x128xf32>
    %add3A_229 = arith.constant 1.000000e+00 : f32
    %add3A_230 = vector.broadcast %add3A_229 : f32 to vector<128x128xf32>
    %add3A_231 = arith.addf %add3A_230, %exp3A_228 : vector<128x128xf32>
    %div3A = arith.constant 1.000000e+00 : f32
    %div3A_232 = vector.broadcast %div3A : f32 to vector<128x128xf32>
    %div3A_233 = arith.divf %div3A_232, %add3A_231 : vector<128x128xf32>
    %jit3A = arith.constant 0xFF800000 : f32
    %broadcast_in_dim3A_234 = vector.broadcast %jit3A : f32 to vector<128x128xf32>
    %select_n3A_235 = arith.select %or3A_212, %broadcast_in_dim3A_234, %div3A_233 : vector<128x128xi1>, vector<128x128xf32>
    %bitcast_convert_type3A = tpu.bitcast %select_n3A_235 : vector<128x128xf32> -> vector<128x128xi32>
    %ge3A = arith.constant 0 : i32
    %ge3A_236 = vector.broadcast %ge3A : i32 to vector<128x128xi32>
    %ge3A_237 = arith.cmpi sge, %bitcast_convert_type3A, %ge3A_236 : vector<128x128xi32>
    %xor3A = arith.constant 2147483647 : i32
    %xor3A_238 = vector.broadcast %xor3A : i32 to vector<128x128xi32>
    %xor3A_239 = arith.xori %bitcast_convert_type3A, %xor3A_238 : vector<128x128xi32>
    %select_n3A_240 = arith.select %ge3A_237, %bitcast_convert_type3A, %xor3A_239 : vector<128x128xi1>, vector<128x128xi32>
    %max3A_241 = arith.constant -1 : i32
    %max3A_242 = vector.broadcast %max3A_241 : i32 to vector<128x128xi32>
    %max3A_243 = arith.maxsi %select_n3A_240, %max3A_242 : vector<128x128xi32>
    %swap3A = arith.constant 0 : index
    %swap3A_244 = arith.constant 0 : index
    %swap3A_245 = vector.load %arg8[%swap3A, %swap3A_244] : memref<2048x128xi32, #tpu.memory_space<vmem>>, vector<128x128xi32>
    tpu.vector_store %arg8[%swap3A, %swap3A_244], %max3A_243 {strides = array<i32>} : memref<2048x128xi32, #tpu.memory_space<vmem>>, vector<128x128xi32>,
    %swap3A_246 = arith.constant 0 : index
    %swap3A_247 = arith.constant 0 : index
    %swap3A_248 = vector.load %arg9[%swap3A_246, %swap3A_247] : memref<2048x128xf32, #tpu.memory_space<vmem>>, vector<128x128xf32>
    tpu.vector_store %arg9[%swap3A_246, %swap3A_247], %add3A_25 {strides = array<i32>} : memref<2048x128xf32, #tpu.memory_space<vmem>>, vector<128x128xf32>,
    %reduce_sum3A = vector.shape_cast %mul3A_45 : vector<128x128xf32> to vector<1x128x128xf32>
    %reduce_sum3A_249 = arith.constant dense<0.000000e+00> : vector<1xf32>
    %reduce_sum3A_250 = vector.multi_reduction <add>, %reduce_sum3A, %reduce_sum3A_249 [1, 2] : vector<1x128x128xf32> to vector<1xf32>
    %reduce_sum3A_251 = vector.shape_cast %reduce_sum3A_250 : vector<1xf32> to vector<1x1x1xf32>
    %reduce_sum3A_252 = vector.extract %reduce_sum3A_251[0, 0, 0] : f32 from vector<1x1x1xf32>
    %add3A_253 = arith.constant 0.000000e+00 : f32
    %add3A_254 = arith.addf %add3A_253, %reduce_sum3A_252 : f32
    %mul3A_255 = arith.mulf %mul3A_45, %convert_element_type3A_224 : vector<128x128xf32>
    %reduce_sum3A_256 = vector.shape_cast %mul3A_255 : vector<128x128xf32> to vector<1x128x128xf32>
    %reduce_sum3A_257 = arith.constant dense<0.000000e+00> : vector<1xf32>
    %reduce_sum3A_258 = vector.multi_reduction <add>, %reduce_sum3A_256, %reduce_sum3A_257 [1, 2] : vector<1x128x128xf32> to vector<1xf32>
    %reduce_sum3A_259 = vector.shape_cast %reduce_sum3A_258 : vector<1xf32> to vector<1x1x1xf32>
    %reduce_sum3A_260 = vector.extract %reduce_sum3A_259[0, 0, 0] : f32 from vector<1x1x1xf32>
    %add3A_261 = arith.constant 0.000000e+00 : f32
    %add3A_262 = arith.addf %add3A_261, %reduce_sum3A_260 : f32
    %reduce_sum3A_263 = vector.shape_cast %convert_element_type3A_224 : vector<128x128xf32> to vector<1x128x128xf32>
    %reduce_sum3A_264 = arith.constant dense<0.000000e+00> : vector<1xf32>
    %reduce_sum3A_265 = vector.multi_reduction <add>, %reduce_sum3A_263, %reduce_sum3A_264 [1, 2] : vector<1x128x128xf32> to vector<1xf32>
    %reduce_sum3A_266 = vector.shape_cast %reduce_sum3A_265 : vector<1xf32> to vector<1x1x1xf32>
    %reduce_sum3A_267 = vector.extract %reduce_sum3A_266[0, 0, 0] : f32 from vector<1x1x1xf32>
    %add3A_268 = arith.constant 0.000000e+00 : f32
    %add3A_269 = arith.addf %add3A_268, %reduce_sum3A_267 : f32
    %get3A_270 = arith.constant 0 : index
    %get3A_271 = arith.constant 0 : index
    %get3A_272 = vector.load %arg6[%get3A_270, %get3A_271] : memref<2048x128xf32, #tpu.memory_space<vmem>>, vector<128x128xf32>
    %get3A_273 = arith.constant 0 : index
    %get3A_274 = arith.constant 0 : index
    %get3A_275 = vector.load %arg7[%get3A_273, %get3A_274] : memref<2048x128xf32, #tpu.memory_space<vmem>>, vector<128x128xf32>
    %sub3A_276 = arith.subf %get3A_272, %select_n3A_217 : vector<128x128xf32>
    %abs3A_277 = math.absf %sub3A_276 : vector<128x128xf32>
    %sub3A_278 = arith.subf %get3A_275, %select_n3A_222 : vector<128x128xf32>
    %abs3A_279 = math.absf %sub3A_278 : vector<128x128xf32>
    %add3A_280 = arith.addf %abs3A_277, %abs3A_279 : vector<128x128xf32>
    %mul3A_281 = arith.mulf %convert_element_type3A_224, %add3A_280 : vector<128x128xf32>
    %reduce_sum3A_282 = vector.shape_cast %mul3A_281 : vector<128x128xf32> to vector<1x128x128xf32>
    %reduce_sum3A_283 = arith.constant dense<0.000000e+00> : vector<1xf32>
    %reduce_sum3A_284 = vector.multi_reduction <add>, %reduce_sum3A_282, %reduce_sum3A_283 [1, 2] : vector<1x128x128xf32> to vector<1xf32>
    %reduce_sum3A_285 = vector.shape_cast %reduce_sum3A_284 : vector<1xf32> to vector<1x1x1xf32>
    %reduce_sum3A_286 = vector.extract %reduce_sum3A_285[0, 0, 0] : f32 from vector<1x1x1xf32>
    %add3A_287 = arith.constant 0.000000e+00 : f32
    %add3A_288 = arith.addf %add3A_287, %reduce_sum3A_286 : f32
    %get3A_289 = arith.constant 128 : index
    %get3A_290 = arith.constant 0 : index
    %get3A_291 = vector.load %arg5[%get3A_289, %get3A_290] : memref<2048x128xf32, #tpu.memory_space<vmem>>, vector<128x128xf32>
    %get3A_292 = arith.constant 1 : index
    %get3A_293 = arith.constant 7 : index
    %get3A_294 = memref.load %arg0[%get3A_292, %get3A_293] : memref<16x8xi32, #tpu.memory_space<smem>>
    %convert_element_type3A_295 = arith.sitofp %get3A_294 : i32 to f32
    %get3A_296 = arith.constant 1 : index
    %get3A_297 = arith.constant 7 : index
    %get3A_298 = memref.load %arg1[%get3A_296, %get3A_297] : memref<16x8xi32, #tpu.memory_space<smem>>
    %convert_element_type3A_299 = arith.sitofp %get3A_298 : i32 to f32
    %sub3A_300 = vector.broadcast %convert_element_type3A_295 : f32 to vector<128x128xf32>
    %sub3A_301 = arith.subf %convert_element_type3A_1, %sub3A_300 : vector<128x128xf32>
    %integer_pow3A_302 = arith.mulf %sub3A_301, %sub3A_301 : vector<128x128xf32>
    %sub3A_303 = vector.broadcast %convert_element_type3A_299 : f32 to vector<128x128xf32>
    %sub3A_304 = arith.subf %convert_element_type3A, %sub3A_303 : vector<128x128xf32>
    %integer_pow3A_305 = arith.mulf %sub3A_304, %sub3A_304 : vector<128x128xf32>
    %add3A_306 = arith.addf %integer_pow3A_302, %integer_pow3A_305 : vector<128x128xf32>
    %mul3A_307 = arith.constant -2.000000e+00 : f32
    %mul3A_308 = vector.broadcast %mul3A_307 : f32 to vector<128x128xf32>
    %mul3A_309 = arith.mulf %mul3A_308, %add3A_306 : vector<128x128xf32>
    %exp3A_310 = math.exp %mul3A_309 : vector<128x128xf32>
    %abs3A_311 = math.absf %get3A_291 : vector<128x128xf32>
    %max3A_312 = arith.constant 0.000000e+00 : f32
    %max3A_313 = vector.broadcast %max3A_312 : f32 to vector<128x128xf32>
    %max3A_314 = arith.maximumf %get3A_291, %max3A_313 : vector<128x128xf32>
    %mul3A_315 = arith.mulf %get3A_291, %exp3A_310 : vector<128x128xf32>
    %sub3A_316 = arith.subf %max3A_314, %mul3A_315 : vector<128x128xf32>
    %neg3A_317 = arith.constant 0.000000e+00 : f32
    %neg3A_318 = vector.broadcast %neg3A_317 : f32 to vector<128x128xf32>
    %neg3A_319 = arith.subf %neg3A_318, %abs3A_311 : vector<128x128xf32>
    %exp3A_320 = math.exp %neg3A_319 : vector<128x128xf32>
    %log1p3A_321 = math.log1p %exp3A_320 : vector<128x128xf32>
    %add3A_322 = arith.addf %sub3A_316, %log1p3A_321 : vector<128x128xf32>
    %neg3A_323 = arith.constant 0.000000e+00 : f32
    %neg3A_324 = vector.broadcast %neg3A_323 : f32 to vector<128x128xf32>
    %neg3A_325 = arith.subf %neg3A_324, %add3A_322 : vector<128x128xf32>
    %exp3A_326 = math.exp %neg3A_325 : vector<128x128xf32>
    %mul3A_327 = arith.constant 2.500000e-01 : f32
    %mul3A_328 = vector.broadcast %mul3A_327 : f32 to vector<128x128xf32>
    %mul3A_329 = arith.mulf %exp3A_310, %mul3A_328 : vector<128x128xf32>
    %sub3A_330 = arith.constant 1.000000e+00 : f32
    %sub3A_331 = vector.broadcast %sub3A_330 : f32 to vector<128x128xf32>
    %sub3A_332 = arith.subf %sub3A_331, %exp3A_310 : vector<128x128xf32>
    %mul3A_333 = arith.constant 7.500000e-01 : f32
    %mul3A_334 = vector.broadcast %mul3A_333 : f32 to vector<128x128xf32>
    %mul3A_335 = arith.mulf %sub3A_332, %mul3A_334 : vector<128x128xf32>
    %add3A_336 = arith.addf %mul3A_329, %mul3A_335 : vector<128x128xf32>
    %sub3A_337 = arith.constant 1.000000e+00 : f32
    %sub3A_338 = vector.broadcast %sub3A_337 : f32 to vector<128x128xf32>
    %sub3A_339 = arith.subf %sub3A_338, %exp3A_326 : vector<128x128xf32>
    %mul3A_340 = arith.mulf %add3A_336, %sub3A_339 : vector<128x128xf32>
    %mul3A_341 = arith.mulf %mul3A_340, %sub3A_339 : vector<128x128xf32>
    %mul3A_342 = arith.mulf %mul3A_341, %add3A_322 : vector<128x128xf32>
    %broadcast_in_dim3A_343 = arith.constant false
    %broadcast_in_dim3A_344 = vector.broadcast %broadcast_in_dim3A_343 : i1 to vector<128x128xi1>
    %broadcast_in_dim3A_345 = arith.constant 0.000000e+00 : f32
    %broadcast_in_dim3A_346 = vector.broadcast %broadcast_in_dim3A_345 : f32 to vector<128x128xf32>
    %broadcast_in_dim3A_347 = arith.constant 0.000000e+00 : f32
    %broadcast_in_dim3A_348 = vector.broadcast %broadcast_in_dim3A_347 : f32 to vector<128x128xf32>
    %get3A_349 = arith.constant 1 : index
    %get3A_350 = arith.constant 0 : index
    %get3A_351 = memref.load %arg0[%get3A_349, %get3A_350] : memref<16x8xi32, #tpu.memory_space<smem>>
    %eq3A_352 = vector.broadcast %get3A_351 : i32 to vector<128x128xi32>
    %eq3A_353 = arith.cmpi eq, %iota3A_0, %eq3A_352 : vector<128x128xi32>
    %get3A_354 = arith.constant 1 : index
    %get3A_355 = arith.constant 0 : index
    %get3A_356 = memref.load %arg1[%get3A_354, %get3A_355] : memref<16x8xi32, #tpu.memory_space<smem>>
    %eq3A_357 = vector.broadcast %get3A_356 : i32 to vector<128x128xi32>
    %eq3A_358 = arith.cmpi eq, %iota3A, %eq3A_357 : vector<128x128xi32>
    %and3A_359 = arith.andi %eq3A_353, %eq3A_358 : vector<128x128xi1>
    %or3A_360 = arith.ori %broadcast_in_dim3A_344, %and3A_359 : vector<128x128xi1>
    %get3A_361 = arith.constant 1 : index
    %get3A_362 = arith.constant 0 : index
    %get3A_363 = memref.load %arg2[%get3A_361, %get3A_362] : memref<16x8xf32, #tpu.memory_space<smem>>
    %broadcast_in_dim3A_364 = vector.broadcast %get3A_363 : f32 to vector<128x128xf32>
    %select_n3A_365 = arith.select %and3A_359, %broadcast_in_dim3A_364, %broadcast_in_dim3A_346 : vector<128x128xi1>, vector<128x128xf32>
    %get3A_366 = arith.constant 1 : index
    %get3A_367 = arith.constant 0 : index
    %get3A_368 = memref.load %arg3[%get3A_366, %get3A_367] : memref<16x8xf32, #tpu.memory_space<smem>>
    %broadcast_in_dim3A_369 = vector.broadcast %get3A_368 : f32 to vector<128x128xf32>
    %select_n3A_370 = arith.select %and3A_359, %broadcast_in_dim3A_369, %broadcast_in_dim3A_348 : vector<128x128xi1>, vector<128x128xf32>
    %get3A_371 = arith.constant 1 : index
    %get3A_372 = arith.constant 1 : index
    %get3A_373 = memref.load %arg0[%get3A_371, %get3A_372] : memref<16x8xi32, #tpu.memory_space<smem>>
    %eq3A_374 = vector.broadcast %get3A_373 : i32 to vector<128x128xi32>
    %eq3A_375 = arith.cmpi eq, %iota3A_0, %eq3A_374 : vector<128x128xi32>
    %get3A_376 = arith.constant 1 : index
    %get3A_377 = arith.constant 1 : index
    %get3A_378 = memref.load %arg1[%get3A_376, %get3A_377] : memref<16x8xi32, #tpu.memory_space<smem>>
    %eq3A_379 = vector.broadcast %get3A_378 : i32 to vector<128x128xi32>
    %eq3A_380 = arith.cmpi eq, %iota3A, %eq3A_379 : vector<128x128xi32>
    %and3A_381 = arith.andi %eq3A_375, %eq3A_380 : vector<128x128xi1>
    %or3A_382 = arith.ori %or3A_360, %and3A_381 : vector<128x128xi1>
    %get3A_383 = arith.constant 1 : index
    %get3A_384 = arith.constant 1 : index
    %get3A_385 = memref.load %arg2[%get3A_383, %get3A_384] : memref<16x8xf32, #tpu.memory_space<smem>>
    %broadcast_in_dim3A_386 = vector.broadcast %get3A_385 : f32 to vector<128x128xf32>
    %select_n3A_387 = arith.select %and3A_381, %broadcast_in_dim3A_386, %select_n3A_365 : vector<128x128xi1>, vector<128x128xf32>
    %get3A_388 = arith.constant 1 : index
    %get3A_389 = arith.constant 1 : index
    %get3A_390 = memref.load %arg3[%get3A_388, %get3A_389] : memref<16x8xf32, #tpu.memory_space<smem>>
    %broadcast_in_dim3A_391 = vector.broadcast %get3A_390 : f32 to vector<128x128xf32>
    %select_n3A_392 = arith.select %and3A_381, %broadcast_in_dim3A_391, %select_n3A_370 : vector<128x128xi1>, vector<128x128xf32>
    %get3A_393 = arith.constant 1 : index
    %get3A_394 = arith.constant 2 : index
    %get3A_395 = memref.load %arg0[%get3A_393, %get3A_394] : memref<16x8xi32, #tpu.memory_space<smem>>
    %eq3A_396 = vector.broadcast %get3A_395 : i32 to vector<128x128xi32>
    %eq3A_397 = arith.cmpi eq, %iota3A_0, %eq3A_396 : vector<128x128xi32>
    %get3A_398 = arith.constant 1 : index
    %get3A_399 = arith.constant 2 : index
    %get3A_400 = memref.load %arg1[%get3A_398, %get3A_399] : memref<16x8xi32, #tpu.memory_space<smem>>
    %eq3A_401 = vector.broadcast %get3A_400 : i32 to vector<128x128xi32>
    %eq3A_402 = arith.cmpi eq, %iota3A, %eq3A_401 : vector<128x128xi32>
    %and3A_403 = arith.andi %eq3A_397, %eq3A_402 : vector<128x128xi1>
    %or3A_404 = arith.ori %or3A_382, %and3A_403 : vector<128x128xi1>
    %get3A_405 = arith.constant 1 : index
    %get3A_406 = arith.constant 2 : index
    %get3A_407 = memref.load %arg2[%get3A_405, %get3A_406] : memref<16x8xf32, #tpu.memory_space<smem>>
    %broadcast_in_dim3A_408 = vector.broadcast %get3A_407 : f32 to vector<128x128xf32>
    %select_n3A_409 = arith.select %and3A_403, %broadcast_in_dim3A_408, %select_n3A_387 : vector<128x128xi1>, vector<128x128xf32>
    %get3A_410 = arith.constant 1 : index
    %get3A_411 = arith.constant 2 : index
    %get3A_412 = memref.load %arg3[%get3A_410, %get3A_411] : memref<16x8xf32, #tpu.memory_space<smem>>
    %broadcast_in_dim3A_413 = vector.broadcast %get3A_412 : f32 to vector<128x128xf32>
    %select_n3A_414 = arith.select %and3A_403, %broadcast_in_dim3A_413, %select_n3A_392 : vector<128x128xi1>, vector<128x128xf32>
    %get3A_415 = arith.constant 1 : index
    %get3A_416 = arith.constant 3 : index
    %get3A_417 = memref.load %arg0[%get3A_415, %get3A_416] : memref<16x8xi32, #tpu.memory_space<smem>>
    %eq3A_418 = vector.broadcast %get3A_417 : i32 to vector<128x128xi32>
    %eq3A_419 = arith.cmpi eq, %iota3A_0, %eq3A_418 : vector<128x128xi32>
    %get3A_420 = arith.constant 1 : index
    %get3A_421 = arith.constant 3 : index
    %get3A_422 = memref.load %arg1[%get3A_420, %get3A_421] : memref<16x8xi32, #tpu.memory_space<smem>>
    %eq3A_423 = vector.broadcast %get3A_422 : i32 to vector<128x128xi32>
    %eq3A_424 = arith.cmpi eq, %iota3A, %eq3A_423 : vector<128x128xi32>
    %and3A_425 = arith.andi %eq3A_419, %eq3A_424 : vector<128x128xi1>
    %or3A_426 = arith.ori %or3A_404, %and3A_425 : vector<128x128xi1>
    %get3A_427 = arith.constant 1 : index
    %get3A_428 = arith.constant 3 : index
    %get3A_429 = memref.load %arg2[%get3A_427, %get3A_428] : memref<16x8xf32, #tpu.memory_space<smem>>
    %broadcast_in_dim3A_430 = vector.broadcast %get3A_429 : f32 to vector<128x128xf32>
    %select_n3A_431 = arith.select %and3A_425, %broadcast_in_dim3A_430, %select_n3A_409 : vector<128x128xi1>, vector<128x128xf32>
    %get3A_432 = arith.constant 1 : index
    %get3A_433 = arith.constant 3 : index
    %get3A_434 = memref.load %arg3[%get3A_432, %get3A_433] : memref<16x8xf32, #tpu.memory_space<smem>>
    %broadcast_in_dim3A_435 = vector.broadcast %get3A_434 : f32 to vector<128x128xf32>
    %select_n3A_436 = arith.select %and3A_425, %broadcast_in_dim3A_435, %select_n3A_414 : vector<128x128xi1>, vector<128x128xf32>
    %get3A_437 = arith.constant 1 : index
    %get3A_438 = arith.constant 4 : index
    %get3A_439 = memref.load %arg0[%get3A_437, %get3A_438] : memref<16x8xi32, #tpu.memory_space<smem>>
    %eq3A_440 = vector.broadcast %get3A_439 : i32 to vector<128x128xi32>
    %eq3A_441 = arith.cmpi eq, %iota3A_0, %eq3A_440 : vector<128x128xi32>
    %get3A_442 = arith.constant 1 : index
    %get3A_443 = arith.constant 4 : index
    %get3A_444 = memref.load %arg1[%get3A_442, %get3A_443] : memref<16x8xi32, #tpu.memory_space<smem>>
    %eq3A_445 = vector.broadcast %get3A_444 : i32 to vector<128x128xi32>
    %eq3A_446 = arith.cmpi eq, %iota3A, %eq3A_445 : vector<128x128xi32>
    %and3A_447 = arith.andi %eq3A_441, %eq3A_446 : vector<128x128xi1>
    %or3A_448 = arith.ori %or3A_426, %and3A_447 : vector<128x128xi1>
    %get3A_449 = arith.constant 1 : index
    %get3A_450 = arith.constant 4 : index
    %get3A_451 = memref.load %arg2[%get3A_449, %get3A_450] : memref<16x8xf32, #tpu.memory_space<smem>>
    %broadcast_in_dim3A_452 = vector.broadcast %get3A_451 : f32 to vector<128x128xf32>
    %select_n3A_453 = arith.select %and3A_447, %broadcast_in_dim3A_452, %select_n3A_431 : vector<128x128xi1>, vector<128x128xf32>
    %get3A_454 = arith.constant 1 : index
    %get3A_455 = arith.constant 4 : index
    %get3A_456 = memref.load %arg3[%get3A_454, %get3A_455] : memref<16x8xf32, #tpu.memory_space<smem>>
    %broadcast_in_dim3A_457 = vector.broadcast %get3A_456 : f32 to vector<128x128xf32>
    %select_n3A_458 = arith.select %and3A_447, %broadcast_in_dim3A_457, %select_n3A_436 : vector<128x128xi1>, vector<128x128xf32>
    %get3A_459 = arith.constant 1 : index
    %get3A_460 = arith.constant 5 : index
    %get3A_461 = memref.load %arg0[%get3A_459, %get3A_460] : memref<16x8xi32, #tpu.memory_space<smem>>
    %eq3A_462 = vector.broadcast %get3A_461 : i32 to vector<128x128xi32>
    %eq3A_463 = arith.cmpi eq, %iota3A_0, %eq3A_462 : vector<128x128xi32>
    %get3A_464 = arith.constant 1 : index
    %get3A_465 = arith.constant 5 : index
    %get3A_466 = memref.load %arg1[%get3A_464, %get3A_465] : memref<16x8xi32, #tpu.memory_space<smem>>
    %eq3A_467 = vector.broadcast %get3A_466 : i32 to vector<128x128xi32>
    %eq3A_468 = arith.cmpi eq, %iota3A, %eq3A_467 : vector<128x128xi32>
    %and3A_469 = arith.andi %eq3A_463, %eq3A_468 : vector<128x128xi1>
    %or3A_470 = arith.ori %or3A_448, %and3A_469 : vector<128x128xi1>
    %get3A_471 = arith.constant 1 : index
    %get3A_472 = arith.constant 5 : index
    %get3A_473 = memref.load %arg2[%get3A_471, %get3A_472] : memref<16x8xf32, #tpu.memory_space<smem>>
    %broadcast_in_dim3A_474 = vector.broadcast %get3A_473 : f32 to vector<128x128xf32>
    %select_n3A_475 = arith.select %and3A_469, %broadcast_in_dim3A_474, %select_n3A_453 : vector<128x128xi1>, vector<128x128xf32>
    %get3A_476 = arith.constant 1 : index
    %get3A_477 = arith.constant 5 : index
    %get3A_478 = memref.load %arg3[%get3A_476, %get3A_477] : memref<16x8xf32, #tpu.memory_space<smem>>
    %broadcast_in_dim3A_479 = vector.broadcast %get3A_478 : f32 to vector<128x128xf32>
    %select_n3A_480 = arith.select %and3A_469, %broadcast_in_dim3A_479, %select_n3A_458 : vector<128x128xi1>, vector<128x128xf32>
    %get3A_481 = arith.constant 1 : index
    %get3A_482 = arith.constant 6 : index
    %get3A_483 = memref.load %arg0[%get3A_481, %get3A_482] : memref<16x8xi32, #tpu.memory_space<smem>>
    %eq3A_484 = vector.broadcast %get3A_483 : i32 to vector<128x128xi32>
    %eq3A_485 = arith.cmpi eq, %iota3A_0, %eq3A_484 : vector<128x128xi32>
    %get3A_486 = arith.constant 1 : index
    %get3A_487 = arith.constant 6 : index
    %get3A_488 = memref.load %arg1[%get3A_486, %get3A_487] : memref<16x8xi32, #tpu.memory_space<smem>>
    %eq3A_489 = vector.broadcast %get3A_488 : i32 to vector<128x128xi32>
    %eq3A_490 = arith.cmpi eq, %iota3A, %eq3A_489 : vector<128x128xi32>
    %and3A_491 = arith.andi %eq3A_485, %eq3A_490 : vector<128x128xi1>
    %or3A_492 = arith.ori %or3A_470, %and3A_491 : vector<128x128xi1>
    %get3A_493 = arith.constant 1 : index
    %get3A_494 = arith.constant 6 : index
    %get3A_495 = memref.load %arg2[%get3A_493, %get3A_494] : memref<16x8xf32, #tpu.memory_space<smem>>
    %broadcast_in_dim3A_496 = vector.broadcast %get3A_495 : f32 to vector<128x128xf32>
    %select_n3A_497 = arith.select %and3A_491, %broadcast_in_dim3A_496, %select_n3A_475 : vector<128x128xi1>, vector<128x128xf32>
    %get3A_498 = arith.constant 1 : index
    %get3A_499 = arith.constant 6 : index
    %get3A_500 = memref.load %arg3[%get3A_498, %get3A_499] : memref<16x8xf32, #tpu.memory_space<smem>>
    %broadcast_in_dim3A_501 = vector.broadcast %get3A_500 : f32 to vector<128x128xf32>
    %select_n3A_502 = arith.select %and3A_491, %broadcast_in_dim3A_501, %select_n3A_480 : vector<128x128xi1>, vector<128x128xf32>
    %get3A_503 = arith.constant 1 : index
    %get3A_504 = arith.constant 7 : index
    %get3A_505 = memref.load %arg0[%get3A_503, %get3A_504] : memref<16x8xi32, #tpu.memory_space<smem>>
    %eq3A_506 = vector.broadcast %get3A_505 : i32 to vector<128x128xi32>
    %eq3A_507 = arith.cmpi eq, %iota3A_0, %eq3A_506 : vector<128x128xi32>
    %get3A_508 = arith.constant 1 : index
    %get3A_509 = arith.constant 7 : index
    %get3A_510 = memref.load %arg1[%get3A_508, %get3A_509] : memref<16x8xi32, #tpu.memory_space<smem>>
    %eq3A_511 = vector.broadcast %get3A_510 : i32 to vector<128x128xi32>
    %eq3A_512 = arith.cmpi eq, %iota3A, %eq3A_511 : vector<128x128xi32>
    %and3A_513 = arith.andi %eq3A_507, %eq3A_512 : vector<128x128xi1>
    %or3A_514 = arith.ori %or3A_492, %and3A_513 : vector<128x128xi1>
    %get3A_515 = arith.constant 1 : index
    %get3A_516 = arith.constant 7 : index
    %get3A_517 = memref.load %arg2[%get3A_515, %get3A_516] : memref<16x8xf32, #tpu.memory_space<smem>>
    %broadcast_in_dim3A_518 = vector.broadcast %get3A_517 : f32 to vector<128x128xf32>
    %select_n3A_519 = arith.select %and3A_513, %broadcast_in_dim3A_518, %select_n3A_497 : vector<128x128xi1>, vector<128x128xf32>
    %get3A_520 = arith.constant 1 : index
    %get3A_521 = arith.constant 7 : index
    %get3A_522 = memref.load %arg3[%get3A_520, %get3A_521] : memref<16x8xf32, #tpu.memory_space<smem>>
    %broadcast_in_dim3A_523 = vector.broadcast %get3A_522 : f32 to vector<128x128xf32>
    %select_n3A_524 = arith.select %and3A_513, %broadcast_in_dim3A_523, %select_n3A_502 : vector<128x128xi1>, vector<128x128xf32>
    %convert_element_type3A_525 = arith.extui %or3A_514 : vector<128x128xi1> to vector<128x128xi32>
    %convert_element_type3A_526 = arith.sitofp %convert_element_type3A_525 : vector<128x128xi32> to vector<128x128xf32>
    %neg3A_527 = arith.constant 0.000000e+00 : f32
    %neg3A_528 = vector.broadcast %neg3A_527 : f32 to vector<128x128xf32>
    %neg3A_529 = arith.subf %neg3A_528, %get3A_291 : vector<128x128xf32>
    %exp3A_530 = math.exp %neg3A_529 : vector<128x128xf32>
    %add3A_531 = arith.constant 1.000000e+00 : f32
    %add3A_532 = vector.broadcast %add3A_531 : f32 to vector<128x128xf32>
    %add3A_533 = arith.addf %add3A_532, %exp3A_530 : vector<128x128xf32>
    %div3A_534 = arith.constant 1.000000e+00 : f32
    %div3A_535 = vector.broadcast %div3A_534 : f32 to vector<128x128xf32>
    %div3A_536 = arith.divf %div3A_535, %add3A_533 : vector<128x128xf32>
    %jit3A_537 = arith.constant 0xFF800000 : f32
    %broadcast_in_dim3A_538 = vector.broadcast %jit3A_537 : f32 to vector<128x128xf32>
    %select_n3A_539 = arith.select %or3A_514, %broadcast_in_dim3A_538, %div3A_536 : vector<128x128xi1>, vector<128x128xf32>
    %bitcast_convert_type3A_540 = tpu.bitcast %select_n3A_539 : vector<128x128xf32> -> vector<128x128xi32>
    %ge3A_541 = arith.constant 0 : i32
    %ge3A_542 = vector.broadcast %ge3A_541 : i32 to vector<128x128xi32>
    %ge3A_543 = arith.cmpi sge, %bitcast_convert_type3A_540, %ge3A_542 : vector<128x128xi32>
    %xor3A_544 = arith.constant 2147483647 : i32
    %xor3A_545 = vector.broadcast %xor3A_544 : i32 to vector<128x128xi32>
    %xor3A_546 = arith.xori %bitcast_convert_type3A_540, %xor3A_545 : vector<128x128xi32>
    %select_n3A_547 = arith.select %ge3A_543, %bitcast_convert_type3A_540, %xor3A_546 : vector<128x128xi1>, vector<128x128xi32>
    %max3A_548 = arith.constant -1 : i32
    %max3A_549 = vector.broadcast %max3A_548 : i32 to vector<128x128xi32>
    %max3A_550 = arith.maxsi %select_n3A_547, %max3A_549 : vector<128x128xi32>
    %swap3A_551 = arith.constant 128 : index
    %swap3A_552 = arith.constant 0 : index
    %swap3A_553 = vector.load %arg8[%swap3A_551, %swap3A_552] : memref<2048x128xi32, #tpu.memory_space<vmem>>, vector<128x128xi32>
    tpu.vector_store %arg8[%swap3A_551, %swap3A_552], %max3A_550 {strides = array<i32>} : memref<2048x128xi32, #tpu.memory_space<vmem>>, vector<128x128xi32>,
    %swap3A_554 = arith.constant 128 : index
    %swap3A_555 = arith.constant 0 : index
    %swap3A_556 = vector.load %arg9[%swap3A_554, %swap3A_555] : memref<2048x128xf32, #tpu.memory_space<vmem>>, vector<128x128xf32>
    tpu.vector_store %arg9[%swap3A_554, %swap3A_555], %add3A_322 {strides = array<i32>} : memref<2048x128xf32, #tpu.memory_space<vmem>>, vector<128x128xf32>,
    %reduce_sum3A_557 = vector.shape_cast %mul3A_342 : vector<128x128xf32> to vector<1x128x128xf32>
    %reduce_sum3A_558 = arith.constant dense<0.000000e+00> : vector<1xf32>
    %reduce_sum3A_559 = vector.multi_reduction <add>, %reduce_sum3A_557, %reduce_sum3A_558 [1, 2] : vector<1x128x128xf32> to vector<1xf32>
    %reduce_sum3A_560 = vector.shape_cast %reduce_sum3A_559 : vector<1xf32> to vector<1x1x1xf32>
    %reduce_sum3A_561 = vector.extract %reduce_sum3A_560[0, 0, 0] : f32 from vector<1x1x1xf32>
    %add3A_562 = arith.addf %add3A_254, %reduce_sum3A_561 : f32
    %mul3A_563 = arith.mulf %mul3A_342, %convert_element_type3A_526 : vector<128x128xf32>
    %reduce_sum3A_564 = vector.shape_cast %mul3A_563 : vector<128x128xf32> to vector<1x128x128xf32>
    %reduce_sum3A_565 = arith.constant dense<0.000000e+00> : vector<1xf32>
    %reduce_sum3A_566 = vector.multi_reduction <add>, %reduce_sum3A_564, %reduce_sum3A_565 [1, 2] : vector<1x128x128xf32> to vector<1xf32>
    %reduce_sum3A_567 = vector.shape_cast %reduce_sum3A_566 : vector<1xf32> to vector<1x1x1xf32>
    %reduce_sum3A_568 = vector.extract %reduce_sum3A_567[0, 0, 0] : f32 from vector<1x1x1xf32>
    %add3A_569 = arith.addf %add3A_262, %reduce_sum3A_568 : f32
    %reduce_sum3A_570 = vector.shape_cast %convert_element_type3A_526 : vector<128x128xf32> to vector<1x128x128xf32>
    %reduce_sum3A_571 = arith.constant dense<0.000000e+00> : vector<1xf32>
    %reduce_sum3A_572 = vector.multi_reduction <add>, %reduce_sum3A_570, %reduce_sum3A_571 [1, 2] : vector<1x128x128xf32> to vector<1xf32>
    %reduce_sum3A_573 = vector.shape_cast %reduce_sum3A_572 : vector<1xf32> to vector<1x1x1xf32>
    %reduce_sum3A_574 = vector.extract %reduce_sum3A_573[0, 0, 0] : f32 from vector<1x1x1xf32>
    %add3A_575 = arith.addf %add3A_269, %reduce_sum3A_574 : f32
    %get3A_576 = arith.constant 128 : index
    %get3A_577 = arith.constant 0 : index
    %get3A_578 = vector.load %arg6[%get3A_576, %get3A_577] : memref<2048x128xf32, #tpu.memory_space<vmem>>, vector<128x128xf32>
    %get3A_579 = arith.constant 128 : index
    %get3A_580 = arith.constant 0 : index
    %get3A_581 = vector.load %arg7[%get3A_579, %get3A_580] : memref<2048x128xf32, #tpu.memory_space<vmem>>, vector<128x128xf32>
    %sub3A_582 = arith.subf %get3A_578, %select_n3A_519 : vector<128x128xf32>
    %abs3A_583 = math.absf %sub3A_582 : vector<128x128xf32>
    %sub3A_584 = arith.subf %get3A_581, %select_n3A_524 : vector<128x128xf32>
    %abs3A_585 = math.absf %sub3A_584 : vector<128x128xf32>
    %add3A_586 = arith.addf %abs3A_583, %abs3A_585 : vector<128x128xf32>
    %mul3A_587 = arith.mulf %convert_element_type3A_526, %add3A_586 : vector<128x128xf32>
    %reduce_sum3A_588 = vector.shape_cast %mul3A_587 : vector<128x128xf32> to vector<1x128x128xf32>
    %reduce_sum3A_589 = arith.constant dense<0.000000e+00> : vector<1xf32>
    %reduce_sum3A_590 = vector.multi_reduction <add>, %reduce_sum3A_588, %reduce_sum3A_589 [1, 2] : vector<1x128x128xf32> to vector<1xf32>
    %reduce_sum3A_591 = vector.shape_cast %reduce_sum3A_590 : vector<1xf32> to vector<1x1x1xf32>
    %reduce_sum3A_592 = vector.extract %reduce_sum3A_591[0, 0, 0] : f32 from vector<1x1x1xf32>
    %add3A_593 = arith.addf %add3A_288, %reduce_sum3A_592 : f32
    %get3A_594 = arith.constant 256 : index
    %get3A_595 = arith.constant 0 : index
    %get3A_596 = vector.load %arg5[%get3A_594, %get3A_595] : memref<2048x128xf32, #tpu.memory_space<vmem>>, vector<128x128xf32>
    %get3A_597 = arith.constant 2 : index
    %get3A_598 = arith.constant 7 : index
    %get3A_599 = memref.load %arg0[%get3A_597, %get3A_598] : memref<16x8xi32, #tpu.memory_space<smem>>
    %convert_element_type3A_600 = arith.sitofp %get3A_599 : i32 to f32
    %get3A_601 = arith.constant 2 : index
    %get3A_602 = arith.constant 7 : index
    %get3A_603 = memref.load %arg1[%get3A_601, %get3A_602] : memref<16x8xi32, #tpu.memory_space<smem>>
    %convert_element_type3A_604 = arith.sitofp %get3A_603 : i32 to f32
    %sub3A_605 = vector.broadcast %convert_element_type3A_600 : f32 to vector<128x128xf32>
    %sub3A_606 = arith.subf %convert_element_type3A_1, %sub3A_605 : vector<128x128xf32>
    %integer_pow3A_607 = arith.mulf %sub3A_606, %sub3A_606 : vector<128x128xf32>
    %sub3A_608 = vector.broadcast %convert_element_type3A_604 : f32 to vector<128x128xf32>
    %sub3A_609 = arith.subf %convert_element_type3A, %sub3A_608 : vector<128x128xf32>
    %integer_pow3A_610 = arith.mulf %sub3A_609, %sub3A_609 : vector<128x128xf32>
    %add3A_611 = arith.addf %integer_pow3A_607, %integer_pow3A_610 : vector<128x128xf32>
    %mul3A_612 = arith.constant -2.000000e+00 : f32
    %mul3A_613 = vector.broadcast %mul3A_612 : f32 to vector<128x128xf32>
    %mul3A_614 = arith.mulf %mul3A_613, %add3A_611 : vector<128x128xf32>
    %exp3A_615 = math.exp %mul3A_614 : vector<128x128xf32>
    %abs3A_616 = math.absf %get3A_596 : vector<128x128xf32>
    %max3A_617 = arith.constant 0.000000e+00 : f32
    %max3A_618 = vector.broadcast %max3A_617 : f32 to vector<128x128xf32>
    %max3A_619 = arith.maximumf %get3A_596, %max3A_618 : vector<128x128xf32>
    %mul3A_620 = arith.mulf %get3A_596, %exp3A_615 : vector<128x128xf32>
    %sub3A_621 = arith.subf %max3A_619, %mul3A_620 : vector<128x128xf32>
    %neg3A_622 = arith.constant 0.000000e+00 : f32
    %neg3A_623 = vector.broadcast %neg3A_622 : f32 to vector<128x128xf32>
    %neg3A_624 = arith.subf %neg3A_623, %abs3A_616 : vector<128x128xf32>
    %exp3A_625 = math.exp %neg3A_624 : vector<128x128xf32>
    %log1p3A_626 = math.log1p %exp3A_625 : vector<128x128xf32>
    %add3A_627 = arith.addf %sub3A_621, %log1p3A_626 : vector<128x128xf32>
    %neg3A_628 = arith.constant 0.000000e+00 : f32
    %neg3A_629 = vector.broadcast %neg3A_628 : f32 to vector<128x128xf32>
    %neg3A_630 = arith.subf %neg3A_629, %add3A_627 : vector<128x128xf32>
    %exp3A_631 = math.exp %neg3A_630 : vector<128x128xf32>
    %mul3A_632 = arith.constant 2.500000e-01 : f32
    %mul3A_633 = vector.broadcast %mul3A_632 : f32 to vector<128x128xf32>
    %mul3A_634 = arith.mulf %exp3A_615, %mul3A_633 : vector<128x128xf32>
    %sub3A_635 = arith.constant 1.000000e+00 : f32
    %sub3A_636 = vector.broadcast %sub3A_635 : f32 to vector<128x128xf32>
    %sub3A_637 = arith.subf %sub3A_636, %exp3A_615 : vector<128x128xf32>
    %mul3A_638 = arith.constant 7.500000e-01 : f32
    %mul3A_639 = vector.broadcast %mul3A_638 : f32 to vector<128x128xf32>
    %mul3A_640 = arith.mulf %sub3A_637, %mul3A_639 : vector<128x128xf32>
    %add3A_641 = arith.addf %mul3A_634, %mul3A_640 : vector<128x128xf32>
    %sub3A_642 = arith.constant 1.000000e+00 : f32
    %sub3A_643 = vector.broadcast %sub3A_642 : f32 to vector<128x128xf32>
    %sub3A_644 = arith.subf %sub3A_643, %exp3A_631 : vector<128x128xf32>
    %mul3A_645 = arith.mulf %add3A_641, %sub3A_644 : vector<128x128xf32>
    %mul3A_646 = arith.mulf %mul3A_645, %sub3A_644 : vector<128x128xf32>
    %mul3A_647 = arith.mulf %mul3A_646, %add3A_627 : vector<128x128xf32>
    %broadcast_in_dim3A_648 = arith.constant false
    %broadcast_in_dim3A_649 = vector.broadcast %broadcast_in_dim3A_648 : i1 to vector<128x128xi1>
    %broadcast_in_dim3A_650 = arith.constant 0.000000e+00 : f32
    %broadcast_in_dim3A_651 = vector.broadcast %broadcast_in_dim3A_650 : f32 to vector<128x128xf32>
    %broadcast_in_dim3A_652 = arith.constant 0.000000e+00 : f32
    %broadcast_in_dim3A_653 = vector.broadcast %broadcast_in_dim3A_652 : f32 to vector<128x128xf32>
    %get3A_654 = arith.constant 2 : index
    %get3A_655 = arith.constant 0 : index
    %get3A_656 = memref.load %arg0[%get3A_654, %get3A_655] : memref<16x8xi32, #tpu.memory_space<smem>>
    %eq3A_657 = vector.broadcast %get3A_656 : i32 to vector<128x128xi32>
    %eq3A_658 = arith.cmpi eq, %iota3A_0, %eq3A_657 : vector<128x128xi32>
    %get3A_659 = arith.constant 2 : index
    %get3A_660 = arith.constant 0 : index
    %get3A_661 = memref.load %arg1[%get3A_659, %get3A_660] : memref<16x8xi32, #tpu.memory_space<smem>>
    %eq3A_662 = vector.broadcast %get3A_661 : i32 to vector<128x128xi32>
    %eq3A_663 = arith.cmpi eq, %iota3A, %eq3A_662 : vector<128x128xi32>
    %and3A_664 = arith.andi %eq3A_658, %eq3A_663 : vector<128x128xi1>
    %or3A_665 = arith.ori %broadcast_in_dim3A_649, %and3A_664 : vector<128x128xi1>
    %get3A_666 = arith.constant 2 : index
    %get3A_667 = arith.constant 0 : index
    %get3A_668 = memref.load %arg2[%get3A_666, %get3A_667] : memref<16x8xf32, #tpu.memory_space<smem>>
    %broadcast_in_dim3A_669 = vector.broadcast %get3A_668 : f32 to vector<128x128xf32>
    %select_n3A_670 = arith.select %and3A_664, %broadcast_in_dim3A_669, %broadcast_in_dim3A_651 : vector<128x128xi1>, vector<128x128xf32>
    %get3A_671 = arith.constant 2 : index
    %get3A_672 = arith.constant 0 : index
    %get3A_673 = memref.load %arg3[%get3A_671, %get3A_672] : memref<16x8xf32, #tpu.memory_space<smem>>
    %broadcast_in_dim3A_674 = vector.broadcast %get3A_673 : f32 to vector<128x128xf32>
    %select_n3A_675 = arith.select %and3A_664, %broadcast_in_dim3A_674, %broadcast_in_dim3A_653 : vector<128x128xi1>, vector<128x128xf32>
    %get3A_676 = arith.constant 2 : index
    %get3A_677 = arith.constant 1 : index
    %get3A_678 = memref.load %arg0[%get3A_676, %get3A_677] : memref<16x8xi32, #tpu.memory_space<smem>>
    %eq3A_679 = vector.broadcast %get3A_678 : i32 to vector<128x128xi32>
    %eq3A_680 = arith.cmpi eq, %iota3A_0, %eq3A_679 : vector<128x128xi32>
    %get3A_681 = arith.constant 2 : index
    %get3A_682 = arith.constant 1 : index
    %get3A_683 = memref.load %arg1[%get3A_681, %get3A_682] : memref<16x8xi32, #tpu.memory_space<smem>>
    %eq3A_684 = vector.broadcast %get3A_683 : i32 to vector<128x128xi32>
    %eq3A_685 = arith.cmpi eq, %iota3A, %eq3A_684 : vector<128x128xi32>
    %and3A_686 = arith.andi %eq3A_680, %eq3A_685 : vector<128x128xi1>
    %or3A_687 = arith.ori %or3A_665, %and3A_686 : vector<128x128xi1>
    %get3A_688 = arith.constant 2 : index
    %get3A_689 = arith.constant 1 : index
    %get3A_690 = memref.load %arg2[%get3A_688, %get3A_689] : memref<16x8xf32, #tpu.memory_space<smem>>
    %broadcast_in_dim3A_691 = vector.broadcast %get3A_690 : f32 to vector<128x128xf32>
    %select_n3A_692 = arith.select %and3A_686, %broadcast_in_dim3A_691, %select_n3A_670 : vector<128x128xi1>, vector<128x128xf32>
    %get3A_693 = arith.constant 2 : index
    %get3A_694 = arith.constant 1 : index
    %get3A_695 = memref.load %arg3[%get3A_693, %get3A_694] : memref<16x8xf32, #tpu.memory_space<smem>>
    %broadcast_in_dim3A_696 = vector.broadcast %get3A_695 : f32 to vector<128x128xf32>
    %select_n3A_697 = arith.select %and3A_686, %broadcast_in_dim3A_696, %select_n3A_675 : vector<128x128xi1>, vector<128x128xf32>
    %get3A_698 = arith.constant 2 : index
    %get3A_699 = arith.constant 2 : index
    %get3A_700 = memref.load %arg0[%get3A_698, %get3A_699] : memref<16x8xi32, #tpu.memory_space<smem>>
    %eq3A_701 = vector.broadcast %get3A_700 : i32 to vector<128x128xi32>
    %eq3A_702 = arith.cmpi eq, %iota3A_0, %eq3A_701 : vector<128x128xi32>
    %get3A_703 = arith.constant 2 : index
    %get3A_704 = arith.constant 2 : index
    %get3A_705 = memref.load %arg1[%get3A_703, %get3A_704] : memref<16x8xi32, #tpu.memory_space<smem>>
    %eq3A_706 = vector.broadcast %get3A_705 : i32 to vector<128x128xi32>
    %eq3A_707 = arith.cmpi eq, %iota3A, %eq3A_706 : vector<128x128xi32>
    %and3A_708 = arith.andi %eq3A_702, %eq3A_707 : vector<128x128xi1>
    %or3A_709 = arith.ori %or3A_687, %and3A_708 : vector<128x128xi1>
    %get3A_710 = arith.constant 2 : index
    %get3A_711 = arith.constant 2 : index
    %get3A_712 = memref.load %arg2[%get3A_710, %get3A_711] : memref<16x8xf32, #tpu.memory_space<smem>>
    %broadcast_in_dim3A_713 = vector.broadcast %get3A_712 : f32 to vector<128x128xf32>
    %select_n3A_714 = arith.select %and3A_708, %broadcast_in_dim3A_713, %select_n3A_692 : vector<128x128xi1>, vector<128x128xf32>
    %get3A_715 = arith.constant 2 : index
    %get3A_716 = arith.constant 2 : index
    %get3A_717 = memref.load %arg3[%get3A_715, %get3A_716] : memref<16x8xf32, #tpu.memory_space<smem>>
    %broadcast_in_dim3A_718 = vector.broadcast %get3A_717 : f32 to vector<128x128xf32>
    %select_n3A_719 = arith.select %and3A_708, %broadcast_in_dim3A_718, %select_n3A_697 : vector<128x128xi1>, vector<128x128xf32>
    %get3A_720 = arith.constant 2 : index
    %get3A_721 = arith.constant 3 : index
    %get3A_722 = memref.load %arg0[%get3A_720, %get3A_721] : memref<16x8xi32, #tpu.memory_space<smem>>
    %eq3A_723 = vector.broadcast %get3A_722 : i32 to vector<128x128xi32>
    %eq3A_724 = arith.cmpi eq, %iota3A_0, %eq3A_723 : vector<128x128xi32>
    %get3A_725 = arith.constant 2 : index
    %get3A_726 = arith.constant 3 : index
    %get3A_727 = memref.load %arg1[%get3A_725, %get3A_726] : memref<16x8xi32, #tpu.memory_space<smem>>
    %eq3A_728 = vector.broadcast %get3A_727 : i32 to vector<128x128xi32>
    %eq3A_729 = arith.cmpi eq, %iota3A, %eq3A_728 : vector<128x128xi32>
    %and3A_730 = arith.andi %eq3A_724, %eq3A_729 : vector<128x128xi1>
    %or3A_731 = arith.ori %or3A_709, %and3A_730 : vector<128x128xi1>
    %get3A_732 = arith.constant 2 : index
    %get3A_733 = arith.constant 3 : index
    %get3A_734 = memref.load %arg2[%get3A_732, %get3A_733] : memref<16x8xf32, #tpu.memory_space<smem>>
    %broadcast_in_dim3A_735 = vector.broadcast %get3A_734 : f32 to vector<128x128xf32>
    %select_n3A_736 = arith.select %and3A_730, %broadcast_in_dim3A_735, %select_n3A_714 : vector<128x128xi1>, vector<128x128xf32>
    %get3A_737 = arith.constant 2 : index
    %get3A_738 = arith.constant 3 : index
    %get3A_739 = memref.load %arg3[%get3A_737, %get3A_738] : memref<16x8xf32, #tpu.memory_space<smem>>
    %broadcast_in_dim3A_740 = vector.broadcast %get3A_739 : f32 to vector<128x128xf32>
    %select_n3A_741 = arith.select %and3A_730, %broadcast_in_dim3A_740, %select_n3A_719 : vector<128x128xi1>, vector<128x128xf32>
    %get3A_742 = arith.constant 2 : index
    %get3A_743 = arith.constant 4 : index
    %get3A_744 = memref.load %arg0[%get3A_742, %get3A_743] : memref<16x8xi32, #tpu.memory_space<smem>>
    %eq3A_745 = vector.broadcast %get3A_744 : i32 to vector<128x128xi32>
    %eq3A_746 = arith.cmpi eq, %iota3A_0, %eq3A_745 : vector<128x128xi32>
    %get3A_747 = arith.constant 2 : index
    %get3A_748 = arith.constant 4 : index
    %get3A_749 = memref.load %arg1[%get3A_747, %get3A_748] : memref<16x8xi32, #tpu.memory_space<smem>>
    %eq3A_750 = vector.broadcast %get3A_749 : i32 to vector<128x128xi32>
    %eq3A_751 = arith.cmpi eq, %iota3A, %eq3A_750 : vector<128x128xi32>
    %and3A_752 = arith.andi %eq3A_746, %eq3A_751 : vector<128x128xi1>
    %or3A_753 = arith.ori %or3A_731, %and3A_752 : vector<128x128xi1>
    %get3A_754 = arith.constant 2 : index
    %get3A_755 = arith.constant 4 : index
    %get3A_756 = memref.load %arg2[%get3A_754, %get3A_755] : memref<16x8xf32, #tpu.memory_space<smem>>
    %broadcast_in_dim3A_757 = vector.broadcast %get3A_756 : f32 to vector<128x128xf32>
    %select_n3A_758 = arith.select %and3A_752, %broadcast_in_dim3A_757, %select_n3A_736 : vector<128x128xi1>, vector<128x128xf32>
    %get3A_759 = arith.constant 2 : index
    %get3A_760 = arith.constant 4 : index
    %get3A_761 = memref.load %arg3[%get3A_759, %get3A_760] : memref<16x8xf32, #tpu.memory_space<smem>>
    %broadcast_in_dim3A_762 = vector.broadcast %get3A_761 : f32 to vector<128x128xf32>
    %select_n3A_763 = arith.select %and3A_752, %broadcast_in_dim3A_762, %select_n3A_741 : vector<128x128xi1>, vector<128x128xf32>
    %get3A_764 = arith.constant 2 : index
    %get3A_765 = arith.constant 5 : index
    %get3A_766 = memref.load %arg0[%get3A_764, %get3A_765] : memref<16x8xi32, #tpu.memory_space<smem>>
    %eq3A_767 = vector.broadcast %get3A_766 : i32 to vector<128x128xi32>
    %eq3A_768 = arith.cmpi eq, %iota3A_0, %eq3A_767 : vector<128x128xi32>
    %get3A_769 = arith.constant 2 : index
    %get3A_770 = arith.constant 5 : index
    %get3A_771 = memref.load %arg1[%get3A_769, %get3A_770] : memref<16x8xi32, #tpu.memory_space<smem>>
    %eq3A_772 = vector.broadcast %get3A_771 : i32 to vector<128x128xi32>
    %eq3A_773 = arith.cmpi eq, %iota3A, %eq3A_772 : vector<128x128xi32>
    %and3A_774 = arith.andi %eq3A_768, %eq3A_773 : vector<128x128xi1>
    %or3A_775 = arith.ori %or3A_753, %and3A_774 : vector<128x128xi1>
    %get3A_776 = arith.constant 2 : index
    %get3A_777 = arith.constant 5 : index
    %get3A_778 = memref.load %arg2[%get3A_776, %get3A_777] : memref<16x8xf32, #tpu.memory_space<smem>>
    %broadcast_in_dim3A_779 = vector.broadcast %get3A_778 : f32 to vector<128x128xf32>
    %select_n3A_780 = arith.select %and3A_774, %broadcast_in_dim3A_779, %select_n3A_758 : vector<128x128xi1>, vector<128x128xf32>
    %get3A_781 = arith.constant 2 : index
    %get3A_782 = arith.constant 5 : index
    %get3A_783 = memref.load %arg3[%get3A_781, %get3A_782] : memref<16x8xf32, #tpu.memory_space<smem>>
    %broadcast_in_dim3A_784 = vector.broadcast %get3A_783 : f32 to vector<128x128xf32>
    %select_n3A_785 = arith.select %and3A_774, %broadcast_in_dim3A_784, %select_n3A_763 : vector<128x128xi1>, vector<128x128xf32>
    %get3A_786 = arith.constant 2 : index
    %get3A_787 = arith.constant 6 : index
    %get3A_788 = memref.load %arg0[%get3A_786, %get3A_787] : memref<16x8xi32, #tpu.memory_space<smem>>
    %eq3A_789 = vector.broadcast %get3A_788 : i32 to vector<128x128xi32>
    %eq3A_790 = arith.cmpi eq, %iota3A_0, %eq3A_789 : vector<128x128xi32>
    %get3A_791 = arith.constant 2 : index
    %get3A_792 = arith.constant 6 : index
    %get3A_793 = memref.load %arg1[%get3A_791, %get3A_792] : memref<16x8xi32, #tpu.memory_space<smem>>
    %eq3A_794 = vector.broadcast %get3A_793 : i32 to vector<128x128xi32>
    %eq3A_795 = arith.cmpi eq, %iota3A, %eq3A_794 : vector<128x128xi32>
    %and3A_796 = arith.andi %eq3A_790, %eq3A_795 : vector<128x128xi1>
    %or3A_797 = arith.ori %or3A_775, %and3A_796 : vector<128x128xi1>
    %get3A_798 = arith.constant 2 : index
    %get3A_799 = arith.constant 6 : index
    %get3A_800 = memref.load %arg2[%get3A_798, %get3A_799] : memref<16x8xf32, #tpu.memory_space<smem>>
    %broadcast_in_dim3A_801 = vector.broadcast %get3A_800 : f32 to vector<128x128xf32>
    %select_n3A_802 = arith.select %and3A_796, %broadcast_in_dim3A_801, %select_n3A_780 : vector<128x128xi1>, vector<128x128xf32>
    %get3A_803 = arith.constant 2 : index
    %get3A_804 = arith.constant 6 : index
    %get3A_805 = memref.load %arg3[%get3A_803, %get3A_804] : memref<16x8xf32, #tpu.memory_space<smem>>
    %broadcast_in_dim3A_806 = vector.broadcast %get3A_805 : f32 to vector<128x128xf32>
    %select_n3A_807 = arith.select %and3A_796, %broadcast_in_dim3A_806, %select_n3A_785 : vector<128x128xi1>, vector<128x128xf32>
    %get3A_808 = arith.constant 2 : index
    %get3A_809 = arith.constant 7 : index
    %get3A_810 = memref.load %arg0[%get3A_808, %get3A_809] : memref<16x8xi32, #tpu.memory_space<smem>>
    %eq3A_811 = vector.broadcast %get3A_810 : i32 to vector<128x128xi32>
    %eq3A_812 = arith.cmpi eq, %iota3A_0, %eq3A_811 : vector<128x128xi32>
    %get3A_813 = arith.constant 2 : index
    %get3A_814 = arith.constant 7 : index
    %get3A_815 = memref.load %arg1[%get3A_813, %get3A_814] : memref<16x8xi32, #tpu.memory_space<smem>>
    %eq3A_816 = vector.broadcast %get3A_815 : i32 to vector<128x128xi32>
    %eq3A_817 = arith.cmpi eq, %iota3A, %eq3A_816 : vector<128x128xi32>
    %and3A_818 = arith.andi %eq3A_812, %eq3A_817 : vector<128x128xi1>
    %or3A_819 = arith.ori %or3A_797, %and3A_818 : vector<128x128xi1>
    %get3A_820 = arith.constant 2 : index
    %get3A_821 = arith.constant 7 : index
    %get3A_822 = memref.load %arg2[%get3A_820, %get3A_821] : memref<16x8xf32, #tpu.memory_space<smem>>
    %broadcast_in_dim3A_823 = vector.broadcast %get3A_822 : f32 to vector<128x128xf32>
    %select_n3A_824 = arith.select %and3A_818, %broadcast_in_dim3A_823, %select_n3A_802 : vector<128x128xi1>, vector<128x128xf32>
    %get3A_825 = arith.constant 2 : index
    %get3A_826 = arith.constant 7 : index
    %get3A_827 = memref.load %arg3[%get3A_825, %get3A_826] : memref<16x8xf32, #tpu.memory_space<smem>>
    %broadcast_in_dim3A_828 = vector.broadcast %get3A_827 : f32 to vector<128x128xf32>
    %select_n3A_829 = arith.select %and3A_818, %broadcast_in_dim3A_828, %select_n3A_807 : vector<128x128xi1>, vector<128x128xf32>
    %convert_element_type3A_830 = arith.extui %or3A_819 : vector<128x128xi1> to vector<128x128xi32>
    %convert_element_type3A_831 = arith.sitofp %convert_element_type3A_830 : vector<128x128xi32> to vector<128x128xf32>
    %neg3A_832 = arith.constant 0.000000e+00 : f32
    %neg3A_833 = vector.broadcast %neg3A_832 : f32 to vector<128x128xf32>
    %neg3A_834 = arith.subf %neg3A_833, %get3A_596 : vector<128x128xf32>
    %exp3A_835 = math.exp %neg3A_834 : vector<128x128xf32>
    %add3A_836 = arith.constant 1.000000e+00 : f32
    %add3A_837 = vector.broadcast %add3A_836 : f32 to vector<128x128xf32>
    %add3A_838 = arith.addf %add3A_837, %exp3A_835 : vector<128x128xf32>
    %div3A_839 = arith.constant 1.000000e+00 : f32
    %div3A_840 = vector.broadcast %div3A_839 : f32 to vector<128x128xf32>
    %div3A_841 = arith.divf %div3A_840, %add3A_838 : vector<128x128xf32>
    %jit3A_842 = arith.constant 0xFF800000 : f32
    %broadcast_in_dim3A_843 = vector.broadcast %jit3A_842 : f32 to vector<128x128xf32>
    %select_n3A_844 = arith.select %or3A_819, %broadcast_in_dim3A_843, %div3A_841 : vector<128x128xi1>, vector<128x128xf32>
    %bitcast_convert_type3A_845 = tpu.bitcast %select_n3A_844 : vector<128x128xf32> -> vector<128x128xi32>
    %ge3A_846 = arith.constant 0 : i32
    %ge3A_847 = vector.broadcast %ge3A_846 : i32 to vector<128x128xi32>
    %ge3A_848 = arith.cmpi sge, %bitcast_convert_type3A_845, %ge3A_847 : vector<128x128xi32>
    %xor3A_849 = arith.constant 2147483647 : i32
    %xor3A_850 = vector.broadcast %xor3A_849 : i32 to vector<128x128xi32>
    %xor3A_851 = arith.xori %bitcast_convert_type3A_845, %xor3A_850 : vector<128x128xi32>
    %select_n3A_852 = arith.select %ge3A_848, %bitcast_convert_type3A_845, %xor3A_851 : vector<128x128xi1>, vector<128x128xi32>
    %max3A_853 = arith.constant -1 : i32
    %max3A_854 = vector.broadcast %max3A_853 : i32 to vector<128x128xi32>
    %max3A_855 = arith.maxsi %select_n3A_852, %max3A_854 : vector<128x128xi32>
    %swap3A_856 = arith.constant 256 : index
    %swap3A_857 = arith.constant 0 : index
    %swap3A_858 = vector.load %arg8[%swap3A_856, %swap3A_857] : memref<2048x128xi32, #tpu.memory_space<vmem>>, vector<128x128xi32>
    tpu.vector_store %arg8[%swap3A_856, %swap3A_857], %max3A_855 {strides = array<i32>} : memref<2048x128xi32, #tpu.memory_space<vmem>>, vector<128x128xi32>,
    %swap3A_859 = arith.constant 256 : index
    %swap3A_860 = arith.constant 0 : index
    %swap3A_861 = vector.load %arg9[%swap3A_859, %swap3A_860] : memref<2048x128xf32, #tpu.memory_space<vmem>>, vector<128x128xf32>
    tpu.vector_store %arg9[%swap3A_859, %swap3A_860], %add3A_627 {strides = array<i32>} : memref<2048x128xf32, #tpu.memory_space<vmem>>, vector<128x128xf32>,
    %reduce_sum3A_862 = vector.shape_cast %mul3A_647 : vector<128x128xf32> to vector<1x128x128xf32>
    %reduce_sum3A_863 = arith.constant dense<0.000000e+00> : vector<1xf32>
    %reduce_sum3A_864 = vector.multi_reduction <add>, %reduce_sum3A_862, %reduce_sum3A_863 [1, 2] : vector<1x128x128xf32> to vector<1xf32>
    %reduce_sum3A_865 = vector.shape_cast %reduce_sum3A_864 : vector<1xf32> to vector<1x1x1xf32>
    %reduce_sum3A_866 = vector.extract %reduce_sum3A_865[0, 0, 0] : f32 from vector<1x1x1xf32>
    %add3A_867 = arith.addf %add3A_562, %reduce_sum3A_866 : f32
    %mul3A_868 = arith.mulf %mul3A_647, %convert_element_type3A_831 : vector<128x128xf32>
    %reduce_sum3A_869 = vector.shape_cast %mul3A_868 : vector<128x128xf32> to vector<1x128x128xf32>
    %reduce_sum3A_870 = arith.constant dense<0.000000e+00> : vector<1xf32>
    %reduce_sum3A_871 = vector.multi_reduction <add>, %reduce_sum3A_869, %reduce_sum3A_870 [1, 2] : vector<1x128x128xf32> to vector<1xf32>
    %reduce_sum3A_872 = vector.shape_cast %reduce_sum3A_871 : vector<1xf32> to vector<1x1x1xf32>
    %reduce_sum3A_873 = vector.extract %reduce_sum3A_872[0, 0, 0] : f32 from vector<1x1x1xf32>
    %add3A_874 = arith.addf %add3A_569, %reduce_sum3A_873 : f32
    %reduce_sum3A_875 = vector.shape_cast %convert_element_type3A_831 : vector<128x128xf32> to vector<1x128x128xf32>
    %reduce_sum3A_876 = arith.constant dense<0.000000e+00> : vector<1xf32>
    %reduce_sum3A_877 = vector.multi_reduction <add>, %reduce_sum3A_875, %reduce_sum3A_876 [1, 2] : vector<1x128x128xf32> to vector<1xf32>
    %reduce_sum3A_878 = vector.shape_cast %reduce_sum3A_877 : vector<1xf32> to vector<1x1x1xf32>
    %reduce_sum3A_879 = vector.extract %reduce_sum3A_878[0, 0, 0] : f32 from vector<1x1x1xf32>
    %add3A_880 = arith.addf %add3A_575, %reduce_sum3A_879 : f32
    %get3A_881 = arith.constant 256 : index
    %get3A_882 = arith.constant 0 : index
    %get3A_883 = vector.load %arg6[%get3A_881, %get3A_882] : memref<2048x128xf32, #tpu.memory_space<vmem>>, vector<128x128xf32>
    %get3A_884 = arith.constant 256 : index
    %get3A_885 = arith.constant 0 : index
    %get3A_886 = vector.load %arg7[%get3A_884, %get3A_885] : memref<2048x128xf32, #tpu.memory_space<vmem>>, vector<128x128xf32>
    %sub3A_887 = arith.subf %get3A_883, %select_n3A_824 : vector<128x128xf32>
    %abs3A_888 = math.absf %sub3A_887 : vector<128x128xf32>
    %sub3A_889 = arith.subf %get3A_886, %select_n3A_829 : vector<128x128xf32>
    %abs3A_890 = math.absf %sub3A_889 : vector<128x128xf32>
    %add3A_891 = arith.addf %abs3A_888, %abs3A_890 : vector<128x128xf32>
    %mul3A_892 = arith.mulf %convert_element_type3A_831, %add3A_891 : vector<128x128xf32>
    %reduce_sum3A_893 = vector.shape_cast %mul3A_892 : vector<128x128xf32> to vector<1x128x128xf32>
    %reduce_sum3A_894 = arith.constant dense<0.000000e+00> : vector<1xf32>
    %reduce_sum3A_895 = vector.multi_reduction <add>, %reduce_sum3A_893, %reduce_sum3A_894 [1, 2] : vector<1x128x128xf32> to vector<1xf32>
    %reduce_sum3A_896 = vector.shape_cast %reduce_sum3A_895 : vector<1xf32> to vector<1x1x1xf32>
    %reduce_sum3A_897 = vector.extract %reduce_sum3A_896[0, 0, 0] : f32 from vector<1x1x1xf32>
    %add3A_898 = arith.addf %add3A_593, %reduce_sum3A_897 : f32
    %get3A_899 = arith.constant 384 : index
    %get3A_900 = arith.constant 0 : index
    %get3A_901 = vector.load %arg5[%get3A_899, %get3A_900] : memref<2048x128xf32, #tpu.memory_space<vmem>>, vector<128x128xf32>
    %get3A_902 = arith.constant 3 : index
    %get3A_903 = arith.constant 7 : index
    %get3A_904 = memref.load %arg0[%get3A_902, %get3A_903] : memref<16x8xi32, #tpu.memory_space<smem>>
    %convert_element_type3A_905 = arith.sitofp %get3A_904 : i32 to f32
    %get3A_906 = arith.constant 3 : index
    %get3A_907 = arith.constant 7 : index
    %get3A_908 = memref.load %arg1[%get3A_906, %get3A_907] : memref<16x8xi32, #tpu.memory_space<smem>>
    %convert_element_type3A_909 = arith.sitofp %get3A_908 : i32 to f32
    %sub3A_910 = vector.broadcast %convert_element_type3A_905 : f32 to vector<128x128xf32>
    %sub3A_911 = arith.subf %convert_element_type3A_1, %sub3A_910 : vector<128x128xf32>
    %integer_pow3A_912 = arith.mulf %sub3A_911, %sub3A_911 : vector<128x128xf32>
    %sub3A_913 = vector.broadcast %convert_element_type3A_909 : f32 to vector<128x128xf32>
    %sub3A_914 = arith.subf %convert_element_type3A, %sub3A_913 : vector<128x128xf32>
    %integer_pow3A_915 = arith.mulf %sub3A_914, %sub3A_914 : vector<128x128xf32>
    %add3A_916 = arith.addf %integer_pow3A_912, %integer_pow3A_915 : vector<128x128xf32>
    %mul3A_917 = arith.constant -2.000000e+00 : f32
    %mul3A_918 = vector.broadcast %mul3A_917 : f32 to vector<128x128xf32>
    %mul3A_919 = arith.mulf %mul3A_918, %add3A_916 : vector<128x128xf32>
    %exp3A_920 = math.exp %mul3A_919 : vector<128x128xf32>
    %abs3A_921 = math.absf %get3A_901 : vector<128x128xf32>
    %max3A_922 = arith.constant 0.000000e+00 : f32
    %max3A_923 = vector.broadcast %max3A_922 : f32 to vector<128x128xf32>
    %max3A_924 = arith.maximumf %get3A_901, %max3A_923 : vector<128x128xf32>
    %mul3A_925 = arith.mulf %get3A_901, %exp3A_920 : vector<128x128xf32>
    %sub3A_926 = arith.subf %max3A_924, %mul3A_925 : vector<128x128xf32>
    %neg3A_927 = arith.constant 0.000000e+00 : f32
    %neg3A_928 = vector.broadcast %neg3A_927 : f32 to vector<128x128xf32>
    %neg3A_929 = arith.subf %neg3A_928, %abs3A_921 : vector<128x128xf32>
    %exp3A_930 = math.exp %neg3A_929 : vector<128x128xf32>
    %log1p3A_931 = math.log1p %exp3A_930 : vector<128x128xf32>
    %add3A_932 = arith.addf %sub3A_926, %log1p3A_931 : vector<128x128xf32>
    %neg3A_933 = arith.constant 0.000000e+00 : f32
    %neg3A_934 = vector.broadcast %neg3A_933 : f32 to vector<128x128xf32>
    %neg3A_935 = arith.subf %neg3A_934, %add3A_932 : vector<128x128xf32>
    %exp3A_936 = math.exp %neg3A_935 : vector<128x128xf32>
    %mul3A_937 = arith.constant 2.500000e-01 : f32
    %mul3A_938 = vector.broadcast %mul3A_937 : f32 to vector<128x128xf32>
    %mul3A_939 = arith.mulf %exp3A_920, %mul3A_938 : vector<128x128xf32>
    %sub3A_940 = arith.constant 1.000000e+00 : f32
    %sub3A_941 = vector.broadcast %sub3A_940 : f32 to vector<128x128xf32>
    %sub3A_942 = arith.subf %sub3A_941, %exp3A_920 : vector<128x128xf32>
    %mul3A_943 = arith.constant 7.500000e-01 : f32
    %mul3A_944 = vector.broadcast %mul3A_943 : f32 to vector<128x128xf32>
    %mul3A_945 = arith.mulf %sub3A_942, %mul3A_944 : vector<128x128xf32>
    %add3A_946 = arith.addf %mul3A_939, %mul3A_945 : vector<128x128xf32>
    %sub3A_947 = arith.constant 1.000000e+00 : f32
    %sub3A_948 = vector.broadcast %sub3A_947 : f32 to vector<128x128xf32>
    %sub3A_949 = arith.subf %sub3A_948, %exp3A_936 : vector<128x128xf32>
    %mul3A_950 = arith.mulf %add3A_946, %sub3A_949 : vector<128x128xf32>
    %mul3A_951 = arith.mulf %mul3A_950, %sub3A_949 : vector<128x128xf32>
    %mul3A_952 = arith.mulf %mul3A_951, %add3A_932 : vector<128x128xf32>
    %broadcast_in_dim3A_953 = arith.constant false
    %broadcast_in_dim3A_954 = vector.broadcast %broadcast_in_dim3A_953 : i1 to vector<128x128xi1>
    %broadcast_in_dim3A_955 = arith.constant 0.000000e+00 : f32
    %broadcast_in_dim3A_956 = vector.broadcast %broadcast_in_dim3A_955 : f32 to vector<128x128xf32>
    %broadcast_in_dim3A_957 = arith.constant 0.000000e+00 : f32
    %broadcast_in_dim3A_958 = vector.broadcast %broadcast_in_dim3A_957 : f32 to vector<128x128xf32>
    %get3A_959 = arith.constant 3 : index
    %get3A_960 = arith.constant 0 : index
    %get3A_961 = memref.load %arg0[%get3A_959, %get3A_960] : memref<16x8xi32, #tpu.memory_space<smem>>
    %eq3A_962 = vector.broadcast %get3A_961 : i32 to vector<128x128xi32>
    %eq3A_963 = arith.cmpi eq, %iota3A_0, %eq3A_962 : vector<128x128xi32>
    %get3A_964 = arith.constant 3 : index
    %get3A_965 = arith.constant 0 : index
    %get3A_966 = memref.load %arg1[%get3A_964, %get3A_965] : memref<16x8xi32, #tpu.memory_space<smem>>
    %eq3A_967 = vector.broadcast %get3A_966 : i32 to vector<128x128xi32>
    %eq3A_968 = arith.cmpi eq, %iota3A, %eq3A_967 : vector<128x128xi32>
    %and3A_969 = arith.andi %eq3A_963, %eq3A_968 : vector<128x128xi1>
    %or3A_970 = arith.ori %broadcast_in_dim3A_954, %and3A_969 : vector<128x128xi1>
    %get3A_971 = arith.constant 3 : index
    %get3A_972 = arith.constant 0 : index
    %get3A_973 = memref.load %arg2[%get3A_971, %get3A_972] : memref<16x8xf32, #tpu.memory_space<smem>>
    %broadcast_in_dim3A_974 = vector.broadcast %get3A_973 : f32 to vector<128x128xf32>
    %select_n3A_975 = arith.select %and3A_969, %broadcast_in_dim3A_974, %broadcast_in_dim3A_956 : vector<128x128xi1>, vector<128x128xf32>
    %get3A_976 = arith.constant 3 : index
    %get3A_977 = arith.constant 0 : index
    %get3A_978 = memref.load %arg3[%get3A_976, %get3A_977] : memref<16x8xf32, #tpu.memory_space<smem>>
    %broadcast_in_dim3A_979 = vector.broadcast %get3A_978 : f32 to vector<128x128xf32>
    %select_n3A_980 = arith.select %and3A_969, %broadcast_in_dim3A_979, %broadcast_in_dim3A_958 : vector<128x128xi1>, vector<128x128xf32>
    %get3A_981 = arith.constant 3 : index
    %get3A_982 = arith.constant 1 : index
    %get3A_983 = memref.load %arg0[%get3A_981, %get3A_982] : memref<16x8xi32, #tpu.memory_space<smem>>
    %eq3A_984 = vector.broadcast %get3A_983 : i32 to vector<128x128xi32>
    %eq3A_985 = arith.cmpi eq, %iota3A_0, %eq3A_984 : vector<128x128xi32>
    %get3A_986 = arith.constant 3 : index
    %get3A_987 = arith.constant 1 : index
    %get3A_988 = memref.load %arg1[%get3A_986, %get3A_987] : memref<16x8xi32, #tpu.memory_space<smem>>
    %eq3A_989 = vector.broadcast %get3A_988 : i32 to vector<128x128xi32>
    %eq3A_990 = arith.cmpi eq, %iota3A, %eq3A_989 : vector<128x128xi32>
    %and3A_991 = arith.andi %eq3A_985, %eq3A_990 : vector<128x128xi1>
    %or3A_992 = arith.ori %or3A_970, %and3A_991 : vector<128x128xi1>
    %get3A_993 = arith.constant 3 : index
    %get3A_994 = arith.constant 1 : index
    %get3A_995 = memref.load %arg2[%get3A_993, %get3A_994] : memref<16x8xf32, #tpu.memory_space<smem>>
    %broadcast_in_dim3A_996 = vector.broadcast %get3A_995 : f32 to vector<128x128xf32>
    %select_n3A_997 = arith.select %and3A_991, %broadcast_in_dim3A_996, %select_n3A_975 : vector<128x128xi1>, vector<128x128xf32>
    %get3A_998 = arith.constant 3 : index
    %get3A_999 = arith.constant 1 : index
    %get3A_1000 = memref.load %arg3[%get3A_998, %get3A_999] : memref<16x8xf32, #tpu.memory_space<smem>>
    %broadcast_in_dim3A_1001 = vector.broadcast %get3A_1000 : f32 to vector<128x128xf32>
    %select_n3A_1002 = arith.select %and3A_991, %broadcast_in_dim3A_1001, %select_n3A_980 : vector<128x128xi1>, vector<128x128xf32>
    %get3A_1003 = arith.constant 3 : index
    %get3A_1004 = arith.constant 2 : index
    %get3A_1005 = memref.load %arg0[%get3A_1003, %get3A_1004] : memref<16x8xi32, #tpu.memory_space<smem>>
    %eq3A_1006 = vector.broadcast %get3A_1005 : i32 to vector<128x128xi32>
    %eq3A_1007 = arith.cmpi eq, %iota3A_0, %eq3A_1006 : vector<128x128xi32>
    %get3A_1008 = arith.constant 3 : index
    %get3A_1009 = arith.constant 2 : index
    %get3A_1010 = memref.load %arg1[%get3A_1008, %get3A_1009] : memref<16x8xi32, #tpu.memory_space<smem>>
    %eq3A_1011 = vector.broadcast %get3A_1010 : i32 to vector<128x128xi32>
    %eq3A_1012 = arith.cmpi eq, %iota3A, %eq3A_1011 : vector<128x128xi32>
    %and3A_1013 = arith.andi %eq3A_1007, %eq3A_1012 : vector<128x128xi1>
    %or3A_1014 = arith.ori %or3A_992, %and3A_1013 : vector<128x128xi1>
    %get3A_1015 = arith.constant 3 : index
    %get3A_1016 = arith.constant 2 : index
    %get3A_1017 = memref.load %arg2[%get3A_1015, %get3A_1016] : memref<16x8xf32, #tpu.memory_space<smem>>
    %broadcast_in_dim3A_1018 = vector.broadcast %get3A_1017 : f32 to vector<128x128xf32>
    %select_n3A_1019 = arith.select %and3A_1013, %broadcast_in_dim3A_1018, %select_n3A_997 : vector<128x128xi1>, vector<128x128xf32>
    %get3A_1020 = arith.constant 3 : index
    %get3A_1021 = arith.constant 2 : index
    %get3A_1022 = memref.load %arg3[%get3A_1020, %get3A_1021] : memref<16x8xf32, #tpu.memory_space<smem>>
    %broadcast_in_dim3A_1023 = vector.broadcast %get3A_1022 : f32 to vector<128x128xf32>
    %select_n3A_1024 = arith.select %and3A_1013, %broadcast_in_dim3A_1023, %select_n3A_1002 : vector<128x128xi1>, vector<128x128xf32>
    %get3A_1025 = arith.constant 3 : index
    %get3A_1026 = arith.constant 3 : index
    %get3A_1027 = memref.load %arg0[%get3A_1025, %get3A_1026] : memref<16x8xi32, #tpu.memory_space<smem>>
    %eq3A_1028 = vector.broadcast %get3A_1027 : i32 to vector<128x128xi32>
    %eq3A_1029 = arith.cmpi eq, %iota3A_0, %eq3A_1028 : vector<128x128xi32>
    %get3A_1030 = arith.constant 3 : index
    %get3A_1031 = arith.constant 3 : index
    %get3A_1032 = memref.load %arg1[%get3A_1030, %get3A_1031] : memref<16x8xi32, #tpu.memory_space<smem>>
    %eq3A_1033 = vector.broadcast %get3A_1032 : i32 to vector<128x128xi32>
    %eq3A_1034 = arith.cmpi eq, %iota3A, %eq3A_1033 : vector<128x128xi32>
    %and3A_1035 = arith.andi %eq3A_1029, %eq3A_1034 : vector<128x128xi1>
    %or3A_1036 = arith.ori %or3A_1014, %and3A_1035 : vector<128x128xi1>
    %get3A_1037 = arith.constant 3 : index
    %get3A_1038 = arith.constant 3 : index
    %get3A_1039 = memref.load %arg2[%get3A_1037, %get3A_1038] : memref<16x8xf32, #tpu.memory_space<smem>>
    %broadcast_in_dim3A_1040 = vector.broadcast %get3A_1039 : f32 to vector<128x128xf32>
    %select_n3A_1041 = arith.select %and3A_1035, %broadcast_in_dim3A_1040, %select_n3A_1019 : vector<128x128xi1>, vector<128x128xf32>
    %get3A_1042 = arith.constant 3 : index
    %get3A_1043 = arith.constant 3 : index
    %get3A_1044 = memref.load %arg3[%get3A_1042, %get3A_1043] : memref<16x8xf32, #tpu.memory_space<smem>>
    %broadcast_in_dim3A_1045 = vector.broadcast %get3A_1044 : f32 to vector<128x128xf32>
    %select_n3A_1046 = arith.select %and3A_1035, %broadcast_in_dim3A_1045, %select_n3A_1024 : vector<128x128xi1>, vector<128x128xf32>
    %get3A_1047 = arith.constant 3 : index
    %get3A_1048 = arith.constant 4 : index
    %get3A_1049 = memref.load %arg0[%get3A_1047, %get3A_1048] : memref<16x8xi32, #tpu.memory_space<smem>>
    %eq3A_1050 = vector.broadcast %get3A_1049 : i32 to vector<128x128xi32>
    %eq3A_1051 = arith.cmpi eq, %iota3A_0, %eq3A_1050 : vector<128x128xi32>
    %get3A_1052 = arith.constant 3 : index
    %get3A_1053 = arith.constant 4 : index
    %get3A_1054 = memref.load %arg1[%get3A_1052, %get3A_1053] : memref<16x8xi32, #tpu.memory_space<smem>>
    %eq3A_1055 = vector.broadcast %get3A_1054 : i32 to vector<128x128xi32>
    %eq3A_1056 = arith.cmpi eq, %iota3A, %eq3A_1055 : vector<128x128xi32>
    %and3A_1057 = arith.andi %eq3A_1051, %eq3A_1056 : vector<128x128xi1>
    %or3A_1058 = arith.ori %or3A_1036, %and3A_1057 : vector<128x128xi1>
    %get3A_1059 = arith.constant 3 : index
    %get3A_1060 = arith.constant 4 : index
    %get3A_1061 = memref.load %arg2[%get3A_1059, %get3A_1060] : memref<16x8xf32, #tpu.memory_space<smem>>
    %broadcast_in_dim3A_1062 = vector.broadcast %get3A_1061 : f32 to vector<128x128xf32>
    %select_n3A_1063 = arith.select %and3A_1057, %broadcast_in_dim3A_1062, %select_n3A_1041 : vector<128x128xi1>, vector<128x128xf32>
    %get3A_1064 = arith.constant 3 : index
    %get3A_1065 = arith.constant 4 : index
    %get3A_1066 = memref.load %arg3[%get3A_1064, %get3A_1065] : memref<16x8xf32, #tpu.memory_space<smem>>
    %broadcast_in_dim3A_1067 = vector.broadcast %get3A_1066 : f32 to vector<128x128xf32>
    %select_n3A_1068 = arith.select %and3A_1057, %broadcast_in_dim3A_1067, %select_n3A_1046 : vector<128x128xi1>, vector<128x128xf32>
    %get3A_1069 = arith.constant 3 : index
    %get3A_1070 = arith.constant 5 : index
    %get3A_1071 = memref.load %arg0[%get3A_1069, %get3A_1070] : memref<16x8xi32, #tpu.memory_space<smem>>
    %eq3A_1072 = vector.broadcast %get3A_1071 : i32 to vector<128x128xi32>
    %eq3A_1073 = arith.cmpi eq, %iota3A_0, %eq3A_1072 : vector<128x128xi32>
    %get3A_1074 = arith.constant 3 : index
    %get3A_1075 = arith.constant 5 : index
    %get3A_1076 = memref.load %arg1[%get3A_1074, %get3A_1075] : memref<16x8xi32, #tpu.memory_space<smem>>
    %eq3A_1077 = vector.broadcast %get3A_1076 : i32 to vector<128x128xi32>
    %eq3A_1078 = arith.cmpi eq, %iota3A, %eq3A_1077 : vector<128x128xi32>
    %and3A_1079 = arith.andi %eq3A_1073, %eq3A_1078 : vector<128x128xi1>
    %or3A_1080 = arith.ori %or3A_1058, %and3A_1079 : vector<128x128xi1>
    %get3A_1081 = arith.constant 3 : index
    %get3A_1082 = arith.constant 5 : index
    %get3A_1083 = memref.load %arg2[%get3A_1081, %get3A_1082] : memref<16x8xf32, #tpu.memory_space<smem>>
    %broadcast_in_dim3A_1084 = vector.broadcast %get3A_1083 : f32 to vector<128x128xf32>
    %select_n3A_1085 = arith.select %and3A_1079, %broadcast_in_dim3A_1084, %select_n3A_1063 : vector<128x128xi1>, vector<128x128xf32>
    %get3A_1086 = arith.constant 3 : index
    %get3A_1087 = arith.constant 5 : index
    %get3A_1088 = memref.load %arg3[%get3A_1086, %get3A_1087] : memref<16x8xf32, #tpu.memory_space<smem>>
    %broadcast_in_dim3A_1089 = vector.broadcast %get3A_1088 : f32 to vector<128x128xf32>
    %select_n3A_1090 = arith.select %and3A_1079, %broadcast_in_dim3A_1089, %select_n3A_1068 : vector<128x128xi1>, vector<128x128xf32>
    %get3A_1091 = arith.constant 3 : index
    %get3A_1092 = arith.constant 6 : index
    %get3A_1093 = memref.load %arg0[%get3A_1091, %get3A_1092] : memref<16x8xi32, #tpu.memory_space<smem>>
    %eq3A_1094 = vector.broadcast %get3A_1093 : i32 to vector<128x128xi32>
    %eq3A_1095 = arith.cmpi eq, %iota3A_0, %eq3A_1094 : vector<128x128xi32>
    %get3A_1096 = arith.constant 3 : index
    %get3A_1097 = arith.constant 6 : index
    %get3A_1098 = memref.load %arg1[%get3A_1096, %get3A_1097] : memref<16x8xi32, #tpu.memory_space<smem>>
    %eq3A_1099 = vector.broadcast %get3A_1098 : i32 to vector<128x128xi32>
    %eq3A_1100 = arith.cmpi eq, %iota3A, %eq3A_1099 : vector<128x128xi32>
    %and3A_1101 = arith.andi %eq3A_1095, %eq3A_1100 : vector<128x128xi1>
    %or3A_1102 = arith.ori %or3A_1080, %and3A_1101 : vector<128x128xi1>
    %get3A_1103 = arith.constant 3 : index
    %get3A_1104 = arith.constant 6 : index
    %get3A_1105 = memref.load %arg2[%get3A_1103, %get3A_1104] : memref<16x8xf32, #tpu.memory_space<smem>>
    %broadcast_in_dim3A_1106 = vector.broadcast %get3A_1105 : f32 to vector<128x128xf32>
    %select_n3A_1107 = arith.select %and3A_1101, %broadcast_in_dim3A_1106, %select_n3A_1085 : vector<128x128xi1>, vector<128x128xf32>
    %get3A_1108 = arith.constant 3 : index
    %get3A_1109 = arith.constant 6 : index
    %get3A_1110 = memref.load %arg3[%get3A_1108, %get3A_1109] : memref<16x8xf32, #tpu.memory_space<smem>>
    %broadcast_in_dim3A_1111 = vector.broadcast %get3A_1110 : f32 to vector<128x128xf32>
    %select_n3A_1112 = arith.select %and3A_1101, %broadcast_in_dim3A_1111, %select_n3A_1090 : vector<128x128xi1>, vector<128x128xf32>
    %get3A_1113 = arith.constant 3 : index
    %get3A_1114 = arith.constant 7 : index
    %get3A_1115 = memref.load %arg0[%get3A_1113, %get3A_1114] : memref<16x8xi32, #tpu.memory_space<smem>>
    %eq3A_1116 = vector.broadcast %get3A_1115 : i32 to vector<128x128xi32>
    %eq3A_1117 = arith.cmpi eq, %iota3A_0, %eq3A_1116 : vector<128x128xi32>
    %get3A_1118 = arith.constant 3 : index
    %get3A_1119 = arith.constant 7 : index
    %get3A_1120 = memref.load %arg1[%get3A_1118, %get3A_1119] : memref<16x8xi32, #tpu.memory_space<smem>>
    %eq3A_1121 = vector.broadcast %get3A_1120 : i32 to vector<128x128xi32>
    %eq3A_1122 = arith.cmpi eq, %iota3A, %eq3A_1121 : vector<128x128xi32>
    %and3A_1123 = arith.andi %eq3A_1117, %eq3A_1122 : vector<128x128xi1>
    %or3A_1124 = arith.ori %or3A_1102, %and3A_1123 : vector<128x128xi1>
    %get3A_1125 = arith.constant 3 : index
    %get3A_1126 = arith.constant 7 : index
    %get3A_1127 = memref.load %arg2[%get3A_1125, %get3A_1126] : memref<16x8xf32, #tpu.memory_space<smem>>
    %broadcast_in_dim3A_1128 = vector.broadcast %get3A_1127 : f32 to vector<128x128xf32>
    %select_n3A_1129 = arith.select %and3A_1123, %broadcast_in_dim3A_1128, %select_n3A_1107 : vector<128x128xi1>, vector<128x128xf32>
    %get3A_1130 = arith.constant 3 : index
    %get3A_1131 = arith.constant 7 : index
    %get3A_1132 = memref.load %arg3[%get3A_1130, %get3A_1131] : memref<16x8xf32, #tpu.memory_space<smem>>
    %broadcast_in_dim3A_1133 = vector.broadcast %get3A_1132 : f32 to vector<128x128xf32>
    %select_n3A_1134 = arith.select %and3A_1123, %broadcast_in_dim3A_1133, %select_n3A_1112 : vector<128x128xi1>, vector<128x128xf32>
    %convert_element_type3A_1135 = arith.extui %or3A_1124 : vector<128x128xi1> to vector<128x128xi32>
    %convert_element_type3A_1136 = arith.sitofp %convert_element_type3A_1135 : vector<128x128xi32> to vector<128x128xf32>
    %neg3A_1137 = arith.constant 0.000000e+00 : f32
    %neg3A_1138 = vector.broadcast %neg3A_1137 : f32 to vector<128x128xf32>
    %neg3A_1139 = arith.subf %neg3A_1138, %get3A_901 : vector<128x128xf32>
    %exp3A_1140 = math.exp %neg3A_1139 : vector<128x128xf32>
    %add3A_1141 = arith.constant 1.000000e+00 : f32
    %add3A_1142 = vector.broadcast %add3A_1141 : f32 to vector<128x128xf32>
    %add3A_1143 = arith.addf %add3A_1142, %exp3A_1140 : vector<128x128xf32>
    %div3A_1144 = arith.constant 1.000000e+00 : f32
    %div3A_1145 = vector.broadcast %div3A_1144 : f32 to vector<128x128xf32>
    %div3A_1146 = arith.divf %div3A_1145, %add3A_1143 : vector<128x128xf32>
    %jit3A_1147 = arith.constant 0xFF800000 : f32
    %broadcast_in_dim3A_1148 = vector.broadcast %jit3A_1147 : f32 to vector<128x128xf32>
    %select_n3A_1149 = arith.select %or3A_1124, %broadcast_in_dim3A_1148, %div3A_1146 : vector<128x128xi1>, vector<128x128xf32>
    %bitcast_convert_type3A_1150 = tpu.bitcast %select_n3A_1149 : vector<128x128xf32> -> vector<128x128xi32>
    %ge3A_1151 = arith.constant 0 : i32
    %ge3A_1152 = vector.broadcast %ge3A_1151 : i32 to vector<128x128xi32>
    %ge3A_1153 = arith.cmpi sge, %bitcast_convert_type3A_1150, %ge3A_1152 : vector<128x128xi32>
    %xor3A_1154 = arith.constant 2147483647 : i32
    %xor3A_1155 = vector.broadcast %xor3A_1154 : i32 to vector<128x128xi32>
    %xor3A_1156 = arith.xori %bitcast_convert_type3A_1150, %xor3A_1155 : vector<128x128xi32>
    %select_n3A_1157 = arith.select %ge3A_1153, %bitcast_convert_type3A_1150, %xor3A_1156 : vector<128x128xi1>, vector<128x128xi32>
    %max3A_1158 = arith.constant -1 : i32
    %max3A_1159 = vector.broadcast %max3A_1158 : i32 to vector<128x128xi32>
    %max3A_1160 = arith.maxsi %select_n3A_1157, %max3A_1159 : vector<128x128xi32>
    %swap3A_1161 = arith.constant 384 : index
    %swap3A_1162 = arith.constant 0 : index
    %swap3A_1163 = vector.load %arg8[%swap3A_1161, %swap3A_1162] : memref<2048x128xi32, #tpu.memory_space<vmem>>, vector<128x128xi32>
    tpu.vector_store %arg8[%swap3A_1161, %swap3A_1162], %max3A_1160 {strides = array<i32>} : memref<2048x128xi32, #tpu.memory_space<vmem>>, vector<128x128xi32>,
    %swap3A_1164 = arith.constant 384 : index
    %swap3A_1165 = arith.constant 0 : index
    %swap3A_1166 = vector.load %arg9[%swap3A_1164, %swap3A_1165] : memref<2048x128xf32, #tpu.memory_space<vmem>>, vector<128x128xf32>
    tpu.vector_store %arg9[%swap3A_1164, %swap3A_1165], %add3A_932 {strides = array<i32>} : memref<2048x128xf32, #tpu.memory_space<vmem>>, vector<128x128xf32>,
    %reduce_sum3A_1167 = vector.shape_cast %mul3A_952 : vector<128x128xf32> to vector<1x128x128xf32>
    %reduce_sum3A_1168 = arith.constant dense<0.000000e+00> : vector<1xf32>
    %reduce_sum3A_1169 = vector.multi_reduction <add>, %reduce_sum3A_1167, %reduce_sum3A_1168 [1, 2] : vector<1x128x128xf32> to vector<1xf32>
    %reduce_sum3A_1170 = vector.shape_cast %reduce_sum3A_1169 : vector<1xf32> to vector<1x1x1xf32>
    %reduce_sum3A_1171 = vector.extract %reduce_sum3A_1170[0, 0, 0] : f32 from vector<1x1x1xf32>
    %add3A_1172 = arith.addf %add3A_867, %reduce_sum3A_1171 : f32
    %mul3A_1173 = arith.mulf %mul3A_952, %convert_element_type3A_1136 : vector<128x128xf32>
    %reduce_sum3A_1174 = vector.shape_cast %mul3A_1173 : vector<128x128xf32> to vector<1x128x128xf32>
    %reduce_sum3A_1175 = arith.constant dense<0.000000e+00> : vector<1xf32>
    %reduce_sum3A_1176 = vector.multi_reduction <add>, %reduce_sum3A_1174, %reduce_sum3A_1175 [1, 2] : vector<1x128x128xf32> to vector<1xf32>
    %reduce_sum3A_1177 = vector.shape_cast %reduce_sum3A_1176 : vector<1xf32> to vector<1x1x1xf32>
    %reduce_sum3A_1178 = vector.extract %reduce_sum3A_1177[0, 0, 0] : f32 from vector<1x1x1xf32>
    %add3A_1179 = arith.addf %add3A_874, %reduce_sum3A_1178 : f32
    %reduce_sum3A_1180 = vector.shape_cast %convert_element_type3A_1136 : vector<128x128xf32> to vector<1x128x128xf32>
    %reduce_sum3A_1181 = arith.constant dense<0.000000e+00> : vector<1xf32>
    %reduce_sum3A_1182 = vector.multi_reduction <add>, %reduce_sum3A_1180, %reduce_sum3A_1181 [1, 2] : vector<1x128x128xf32> to vector<1xf32>
    %reduce_sum3A_1183 = vector.shape_cast %reduce_sum3A_1182 : vector<1xf32> to vector<1x1x1xf32>
    %reduce_sum3A_1184 = vector.extract %reduce_sum3A_1183[0, 0, 0] : f32 from vector<1x1x1xf32>
    %add3A_1185 = arith.addf %add3A_880, %reduce_sum3A_1184 : f32
    %get3A_1186 = arith.constant 384 : index
    %get3A_1187 = arith.constant 0 : index
    %get3A_1188 = vector.load %arg6[%get3A_1186, %get3A_1187] : memref<2048x128xf32, #tpu.memory_space<vmem>>, vector<128x128xf32>
    %get3A_1189 = arith.constant 384 : index
    %get3A_1190 = arith.constant 0 : index
    %get3A_1191 = vector.load %arg7[%get3A_1189, %get3A_1190] : memref<2048x128xf32, #tpu.memory_space<vmem>>, vector<128x128xf32>
    %sub3A_1192 = arith.subf %get3A_1188, %select_n3A_1129 : vector<128x128xf32>
    %abs3A_1193 = math.absf %sub3A_1192 : vector<128x128xf32>
    %sub3A_1194 = arith.subf %get3A_1191, %select_n3A_1134 : vector<128x128xf32>
    %abs3A_1195 = math.absf %sub3A_1194 : vector<128x128xf32>
    %add3A_1196 = arith.addf %abs3A_1193, %abs3A_1195 : vector<128x128xf32>
    %mul3A_1197 = arith.mulf %convert_element_type3A_1136, %add3A_1196 : vector<128x128xf32>
    %reduce_sum3A_1198 = vector.shape_cast %mul3A_1197 : vector<128x128xf32> to vector<1x128x128xf32>
    %reduce_sum3A_1199 = arith.constant dense<0.000000e+00> : vector<1xf32>
    %reduce_sum3A_1200 = vector.multi_reduction <add>, %reduce_sum3A_1198, %reduce_sum3A_1199 [1, 2] : vector<1x128x128xf32> to vector<1xf32>
    %reduce_sum3A_1201 = vector.shape_cast %reduce_sum3A_1200 : vector<1xf32> to vector<1x1x1xf32>
    %reduce_sum3A_1202 = vector.extract %reduce_sum3A_1201[0, 0, 0] : f32 from vector<1x1x1xf32>
    %add3A_1203 = arith.addf %add3A_898, %reduce_sum3A_1202 : f32
    %get3A_1204 = arith.constant 512 : index
    %get3A_1205 = arith.constant 0 : index
    %get3A_1206 = vector.load %arg5[%get3A_1204, %get3A_1205] : memref<2048x128xf32, #tpu.memory_space<vmem>>, vector<128x128xf32>
    %get3A_1207 = arith.constant 4 : index
    %get3A_1208 = arith.constant 7 : index
    %get3A_1209 = memref.load %arg0[%get3A_1207, %get3A_1208] : memref<16x8xi32, #tpu.memory_space<smem>>
    %convert_element_type3A_1210 = arith.sitofp %get3A_1209 : i32 to f32
    %get3A_1211 = arith.constant 4 : index
    %get3A_1212 = arith.constant 7 : index
    %get3A_1213 = memref.load %arg1[%get3A_1211, %get3A_1212] : memref<16x8xi32, #tpu.memory_space<smem>>
    %convert_element_type3A_1214 = arith.sitofp %get3A_1213 : i32 to f32
    %sub3A_1215 = vector.broadcast %convert_element_type3A_1210 : f32 to vector<128x128xf32>
    %sub3A_1216 = arith.subf %convert_element_type3A_1, %sub3A_1215 : vector<128x128xf32>
    %integer_pow3A_1217 = arith.mulf %sub3A_1216, %sub3A_1216 : vector<128x128xf32>
    %sub3A_1218 = vector.broadcast %convert_element_type3A_1214 : f32 to vector<128x128xf32>
    %sub3A_1219 = arith.subf %convert_element_type3A, %sub3A_1218 : vector<128x128xf32>
    %integer_pow3A_1220 = arith.mulf %sub3A_1219, %sub3A_1219 : vector<128x128xf32>
    %add3A_1221 = arith.addf %integer_pow3A_1217, %integer_pow3A_1220 : vector<128x128xf32>
    %mul3A_1222 = arith.constant -2.000000e+00 : f32
    %mul3A_1223 = vector.broadcast %mul3A_1222 : f32 to vector<128x128xf32>
    %mul3A_1224 = arith.mulf %mul3A_1223, %add3A_1221 : vector<128x128xf32>
    %exp3A_1225 = math.exp %mul3A_1224 : vector<128x128xf32>
    %abs3A_1226 = math.absf %get3A_1206 : vector<128x128xf32>
    %max3A_1227 = arith.constant 0.000000e+00 : f32
    %max3A_1228 = vector.broadcast %max3A_1227 : f32 to vector<128x128xf32>
    %max3A_1229 = arith.maximumf %get3A_1206, %max3A_1228 : vector<128x128xf32>
    %mul3A_1230 = arith.mulf %get3A_1206, %exp3A_1225 : vector<128x128xf32>
    %sub3A_1231 = arith.subf %max3A_1229, %mul3A_1230 : vector<128x128xf32>
    %neg3A_1232 = arith.constant 0.000000e+00 : f32
    %neg3A_1233 = vector.broadcast %neg3A_1232 : f32 to vector<128x128xf32>
    %neg3A_1234 = arith.subf %neg3A_1233, %abs3A_1226 : vector<128x128xf32>
    %exp3A_1235 = math.exp %neg3A_1234 : vector<128x128xf32>
    %log1p3A_1236 = math.log1p %exp3A_1235 : vector<128x128xf32>
    %add3A_1237 = arith.addf %sub3A_1231, %log1p3A_1236 : vector<128x128xf32>
    %neg3A_1238 = arith.constant 0.000000e+00 : f32
    %neg3A_1239 = vector.broadcast %neg3A_1238 : f32 to vector<128x128xf32>
    %neg3A_1240 = arith.subf %neg3A_1239, %add3A_1237 : vector<128x128xf32>
    %exp3A_1241 = math.exp %neg3A_1240 : vector<128x128xf32>
    %mul3A_1242 = arith.constant 2.500000e-01 : f32
    %mul3A_1243 = vector.broadcast %mul3A_1242 : f32 to vector<128x128xf32>
    %mul3A_1244 = arith.mulf %exp3A_1225, %mul3A_1243 : vector<128x128xf32>
    %sub3A_1245 = arith.constant 1.000000e+00 : f32
    %sub3A_1246 = vector.broadcast %sub3A_1245 : f32 to vector<128x128xf32>
    %sub3A_1247 = arith.subf %sub3A_1246, %exp3A_1225 : vector<128x128xf32>
    %mul3A_1248 = arith.constant 7.500000e-01 : f32
    %mul3A_1249 = vector.broadcast %mul3A_1248 : f32 to vector<128x128xf32>
    %mul3A_1250 = arith.mulf %sub3A_1247, %mul3A_1249 : vector<128x128xf32>
    %add3A_1251 = arith.addf %mul3A_1244, %mul3A_1250 : vector<128x128xf32>
    %sub3A_1252 = arith.constant 1.000000e+00 : f32
    %sub3A_1253 = vector.broadcast %sub3A_1252 : f32 to vector<128x128xf32>
    %sub3A_1254 = arith.subf %sub3A_1253, %exp3A_1241 : vector<128x128xf32>
    %mul3A_1255 = arith.mulf %add3A_1251, %sub3A_1254 : vector<128x128xf32>
    %mul3A_1256 = arith.mulf %mul3A_1255, %sub3A_1254 : vector<128x128xf32>
    %mul3A_1257 = arith.mulf %mul3A_1256, %add3A_1237 : vector<128x128xf32>
    %broadcast_in_dim3A_1258 = arith.constant false
    %broadcast_in_dim3A_1259 = vector.broadcast %broadcast_in_dim3A_1258 : i1 to vector<128x128xi1>
    %broadcast_in_dim3A_1260 = arith.constant 0.000000e+00 : f32
    %broadcast_in_dim3A_1261 = vector.broadcast %broadcast_in_dim3A_1260 : f32 to vector<128x128xf32>
    %broadcast_in_dim3A_1262 = arith.constant 0.000000e+00 : f32
    %broadcast_in_dim3A_1263 = vector.broadcast %broadcast_in_dim3A_1262 : f32 to vector<128x128xf32>
    %get3A_1264 = arith.constant 4 : index
    %get3A_1265 = arith.constant 0 : index
    %get3A_1266 = memref.load %arg0[%get3A_1264, %get3A_1265] : memref<16x8xi32, #tpu.memory_space<smem>>
    %eq3A_1267 = vector.broadcast %get3A_1266 : i32 to vector<128x128xi32>
    %eq3A_1268 = arith.cmpi eq, %iota3A_0, %eq3A_1267 : vector<128x128xi32>
    %get3A_1269 = arith.constant 4 : index
    %get3A_1270 = arith.constant 0 : index
    %get3A_1271 = memref.load %arg1[%get3A_1269, %get3A_1270] : memref<16x8xi32, #tpu.memory_space<smem>>
    %eq3A_1272 = vector.broadcast %get3A_1271 : i32 to vector<128x128xi32>
    %eq3A_1273 = arith.cmpi eq, %iota3A, %eq3A_1272 : vector<128x128xi32>
    %and3A_1274 = arith.andi %eq3A_1268, %eq3A_1273 : vector<128x128xi1>
    %or3A_1275 = arith.ori %broadcast_in_dim3A_1259, %and3A_1274 : vector<128x128xi1>
    %get3A_1276 = arith.constant 4 : index
    %get3A_1277 = arith.constant 0 : index
    %get3A_1278 = memref.load %arg2[%get3A_1276, %get3A_1277] : memref<16x8xf32, #tpu.memory_space<smem>>
    %broadcast_in_dim3A_1279 = vector.broadcast %get3A_1278 : f32 to vector<128x128xf32>
    %select_n3A_1280 = arith.select %and3A_1274, %broadcast_in_dim3A_1279, %broadcast_in_dim3A_1261 : vector<128x128xi1>, vector<128x128xf32>
    %get3A_1281 = arith.constant 4 : index
    %get3A_1282 = arith.constant 0 : index
    %get3A_1283 = memref.load %arg3[%get3A_1281, %get3A_1282] : memref<16x8xf32, #tpu.memory_space<smem>>
    %broadcast_in_dim3A_1284 = vector.broadcast %get3A_1283 : f32 to vector<128x128xf32>
    %select_n3A_1285 = arith.select %and3A_1274, %broadcast_in_dim3A_1284, %broadcast_in_dim3A_1263 : vector<128x128xi1>, vector<128x128xf32>
    %get3A_1286 = arith.constant 4 : index
    %get3A_1287 = arith.constant 1 : index
    %get3A_1288 = memref.load %arg0[%get3A_1286, %get3A_1287] : memref<16x8xi32, #tpu.memory_space<smem>>
    %eq3A_1289 = vector.broadcast %get3A_1288 : i32 to vector<128x128xi32>
    %eq3A_1290 = arith.cmpi eq, %iota3A_0, %eq3A_1289 : vector<128x128xi32>
    %get3A_1291 = arith.constant 4 : index
    %get3A_1292 = arith.constant 1 : index
    %get3A_1293 = memref.load %arg1[%get3A_1291, %get3A_1292] : memref<16x8xi32, #tpu.memory_space<smem>>
    %eq3A_1294 = vector.broadcast %get3A_1293 : i32 to vector<128x128xi32>
    %eq3A_1295 = arith.cmpi eq, %iota3A, %eq3A_1294 : vector<128x128xi32>
    %and3A_1296 = arith.andi %eq3A_1290, %eq3A_1295 : vector<128x128xi1>
    %or3A_1297 = arith.ori %or3A_1275, %and3A_1296 : vector<128x128xi1>
    %get3A_1298 = arith.constant 4 : index
    %get3A_1299 = arith.constant 1 : index
    %get3A_1300 = memref.load %arg2[%get3A_1298, %get3A_1299] : memref<16x8xf32, #tpu.memory_space<smem>>
    %broadcast_in_dim3A_1301 = vector.broadcast %get3A_1300 : f32 to vector<128x128xf32>
    %select_n3A_1302 = arith.select %and3A_1296, %broadcast_in_dim3A_1301, %select_n3A_1280 : vector<128x128xi1>, vector<128x128xf32>
    %get3A_1303 = arith.constant 4 : index
    %get3A_1304 = arith.constant 1 : index
    %get3A_1305 = memref.load %arg3[%get3A_1303, %get3A_1304] : memref<16x8xf32, #tpu.memory_space<smem>>
    %broadcast_in_dim3A_1306 = vector.broadcast %get3A_1305 : f32 to vector<128x128xf32>
    %select_n3A_1307 = arith.select %and3A_1296, %broadcast_in_dim3A_1306, %select_n3A_1285 : vector<128x128xi1>, vector<128x128xf32>
    %get3A_1308 = arith.constant 4 : index
    %get3A_1309 = arith.constant 2 : index
    %get3A_1310 = memref.load %arg0[%get3A_1308, %get3A_1309] : memref<16x8xi32, #tpu.memory_space<smem>>
    %eq3A_1311 = vector.broadcast %get3A_1310 : i32 to vector<128x128xi32>
    %eq3A_1312 = arith.cmpi eq, %iota3A_0, %eq3A_1311 : vector<128x128xi32>
    %get3A_1313 = arith.constant 4 : index
    %get3A_1314 = arith.constant 2 : index
    %get3A_1315 = memref.load %arg1[%get3A_1313, %get3A_1314] : memref<16x8xi32, #tpu.memory_space<smem>>
    %eq3A_1316 = vector.broadcast %get3A_1315 : i32 to vector<128x128xi32>
    %eq3A_1317 = arith.cmpi eq, %iota3A, %eq3A_1316 : vector<128x128xi32>
    %and3A_1318 = arith.andi %eq3A_1312, %eq3A_1317 : vector<128x128xi1>
    %or3A_1319 = arith.ori %or3A_1297, %and3A_1318 : vector<128x128xi1>
    %get3A_1320 = arith.constant 4 : index
    %get3A_1321 = arith.constant 2 : index
    %get3A_1322 = memref.load %arg2[%get3A_1320, %get3A_1321] : memref<16x8xf32, #tpu.memory_space<smem>>
    %broadcast_in_dim3A_1323 = vector.broadcast %get3A_1322 : f32 to vector<128x128xf32>
    %select_n3A_1324 = arith.select %and3A_1318, %broadcast_in_dim3A_1323, %select_n3A_1302 : vector<128x128xi1>, vector<128x128xf32>
    %get3A_1325 = arith.constant 4 : index
    %get3A_1326 = arith.constant 2 : index
    %get3A_1327 = memref.load %arg3[%get3A_1325, %get3A_1326] : memref<16x8xf32, #tpu.memory_space<smem>>
    %broadcast_in_dim3A_1328 = vector.broadcast %get3A_1327 : f32 to vector<128x128xf32>
    %select_n3A_1329 = arith.select %and3A_1318, %broadcast_in_dim3A_1328, %select_n3A_1307 : vector<128x128xi1>, vector<128x128xf32>
    %get3A_1330 = arith.constant 4 : index
    %get3A_1331 = arith.constant 3 : index
    %get3A_1332 = memref.load %arg0[%get3A_1330, %get3A_1331] : memref<16x8xi32, #tpu.memory_space<smem>>
    %eq3A_1333 = vector.broadcast %get3A_1332 : i32 to vector<128x128xi32>
    %eq3A_1334 = arith.cmpi eq, %iota3A_0, %eq3A_1333 : vector<128x128xi32>
    %get3A_1335 = arith.constant 4 : index
    %get3A_1336 = arith.constant 3 : index
    %get3A_1337 = memref.load %arg1[%get3A_1335, %get3A_1336] : memref<16x8xi32, #tpu.memory_space<smem>>
    %eq3A_1338 = vector.broadcast %get3A_1337 : i32 to vector<128x128xi32>
    %eq3A_1339 = arith.cmpi eq, %iota3A, %eq3A_1338 : vector<128x128xi32>
    %and3A_1340 = arith.andi %eq3A_1334, %eq3A_1339 : vector<128x128xi1>
    %or3A_1341 = arith.ori %or3A_1319, %and3A_1340 : vector<128x128xi1>
    %get3A_1342 = arith.constant 4 : index
    %get3A_1343 = arith.constant 3 : index
    %get3A_1344 = memref.load %arg2[%get3A_1342, %get3A_1343] : memref<16x8xf32, #tpu.memory_space<smem>>
    %broadcast_in_dim3A_1345 = vector.broadcast %get3A_1344 : f32 to vector<128x128xf32>
    %select_n3A_1346 = arith.select %and3A_1340, %broadcast_in_dim3A_1345, %select_n3A_1324 : vector<128x128xi1>, vector<128x128xf32>
    %get3A_1347 = arith.constant 4 : index
    %get3A_1348 = arith.constant 3 : index
    %get3A_1349 = memref.load %arg3[%get3A_1347, %get3A_1348] : memref<16x8xf32, #tpu.memory_space<smem>>
    %broadcast_in_dim3A_1350 = vector.broadcast %get3A_1349 : f32 to vector<128x128xf32>
    %select_n3A_1351 = arith.select %and3A_1340, %broadcast_in_dim3A_1350, %select_n3A_1329 : vector<128x128xi1>, vector<128x128xf32>
    %get3A_1352 = arith.constant 4 : index
    %get3A_1353 = arith.constant 4 : index
    %get3A_1354 = memref.load %arg0[%get3A_1352, %get3A_1353] : memref<16x8xi32, #tpu.memory_space<smem>>
    %eq3A_1355 = vector.broadcast %get3A_1354 : i32 to vector<128x128xi32>
    %eq3A_1356 = arith.cmpi eq, %iota3A_0, %eq3A_1355 : vector<128x128xi32>
    %get3A_1357 = arith.constant 4 : index
    %get3A_1358 = arith.constant 4 : index
    %get3A_1359 = memref.load %arg1[%get3A_1357, %get3A_1358] : memref<16x8xi32, #tpu.memory_space<smem>>
    %eq3A_1360 = vector.broadcast %get3A_1359 : i32 to vector<128x128xi32>
    %eq3A_1361 = arith.cmpi eq, %iota3A, %eq3A_1360 : vector<128x128xi32>
    %and3A_1362 = arith.andi %eq3A_1356, %eq3A_1361 : vector<128x128xi1>
    %or3A_1363 = arith.ori %or3A_1341, %and3A_1362 : vector<128x128xi1>
    %get3A_1364 = arith.constant 4 : index
    %get3A_1365 = arith.constant 4 : index
    %get3A_1366 = memref.load %arg2[%get3A_1364, %get3A_1365] : memref<16x8xf32, #tpu.memory_space<smem>>
    %broadcast_in_dim3A_1367 = vector.broadcast %get3A_1366 : f32 to vector<128x128xf32>
    %select_n3A_1368 = arith.select %and3A_1362, %broadcast_in_dim3A_1367, %select_n3A_1346 : vector<128x128xi1>, vector<128x128xf32>
    %get3A_1369 = arith.constant 4 : index
    %get3A_1370 = arith.constant 4 : index
    %get3A_1371 = memref.load %arg3[%get3A_1369, %get3A_1370] : memref<16x8xf32, #tpu.memory_space<smem>>
    %broadcast_in_dim3A_1372 = vector.broadcast %get3A_1371 : f32 to vector<128x128xf32>
    %select_n3A_1373 = arith.select %and3A_1362, %broadcast_in_dim3A_1372, %select_n3A_1351 : vector<128x128xi1>, vector<128x128xf32>
    %get3A_1374 = arith.constant 4 : index
    %get3A_1375 = arith.constant 5 : index
    %get3A_1376 = memref.load %arg0[%get3A_1374, %get3A_1375] : memref<16x8xi32, #tpu.memory_space<smem>>
    %eq3A_1377 = vector.broadcast %get3A_1376 : i32 to vector<128x128xi32>
    %eq3A_1378 = arith.cmpi eq, %iota3A_0, %eq3A_1377 : vector<128x128xi32>
    %get3A_1379 = arith.constant 4 : index
    %get3A_1380 = arith.constant 5 : index
    %get3A_1381 = memref.load %arg1[%get3A_1379, %get3A_1380] : memref<16x8xi32, #tpu.memory_space<smem>>
    %eq3A_1382 = vector.broadcast %get3A_1381 : i32 to vector<128x128xi32>
    %eq3A_1383 = arith.cmpi eq, %iota3A, %eq3A_1382 : vector<128x128xi32>
    %and3A_1384 = arith.andi %eq3A_1378, %eq3A_1383 : vector<128x128xi1>
    %or3A_1385 = arith.ori %or3A_1363, %and3A_1384 : vector<128x128xi1>
    %get3A_1386 = arith.constant 4 : index
    %get3A_1387 = arith.constant 5 : index
    %get3A_1388 = memref.load %arg2[%get3A_1386, %get3A_1387] : memref<16x8xf32, #tpu.memory_space<smem>>
    %broadcast_in_dim3A_1389 = vector.broadcast %get3A_1388 : f32 to vector<128x128xf32>
    %select_n3A_1390 = arith.select %and3A_1384, %broadcast_in_dim3A_1389, %select_n3A_1368 : vector<128x128xi1>, vector<128x128xf32>
    %get3A_1391 = arith.constant 4 : index
    %get3A_1392 = arith.constant 5 : index
    %get3A_1393 = memref.load %arg3[%get3A_1391, %get3A_1392] : memref<16x8xf32, #tpu.memory_space<smem>>
    %broadcast_in_dim3A_1394 = vector.broadcast %get3A_1393 : f32 to vector<128x128xf32>
    %select_n3A_1395 = arith.select %and3A_1384, %broadcast_in_dim3A_1394, %select_n3A_1373 : vector<128x128xi1>, vector<128x128xf32>
    %get3A_1396 = arith.constant 4 : index
    %get3A_1397 = arith.constant 6 : index
    %get3A_1398 = memref.load %arg0[%get3A_1396, %get3A_1397] : memref<16x8xi32, #tpu.memory_space<smem>>
    %eq3A_1399 = vector.broadcast %get3A_1398 : i32 to vector<128x128xi32>
    %eq3A_1400 = arith.cmpi eq, %iota3A_0, %eq3A_1399 : vector<128x128xi32>
    %get3A_1401 = arith.constant 4 : index
    %get3A_1402 = arith.constant 6 : index
    %get3A_1403 = memref.load %arg1[%get3A_1401, %get3A_1402] : memref<16x8xi32, #tpu.memory_space<smem>>
    %eq3A_1404 = vector.broadcast %get3A_1403 : i32 to vector<128x128xi32>
    %eq3A_1405 = arith.cmpi eq, %iota3A, %eq3A_1404 : vector<128x128xi32>
    %and3A_1406 = arith.andi %eq3A_1400, %eq3A_1405 : vector<128x128xi1>
    %or3A_1407 = arith.ori %or3A_1385, %and3A_1406 : vector<128x128xi1>
    %get3A_1408 = arith.constant 4 : index
    %get3A_1409 = arith.constant 6 : index
    %get3A_1410 = memref.load %arg2[%get3A_1408, %get3A_1409] : memref<16x8xf32, #tpu.memory_space<smem>>
    %broadcast_in_dim3A_1411 = vector.broadcast %get3A_1410 : f32 to vector<128x128xf32>
    %select_n3A_1412 = arith.select %and3A_1406, %broadcast_in_dim3A_1411, %select_n3A_1390 : vector<128x128xi1>, vector<128x128xf32>
    %get3A_1413 = arith.constant 4 : index
    %get3A_1414 = arith.constant 6 : index
    %get3A_1415 = memref.load %arg3[%get3A_1413, %get3A_1414] : memref<16x8xf32, #tpu.memory_space<smem>>
    %broadcast_in_dim3A_1416 = vector.broadcast %get3A_1415 : f32 to vector<128x128xf32>
    %select_n3A_1417 = arith.select %and3A_1406, %broadcast_in_dim3A_1416, %select_n3A_1395 : vector<128x128xi1>, vector<128x128xf32>
    %get3A_1418 = arith.constant 4 : index
    %get3A_1419 = arith.constant 7 : index
    %get3A_1420 = memref.load %arg0[%get3A_1418, %get3A_1419] : memref<16x8xi32, #tpu.memory_space<smem>>
    %eq3A_1421 = vector.broadcast %get3A_1420 : i32 to vector<128x128xi32>
    %eq3A_1422 = arith.cmpi eq, %iota3A_0, %eq3A_1421 : vector<128x128xi32>
    %get3A_1423 = arith.constant 4 : index
    %get3A_1424 = arith.constant 7 : index
    %get3A_1425 = memref.load %arg1[%get3A_1423, %get3A_1424] : memref<16x8xi32, #tpu.memory_space<smem>>
    %eq3A_1426 = vector.broadcast %get3A_1425 : i32 to vector<128x128xi32>
    %eq3A_1427 = arith.cmpi eq, %iota3A, %eq3A_1426 : vector<128x128xi32>
    %and3A_1428 = arith.andi %eq3A_1422, %eq3A_1427 : vector<128x128xi1>
    %or3A_1429 = arith.ori %or3A_1407, %and3A_1428 : vector<128x128xi1>
    %get3A_1430 = arith.constant 4 : index
    %get3A_1431 = arith.constant 7 : index
    %get3A_1432 = memref.load %arg2[%get3A_1430, %get3A_1431] : memref<16x8xf32, #tpu.memory_space<smem>>
    %broadcast_in_dim3A_1433 = vector.broadcast %get3A_1432 : f32 to vector<128x128xf32>
    %select_n3A_1434 = arith.select %and3A_1428, %broadcast_in_dim3A_1433, %select_n3A_1412 : vector<128x128xi1>, vector<128x128xf32>
    %get3A_1435 = arith.constant 4 : index
    %get3A_1436 = arith.constant 7 : index
    %get3A_1437 = memref.load %arg3[%get3A_1435, %get3A_1436] : memref<16x8xf32, #tpu.memory_space<smem>>
    %broadcast_in_dim3A_1438 = vector.broadcast %get3A_1437 : f32 to vector<128x128xf32>
    %select_n3A_1439 = arith.select %and3A_1428, %broadcast_in_dim3A_1438, %select_n3A_1417 : vector<128x128xi1>, vector<128x128xf32>
    %convert_element_type3A_1440 = arith.extui %or3A_1429 : vector<128x128xi1> to vector<128x128xi32>
    %convert_element_type3A_1441 = arith.sitofp %convert_element_type3A_1440 : vector<128x128xi32> to vector<128x128xf32>
    %neg3A_1442 = arith.constant 0.000000e+00 : f32
    %neg3A_1443 = vector.broadcast %neg3A_1442 : f32 to vector<128x128xf32>
    %neg3A_1444 = arith.subf %neg3A_1443, %get3A_1206 : vector<128x128xf32>
    %exp3A_1445 = math.exp %neg3A_1444 : vector<128x128xf32>
    %add3A_1446 = arith.constant 1.000000e+00 : f32
    %add3A_1447 = vector.broadcast %add3A_1446 : f32 to vector<128x128xf32>
    %add3A_1448 = arith.addf %add3A_1447, %exp3A_1445 : vector<128x128xf32>
    %div3A_1449 = arith.constant 1.000000e+00 : f32
    %div3A_1450 = vector.broadcast %div3A_1449 : f32 to vector<128x128xf32>
    %div3A_1451 = arith.divf %div3A_1450, %add3A_1448 : vector<128x128xf32>
    %jit3A_1452 = arith.constant 0xFF800000 : f32
    %broadcast_in_dim3A_1453 = vector.broadcast %jit3A_1452 : f32 to vector<128x128xf32>
    %select_n3A_1454 = arith.select %or3A_1429, %broadcast_in_dim3A_1453, %div3A_1451 : vector<128x128xi1>, vector<128x128xf32>
    %bitcast_convert_type3A_1455 = tpu.bitcast %select_n3A_1454 : vector<128x128xf32> -> vector<128x128xi32>
    %ge3A_1456 = arith.constant 0 : i32
    %ge3A_1457 = vector.broadcast %ge3A_1456 : i32 to vector<128x128xi32>
    %ge3A_1458 = arith.cmpi sge, %bitcast_convert_type3A_1455, %ge3A_1457 : vector<128x128xi32>
    %xor3A_1459 = arith.constant 2147483647 : i32
    %xor3A_1460 = vector.broadcast %xor3A_1459 : i32 to vector<128x128xi32>
    %xor3A_1461 = arith.xori %bitcast_convert_type3A_1455, %xor3A_1460 : vector<128x128xi32>
    %select_n3A_1462 = arith.select %ge3A_1458, %bitcast_convert_type3A_1455, %xor3A_1461 : vector<128x128xi1>, vector<128x128xi32>
    %max3A_1463 = arith.constant -1 : i32
    %max3A_1464 = vector.broadcast %max3A_1463 : i32 to vector<128x128xi32>
    %max3A_1465 = arith.maxsi %select_n3A_1462, %max3A_1464 : vector<128x128xi32>
    %swap3A_1466 = arith.constant 512 : index
    %swap3A_1467 = arith.constant 0 : index
    %swap3A_1468 = vector.load %arg8[%swap3A_1466, %swap3A_1467] : memref<2048x128xi32, #tpu.memory_space<vmem>>, vector<128x128xi32>
    tpu.vector_store %arg8[%swap3A_1466, %swap3A_1467], %max3A_1465 {strides = array<i32>} : memref<2048x128xi32, #tpu.memory_space<vmem>>, vector<128x128xi32>,
    %swap3A_1469 = arith.constant 512 : index
    %swap3A_1470 = arith.constant 0 : index
    %swap3A_1471 = vector.load %arg9[%swap3A_1469, %swap3A_1470] : memref<2048x128xf32, #tpu.memory_space<vmem>>, vector<128x128xf32>
    tpu.vector_store %arg9[%swap3A_1469, %swap3A_1470], %add3A_1237 {strides = array<i32>} : memref<2048x128xf32, #tpu.memory_space<vmem>>, vector<128x128xf32>,
    %reduce_sum3A_1472 = vector.shape_cast %mul3A_1257 : vector<128x128xf32> to vector<1x128x128xf32>
    %reduce_sum3A_1473 = arith.constant dense<0.000000e+00> : vector<1xf32>
    %reduce_sum3A_1474 = vector.multi_reduction <add>, %reduce_sum3A_1472, %reduce_sum3A_1473 [1, 2] : vector<1x128x128xf32> to vector<1xf32>
    %reduce_sum3A_1475 = vector.shape_cast %reduce_sum3A_1474 : vector<1xf32> to vector<1x1x1xf32>
    %reduce_sum3A_1476 = vector.extract %reduce_sum3A_1475[0, 0, 0] : f32 from vector<1x1x1xf32>
    %add3A_1477 = arith.addf %add3A_1172, %reduce_sum3A_1476 : f32
    %mul3A_1478 = arith.mulf %mul3A_1257, %convert_element_type3A_1441 : vector<128x128xf32>
    %reduce_sum3A_1479 = vector.shape_cast %mul3A_1478 : vector<128x128xf32> to vector<1x128x128xf32>
    %reduce_sum3A_1480 = arith.constant dense<0.000000e+00> : vector<1xf32>
    %reduce_sum3A_1481 = vector.multi_reduction <add>, %reduce_sum3A_1479, %reduce_sum3A_1480 [1, 2] : vector<1x128x128xf32> to vector<1xf32>
    %reduce_sum3A_1482 = vector.shape_cast %reduce_sum3A_1481 : vector<1xf32> to vector<1x1x1xf32>
    %reduce_sum3A_1483 = vector.extract %reduce_sum3A_1482[0, 0, 0] : f32 from vector<1x1x1xf32>
    %add3A_1484 = arith.addf %add3A_1179, %reduce_sum3A_1483 : f32
    %reduce_sum3A_1485 = vector.shape_cast %convert_element_type3A_1441 : vector<128x128xf32> to vector<1x128x128xf32>
    %reduce_sum3A_1486 = arith.constant dense<0.000000e+00> : vector<1xf32>
    %reduce_sum3A_1487 = vector.multi_reduction <add>, %reduce_sum3A_1485, %reduce_sum3A_1486 [1, 2] : vector<1x128x128xf32> to vector<1xf32>
    %reduce_sum3A_1488 = vector.shape_cast %reduce_sum3A_1487 : vector<1xf32> to vector<1x1x1xf32>
    %reduce_sum3A_1489 = vector.extract %reduce_sum3A_1488[0, 0, 0] : f32 from vector<1x1x1xf32>
    %add3A_1490 = arith.addf %add3A_1185, %reduce_sum3A_1489 : f32
    %get3A_1491 = arith.constant 512 : index
    %get3A_1492 = arith.constant 0 : index
    %get3A_1493 = vector.load %arg6[%get3A_1491, %get3A_1492] : memref<2048x128xf32, #tpu.memory_space<vmem>>, vector<128x128xf32>
    %get3A_1494 = arith.constant 512 : index
    %get3A_1495 = arith.constant 0 : index
    %get3A_1496 = vector.load %arg7[%get3A_1494, %get3A_1495] : memref<2048x128xf32, #tpu.memory_space<vmem>>, vector<128x128xf32>
    %sub3A_1497 = arith.subf %get3A_1493, %select_n3A_1434 : vector<128x128xf32>
    %abs3A_1498 = math.absf %sub3A_1497 : vector<128x128xf32>
    %sub3A_1499 = arith.subf %get3A_1496, %select_n3A_1439 : vector<128x128xf32>
    %abs3A_1500 = math.absf %sub3A_1499 : vector<128x128xf32>
    %add3A_1501 = arith.addf %abs3A_1498, %abs3A_1500 : vector<128x128xf32>
    %mul3A_1502 = arith.mulf %convert_element_type3A_1441, %add3A_1501 : vector<128x128xf32>
    %reduce_sum3A_1503 = vector.shape_cast %mul3A_1502 : vector<128x128xf32> to vector<1x128x128xf32>
    %reduce_sum3A_1504 = arith.constant dense<0.000000e+00> : vector<1xf32>
    %reduce_sum3A_1505 = vector.multi_reduction <add>, %reduce_sum3A_1503, %reduce_sum3A_1504 [1, 2] : vector<1x128x128xf32> to vector<1xf32>
    %reduce_sum3A_1506 = vector.shape_cast %reduce_sum3A_1505 : vector<1xf32> to vector<1x1x1xf32>
    %reduce_sum3A_1507 = vector.extract %reduce_sum3A_1506[0, 0, 0] : f32 from vector<1x1x1xf32>
    %add3A_1508 = arith.addf %add3A_1203, %reduce_sum3A_1507 : f32
    %get3A_1509 = arith.constant 640 : index
    %get3A_1510 = arith.constant 0 : index
    %get3A_1511 = vector.load %arg5[%get3A_1509, %get3A_1510] : memref<2048x128xf32, #tpu.memory_space<vmem>>, vector<128x128xf32>
    %get3A_1512 = arith.constant 5 : index
    %get3A_1513 = arith.constant 7 : index
    %get3A_1514 = memref.load %arg0[%get3A_1512, %get3A_1513] : memref<16x8xi32, #tpu.memory_space<smem>>
    %convert_element_type3A_1515 = arith.sitofp %get3A_1514 : i32 to f32
    %get3A_1516 = arith.constant 5 : index
    %get3A_1517 = arith.constant 7 : index
    %get3A_1518 = memref.load %arg1[%get3A_1516, %get3A_1517] : memref<16x8xi32, #tpu.memory_space<smem>>
    %convert_element_type3A_1519 = arith.sitofp %get3A_1518 : i32 to f32
    %sub3A_1520 = vector.broadcast %convert_element_type3A_1515 : f32 to vector<128x128xf32>
    %sub3A_1521 = arith.subf %convert_element_type3A_1, %sub3A_1520 : vector<128x128xf32>
    %integer_pow3A_1522 = arith.mulf %sub3A_1521, %sub3A_1521 : vector<128x128xf32>
    %sub3A_1523 = vector.broadcast %convert_element_type3A_1519 : f32 to vector<128x128xf32>
    %sub3A_1524 = arith.subf %convert_element_type3A, %sub3A_1523 : vector<128x128xf32>
    %integer_pow3A_1525 = arith.mulf %sub3A_1524, %sub3A_1524 : vector<128x128xf32>
    %add3A_1526 = arith.addf %integer_pow3A_1522, %integer_pow3A_1525 : vector<128x128xf32>
    %mul3A_1527 = arith.constant -2.000000e+00 : f32
    %mul3A_1528 = vector.broadcast %mul3A_1527 : f32 to vector<128x128xf32>
    %mul3A_1529 = arith.mulf %mul3A_1528, %add3A_1526 : vector<128x128xf32>
    %exp3A_1530 = math.exp %mul3A_1529 : vector<128x128xf32>
    %abs3A_1531 = math.absf %get3A_1511 : vector<128x128xf32>
    %max3A_1532 = arith.constant 0.000000e+00 : f32
    %max3A_1533 = vector.broadcast %max3A_1532 : f32 to vector<128x128xf32>
    %max3A_1534 = arith.maximumf %get3A_1511, %max3A_1533 : vector<128x128xf32>
    %mul3A_1535 = arith.mulf %get3A_1511, %exp3A_1530 : vector<128x128xf32>
    %sub3A_1536 = arith.subf %max3A_1534, %mul3A_1535 : vector<128x128xf32>
    %neg3A_1537 = arith.constant 0.000000e+00 : f32
    %neg3A_1538 = vector.broadcast %neg3A_1537 : f32 to vector<128x128xf32>
    %neg3A_1539 = arith.subf %neg3A_1538, %abs3A_1531 : vector<128x128xf32>
    %exp3A_1540 = math.exp %neg3A_1539 : vector<128x128xf32>
    %log1p3A_1541 = math.log1p %exp3A_1540 : vector<128x128xf32>
    %add3A_1542 = arith.addf %sub3A_1536, %log1p3A_1541 : vector<128x128xf32>
    %neg3A_1543 = arith.constant 0.000000e+00 : f32
    %neg3A_1544 = vector.broadcast %neg3A_1543 : f32 to vector<128x128xf32>
    %neg3A_1545 = arith.subf %neg3A_1544, %add3A_1542 : vector<128x128xf32>
    %exp3A_1546 = math.exp %neg3A_1545 : vector<128x128xf32>
    %mul3A_1547 = arith.constant 2.500000e-01 : f32
    %mul3A_1548 = vector.broadcast %mul3A_1547 : f32 to vector<128x128xf32>
    %mul3A_1549 = arith.mulf %exp3A_1530, %mul3A_1548 : vector<128x128xf32>
    %sub3A_1550 = arith.constant 1.000000e+00 : f32
    %sub3A_1551 = vector.broadcast %sub3A_1550 : f32 to vector<128x128xf32>
    %sub3A_1552 = arith.subf %sub3A_1551, %exp3A_1530 : vector<128x128xf32>
    %mul3A_1553 = arith.constant 7.500000e-01 : f32
    %mul3A_1554 = vector.broadcast %mul3A_1553 : f32 to vector<128x128xf32>
    %mul3A_1555 = arith.mulf %sub3A_1552, %mul3A_1554 : vector<128x128xf32>
    %add3A_1556 = arith.addf %mul3A_1549, %mul3A_1555 : vector<128x128xf32>
    %sub3A_1557 = arith.constant 1.000000e+00 : f32
    %sub3A_1558 = vector.broadcast %sub3A_1557 : f32 to vector<128x128xf32>
    %sub3A_1559 = arith.subf %sub3A_1558, %exp3A_1546 : vector<128x128xf32>
    %mul3A_1560 = arith.mulf %add3A_1556, %sub3A_1559 : vector<128x128xf32>
    %mul3A_1561 = arith.mulf %mul3A_1560, %sub3A_1559 : vector<128x128xf32>
    %mul3A_1562 = arith.mulf %mul3A_1561, %add3A_1542 : vector<128x128xf32>
    %broadcast_in_dim3A_1563 = arith.constant false
    %broadcast_in_dim3A_1564 = vector.broadcast %broadcast_in_dim3A_1563 : i1 to vector<128x128xi1>
    %broadcast_in_dim3A_1565 = arith.constant 0.000000e+00 : f32
    %broadcast_in_dim3A_1566 = vector.broadcast %broadcast_in_dim3A_1565 : f32 to vector<128x128xf32>
    %broadcast_in_dim3A_1567 = arith.constant 0.000000e+00 : f32
    %broadcast_in_dim3A_1568 = vector.broadcast %broadcast_in_dim3A_1567 : f32 to vector<128x128xf32>
    %get3A_1569 = arith.constant 5 : index
    %get3A_1570 = arith.constant 0 : index
    %get3A_1571 = memref.load %arg0[%get3A_1569, %get3A_1570] : memref<16x8xi32, #tpu.memory_space<smem>>
    %eq3A_1572 = vector.broadcast %get3A_1571 : i32 to vector<128x128xi32>
    %eq3A_1573 = arith.cmpi eq, %iota3A_0, %eq3A_1572 : vector<128x128xi32>
    %get3A_1574 = arith.constant 5 : index
    %get3A_1575 = arith.constant 0 : index
    %get3A_1576 = memref.load %arg1[%get3A_1574, %get3A_1575] : memref<16x8xi32, #tpu.memory_space<smem>>
    %eq3A_1577 = vector.broadcast %get3A_1576 : i32 to vector<128x128xi32>
    %eq3A_1578 = arith.cmpi eq, %iota3A, %eq3A_1577 : vector<128x128xi32>
    %and3A_1579 = arith.andi %eq3A_1573, %eq3A_1578 : vector<128x128xi1>
    %or3A_1580 = arith.ori %broadcast_in_dim3A_1564, %and3A_1579 : vector<128x128xi1>
    %get3A_1581 = arith.constant 5 : index
    %get3A_1582 = arith.constant 0 : index
    %get3A_1583 = memref.load %arg2[%get3A_1581, %get3A_1582] : memref<16x8xf32, #tpu.memory_space<smem>>
    %broadcast_in_dim3A_1584 = vector.broadcast %get3A_1583 : f32 to vector<128x128xf32>
    %select_n3A_1585 = arith.select %and3A_1579, %broadcast_in_dim3A_1584, %broadcast_in_dim3A_1566 : vector<128x128xi1>, vector<128x128xf32>
    %get3A_1586 = arith.constant 5 : index
    %get3A_1587 = arith.constant 0 : index
    %get3A_1588 = memref.load %arg3[%get3A_1586, %get3A_1587] : memref<16x8xf32, #tpu.memory_space<smem>>
    %broadcast_in_dim3A_1589 = vector.broadcast %get3A_1588 : f32 to vector<128x128xf32>
    %select_n3A_1590 = arith.select %and3A_1579, %broadcast_in_dim3A_1589, %broadcast_in_dim3A_1568 : vector<128x128xi1>, vector<128x128xf32>
    %get3A_1591 = arith.constant 5 : index
    %get3A_1592 = arith.constant 1 : index
    %get3A_1593 = memref.load %arg0[%get3A_1591, %get3A_1592] : memref<16x8xi32, #tpu.memory_space<smem>>
    %eq3A_1594 = vector.broadcast %get3A_1593 : i32 to vector<128x128xi32>
    %eq3A_1595 = arith.cmpi eq, %iota3A_0, %eq3A_1594 : vector<128x128xi32>
    %get3A_1596 = arith.constant 5 : index
    %get3A_1597 = arith.constant 1 : index
    %get3A_1598 = memref.load %arg1[%get3A_1596, %get3A_1597] : memref<16x8xi32, #tpu.memory_space<smem>>
    %eq3A_1599 = vector.broadcast %get3A_1598 : i32 to vector<128x128xi32>
    %eq3A_1600 = arith.cmpi eq, %iota3A, %eq3A_1599 : vector<128x128xi32>
    %and3A_1601 = arith.andi %eq3A_1595, %eq3A_1600 : vector<128x128xi1>
    %or3A_1602 = arith.ori %or3A_1580, %and3A_1601 : vector<128x128xi1>
    %get3A_1603 = arith.constant 5 : index
    %get3A_1604 = arith.constant 1 : index
    %get3A_1605 = memref.load %arg2[%get3A_1603, %get3A_1604] : memref<16x8xf32, #tpu.memory_space<smem>>
    %broadcast_in_dim3A_1606 = vector.broadcast %get3A_1605 : f32 to vector<128x128xf32>
    %select_n3A_1607 = arith.select %and3A_1601, %broadcast_in_dim3A_1606, %select_n3A_1585 : vector<128x128xi1>, vector<128x128xf32>
    %get3A_1608 = arith.constant 5 : index
    %get3A_1609 = arith.constant 1 : index
    %get3A_1610 = memref.load %arg3[%get3A_1608, %get3A_1609] : memref<16x8xf32, #tpu.memory_space<smem>>
    %broadcast_in_dim3A_1611 = vector.broadcast %get3A_1610 : f32 to vector<128x128xf32>
    %select_n3A_1612 = arith.select %and3A_1601, %broadcast_in_dim3A_1611, %select_n3A_1590 : vector<128x128xi1>, vector<128x128xf32>
    %get3A_1613 = arith.constant 5 : index
    %get3A_1614 = arith.constant 2 : index
    %get3A_1615 = memref.load %arg0[%get3A_1613, %get3A_1614] : memref<16x8xi32, #tpu.memory_space<smem>>
    %eq3A_1616 = vector.broadcast %get3A_1615 : i32 to vector<128x128xi32>
    %eq3A_1617 = arith.cmpi eq, %iota3A_0, %eq3A_1616 : vector<128x128xi32>
    %get3A_1618 = arith.constant 5 : index
    %get3A_1619 = arith.constant 2 : index
    %get3A_1620 = memref.load %arg1[%get3A_1618, %get3A_1619] : memref<16x8xi32, #tpu.memory_space<smem>>
    %eq3A_1621 = vector.broadcast %get3A_1620 : i32 to vector<128x128xi32>
    %eq3A_1622 = arith.cmpi eq, %iota3A, %eq3A_1621 : vector<128x128xi32>
    %and3A_1623 = arith.andi %eq3A_1617, %eq3A_1622 : vector<128x128xi1>
    %or3A_1624 = arith.ori %or3A_1602, %and3A_1623 : vector<128x128xi1>
    %get3A_1625 = arith.constant 5 : index
    %get3A_1626 = arith.constant 2 : index
    %get3A_1627 = memref.load %arg2[%get3A_1625, %get3A_1626] : memref<16x8xf32, #tpu.memory_space<smem>>
    %broadcast_in_dim3A_1628 = vector.broadcast %get3A_1627 : f32 to vector<128x128xf32>
    %select_n3A_1629 = arith.select %and3A_1623, %broadcast_in_dim3A_1628, %select_n3A_1607 : vector<128x128xi1>, vector<128x128xf32>
    %get3A_1630 = arith.constant 5 : index
    %get3A_1631 = arith.constant 2 : index
    %get3A_1632 = memref.load %arg3[%get3A_1630, %get3A_1631] : memref<16x8xf32, #tpu.memory_space<smem>>
    %broadcast_in_dim3A_1633 = vector.broadcast %get3A_1632 : f32 to vector<128x128xf32>
    %select_n3A_1634 = arith.select %and3A_1623, %broadcast_in_dim3A_1633, %select_n3A_1612 : vector<128x128xi1>, vector<128x128xf32>
    %get3A_1635 = arith.constant 5 : index
    %get3A_1636 = arith.constant 3 : index
    %get3A_1637 = memref.load %arg0[%get3A_1635, %get3A_1636] : memref<16x8xi32, #tpu.memory_space<smem>>
    %eq3A_1638 = vector.broadcast %get3A_1637 : i32 to vector<128x128xi32>
    %eq3A_1639 = arith.cmpi eq, %iota3A_0, %eq3A_1638 : vector<128x128xi32>
    %get3A_1640 = arith.constant 5 : index
    %get3A_1641 = arith.constant 3 : index
    %get3A_1642 = memref.load %arg1[%get3A_1640, %get3A_1641] : memref<16x8xi32, #tpu.memory_space<smem>>
    %eq3A_1643 = vector.broadcast %get3A_1642 : i32 to vector<128x128xi32>
    %eq3A_1644 = arith.cmpi eq, %iota3A, %eq3A_1643 : vector<128x128xi32>
    %and3A_1645 = arith.andi %eq3A_1639, %eq3A_1644 : vector<128x128xi1>
    %or3A_1646 = arith.ori %or3A_1624, %and3A_1645 : vector<128x128xi1>
    %get3A_1647 = arith.constant 5 : index
    %get3A_1648 = arith.constant 3 : index
    %get3A_1649 = memref.load %arg2[%get3A_1647, %get3A_1648] : memref<16x8xf32, #tpu.memory_space<smem>>
    %broadcast_in_dim3A_1650 = vector.broadcast %get3A_1649 : f32 to vector<128x128xf32>
    %select_n3A_1651 = arith.select %and3A_1645, %broadcast_in_dim3A_1650, %select_n3A_1629 : vector<128x128xi1>, vector<128x128xf32>
    %get3A_1652 = arith.constant 5 : index
    %get3A_1653 = arith.constant 3 : index
    %get3A_1654 = memref.load %arg3[%get3A_1652, %get3A_1653] : memref<16x8xf32, #tpu.memory_space<smem>>
    %broadcast_in_dim3A_1655 = vector.broadcast %get3A_1654 : f32 to vector<128x128xf32>
    %select_n3A_1656 = arith.select %and3A_1645, %broadcast_in_dim3A_1655, %select_n3A_1634 : vector<128x128xi1>, vector<128x128xf32>
    %get3A_1657 = arith.constant 5 : index
    %get3A_1658 = arith.constant 4 : index
    %get3A_1659 = memref.load %arg0[%get3A_1657, %get3A_1658] : memref<16x8xi32, #tpu.memory_space<smem>>
    %eq3A_1660 = vector.broadcast %get3A_1659 : i32 to vector<128x128xi32>
    %eq3A_1661 = arith.cmpi eq, %iota3A_0, %eq3A_1660 : vector<128x128xi32>
    %get3A_1662 = arith.constant 5 : index
    %get3A_1663 = arith.constant 4 : index
    %get3A_1664 = memref.load %arg1[%get3A_1662, %get3A_1663] : memref<16x8xi32, #tpu.memory_space<smem>>
    %eq3A_1665 = vector.broadcast %get3A_1664 : i32 to vector<128x128xi32>
    %eq3A_1666 = arith.cmpi eq, %iota3A, %eq3A_1665 : vector<128x128xi32>
    %and3A_1667 = arith.andi %eq3A_1661, %eq3A_1666 : vector<128x128xi1>
    %or3A_1668 = arith.ori %or3A_1646, %and3A_1667 : vector<128x128xi1>
    %get3A_1669 = arith.constant 5 : index
    %get3A_1670 = arith.constant 4 : index
    %get3A_1671 = memref.load %arg2[%get3A_1669, %get3A_1670] : memref<16x8xf32, #tpu.memory_space<smem>>
    %broadcast_in_dim3A_1672 = vector.broadcast %get3A_1671 : f32 to vector<128x128xf32>
    %select_n3A_1673 = arith.select %and3A_1667, %broadcast_in_dim3A_1672, %select_n3A_1651 : vector<128x128xi1>, vector<128x128xf32>
    %get3A_1674 = arith.constant 5 : index
    %get3A_1675 = arith.constant 4 : index
    %get3A_1676 = memref.load %arg3[%get3A_1674, %get3A_1675] : memref<16x8xf32, #tpu.memory_space<smem>>
    %broadcast_in_dim3A_1677 = vector.broadcast %get3A_1676 : f32 to vector<128x128xf32>
    %select_n3A_1678 = arith.select %and3A_1667, %broadcast_in_dim3A_1677, %select_n3A_1656 : vector<128x128xi1>, vector<128x128xf32>
    %get3A_1679 = arith.constant 5 : index
    %get3A_1680 = arith.constant 5 : index
    %get3A_1681 = memref.load %arg0[%get3A_1679, %get3A_1680] : memref<16x8xi32, #tpu.memory_space<smem>>
    %eq3A_1682 = vector.broadcast %get3A_1681 : i32 to vector<128x128xi32>
    %eq3A_1683 = arith.cmpi eq, %iota3A_0, %eq3A_1682 : vector<128x128xi32>
    %get3A_1684 = arith.constant 5 : index
    %get3A_1685 = arith.constant 5 : index
    %get3A_1686 = memref.load %arg1[%get3A_1684, %get3A_1685] : memref<16x8xi32, #tpu.memory_space<smem>>
    %eq3A_1687 = vector.broadcast %get3A_1686 : i32 to vector<128x128xi32>
    %eq3A_1688 = arith.cmpi eq, %iota3A, %eq3A_1687 : vector<128x128xi32>
    %and3A_1689 = arith.andi %eq3A_1683, %eq3A_1688 : vector<128x128xi1>
    %or3A_1690 = arith.ori %or3A_1668, %and3A_1689 : vector<128x128xi1>
    %get3A_1691 = arith.constant 5 : index
    %get3A_1692 = arith.constant 5 : index
    %get3A_1693 = memref.load %arg2[%get3A_1691, %get3A_1692] : memref<16x8xf32, #tpu.memory_space<smem>>
    %broadcast_in_dim3A_1694 = vector.broadcast %get3A_1693 : f32 to vector<128x128xf32>
    %select_n3A_1695 = arith.select %and3A_1689, %broadcast_in_dim3A_1694, %select_n3A_1673 : vector<128x128xi1>, vector<128x128xf32>
    %get3A_1696 = arith.constant 5 : index
    %get3A_1697 = arith.constant 5 : index
    %get3A_1698 = memref.load %arg3[%get3A_1696, %get3A_1697] : memref<16x8xf32, #tpu.memory_space<smem>>
    %broadcast_in_dim3A_1699 = vector.broadcast %get3A_1698 : f32 to vector<128x128xf32>
    %select_n3A_1700 = arith.select %and3A_1689, %broadcast_in_dim3A_1699, %select_n3A_1678 : vector<128x128xi1>, vector<128x128xf32>
    %get3A_1701 = arith.constant 5 : index
    %get3A_1702 = arith.constant 6 : index
    %get3A_1703 = memref.load %arg0[%get3A_1701, %get3A_1702] : memref<16x8xi32, #tpu.memory_space<smem>>
    %eq3A_1704 = vector.broadcast %get3A_1703 : i32 to vector<128x128xi32>
    %eq3A_1705 = arith.cmpi eq, %iota3A_0, %eq3A_1704 : vector<128x128xi32>
    %get3A_1706 = arith.constant 5 : index
    %get3A_1707 = arith.constant 6 : index
    %get3A_1708 = memref.load %arg1[%get3A_1706, %get3A_1707] : memref<16x8xi32, #tpu.memory_space<smem>>
    %eq3A_1709 = vector.broadcast %get3A_1708 : i32 to vector<128x128xi32>
    %eq3A_1710 = arith.cmpi eq, %iota3A, %eq3A_1709 : vector<128x128xi32>
    %and3A_1711 = arith.andi %eq3A_1705, %eq3A_1710 : vector<128x128xi1>
    %or3A_1712 = arith.ori %or3A_1690, %and3A_1711 : vector<128x128xi1>
    %get3A_1713 = arith.constant 5 : index
    %get3A_1714 = arith.constant 6 : index
    %get3A_1715 = memref.load %arg2[%get3A_1713, %get3A_1714] : memref<16x8xf32, #tpu.memory_space<smem>>
    %broadcast_in_dim3A_1716 = vector.broadcast %get3A_1715 : f32 to vector<128x128xf32>
    %select_n3A_1717 = arith.select %and3A_1711, %broadcast_in_dim3A_1716, %select_n3A_1695 : vector<128x128xi1>, vector<128x128xf32>
    %get3A_1718 = arith.constant 5 : index
    %get3A_1719 = arith.constant 6 : index
    %get3A_1720 = memref.load %arg3[%get3A_1718, %get3A_1719] : memref<16x8xf32, #tpu.memory_space<smem>>
    %broadcast_in_dim3A_1721 = vector.broadcast %get3A_1720 : f32 to vector<128x128xf32>
    %select_n3A_1722 = arith.select %and3A_1711, %broadcast_in_dim3A_1721, %select_n3A_1700 : vector<128x128xi1>, vector<128x128xf32>
    %get3A_1723 = arith.constant 5 : index
    %get3A_1724 = arith.constant 7 : index
    %get3A_1725 = memref.load %arg0[%get3A_1723, %get3A_1724] : memref<16x8xi32, #tpu.memory_space<smem>>
    %eq3A_1726 = vector.broadcast %get3A_1725 : i32 to vector<128x128xi32>
    %eq3A_1727 = arith.cmpi eq, %iota3A_0, %eq3A_1726 : vector<128x128xi32>
    %get3A_1728 = arith.constant 5 : index
    %get3A_1729 = arith.constant 7 : index
    %get3A_1730 = memref.load %arg1[%get3A_1728, %get3A_1729] : memref<16x8xi32, #tpu.memory_space<smem>>
    %eq3A_1731 = vector.broadcast %get3A_1730 : i32 to vector<128x128xi32>
    %eq3A_1732 = arith.cmpi eq, %iota3A, %eq3A_1731 : vector<128x128xi32>
    %and3A_1733 = arith.andi %eq3A_1727, %eq3A_1732 : vector<128x128xi1>
    %or3A_1734 = arith.ori %or3A_1712, %and3A_1733 : vector<128x128xi1>
    %get3A_1735 = arith.constant 5 : index
    %get3A_1736 = arith.constant 7 : index
    %get3A_1737 = memref.load %arg2[%get3A_1735, %get3A_1736] : memref<16x8xf32, #tpu.memory_space<smem>>
    %broadcast_in_dim3A_1738 = vector.broadcast %get3A_1737 : f32 to vector<128x128xf32>
    %select_n3A_1739 = arith.select %and3A_1733, %broadcast_in_dim3A_1738, %select_n3A_1717 : vector<128x128xi1>, vector<128x128xf32>
    %get3A_1740 = arith.constant 5 : index
    %get3A_1741 = arith.constant 7 : index
    %get3A_1742 = memref.load %arg3[%get3A_1740, %get3A_1741] : memref<16x8xf32, #tpu.memory_space<smem>>
    %broadcast_in_dim3A_1743 = vector.broadcast %get3A_1742 : f32 to vector<128x128xf32>
    %select_n3A_1744 = arith.select %and3A_1733, %broadcast_in_dim3A_1743, %select_n3A_1722 : vector<128x128xi1>, vector<128x128xf32>
    %convert_element_type3A_1745 = arith.extui %or3A_1734 : vector<128x128xi1> to vector<128x128xi32>
    %convert_element_type3A_1746 = arith.sitofp %convert_element_type3A_1745 : vector<128x128xi32> to vector<128x128xf32>
    %neg3A_1747 = arith.constant 0.000000e+00 : f32
    %neg3A_1748 = vector.broadcast %neg3A_1747 : f32 to vector<128x128xf32>
    %neg3A_1749 = arith.subf %neg3A_1748, %get3A_1511 : vector<128x128xf32>
    %exp3A_1750 = math.exp %neg3A_1749 : vector<128x128xf32>
    %add3A_1751 = arith.constant 1.000000e+00 : f32
    %add3A_1752 = vector.broadcast %add3A_1751 : f32 to vector<128x128xf32>
    %add3A_1753 = arith.addf %add3A_1752, %exp3A_1750 : vector<128x128xf32>
    %div3A_1754 = arith.constant 1.000000e+00 : f32
    %div3A_1755 = vector.broadcast %div3A_1754 : f32 to vector<128x128xf32>
    %div3A_1756 = arith.divf %div3A_1755, %add3A_1753 : vector<128x128xf32>
    %jit3A_1757 = arith.constant 0xFF800000 : f32
    %broadcast_in_dim3A_1758 = vector.broadcast %jit3A_1757 : f32 to vector<128x128xf32>
    %select_n3A_1759 = arith.select %or3A_1734, %broadcast_in_dim3A_1758, %div3A_1756 : vector<128x128xi1>, vector<128x128xf32>
    %bitcast_convert_type3A_1760 = tpu.bitcast %select_n3A_1759 : vector<128x128xf32> -> vector<128x128xi32>
    %ge3A_1761 = arith.constant 0 : i32
    %ge3A_1762 = vector.broadcast %ge3A_1761 : i32 to vector<128x128xi32>
    %ge3A_1763 = arith.cmpi sge, %bitcast_convert_type3A_1760, %ge3A_1762 : vector<128x128xi32>
    %xor3A_1764 = arith.constant 2147483647 : i32
    %xor3A_1765 = vector.broadcast %xor3A_1764 : i32 to vector<128x128xi32>
    %xor3A_1766 = arith.xori %bitcast_convert_type3A_1760, %xor3A_1765 : vector<128x128xi32>
    %select_n3A_1767 = arith.select %ge3A_1763, %bitcast_convert_type3A_1760, %xor3A_1766 : vector<128x128xi1>, vector<128x128xi32>
    %max3A_1768 = arith.constant -1 : i32
    %max3A_1769 = vector.broadcast %max3A_1768 : i32 to vector<128x128xi32>
    %max3A_1770 = arith.maxsi %select_n3A_1767, %max3A_1769 : vector<128x128xi32>
    %swap3A_1771 = arith.constant 640 : index
    %swap3A_1772 = arith.constant 0 : index
    %swap3A_1773 = vector.load %arg8[%swap3A_1771, %swap3A_1772] : memref<2048x128xi32, #tpu.memory_space<vmem>>, vector<128x128xi32>
    tpu.vector_store %arg8[%swap3A_1771, %swap3A_1772], %max3A_1770 {strides = array<i32>} : memref<2048x128xi32, #tpu.memory_space<vmem>>, vector<128x128xi32>,
    %swap3A_1774 = arith.constant 640 : index
    %swap3A_1775 = arith.constant 0 : index
    %swap3A_1776 = vector.load %arg9[%swap3A_1774, %swap3A_1775] : memref<2048x128xf32, #tpu.memory_space<vmem>>, vector<128x128xf32>
    tpu.vector_store %arg9[%swap3A_1774, %swap3A_1775], %add3A_1542 {strides = array<i32>} : memref<2048x128xf32, #tpu.memory_space<vmem>>, vector<128x128xf32>,
    %reduce_sum3A_1777 = vector.shape_cast %mul3A_1562 : vector<128x128xf32> to vector<1x128x128xf32>
    %reduce_sum3A_1778 = arith.constant dense<0.000000e+00> : vector<1xf32>
    %reduce_sum3A_1779 = vector.multi_reduction <add>, %reduce_sum3A_1777, %reduce_sum3A_1778 [1, 2] : vector<1x128x128xf32> to vector<1xf32>
    %reduce_sum3A_1780 = vector.shape_cast %reduce_sum3A_1779 : vector<1xf32> to vector<1x1x1xf32>
    %reduce_sum3A_1781 = vector.extract %reduce_sum3A_1780[0, 0, 0] : f32 from vector<1x1x1xf32>
    %add3A_1782 = arith.addf %add3A_1477, %reduce_sum3A_1781 : f32
    %mul3A_1783 = arith.mulf %mul3A_1562, %convert_element_type3A_1746 : vector<128x128xf32>
    %reduce_sum3A_1784 = vector.shape_cast %mul3A_1783 : vector<128x128xf32> to vector<1x128x128xf32>
    %reduce_sum3A_1785 = arith.constant dense<0.000000e+00> : vector<1xf32>
    %reduce_sum3A_1786 = vector.multi_reduction <add>, %reduce_sum3A_1784, %reduce_sum3A_1785 [1, 2] : vector<1x128x128xf32> to vector<1xf32>
    %reduce_sum3A_1787 = vector.shape_cast %reduce_sum3A_1786 : vector<1xf32> to vector<1x1x1xf32>
    %reduce_sum3A_1788 = vector.extract %reduce_sum3A_1787[0, 0, 0] : f32 from vector<1x1x1xf32>
    %add3A_1789 = arith.addf %add3A_1484, %reduce_sum3A_1788 : f32
    %reduce_sum3A_1790 = vector.shape_cast %convert_element_type3A_1746 : vector<128x128xf32> to vector<1x128x128xf32>
    %reduce_sum3A_1791 = arith.constant dense<0.000000e+00> : vector<1xf32>
    %reduce_sum3A_1792 = vector.multi_reduction <add>, %reduce_sum3A_1790, %reduce_sum3A_1791 [1, 2] : vector<1x128x128xf32> to vector<1xf32>
    %reduce_sum3A_1793 = vector.shape_cast %reduce_sum3A_1792 : vector<1xf32> to vector<1x1x1xf32>
    %reduce_sum3A_1794 = vector.extract %reduce_sum3A_1793[0, 0, 0] : f32 from vector<1x1x1xf32>
    %add3A_1795 = arith.addf %add3A_1490, %reduce_sum3A_1794 : f32
    %get3A_1796 = arith.constant 640 : index
    %get3A_1797 = arith.constant 0 : index
    %get3A_1798 = vector.load %arg6[%get3A_1796, %get3A_1797] : memref<2048x128xf32, #tpu.memory_space<vmem>>, vector<128x128xf32>
    %get3A_1799 = arith.constant 640 : index
    %get3A_1800 = arith.constant 0 : index
    %get3A_1801 = vector.load %arg7[%get3A_1799, %get3A_1800] : memref<2048x128xf32, #tpu.memory_space<vmem>>, vector<128x128xf32>
    %sub3A_1802 = arith.subf %get3A_1798, %select_n3A_1739 : vector<128x128xf32>
    %abs3A_1803 = math.absf %sub3A_1802 : vector<128x128xf32>
    %sub3A_1804 = arith.subf %get3A_1801, %select_n3A_1744 : vector<128x128xf32>
    %abs3A_1805 = math.absf %sub3A_1804 : vector<128x128xf32>
    %add3A_1806 = arith.addf %abs3A_1803, %abs3A_1805 : vector<128x128xf32>
    %mul3A_1807 = arith.mulf %convert_element_type3A_1746, %add3A_1806 : vector<128x128xf32>
    %reduce_sum3A_1808 = vector.shape_cast %mul3A_1807 : vector<128x128xf32> to vector<1x128x128xf32>
    %reduce_sum3A_1809 = arith.constant dense<0.000000e+00> : vector<1xf32>
    %reduce_sum3A_1810 = vector.multi_reduction <add>, %reduce_sum3A_1808, %reduce_sum3A_1809 [1, 2] : vector<1x128x128xf32> to vector<1xf32>
    %reduce_sum3A_1811 = vector.shape_cast %reduce_sum3A_1810 : vector<1xf32> to vector<1x1x1xf32>
    %reduce_sum3A_1812 = vector.extract %reduce_sum3A_1811[0, 0, 0] : f32 from vector<1x1x1xf32>
    %add3A_1813 = arith.addf %add3A_1508, %reduce_sum3A_1812 : f32
    %get3A_1814 = arith.constant 768 : index
    %get3A_1815 = arith.constant 0 : index
    %get3A_1816 = vector.load %arg5[%get3A_1814, %get3A_1815] : memref<2048x128xf32, #tpu.memory_space<vmem>>, vector<128x128xf32>
    %get3A_1817 = arith.constant 6 : index
    %get3A_1818 = arith.constant 7 : index
    %get3A_1819 = memref.load %arg0[%get3A_1817, %get3A_1818] : memref<16x8xi32, #tpu.memory_space<smem>>
    %convert_element_type3A_1820 = arith.sitofp %get3A_1819 : i32 to f32
    %get3A_1821 = arith.constant 6 : index
    %get3A_1822 = arith.constant 7 : index
    %get3A_1823 = memref.load %arg1[%get3A_1821, %get3A_1822] : memref<16x8xi32, #tpu.memory_space<smem>>
    %convert_element_type3A_1824 = arith.sitofp %get3A_1823 : i32 to f32
    %sub3A_1825 = vector.broadcast %convert_element_type3A_1820 : f32 to vector<128x128xf32>
    %sub3A_1826 = arith.subf %convert_element_type3A_1, %sub3A_1825 : vector<128x128xf32>
    %integer_pow3A_1827 = arith.mulf %sub3A_1826, %sub3A_1826 : vector<128x128xf32>
    %sub3A_1828 = vector.broadcast %convert_element_type3A_1824 : f32 to vector<128x128xf32>
    %sub3A_1829 = arith.subf %convert_element_type3A, %sub3A_1828 : vector<128x128xf32>
    %integer_pow3A_1830 = arith.mulf %sub3A_1829, %sub3A_1829 : vector<128x128xf32>
    %add3A_1831 = arith.addf %integer_pow3A_1827, %integer_pow3A_1830 : vector<128x128xf32>
    %mul3A_1832 = arith.constant -2.000000e+00 : f32
    %mul3A_1833 = vector.broadcast %mul3A_1832 : f32 to vector<128x128xf32>
    %mul3A_1834 = arith.mulf %mul3A_1833, %add3A_1831 : vector<128x128xf32>
    %exp3A_1835 = math.exp %mul3A_1834 : vector<128x128xf32>
    %abs3A_1836 = math.absf %get3A_1816 : vector<128x128xf32>
    %max3A_1837 = arith.constant 0.000000e+00 : f32
    %max3A_1838 = vector.broadcast %max3A_1837 : f32 to vector<128x128xf32>
    %max3A_1839 = arith.maximumf %get3A_1816, %max3A_1838 : vector<128x128xf32>
    %mul3A_1840 = arith.mulf %get3A_1816, %exp3A_1835 : vector<128x128xf32>
    %sub3A_1841 = arith.subf %max3A_1839, %mul3A_1840 : vector<128x128xf32>
    %neg3A_1842 = arith.constant 0.000000e+00 : f32
    %neg3A_1843 = vector.broadcast %neg3A_1842 : f32 to vector<128x128xf32>
    %neg3A_1844 = arith.subf %neg3A_1843, %abs3A_1836 : vector<128x128xf32>
    %exp3A_1845 = math.exp %neg3A_1844 : vector<128x128xf32>
    %log1p3A_1846 = math.log1p %exp3A_1845 : vector<128x128xf32>
    %add3A_1847 = arith.addf %sub3A_1841, %log1p3A_1846 : vector<128x128xf32>
    %neg3A_1848 = arith.constant 0.000000e+00 : f32
    %neg3A_1849 = vector.broadcast %neg3A_1848 : f32 to vector<128x128xf32>
    %neg3A_1850 = arith.subf %neg3A_1849, %add3A_1847 : vector<128x128xf32>
    %exp3A_1851 = math.exp %neg3A_1850 : vector<128x128xf32>
    %mul3A_1852 = arith.constant 2.500000e-01 : f32
    %mul3A_1853 = vector.broadcast %mul3A_1852 : f32 to vector<128x128xf32>
    %mul3A_1854 = arith.mulf %exp3A_1835, %mul3A_1853 : vector<128x128xf32>
    %sub3A_1855 = arith.constant 1.000000e+00 : f32
    %sub3A_1856 = vector.broadcast %sub3A_1855 : f32 to vector<128x128xf32>
    %sub3A_1857 = arith.subf %sub3A_1856, %exp3A_1835 : vector<128x128xf32>
    %mul3A_1858 = arith.constant 7.500000e-01 : f32
    %mul3A_1859 = vector.broadcast %mul3A_1858 : f32 to vector<128x128xf32>
    %mul3A_1860 = arith.mulf %sub3A_1857, %mul3A_1859 : vector<128x128xf32>
    %add3A_1861 = arith.addf %mul3A_1854, %mul3A_1860 : vector<128x128xf32>
    %sub3A_1862 = arith.constant 1.000000e+00 : f32
    %sub3A_1863 = vector.broadcast %sub3A_1862 : f32 to vector<128x128xf32>
    %sub3A_1864 = arith.subf %sub3A_1863, %exp3A_1851 : vector<128x128xf32>
    %mul3A_1865 = arith.mulf %add3A_1861, %sub3A_1864 : vector<128x128xf32>
    %mul3A_1866 = arith.mulf %mul3A_1865, %sub3A_1864 : vector<128x128xf32>
    %mul3A_1867 = arith.mulf %mul3A_1866, %add3A_1847 : vector<128x128xf32>
    %broadcast_in_dim3A_1868 = arith.constant false
    %broadcast_in_dim3A_1869 = vector.broadcast %broadcast_in_dim3A_1868 : i1 to vector<128x128xi1>
    %broadcast_in_dim3A_1870 = arith.constant 0.000000e+00 : f32
    %broadcast_in_dim3A_1871 = vector.broadcast %broadcast_in_dim3A_1870 : f32 to vector<128x128xf32>
    %broadcast_in_dim3A_1872 = arith.constant 0.000000e+00 : f32
    %broadcast_in_dim3A_1873 = vector.broadcast %broadcast_in_dim3A_1872 : f32 to vector<128x128xf32>
    %get3A_1874 = arith.constant 6 : index
    %get3A_1875 = arith.constant 0 : index
    %get3A_1876 = memref.load %arg0[%get3A_1874, %get3A_1875] : memref<16x8xi32, #tpu.memory_space<smem>>
    %eq3A_1877 = vector.broadcast %get3A_1876 : i32 to vector<128x128xi32>
    %eq3A_1878 = arith.cmpi eq, %iota3A_0, %eq3A_1877 : vector<128x128xi32>
    %get3A_1879 = arith.constant 6 : index
    %get3A_1880 = arith.constant 0 : index
    %get3A_1881 = memref.load %arg1[%get3A_1879, %get3A_1880] : memref<16x8xi32, #tpu.memory_space<smem>>
    %eq3A_1882 = vector.broadcast %get3A_1881 : i32 to vector<128x128xi32>
    %eq3A_1883 = arith.cmpi eq, %iota3A, %eq3A_1882 : vector<128x128xi32>
    %and3A_1884 = arith.andi %eq3A_1878, %eq3A_1883 : vector<128x128xi1>
    %or3A_1885 = arith.ori %broadcast_in_dim3A_1869, %and3A_1884 : vector<128x128xi1>
    %get3A_1886 = arith.constant 6 : index
    %get3A_1887 = arith.constant 0 : index
    %get3A_1888 = memref.load %arg2[%get3A_1886, %get3A_1887] : memref<16x8xf32, #tpu.memory_space<smem>>
    %broadcast_in_dim3A_1889 = vector.broadcast %get3A_1888 : f32 to vector<128x128xf32>
    %select_n3A_1890 = arith.select %and3A_1884, %broadcast_in_dim3A_1889, %broadcast_in_dim3A_1871 : vector<128x128xi1>, vector<128x128xf32>
    %get3A_1891 = arith.constant 6 : index
    %get3A_1892 = arith.constant 0 : index
    %get3A_1893 = memref.load %arg3[%get3A_1891, %get3A_1892] : memref<16x8xf32, #tpu.memory_space<smem>>
    %broadcast_in_dim3A_1894 = vector.broadcast %get3A_1893 : f32 to vector<128x128xf32>
    %select_n3A_1895 = arith.select %and3A_1884, %broadcast_in_dim3A_1894, %broadcast_in_dim3A_1873 : vector<128x128xi1>, vector<128x128xf32>
    %get3A_1896 = arith.constant 6 : index
    %get3A_1897 = arith.constant 1 : index
    %get3A_1898 = memref.load %arg0[%get3A_1896, %get3A_1897] : memref<16x8xi32, #tpu.memory_space<smem>>
    %eq3A_1899 = vector.broadcast %get3A_1898 : i32 to vector<128x128xi32>
    %eq3A_1900 = arith.cmpi eq, %iota3A_0, %eq3A_1899 : vector<128x128xi32>
    %get3A_1901 = arith.constant 6 : index
    %get3A_1902 = arith.constant 1 : index
    %get3A_1903 = memref.load %arg1[%get3A_1901, %get3A_1902] : memref<16x8xi32, #tpu.memory_space<smem>>
    %eq3A_1904 = vector.broadcast %get3A_1903 : i32 to vector<128x128xi32>
    %eq3A_1905 = arith.cmpi eq, %iota3A, %eq3A_1904 : vector<128x128xi32>
    %and3A_1906 = arith.andi %eq3A_1900, %eq3A_1905 : vector<128x128xi1>
    %or3A_1907 = arith.ori %or3A_1885, %and3A_1906 : vector<128x128xi1>
    %get3A_1908 = arith.constant 6 : index
    %get3A_1909 = arith.constant 1 : index
    %get3A_1910 = memref.load %arg2[%get3A_1908, %get3A_1909] : memref<16x8xf32, #tpu.memory_space<smem>>
    %broadcast_in_dim3A_1911 = vector.broadcast %get3A_1910 : f32 to vector<128x128xf32>
    %select_n3A_1912 = arith.select %and3A_1906, %broadcast_in_dim3A_1911, %select_n3A_1890 : vector<128x128xi1>, vector<128x128xf32>
    %get3A_1913 = arith.constant 6 : index
    %get3A_1914 = arith.constant 1 : index
    %get3A_1915 = memref.load %arg3[%get3A_1913, %get3A_1914] : memref<16x8xf32, #tpu.memory_space<smem>>
    %broadcast_in_dim3A_1916 = vector.broadcast %get3A_1915 : f32 to vector<128x128xf32>
    %select_n3A_1917 = arith.select %and3A_1906, %broadcast_in_dim3A_1916, %select_n3A_1895 : vector<128x128xi1>, vector<128x128xf32>
    %get3A_1918 = arith.constant 6 : index
    %get3A_1919 = arith.constant 2 : index
    %get3A_1920 = memref.load %arg0[%get3A_1918, %get3A_1919] : memref<16x8xi32, #tpu.memory_space<smem>>
    %eq3A_1921 = vector.broadcast %get3A_1920 : i32 to vector<128x128xi32>
    %eq3A_1922 = arith.cmpi eq, %iota3A_0, %eq3A_1921 : vector<128x128xi32>
    %get3A_1923 = arith.constant 6 : index
    %get3A_1924 = arith.constant 2 : index
    %get3A_1925 = memref.load %arg1[%get3A_1923, %get3A_1924] : memref<16x8xi32, #tpu.memory_space<smem>>
    %eq3A_1926 = vector.broadcast %get3A_1925 : i32 to vector<128x128xi32>
    %eq3A_1927 = arith.cmpi eq, %iota3A, %eq3A_1926 : vector<128x128xi32>
    %and3A_1928 = arith.andi %eq3A_1922, %eq3A_1927 : vector<128x128xi1>
    %or3A_1929 = arith.ori %or3A_1907, %and3A_1928 : vector<128x128xi1>
    %get3A_1930 = arith.constant 6 : index
    %get3A_1931 = arith.constant 2 : index
    %get3A_1932 = memref.load %arg2[%get3A_1930, %get3A_1931] : memref<16x8xf32, #tpu.memory_space<smem>>
    %broadcast_in_dim3A_1933 = vector.broadcast %get3A_1932 : f32 to vector<128x128xf32>
    %select_n3A_1934 = arith.select %and3A_1928, %broadcast_in_dim3A_1933, %select_n3A_1912 : vector<128x128xi1>, vector<128x128xf32>
    %get3A_1935 = arith.constant 6 : index
    %get3A_1936 = arith.constant 2 : index
    %get3A_1937 = memref.load %arg3[%get3A_1935, %get3A_1936] : memref<16x8xf32, #tpu.memory_space<smem>>
    %broadcast_in_dim3A_1938 = vector.broadcast %get3A_1937 : f32 to vector<128x128xf32>
    %select_n3A_1939 = arith.select %and3A_1928, %broadcast_in_dim3A_1938, %select_n3A_1917 : vector<128x128xi1>, vector<128x128xf32>
    %get3A_1940 = arith.constant 6 : index
    %get3A_1941 = arith.constant 3 : index
    %get3A_1942 = memref.load %arg0[%get3A_1940, %get3A_1941] : memref<16x8xi32, #tpu.memory_space<smem>>
    %eq3A_1943 = vector.broadcast %get3A_1942 : i32 to vector<128x128xi32>
    %eq3A_1944 = arith.cmpi eq, %iota3A_0, %eq3A_1943 : vector<128x128xi32>
    %get3A_1945 = arith.constant 6 : index
    %get3A_1946 = arith.constant 3 : index
    %get3A_1947 = memref.load %arg1[%get3A_1945, %get3A_1946] : memref<16x8xi32, #tpu.memory_space<smem>>
    %eq3A_1948 = vector.broadcast %get3A_1947 : i32 to vector<128x128xi32>
    %eq3A_1949 = arith.cmpi eq, %iota3A, %eq3A_1948 : vector<128x128xi32>
    %and3A_1950 = arith.andi %eq3A_1944, %eq3A_1949 : vector<128x128xi1>
    %or3A_1951 = arith.ori %or3A_1929, %and3A_1950 : vector<128x128xi1>
    %get3A_1952 = arith.constant 6 : index
    %get3A_1953 = arith.constant 3 : index
    %get3A_1954 = memref.load %arg2[%get3A_1952, %get3A_1953] : memref<16x8xf32, #tpu.memory_space<smem>>
    %broadcast_in_dim3A_1955 = vector.broadcast %get3A_1954 : f32 to vector<128x128xf32>
    %select_n3A_1956 = arith.select %and3A_1950, %broadcast_in_dim3A_1955, %select_n3A_1934 : vector<128x128xi1>, vector<128x128xf32>
    %get3A_1957 = arith.constant 6 : index
    %get3A_1958 = arith.constant 3 : index
    %get3A_1959 = memref.load %arg3[%get3A_1957, %get3A_1958] : memref<16x8xf32, #tpu.memory_space<smem>>
    %broadcast_in_dim3A_1960 = vector.broadcast %get3A_1959 : f32 to vector<128x128xf32>
    %select_n3A_1961 = arith.select %and3A_1950, %broadcast_in_dim3A_1960, %select_n3A_1939 : vector<128x128xi1>, vector<128x128xf32>
    %get3A_1962 = arith.constant 6 : index
    %get3A_1963 = arith.constant 4 : index
    %get3A_1964 = memref.load %arg0[%get3A_1962, %get3A_1963] : memref<16x8xi32, #tpu.memory_space<smem>>
    %eq3A_1965 = vector.broadcast %get3A_1964 : i32 to vector<128x128xi32>
    %eq3A_1966 = arith.cmpi eq, %iota3A_0, %eq3A_1965 : vector<128x128xi32>
    %get3A_1967 = arith.constant 6 : index
    %get3A_1968 = arith.constant 4 : index
    %get3A_1969 = memref.load %arg1[%get3A_1967, %get3A_1968] : memref<16x8xi32, #tpu.memory_space<smem>>
    %eq3A_1970 = vector.broadcast %get3A_1969 : i32 to vector<128x128xi32>
    %eq3A_1971 = arith.cmpi eq, %iota3A, %eq3A_1970 : vector<128x128xi32>
    %and3A_1972 = arith.andi %eq3A_1966, %eq3A_1971 : vector<128x128xi1>
    %or3A_1973 = arith.ori %or3A_1951, %and3A_1972 : vector<128x128xi1>
    %get3A_1974 = arith.constant 6 : index
    %get3A_1975 = arith.constant 4 : index
    %get3A_1976 = memref.load %arg2[%get3A_1974, %get3A_1975] : memref<16x8xf32, #tpu.memory_space<smem>>
    %broadcast_in_dim3A_1977 = vector.broadcast %get3A_1976 : f32 to vector<128x128xf32>
    %select_n3A_1978 = arith.select %and3A_1972, %broadcast_in_dim3A_1977, %select_n3A_1956 : vector<128x128xi1>, vector<128x128xf32>
    %get3A_1979 = arith.constant 6 : index
    %get3A_1980 = arith.constant 4 : index
    %get3A_1981 = memref.load %arg3[%get3A_1979, %get3A_1980] : memref<16x8xf32, #tpu.memory_space<smem>>
    %broadcast_in_dim3A_1982 = vector.broadcast %get3A_1981 : f32 to vector<128x128xf32>
    %select_n3A_1983 = arith.select %and3A_1972, %broadcast_in_dim3A_1982, %select_n3A_1961 : vector<128x128xi1>, vector<128x128xf32>
    %get3A_1984 = arith.constant 6 : index
    %get3A_1985 = arith.constant 5 : index
    %get3A_1986 = memref.load %arg0[%get3A_1984, %get3A_1985] : memref<16x8xi32, #tpu.memory_space<smem>>
    %eq3A_1987 = vector.broadcast %get3A_1986 : i32 to vector<128x128xi32>
    %eq3A_1988 = arith.cmpi eq, %iota3A_0, %eq3A_1987 : vector<128x128xi32>
    %get3A_1989 = arith.constant 6 : index
    %get3A_1990 = arith.constant 5 : index
    %get3A_1991 = memref.load %arg1[%get3A_1989, %get3A_1990] : memref<16x8xi32, #tpu.memory_space<smem>>
    %eq3A_1992 = vector.broadcast %get3A_1991 : i32 to vector<128x128xi32>
    %eq3A_1993 = arith.cmpi eq, %iota3A, %eq3A_1992 : vector<128x128xi32>
    %and3A_1994 = arith.andi %eq3A_1988, %eq3A_1993 : vector<128x128xi1>
    %or3A_1995 = arith.ori %or3A_1973, %and3A_1994 : vector<128x128xi1>
    %get3A_1996 = arith.constant 6 : index
    %get3A_1997 = arith.constant 5 : index
    %get3A_1998 = memref.load %arg2[%get3A_1996, %get3A_1997] : memref<16x8xf32, #tpu.memory_space<smem>>
    %broadcast_in_dim3A_1999 = vector.broadcast %get3A_1998 : f32 to vector<128x128xf32>
    %select_n3A_2000 = arith.select %and3A_1994, %broadcast_in_dim3A_1999, %select_n3A_1978 : vector<128x128xi1>, vector<128x128xf32>
    %get3A_2001 = arith.constant 6 : index
    %get3A_2002 = arith.constant 5 : index
    %get3A_2003 = memref.load %arg3[%get3A_2001, %get3A_2002] : memref<16x8xf32, #tpu.memory_space<smem>>
    %broadcast_in_dim3A_2004 = vector.broadcast %get3A_2003 : f32 to vector<128x128xf32>
    %select_n3A_2005 = arith.select %and3A_1994, %broadcast_in_dim3A_2004, %select_n3A_1983 : vector<128x128xi1>, vector<128x128xf32>
    %get3A_2006 = arith.constant 6 : index
    %get3A_2007 = arith.constant 6 : index
    %get3A_2008 = memref.load %arg0[%get3A_2006, %get3A_2007] : memref<16x8xi32, #tpu.memory_space<smem>>
    %eq3A_2009 = vector.broadcast %get3A_2008 : i32 to vector<128x128xi32>
    %eq3A_2010 = arith.cmpi eq, %iota3A_0, %eq3A_2009 : vector<128x128xi32>
    %get3A_2011 = arith.constant 6 : index
    %get3A_2012 = arith.constant 6 : index
    %get3A_2013 = memref.load %arg1[%get3A_2011, %get3A_2012] : memref<16x8xi32, #tpu.memory_space<smem>>
    %eq3A_2014 = vector.broadcast %get3A_2013 : i32 to vector<128x128xi32>
    %eq3A_2015 = arith.cmpi eq, %iota3A, %eq3A_2014 : vector<128x128xi32>
    %and3A_2016 = arith.andi %eq3A_2010, %eq3A_2015 : vector<128x128xi1>
    %or3A_2017 = arith.ori %or3A_1995, %and3A_2016 : vector<128x128xi1>
    %get3A_2018 = arith.constant 6 : index
    %get3A_2019 = arith.constant 6 : index
    %get3A_2020 = memref.load %arg2[%get3A_2018, %get3A_2019] : memref<16x8xf32, #tpu.memory_space<smem>>
    %broadcast_in_dim3A_2021 = vector.broadcast %get3A_2020 : f32 to vector<128x128xf32>
    %select_n3A_2022 = arith.select %and3A_2016, %broadcast_in_dim3A_2021, %select_n3A_2000 : vector<128x128xi1>, vector<128x128xf32>
    %get3A_2023 = arith.constant 6 : index
    %get3A_2024 = arith.constant 6 : index
    %get3A_2025 = memref.load %arg3[%get3A_2023, %get3A_2024] : memref<16x8xf32, #tpu.memory_space<smem>>
    %broadcast_in_dim3A_2026 = vector.broadcast %get3A_2025 : f32 to vector<128x128xf32>
    %select_n3A_2027 = arith.select %and3A_2016, %broadcast_in_dim3A_2026, %select_n3A_2005 : vector<128x128xi1>, vector<128x128xf32>
    %get3A_2028 = arith.constant 6 : index
    %get3A_2029 = arith.constant 7 : index
    %get3A_2030 = memref.load %arg0[%get3A_2028, %get3A_2029] : memref<16x8xi32, #tpu.memory_space<smem>>
    %eq3A_2031 = vector.broadcast %get3A_2030 : i32 to vector<128x128xi32>
    %eq3A_2032 = arith.cmpi eq, %iota3A_0, %eq3A_2031 : vector<128x128xi32>
    %get3A_2033 = arith.constant 6 : index
    %get3A_2034 = arith.constant 7 : index
    %get3A_2035 = memref.load %arg1[%get3A_2033, %get3A_2034] : memref<16x8xi32, #tpu.memory_space<smem>>
    %eq3A_2036 = vector.broadcast %get3A_2035 : i32 to vector<128x128xi32>
    %eq3A_2037 = arith.cmpi eq, %iota3A, %eq3A_2036 : vector<128x128xi32>
    %and3A_2038 = arith.andi %eq3A_2032, %eq3A_2037 : vector<128x128xi1>
    %or3A_2039 = arith.ori %or3A_2017, %and3A_2038 : vector<128x128xi1>
    %get3A_2040 = arith.constant 6 : index
    %get3A_2041 = arith.constant 7 : index
    %get3A_2042 = memref.load %arg2[%get3A_2040, %get3A_2041] : memref<16x8xf32, #tpu.memory_space<smem>>
    %broadcast_in_dim3A_2043 = vector.broadcast %get3A_2042 : f32 to vector<128x128xf32>
    %select_n3A_2044 = arith.select %and3A_2038, %broadcast_in_dim3A_2043, %select_n3A_2022 : vector<128x128xi1>, vector<128x128xf32>
    %get3A_2045 = arith.constant 6 : index
    %get3A_2046 = arith.constant 7 : index
    %get3A_2047 = memref.load %arg3[%get3A_2045, %get3A_2046] : memref<16x8xf32, #tpu.memory_space<smem>>
    %broadcast_in_dim3A_2048 = vector.broadcast %get3A_2047 : f32 to vector<128x128xf32>
    %select_n3A_2049 = arith.select %and3A_2038, %broadcast_in_dim3A_2048, %select_n3A_2027 : vector<128x128xi1>, vector<128x128xf32>
    %convert_element_type3A_2050 = arith.extui %or3A_2039 : vector<128x128xi1> to vector<128x128xi32>
    %convert_element_type3A_2051 = arith.sitofp %convert_element_type3A_2050 : vector<128x128xi32> to vector<128x128xf32>
    %neg3A_2052 = arith.constant 0.000000e+00 : f32
    %neg3A_2053 = vector.broadcast %neg3A_2052 : f32 to vector<128x128xf32>
    %neg3A_2054 = arith.subf %neg3A_2053, %get3A_1816 : vector<128x128xf32>
    %exp3A_2055 = math.exp %neg3A_2054 : vector<128x128xf32>
    %add3A_2056 = arith.constant 1.000000e+00 : f32
    %add3A_2057 = vector.broadcast %add3A_2056 : f32 to vector<128x128xf32>
    %add3A_2058 = arith.addf %add3A_2057, %exp3A_2055 : vector<128x128xf32>
    %div3A_2059 = arith.constant 1.000000e+00 : f32
    %div3A_2060 = vector.broadcast %div3A_2059 : f32 to vector<128x128xf32>
    %div3A_2061 = arith.divf %div3A_2060, %add3A_2058 : vector<128x128xf32>
    %jit3A_2062 = arith.constant 0xFF800000 : f32
    %broadcast_in_dim3A_2063 = vector.broadcast %jit3A_2062 : f32 to vector<128x128xf32>
    %select_n3A_2064 = arith.select %or3A_2039, %broadcast_in_dim3A_2063, %div3A_2061 : vector<128x128xi1>, vector<128x128xf32>
    %bitcast_convert_type3A_2065 = tpu.bitcast %select_n3A_2064 : vector<128x128xf32> -> vector<128x128xi32>
    %ge3A_2066 = arith.constant 0 : i32
    %ge3A_2067 = vector.broadcast %ge3A_2066 : i32 to vector<128x128xi32>
    %ge3A_2068 = arith.cmpi sge, %bitcast_convert_type3A_2065, %ge3A_2067 : vector<128x128xi32>
    %xor3A_2069 = arith.constant 2147483647 : i32
    %xor3A_2070 = vector.broadcast %xor3A_2069 : i32 to vector<128x128xi32>
    %xor3A_2071 = arith.xori %bitcast_convert_type3A_2065, %xor3A_2070 : vector<128x128xi32>
    %select_n3A_2072 = arith.select %ge3A_2068, %bitcast_convert_type3A_2065, %xor3A_2071 : vector<128x128xi1>, vector<128x128xi32>
    %max3A_2073 = arith.constant -1 : i32
    %max3A_2074 = vector.broadcast %max3A_2073 : i32 to vector<128x128xi32>
    %max3A_2075 = arith.maxsi %select_n3A_2072, %max3A_2074 : vector<128x128xi32>
    %swap3A_2076 = arith.constant 768 : index
    %swap3A_2077 = arith.constant 0 : index
    %swap3A_2078 = vector.load %arg8[%swap3A_2076, %swap3A_2077] : memref<2048x128xi32, #tpu.memory_space<vmem>>, vector<128x128xi32>
    tpu.vector_store %arg8[%swap3A_2076, %swap3A_2077], %max3A_2075 {strides = array<i32>} : memref<2048x128xi32, #tpu.memory_space<vmem>>, vector<128x128xi32>,
    %swap3A_2079 = arith.constant 768 : index
    %swap3A_2080 = arith.constant 0 : index
    %swap3A_2081 = vector.load %arg9[%swap3A_2079, %swap3A_2080] : memref<2048x128xf32, #tpu.memory_space<vmem>>, vector<128x128xf32>
    tpu.vector_store %arg9[%swap3A_2079, %swap3A_2080], %add3A_1847 {strides = array<i32>} : memref<2048x128xf32, #tpu.memory_space<vmem>>, vector<128x128xf32>,
    %reduce_sum3A_2082 = vector.shape_cast %mul3A_1867 : vector<128x128xf32> to vector<1x128x128xf32>
    %reduce_sum3A_2083 = arith.constant dense<0.000000e+00> : vector<1xf32>
    %reduce_sum3A_2084 = vector.multi_reduction <add>, %reduce_sum3A_2082, %reduce_sum3A_2083 [1, 2] : vector<1x128x128xf32> to vector<1xf32>
    %reduce_sum3A_2085 = vector.shape_cast %reduce_sum3A_2084 : vector<1xf32> to vector<1x1x1xf32>
    %reduce_sum3A_2086 = vector.extract %reduce_sum3A_2085[0, 0, 0] : f32 from vector<1x1x1xf32>
    %add3A_2087 = arith.addf %add3A_1782, %reduce_sum3A_2086 : f32
    %mul3A_2088 = arith.mulf %mul3A_1867, %convert_element_type3A_2051 : vector<128x128xf32>
    %reduce_sum3A_2089 = vector.shape_cast %mul3A_2088 : vector<128x128xf32> to vector<1x128x128xf32>
    %reduce_sum3A_2090 = arith.constant dense<0.000000e+00> : vector<1xf32>
    %reduce_sum3A_2091 = vector.multi_reduction <add>, %reduce_sum3A_2089, %reduce_sum3A_2090 [1, 2] : vector<1x128x128xf32> to vector<1xf32>
    %reduce_sum3A_2092 = vector.shape_cast %reduce_sum3A_2091 : vector<1xf32> to vector<1x1x1xf32>
    %reduce_sum3A_2093 = vector.extract %reduce_sum3A_2092[0, 0, 0] : f32 from vector<1x1x1xf32>
    %add3A_2094 = arith.addf %add3A_1789, %reduce_sum3A_2093 : f32
    %reduce_sum3A_2095 = vector.shape_cast %convert_element_type3A_2051 : vector<128x128xf32> to vector<1x128x128xf32>
    %reduce_sum3A_2096 = arith.constant dense<0.000000e+00> : vector<1xf32>
    %reduce_sum3A_2097 = vector.multi_reduction <add>, %reduce_sum3A_2095, %reduce_sum3A_2096 [1, 2] : vector<1x128x128xf32> to vector<1xf32>
    %reduce_sum3A_2098 = vector.shape_cast %reduce_sum3A_2097 : vector<1xf32> to vector<1x1x1xf32>
    %reduce_sum3A_2099 = vector.extract %reduce_sum3A_2098[0, 0, 0] : f32 from vector<1x1x1xf32>
    %add3A_2100 = arith.addf %add3A_1795, %reduce_sum3A_2099 : f32
    %get3A_2101 = arith.constant 768 : index
    %get3A_2102 = arith.constant 0 : index
    %get3A_2103 = vector.load %arg6[%get3A_2101, %get3A_2102] : memref<2048x128xf32, #tpu.memory_space<vmem>>, vector<128x128xf32>
    %get3A_2104 = arith.constant 768 : index
    %get3A_2105 = arith.constant 0 : index
    %get3A_2106 = vector.load %arg7[%get3A_2104, %get3A_2105] : memref<2048x128xf32, #tpu.memory_space<vmem>>, vector<128x128xf32>
    %sub3A_2107 = arith.subf %get3A_2103, %select_n3A_2044 : vector<128x128xf32>
    %abs3A_2108 = math.absf %sub3A_2107 : vector<128x128xf32>
    %sub3A_2109 = arith.subf %get3A_2106, %select_n3A_2049 : vector<128x128xf32>
    %abs3A_2110 = math.absf %sub3A_2109 : vector<128x128xf32>
    %add3A_2111 = arith.addf %abs3A_2108, %abs3A_2110 : vector<128x128xf32>
    %mul3A_2112 = arith.mulf %convert_element_type3A_2051, %add3A_2111 : vector<128x128xf32>
    %reduce_sum3A_2113 = vector.shape_cast %mul3A_2112 : vector<128x128xf32> to vector<1x128x128xf32>
    %reduce_sum3A_2114 = arith.constant dense<0.000000e+00> : vector<1xf32>
    %reduce_sum3A_2115 = vector.multi_reduction <add>, %reduce_sum3A_2113, %reduce_sum3A_2114 [1, 2] : vector<1x128x128xf32> to vector<1xf32>
    %reduce_sum3A_2116 = vector.shape_cast %reduce_sum3A_2115 : vector<1xf32> to vector<1x1x1xf32>
    %reduce_sum3A_2117 = vector.extract %reduce_sum3A_2116[0, 0, 0] : f32 from vector<1x1x1xf32>
    %add3A_2118 = arith.addf %add3A_1813, %reduce_sum3A_2117 : f32
    %get3A_2119 = arith.constant 896 : index
    %get3A_2120 = arith.constant 0 : index
    %get3A_2121 = vector.load %arg5[%get3A_2119, %get3A_2120] : memref<2048x128xf32, #tpu.memory_space<vmem>>, vector<128x128xf32>
    %get3A_2122 = arith.constant 7 : index
    %get3A_2123 = arith.constant 7 : index
    %get3A_2124 = memref.load %arg0[%get3A_2122, %get3A_2123] : memref<16x8xi32, #tpu.memory_space<smem>>
    %convert_element_type3A_2125 = arith.sitofp %get3A_2124 : i32 to f32
    %get3A_2126 = arith.constant 7 : index
    %get3A_2127 = arith.constant 7 : index
    %get3A_2128 = memref.load %arg1[%get3A_2126, %get3A_2127] : memref<16x8xi32, #tpu.memory_space<smem>>
    %convert_element_type3A_2129 = arith.sitofp %get3A_2128 : i32 to f32
    %sub3A_2130 = vector.broadcast %convert_element_type3A_2125 : f32 to vector<128x128xf32>
    %sub3A_2131 = arith.subf %convert_element_type3A_1, %sub3A_2130 : vector<128x128xf32>
    %integer_pow3A_2132 = arith.mulf %sub3A_2131, %sub3A_2131 : vector<128x128xf32>
    %sub3A_2133 = vector.broadcast %convert_element_type3A_2129 : f32 to vector<128x128xf32>
    %sub3A_2134 = arith.subf %convert_element_type3A, %sub3A_2133 : vector<128x128xf32>
    %integer_pow3A_2135 = arith.mulf %sub3A_2134, %sub3A_2134 : vector<128x128xf32>
    %add3A_2136 = arith.addf %integer_pow3A_2132, %integer_pow3A_2135 : vector<128x128xf32>
    %mul3A_2137 = arith.constant -2.000000e+00 : f32
    %mul3A_2138 = vector.broadcast %mul3A_2137 : f32 to vector<128x128xf32>
    %mul3A_2139 = arith.mulf %mul3A_2138, %add3A_2136 : vector<128x128xf32>
    %exp3A_2140 = math.exp %mul3A_2139 : vector<128x128xf32>
    %abs3A_2141 = math.absf %get3A_2121 : vector<128x128xf32>
    %max3A_2142 = arith.constant 0.000000e+00 : f32
    %max3A_2143 = vector.broadcast %max3A_2142 : f32 to vector<128x128xf32>
    %max3A_2144 = arith.maximumf %get3A_2121, %max3A_2143 : vector<128x128xf32>
    %mul3A_2145 = arith.mulf %get3A_2121, %exp3A_2140 : vector<128x128xf32>
    %sub3A_2146 = arith.subf %max3A_2144, %mul3A_2145 : vector<128x128xf32>
    %neg3A_2147 = arith.constant 0.000000e+00 : f32
    %neg3A_2148 = vector.broadcast %neg3A_2147 : f32 to vector<128x128xf32>
    %neg3A_2149 = arith.subf %neg3A_2148, %abs3A_2141 : vector<128x128xf32>
    %exp3A_2150 = math.exp %neg3A_2149 : vector<128x128xf32>
    %log1p3A_2151 = math.log1p %exp3A_2150 : vector<128x128xf32>
    %add3A_2152 = arith.addf %sub3A_2146, %log1p3A_2151 : vector<128x128xf32>
    %neg3A_2153 = arith.constant 0.000000e+00 : f32
    %neg3A_2154 = vector.broadcast %neg3A_2153 : f32 to vector<128x128xf32>
    %neg3A_2155 = arith.subf %neg3A_2154, %add3A_2152 : vector<128x128xf32>
    %exp3A_2156 = math.exp %neg3A_2155 : vector<128x128xf32>
    %mul3A_2157 = arith.constant 2.500000e-01 : f32
    %mul3A_2158 = vector.broadcast %mul3A_2157 : f32 to vector<128x128xf32>
    %mul3A_2159 = arith.mulf %exp3A_2140, %mul3A_2158 : vector<128x128xf32>
    %sub3A_2160 = arith.constant 1.000000e+00 : f32
    %sub3A_2161 = vector.broadcast %sub3A_2160 : f32 to vector<128x128xf32>
    %sub3A_2162 = arith.subf %sub3A_2161, %exp3A_2140 : vector<128x128xf32>
    %mul3A_2163 = arith.constant 7.500000e-01 : f32
    %mul3A_2164 = vector.broadcast %mul3A_2163 : f32 to vector<128x128xf32>
    %mul3A_2165 = arith.mulf %sub3A_2162, %mul3A_2164 : vector<128x128xf32>
    %add3A_2166 = arith.addf %mul3A_2159, %mul3A_2165 : vector<128x128xf32>
    %sub3A_2167 = arith.constant 1.000000e+00 : f32
    %sub3A_2168 = vector.broadcast %sub3A_2167 : f32 to vector<128x128xf32>
    %sub3A_2169 = arith.subf %sub3A_2168, %exp3A_2156 : vector<128x128xf32>
    %mul3A_2170 = arith.mulf %add3A_2166, %sub3A_2169 : vector<128x128xf32>
    %mul3A_2171 = arith.mulf %mul3A_2170, %sub3A_2169 : vector<128x128xf32>
    %mul3A_2172 = arith.mulf %mul3A_2171, %add3A_2152 : vector<128x128xf32>
    %broadcast_in_dim3A_2173 = arith.constant false
    %broadcast_in_dim3A_2174 = vector.broadcast %broadcast_in_dim3A_2173 : i1 to vector<128x128xi1>
    %broadcast_in_dim3A_2175 = arith.constant 0.000000e+00 : f32
    %broadcast_in_dim3A_2176 = vector.broadcast %broadcast_in_dim3A_2175 : f32 to vector<128x128xf32>
    %broadcast_in_dim3A_2177 = arith.constant 0.000000e+00 : f32
    %broadcast_in_dim3A_2178 = vector.broadcast %broadcast_in_dim3A_2177 : f32 to vector<128x128xf32>
    %get3A_2179 = arith.constant 7 : index
    %get3A_2180 = arith.constant 0 : index
    %get3A_2181 = memref.load %arg0[%get3A_2179, %get3A_2180] : memref<16x8xi32, #tpu.memory_space<smem>>
    %eq3A_2182 = vector.broadcast %get3A_2181 : i32 to vector<128x128xi32>
    %eq3A_2183 = arith.cmpi eq, %iota3A_0, %eq3A_2182 : vector<128x128xi32>
    %get3A_2184 = arith.constant 7 : index
    %get3A_2185 = arith.constant 0 : index
    %get3A_2186 = memref.load %arg1[%get3A_2184, %get3A_2185] : memref<16x8xi32, #tpu.memory_space<smem>>
    %eq3A_2187 = vector.broadcast %get3A_2186 : i32 to vector<128x128xi32>
    %eq3A_2188 = arith.cmpi eq, %iota3A, %eq3A_2187 : vector<128x128xi32>
    %and3A_2189 = arith.andi %eq3A_2183, %eq3A_2188 : vector<128x128xi1>
    %or3A_2190 = arith.ori %broadcast_in_dim3A_2174, %and3A_2189 : vector<128x128xi1>
    %get3A_2191 = arith.constant 7 : index
    %get3A_2192 = arith.constant 0 : index
    %get3A_2193 = memref.load %arg2[%get3A_2191, %get3A_2192] : memref<16x8xf32, #tpu.memory_space<smem>>
    %broadcast_in_dim3A_2194 = vector.broadcast %get3A_2193 : f32 to vector<128x128xf32>
    %select_n3A_2195 = arith.select %and3A_2189, %broadcast_in_dim3A_2194, %broadcast_in_dim3A_2176 : vector<128x128xi1>, vector<128x128xf32>
    %get3A_2196 = arith.constant 7 : index
    %get3A_2197 = arith.constant 0 : index
    %get3A_2198 = memref.load %arg3[%get3A_2196, %get3A_2197] : memref<16x8xf32, #tpu.memory_space<smem>>
    %broadcast_in_dim3A_2199 = vector.broadcast %get3A_2198 : f32 to vector<128x128xf32>
    %select_n3A_2200 = arith.select %and3A_2189, %broadcast_in_dim3A_2199, %broadcast_in_dim3A_2178 : vector<128x128xi1>, vector<128x128xf32>
    %get3A_2201 = arith.constant 7 : index
    %get3A_2202 = arith.constant 1 : index
    %get3A_2203 = memref.load %arg0[%get3A_2201, %get3A_2202] : memref<16x8xi32, #tpu.memory_space<smem>>
    %eq3A_2204 = vector.broadcast %get3A_2203 : i32 to vector<128x128xi32>
    %eq3A_2205 = arith.cmpi eq, %iota3A_0, %eq3A_2204 : vector<128x128xi32>
    %get3A_2206 = arith.constant 7 : index
    %get3A_2207 = arith.constant 1 : index
    %get3A_2208 = memref.load %arg1[%get3A_2206, %get3A_2207] : memref<16x8xi32, #tpu.memory_space<smem>>
    %eq3A_2209 = vector.broadcast %get3A_2208 : i32 to vector<128x128xi32>
    %eq3A_2210 = arith.cmpi eq, %iota3A, %eq3A_2209 : vector<128x128xi32>
    %and3A_2211 = arith.andi %eq3A_2205, %eq3A_2210 : vector<128x128xi1>
    %or3A_2212 = arith.ori %or3A_2190, %and3A_2211 : vector<128x128xi1>
    %get3A_2213 = arith.constant 7 : index
    %get3A_2214 = arith.constant 1 : index
    %get3A_2215 = memref.load %arg2[%get3A_2213, %get3A_2214] : memref<16x8xf32, #tpu.memory_space<smem>>
    %broadcast_in_dim3A_2216 = vector.broadcast %get3A_2215 : f32 to vector<128x128xf32>
    %select_n3A_2217 = arith.select %and3A_2211, %broadcast_in_dim3A_2216, %select_n3A_2195 : vector<128x128xi1>, vector<128x128xf32>
    %get3A_2218 = arith.constant 7 : index
    %get3A_2219 = arith.constant 1 : index
    %get3A_2220 = memref.load %arg3[%get3A_2218, %get3A_2219] : memref<16x8xf32, #tpu.memory_space<smem>>
    %broadcast_in_dim3A_2221 = vector.broadcast %get3A_2220 : f32 to vector<128x128xf32>
    %select_n3A_2222 = arith.select %and3A_2211, %broadcast_in_dim3A_2221, %select_n3A_2200 : vector<128x128xi1>, vector<128x128xf32>
    %get3A_2223 = arith.constant 7 : index
    %get3A_2224 = arith.constant 2 : index
    %get3A_2225 = memref.load %arg0[%get3A_2223, %get3A_2224] : memref<16x8xi32, #tpu.memory_space<smem>>
    %eq3A_2226 = vector.broadcast %get3A_2225 : i32 to vector<128x128xi32>
    %eq3A_2227 = arith.cmpi eq, %iota3A_0, %eq3A_2226 : vector<128x128xi32>
    %get3A_2228 = arith.constant 7 : index
    %get3A_2229 = arith.constant 2 : index
    %get3A_2230 = memref.load %arg1[%get3A_2228, %get3A_2229] : memref<16x8xi32, #tpu.memory_space<smem>>
    %eq3A_2231 = vector.broadcast %get3A_2230 : i32 to vector<128x128xi32>
    %eq3A_2232 = arith.cmpi eq, %iota3A, %eq3A_2231 : vector<128x128xi32>
    %and3A_2233 = arith.andi %eq3A_2227, %eq3A_2232 : vector<128x128xi1>
    %or3A_2234 = arith.ori %or3A_2212, %and3A_2233 : vector<128x128xi1>
    %get3A_2235 = arith.constant 7 : index
    %get3A_2236 = arith.constant 2 : index
    %get3A_2237 = memref.load %arg2[%get3A_2235, %get3A_2236] : memref<16x8xf32, #tpu.memory_space<smem>>
    %broadcast_in_dim3A_2238 = vector.broadcast %get3A_2237 : f32 to vector<128x128xf32>
    %select_n3A_2239 = arith.select %and3A_2233, %broadcast_in_dim3A_2238, %select_n3A_2217 : vector<128x128xi1>, vector<128x128xf32>
    %get3A_2240 = arith.constant 7 : index
    %get3A_2241 = arith.constant 2 : index
    %get3A_2242 = memref.load %arg3[%get3A_2240, %get3A_2241] : memref<16x8xf32, #tpu.memory_space<smem>>
    %broadcast_in_dim3A_2243 = vector.broadcast %get3A_2242 : f32 to vector<128x128xf32>
    %select_n3A_2244 = arith.select %and3A_2233, %broadcast_in_dim3A_2243, %select_n3A_2222 : vector<128x128xi1>, vector<128x128xf32>
    %get3A_2245 = arith.constant 7 : index
    %get3A_2246 = arith.constant 3 : index
    %get3A_2247 = memref.load %arg0[%get3A_2245, %get3A_2246] : memref<16x8xi32, #tpu.memory_space<smem>>
    %eq3A_2248 = vector.broadcast %get3A_2247 : i32 to vector<128x128xi32>
    %eq3A_2249 = arith.cmpi eq, %iota3A_0, %eq3A_2248 : vector<128x128xi32>
    %get3A_2250 = arith.constant 7 : index
    %get3A_2251 = arith.constant 3 : index
    %get3A_2252 = memref.load %arg1[%get3A_2250, %get3A_2251] : memref<16x8xi32, #tpu.memory_space<smem>>
    %eq3A_2253 = vector.broadcast %get3A_2252 : i32 to vector<128x128xi32>
    %eq3A_2254 = arith.cmpi eq, %iota3A, %eq3A_2253 : vector<128x128xi32>
    %and3A_2255 = arith.andi %eq3A_2249, %eq3A_2254 : vector<128x128xi1>
    %or3A_2256 = arith.ori %or3A_2234, %and3A_2255 : vector<128x128xi1>
    %get3A_2257 = arith.constant 7 : index
    %get3A_2258 = arith.constant 3 : index
    %get3A_2259 = memref.load %arg2[%get3A_2257, %get3A_2258] : memref<16x8xf32, #tpu.memory_space<smem>>
    %broadcast_in_dim3A_2260 = vector.broadcast %get3A_2259 : f32 to vector<128x128xf32>
    %select_n3A_2261 = arith.select %and3A_2255, %broadcast_in_dim3A_2260, %select_n3A_2239 : vector<128x128xi1>, vector<128x128xf32>
    %get3A_2262 = arith.constant 7 : index
    %get3A_2263 = arith.constant 3 : index
    %get3A_2264 = memref.load %arg3[%get3A_2262, %get3A_2263] : memref<16x8xf32, #tpu.memory_space<smem>>
    %broadcast_in_dim3A_2265 = vector.broadcast %get3A_2264 : f32 to vector<128x128xf32>
    %select_n3A_2266 = arith.select %and3A_2255, %broadcast_in_dim3A_2265, %select_n3A_2244 : vector<128x128xi1>, vector<128x128xf32>
    %get3A_2267 = arith.constant 7 : index
    %get3A_2268 = arith.constant 4 : index
    %get3A_2269 = memref.load %arg0[%get3A_2267, %get3A_2268] : memref<16x8xi32, #tpu.memory_space<smem>>
    %eq3A_2270 = vector.broadcast %get3A_2269 : i32 to vector<128x128xi32>
    %eq3A_2271 = arith.cmpi eq, %iota3A_0, %eq3A_2270 : vector<128x128xi32>
    %get3A_2272 = arith.constant 7 : index
    %get3A_2273 = arith.constant 4 : index
    %get3A_2274 = memref.load %arg1[%get3A_2272, %get3A_2273] : memref<16x8xi32, #tpu.memory_space<smem>>
    %eq3A_2275 = vector.broadcast %get3A_2274 : i32 to vector<128x128xi32>
    %eq3A_2276 = arith.cmpi eq, %iota3A, %eq3A_2275 : vector<128x128xi32>
    %and3A_2277 = arith.andi %eq3A_2271, %eq3A_2276 : vector<128x128xi1>
    %or3A_2278 = arith.ori %or3A_2256, %and3A_2277 : vector<128x128xi1>
    %get3A_2279 = arith.constant 7 : index
    %get3A_2280 = arith.constant 4 : index
    %get3A_2281 = memref.load %arg2[%get3A_2279, %get3A_2280] : memref<16x8xf32, #tpu.memory_space<smem>>
    %broadcast_in_dim3A_2282 = vector.broadcast %get3A_2281 : f32 to vector<128x128xf32>
    %select_n3A_2283 = arith.select %and3A_2277, %broadcast_in_dim3A_2282, %select_n3A_2261 : vector<128x128xi1>, vector<128x128xf32>
    %get3A_2284 = arith.constant 7 : index
    %get3A_2285 = arith.constant 4 : index
    %get3A_2286 = memref.load %arg3[%get3A_2284, %get3A_2285] : memref<16x8xf32, #tpu.memory_space<smem>>
    %broadcast_in_dim3A_2287 = vector.broadcast %get3A_2286 : f32 to vector<128x128xf32>
    %select_n3A_2288 = arith.select %and3A_2277, %broadcast_in_dim3A_2287, %select_n3A_2266 : vector<128x128xi1>, vector<128x128xf32>
    %get3A_2289 = arith.constant 7 : index
    %get3A_2290 = arith.constant 5 : index
    %get3A_2291 = memref.load %arg0[%get3A_2289, %get3A_2290] : memref<16x8xi32, #tpu.memory_space<smem>>
    %eq3A_2292 = vector.broadcast %get3A_2291 : i32 to vector<128x128xi32>
    %eq3A_2293 = arith.cmpi eq, %iota3A_0, %eq3A_2292 : vector<128x128xi32>
    %get3A_2294 = arith.constant 7 : index
    %get3A_2295 = arith.constant 5 : index
    %get3A_2296 = memref.load %arg1[%get3A_2294, %get3A_2295] : memref<16x8xi32, #tpu.memory_space<smem>>
    %eq3A_2297 = vector.broadcast %get3A_2296 : i32 to vector<128x128xi32>
    %eq3A_2298 = arith.cmpi eq, %iota3A, %eq3A_2297 : vector<128x128xi32>
    %and3A_2299 = arith.andi %eq3A_2293, %eq3A_2298 : vector<128x128xi1>
    %or3A_2300 = arith.ori %or3A_2278, %and3A_2299 : vector<128x128xi1>
    %get3A_2301 = arith.constant 7 : index
    %get3A_2302 = arith.constant 5 : index
    %get3A_2303 = memref.load %arg2[%get3A_2301, %get3A_2302] : memref<16x8xf32, #tpu.memory_space<smem>>
    %broadcast_in_dim3A_2304 = vector.broadcast %get3A_2303 : f32 to vector<128x128xf32>
    %select_n3A_2305 = arith.select %and3A_2299, %broadcast_in_dim3A_2304, %select_n3A_2283 : vector<128x128xi1>, vector<128x128xf32>
    %get3A_2306 = arith.constant 7 : index
    %get3A_2307 = arith.constant 5 : index
    %get3A_2308 = memref.load %arg3[%get3A_2306, %get3A_2307] : memref<16x8xf32, #tpu.memory_space<smem>>
    %broadcast_in_dim3A_2309 = vector.broadcast %get3A_2308 : f32 to vector<128x128xf32>
    %select_n3A_2310 = arith.select %and3A_2299, %broadcast_in_dim3A_2309, %select_n3A_2288 : vector<128x128xi1>, vector<128x128xf32>
    %get3A_2311 = arith.constant 7 : index
    %get3A_2312 = arith.constant 6 : index
    %get3A_2313 = memref.load %arg0[%get3A_2311, %get3A_2312] : memref<16x8xi32, #tpu.memory_space<smem>>
    %eq3A_2314 = vector.broadcast %get3A_2313 : i32 to vector<128x128xi32>
    %eq3A_2315 = arith.cmpi eq, %iota3A_0, %eq3A_2314 : vector<128x128xi32>
    %get3A_2316 = arith.constant 7 : index
    %get3A_2317 = arith.constant 6 : index
    %get3A_2318 = memref.load %arg1[%get3A_2316, %get3A_2317] : memref<16x8xi32, #tpu.memory_space<smem>>
    %eq3A_2319 = vector.broadcast %get3A_2318 : i32 to vector<128x128xi32>
    %eq3A_2320 = arith.cmpi eq, %iota3A, %eq3A_2319 : vector<128x128xi32>
    %and3A_2321 = arith.andi %eq3A_2315, %eq3A_2320 : vector<128x128xi1>
    %or3A_2322 = arith.ori %or3A_2300, %and3A_2321 : vector<128x128xi1>
    %get3A_2323 = arith.constant 7 : index
    %get3A_2324 = arith.constant 6 : index
    %get3A_2325 = memref.load %arg2[%get3A_2323, %get3A_2324] : memref<16x8xf32, #tpu.memory_space<smem>>
    %broadcast_in_dim3A_2326 = vector.broadcast %get3A_2325 : f32 to vector<128x128xf32>
    %select_n3A_2327 = arith.select %and3A_2321, %broadcast_in_dim3A_2326, %select_n3A_2305 : vector<128x128xi1>, vector<128x128xf32>
    %get3A_2328 = arith.constant 7 : index
    %get3A_2329 = arith.constant 6 : index
    %get3A_2330 = memref.load %arg3[%get3A_2328, %get3A_2329] : memref<16x8xf32, #tpu.memory_space<smem>>
    %broadcast_in_dim3A_2331 = vector.broadcast %get3A_2330 : f32 to vector<128x128xf32>
    %select_n3A_2332 = arith.select %and3A_2321, %broadcast_in_dim3A_2331, %select_n3A_2310 : vector<128x128xi1>, vector<128x128xf32>
    %get3A_2333 = arith.constant 7 : index
    %get3A_2334 = arith.constant 7 : index
    %get3A_2335 = memref.load %arg0[%get3A_2333, %get3A_2334] : memref<16x8xi32, #tpu.memory_space<smem>>
    %eq3A_2336 = vector.broadcast %get3A_2335 : i32 to vector<128x128xi32>
    %eq3A_2337 = arith.cmpi eq, %iota3A_0, %eq3A_2336 : vector<128x128xi32>
    %get3A_2338 = arith.constant 7 : index
    %get3A_2339 = arith.constant 7 : index
    %get3A_2340 = memref.load %arg1[%get3A_2338, %get3A_2339] : memref<16x8xi32, #tpu.memory_space<smem>>
    %eq3A_2341 = vector.broadcast %get3A_2340 : i32 to vector<128x128xi32>
    %eq3A_2342 = arith.cmpi eq, %iota3A, %eq3A_2341 : vector<128x128xi32>
    %and3A_2343 = arith.andi %eq3A_2337, %eq3A_2342 : vector<128x128xi1>
    %or3A_2344 = arith.ori %or3A_2322, %and3A_2343 : vector<128x128xi1>
    %get3A_2345 = arith.constant 7 : index
    %get3A_2346 = arith.constant 7 : index
    %get3A_2347 = memref.load %arg2[%get3A_2345, %get3A_2346] : memref<16x8xf32, #tpu.memory_space<smem>>
    %broadcast_in_dim3A_2348 = vector.broadcast %get3A_2347 : f32 to vector<128x128xf32>
    %select_n3A_2349 = arith.select %and3A_2343, %broadcast_in_dim3A_2348, %select_n3A_2327 : vector<128x128xi1>, vector<128x128xf32>
    %get3A_2350 = arith.constant 7 : index
    %get3A_2351 = arith.constant 7 : index
    %get3A_2352 = memref.load %arg3[%get3A_2350, %get3A_2351] : memref<16x8xf32, #tpu.memory_space<smem>>
    %broadcast_in_dim3A_2353 = vector.broadcast %get3A_2352 : f32 to vector<128x128xf32>
    %select_n3A_2354 = arith.select %and3A_2343, %broadcast_in_dim3A_2353, %select_n3A_2332 : vector<128x128xi1>, vector<128x128xf32>
    %convert_element_type3A_2355 = arith.extui %or3A_2344 : vector<128x128xi1> to vector<128x128xi32>
    %convert_element_type3A_2356 = arith.sitofp %convert_element_type3A_2355 : vector<128x128xi32> to vector<128x128xf32>
    %neg3A_2357 = arith.constant 0.000000e+00 : f32
    %neg3A_2358 = vector.broadcast %neg3A_2357 : f32 to vector<128x128xf32>
    %neg3A_2359 = arith.subf %neg3A_2358, %get3A_2121 : vector<128x128xf32>
    %exp3A_2360 = math.exp %neg3A_2359 : vector<128x128xf32>
    %add3A_2361 = arith.constant 1.000000e+00 : f32
    %add3A_2362 = vector.broadcast %add3A_2361 : f32 to vector<128x128xf32>
    %add3A_2363 = arith.addf %add3A_2362, %exp3A_2360 : vector<128x128xf32>
    %div3A_2364 = arith.constant 1.000000e+00 : f32
    %div3A_2365 = vector.broadcast %div3A_2364 : f32 to vector<128x128xf32>
    %div3A_2366 = arith.divf %div3A_2365, %add3A_2363 : vector<128x128xf32>
    %jit3A_2367 = arith.constant 0xFF800000 : f32
    %broadcast_in_dim3A_2368 = vector.broadcast %jit3A_2367 : f32 to vector<128x128xf32>
    %select_n3A_2369 = arith.select %or3A_2344, %broadcast_in_dim3A_2368, %div3A_2366 : vector<128x128xi1>, vector<128x128xf32>
    %bitcast_convert_type3A_2370 = tpu.bitcast %select_n3A_2369 : vector<128x128xf32> -> vector<128x128xi32>
    %ge3A_2371 = arith.constant 0 : i32
    %ge3A_2372 = vector.broadcast %ge3A_2371 : i32 to vector<128x128xi32>
    %ge3A_2373 = arith.cmpi sge, %bitcast_convert_type3A_2370, %ge3A_2372 : vector<128x128xi32>
    %xor3A_2374 = arith.constant 2147483647 : i32
    %xor3A_2375 = vector.broadcast %xor3A_2374 : i32 to vector<128x128xi32>
    %xor3A_2376 = arith.xori %bitcast_convert_type3A_2370, %xor3A_2375 : vector<128x128xi32>
    %select_n3A_2377 = arith.select %ge3A_2373, %bitcast_convert_type3A_2370, %xor3A_2376 : vector<128x128xi1>, vector<128x128xi32>
    %max3A_2378 = arith.constant -1 : i32
    %max3A_2379 = vector.broadcast %max3A_2378 : i32 to vector<128x128xi32>
    %max3A_2380 = arith.maxsi %select_n3A_2377, %max3A_2379 : vector<128x128xi32>
    %swap3A_2381 = arith.constant 896 : index
    %swap3A_2382 = arith.constant 0 : index
    %swap3A_2383 = vector.load %arg8[%swap3A_2381, %swap3A_2382] : memref<2048x128xi32, #tpu.memory_space<vmem>>, vector<128x128xi32>
    tpu.vector_store %arg8[%swap3A_2381, %swap3A_2382], %max3A_2380 {strides = array<i32>} : memref<2048x128xi32, #tpu.memory_space<vmem>>, vector<128x128xi32>,
    %swap3A_2384 = arith.constant 896 : index
    %swap3A_2385 = arith.constant 0 : index
    %swap3A_2386 = vector.load %arg9[%swap3A_2384, %swap3A_2385] : memref<2048x128xf32, #tpu.memory_space<vmem>>, vector<128x128xf32>
    tpu.vector_store %arg9[%swap3A_2384, %swap3A_2385], %add3A_2152 {strides = array<i32>} : memref<2048x128xf32, #tpu.memory_space<vmem>>, vector<128x128xf32>,
    %reduce_sum3A_2387 = vector.shape_cast %mul3A_2172 : vector<128x128xf32> to vector<1x128x128xf32>
    %reduce_sum3A_2388 = arith.constant dense<0.000000e+00> : vector<1xf32>
    %reduce_sum3A_2389 = vector.multi_reduction <add>, %reduce_sum3A_2387, %reduce_sum3A_2388 [1, 2] : vector<1x128x128xf32> to vector<1xf32>
    %reduce_sum3A_2390 = vector.shape_cast %reduce_sum3A_2389 : vector<1xf32> to vector<1x1x1xf32>
    %reduce_sum3A_2391 = vector.extract %reduce_sum3A_2390[0, 0, 0] : f32 from vector<1x1x1xf32>
    %add3A_2392 = arith.addf %add3A_2087, %reduce_sum3A_2391 : f32
    %mul3A_2393 = arith.mulf %mul3A_2172, %convert_element_type3A_2356 : vector<128x128xf32>
    %reduce_sum3A_2394 = vector.shape_cast %mul3A_2393 : vector<128x128xf32> to vector<1x128x128xf32>
    %reduce_sum3A_2395 = arith.constant dense<0.000000e+00> : vector<1xf32>
    %reduce_sum3A_2396 = vector.multi_reduction <add>, %reduce_sum3A_2394, %reduce_sum3A_2395 [1, 2] : vector<1x128x128xf32> to vector<1xf32>
    %reduce_sum3A_2397 = vector.shape_cast %reduce_sum3A_2396 : vector<1xf32> to vector<1x1x1xf32>
    %reduce_sum3A_2398 = vector.extract %reduce_sum3A_2397[0, 0, 0] : f32 from vector<1x1x1xf32>
    %add3A_2399 = arith.addf %add3A_2094, %reduce_sum3A_2398 : f32
    %reduce_sum3A_2400 = vector.shape_cast %convert_element_type3A_2356 : vector<128x128xf32> to vector<1x128x128xf32>
    %reduce_sum3A_2401 = arith.constant dense<0.000000e+00> : vector<1xf32>
    %reduce_sum3A_2402 = vector.multi_reduction <add>, %reduce_sum3A_2400, %reduce_sum3A_2401 [1, 2] : vector<1x128x128xf32> to vector<1xf32>
    %reduce_sum3A_2403 = vector.shape_cast %reduce_sum3A_2402 : vector<1xf32> to vector<1x1x1xf32>
    %reduce_sum3A_2404 = vector.extract %reduce_sum3A_2403[0, 0, 0] : f32 from vector<1x1x1xf32>
    %add3A_2405 = arith.addf %add3A_2100, %reduce_sum3A_2404 : f32
    %get3A_2406 = arith.constant 896 : index
    %get3A_2407 = arith.constant 0 : index
    %get3A_2408 = vector.load %arg6[%get3A_2406, %get3A_2407] : memref<2048x128xf32, #tpu.memory_space<vmem>>, vector<128x128xf32>
    %get3A_2409 = arith.constant 896 : index
    %get3A_2410 = arith.constant 0 : index
    %get3A_2411 = vector.load %arg7[%get3A_2409, %get3A_2410] : memref<2048x128xf32, #tpu.memory_space<vmem>>, vector<128x128xf32>
    %sub3A_2412 = arith.subf %get3A_2408, %select_n3A_2349 : vector<128x128xf32>
    %abs3A_2413 = math.absf %sub3A_2412 : vector<128x128xf32>
    %sub3A_2414 = arith.subf %get3A_2411, %select_n3A_2354 : vector<128x128xf32>
    %abs3A_2415 = math.absf %sub3A_2414 : vector<128x128xf32>
    %add3A_2416 = arith.addf %abs3A_2413, %abs3A_2415 : vector<128x128xf32>
    %mul3A_2417 = arith.mulf %convert_element_type3A_2356, %add3A_2416 : vector<128x128xf32>
    %reduce_sum3A_2418 = vector.shape_cast %mul3A_2417 : vector<128x128xf32> to vector<1x128x128xf32>
    %reduce_sum3A_2419 = arith.constant dense<0.000000e+00> : vector<1xf32>
    %reduce_sum3A_2420 = vector.multi_reduction <add>, %reduce_sum3A_2418, %reduce_sum3A_2419 [1, 2] : vector<1x128x128xf32> to vector<1xf32>
    %reduce_sum3A_2421 = vector.shape_cast %reduce_sum3A_2420 : vector<1xf32> to vector<1x1x1xf32>
    %reduce_sum3A_2422 = vector.extract %reduce_sum3A_2421[0, 0, 0] : f32 from vector<1x1x1xf32>
    %add3A_2423 = arith.addf %add3A_2118, %reduce_sum3A_2422 : f32
    %get3A_2424 = arith.constant 1024 : index
    %get3A_2425 = arith.constant 0 : index
    %get3A_2426 = vector.load %arg5[%get3A_2424, %get3A_2425] : memref<2048x128xf32, #tpu.memory_space<vmem>>, vector<128x128xf32>
    %get3A_2427 = arith.constant 8 : index
    %get3A_2428 = arith.constant 7 : index
    %get3A_2429 = memref.load %arg0[%get3A_2427, %get3A_2428] : memref<16x8xi32, #tpu.memory_space<smem>>
    %convert_element_type3A_2430 = arith.sitofp %get3A_2429 : i32 to f32
    %get3A_2431 = arith.constant 8 : index
    %get3A_2432 = arith.constant 7 : index
    %get3A_2433 = memref.load %arg1[%get3A_2431, %get3A_2432] : memref<16x8xi32, #tpu.memory_space<smem>>
    %convert_element_type3A_2434 = arith.sitofp %get3A_2433 : i32 to f32
    %sub3A_2435 = vector.broadcast %convert_element_type3A_2430 : f32 to vector<128x128xf32>
    %sub3A_2436 = arith.subf %convert_element_type3A_1, %sub3A_2435 : vector<128x128xf32>
    %integer_pow3A_2437 = arith.mulf %sub3A_2436, %sub3A_2436 : vector<128x128xf32>
    %sub3A_2438 = vector.broadcast %convert_element_type3A_2434 : f32 to vector<128x128xf32>
    %sub3A_2439 = arith.subf %convert_element_type3A, %sub3A_2438 : vector<128x128xf32>
    %integer_pow3A_2440 = arith.mulf %sub3A_2439, %sub3A_2439 : vector<128x128xf32>
    %add3A_2441 = arith.addf %integer_pow3A_2437, %integer_pow3A_2440 : vector<128x128xf32>
    %mul3A_2442 = arith.constant -2.000000e+00 : f32
    %mul3A_2443 = vector.broadcast %mul3A_2442 : f32 to vector<128x128xf32>
    %mul3A_2444 = arith.mulf %mul3A_2443, %add3A_2441 : vector<128x128xf32>
    %exp3A_2445 = math.exp %mul3A_2444 : vector<128x128xf32>
    %abs3A_2446 = math.absf %get3A_2426 : vector<128x128xf32>
    %max3A_2447 = arith.constant 0.000000e+00 : f32
    %max3A_2448 = vector.broadcast %max3A_2447 : f32 to vector<128x128xf32>
    %max3A_2449 = arith.maximumf %get3A_2426, %max3A_2448 : vector<128x128xf32>
    %mul3A_2450 = arith.mulf %get3A_2426, %exp3A_2445 : vector<128x128xf32>
    %sub3A_2451 = arith.subf %max3A_2449, %mul3A_2450 : vector<128x128xf32>
    %neg3A_2452 = arith.constant 0.000000e+00 : f32
    %neg3A_2453 = vector.broadcast %neg3A_2452 : f32 to vector<128x128xf32>
    %neg3A_2454 = arith.subf %neg3A_2453, %abs3A_2446 : vector<128x128xf32>
    %exp3A_2455 = math.exp %neg3A_2454 : vector<128x128xf32>
    %log1p3A_2456 = math.log1p %exp3A_2455 : vector<128x128xf32>
    %add3A_2457 = arith.addf %sub3A_2451, %log1p3A_2456 : vector<128x128xf32>
    %neg3A_2458 = arith.constant 0.000000e+00 : f32
    %neg3A_2459 = vector.broadcast %neg3A_2458 : f32 to vector<128x128xf32>
    %neg3A_2460 = arith.subf %neg3A_2459, %add3A_2457 : vector<128x128xf32>
    %exp3A_2461 = math.exp %neg3A_2460 : vector<128x128xf32>
    %mul3A_2462 = arith.constant 2.500000e-01 : f32
    %mul3A_2463 = vector.broadcast %mul3A_2462 : f32 to vector<128x128xf32>
    %mul3A_2464 = arith.mulf %exp3A_2445, %mul3A_2463 : vector<128x128xf32>
    %sub3A_2465 = arith.constant 1.000000e+00 : f32
    %sub3A_2466 = vector.broadcast %sub3A_2465 : f32 to vector<128x128xf32>
    %sub3A_2467 = arith.subf %sub3A_2466, %exp3A_2445 : vector<128x128xf32>
    %mul3A_2468 = arith.constant 7.500000e-01 : f32
    %mul3A_2469 = vector.broadcast %mul3A_2468 : f32 to vector<128x128xf32>
    %mul3A_2470 = arith.mulf %sub3A_2467, %mul3A_2469 : vector<128x128xf32>
    %add3A_2471 = arith.addf %mul3A_2464, %mul3A_2470 : vector<128x128xf32>
    %sub3A_2472 = arith.constant 1.000000e+00 : f32
    %sub3A_2473 = vector.broadcast %sub3A_2472 : f32 to vector<128x128xf32>
    %sub3A_2474 = arith.subf %sub3A_2473, %exp3A_2461 : vector<128x128xf32>
    %mul3A_2475 = arith.mulf %add3A_2471, %sub3A_2474 : vector<128x128xf32>
    %mul3A_2476 = arith.mulf %mul3A_2475, %sub3A_2474 : vector<128x128xf32>
    %mul3A_2477 = arith.mulf %mul3A_2476, %add3A_2457 : vector<128x128xf32>
    %broadcast_in_dim3A_2478 = arith.constant false
    %broadcast_in_dim3A_2479 = vector.broadcast %broadcast_in_dim3A_2478 : i1 to vector<128x128xi1>
    %broadcast_in_dim3A_2480 = arith.constant 0.000000e+00 : f32
    %broadcast_in_dim3A_2481 = vector.broadcast %broadcast_in_dim3A_2480 : f32 to vector<128x128xf32>
    %broadcast_in_dim3A_2482 = arith.constant 0.000000e+00 : f32
    %broadcast_in_dim3A_2483 = vector.broadcast %broadcast_in_dim3A_2482 : f32 to vector<128x128xf32>
    %get3A_2484 = arith.constant 8 : index
    %get3A_2485 = arith.constant 0 : index
    %get3A_2486 = memref.load %arg0[%get3A_2484, %get3A_2485] : memref<16x8xi32, #tpu.memory_space<smem>>
    %eq3A_2487 = vector.broadcast %get3A_2486 : i32 to vector<128x128xi32>
    %eq3A_2488 = arith.cmpi eq, %iota3A_0, %eq3A_2487 : vector<128x128xi32>
    %get3A_2489 = arith.constant 8 : index
    %get3A_2490 = arith.constant 0 : index
    %get3A_2491 = memref.load %arg1[%get3A_2489, %get3A_2490] : memref<16x8xi32, #tpu.memory_space<smem>>
    %eq3A_2492 = vector.broadcast %get3A_2491 : i32 to vector<128x128xi32>
    %eq3A_2493 = arith.cmpi eq, %iota3A, %eq3A_2492 : vector<128x128xi32>
    %and3A_2494 = arith.andi %eq3A_2488, %eq3A_2493 : vector<128x128xi1>
    %or3A_2495 = arith.ori %broadcast_in_dim3A_2479, %and3A_2494 : vector<128x128xi1>
    %get3A_2496 = arith.constant 8 : index
    %get3A_2497 = arith.constant 0 : index
    %get3A_2498 = memref.load %arg2[%get3A_2496, %get3A_2497] : memref<16x8xf32, #tpu.memory_space<smem>>
    %broadcast_in_dim3A_2499 = vector.broadcast %get3A_2498 : f32 to vector<128x128xf32>
    %select_n3A_2500 = arith.select %and3A_2494, %broadcast_in_dim3A_2499, %broadcast_in_dim3A_2481 : vector<128x128xi1>, vector<128x128xf32>
    %get3A_2501 = arith.constant 8 : index
    %get3A_2502 = arith.constant 0 : index
    %get3A_2503 = memref.load %arg3[%get3A_2501, %get3A_2502] : memref<16x8xf32, #tpu.memory_space<smem>>
    %broadcast_in_dim3A_2504 = vector.broadcast %get3A_2503 : f32 to vector<128x128xf32>
    %select_n3A_2505 = arith.select %and3A_2494, %broadcast_in_dim3A_2504, %broadcast_in_dim3A_2483 : vector<128x128xi1>, vector<128x128xf32>
    %get3A_2506 = arith.constant 8 : index
    %get3A_2507 = arith.constant 1 : index
    %get3A_2508 = memref.load %arg0[%get3A_2506, %get3A_2507] : memref<16x8xi32, #tpu.memory_space<smem>>
    %eq3A_2509 = vector.broadcast %get3A_2508 : i32 to vector<128x128xi32>
    %eq3A_2510 = arith.cmpi eq, %iota3A_0, %eq3A_2509 : vector<128x128xi32>
    %get3A_2511 = arith.constant 8 : index
    %get3A_2512 = arith.constant 1 : index
    %get3A_2513 = memref.load %arg1[%get3A_2511, %get3A_2512] : memref<16x8xi32, #tpu.memory_space<smem>>
    %eq3A_2514 = vector.broadcast %get3A_2513 : i32 to vector<128x128xi32>
    %eq3A_2515 = arith.cmpi eq, %iota3A, %eq3A_2514 : vector<128x128xi32>
    %and3A_2516 = arith.andi %eq3A_2510, %eq3A_2515 : vector<128x128xi1>
    %or3A_2517 = arith.ori %or3A_2495, %and3A_2516 : vector<128x128xi1>
    %get3A_2518 = arith.constant 8 : index
    %get3A_2519 = arith.constant 1 : index
    %get3A_2520 = memref.load %arg2[%get3A_2518, %get3A_2519] : memref<16x8xf32, #tpu.memory_space<smem>>
    %broadcast_in_dim3A_2521 = vector.broadcast %get3A_2520 : f32 to vector<128x128xf32>
    %select_n3A_2522 = arith.select %and3A_2516, %broadcast_in_dim3A_2521, %select_n3A_2500 : vector<128x128xi1>, vector<128x128xf32>
    %get3A_2523 = arith.constant 8 : index
    %get3A_2524 = arith.constant 1 : index
    %get3A_2525 = memref.load %arg3[%get3A_2523, %get3A_2524] : memref<16x8xf32, #tpu.memory_space<smem>>
    %broadcast_in_dim3A_2526 = vector.broadcast %get3A_2525 : f32 to vector<128x128xf32>
    %select_n3A_2527 = arith.select %and3A_2516, %broadcast_in_dim3A_2526, %select_n3A_2505 : vector<128x128xi1>, vector<128x128xf32>
    %get3A_2528 = arith.constant 8 : index
    %get3A_2529 = arith.constant 2 : index
    %get3A_2530 = memref.load %arg0[%get3A_2528, %get3A_2529] : memref<16x8xi32, #tpu.memory_space<smem>>
    %eq3A_2531 = vector.broadcast %get3A_2530 : i32 to vector<128x128xi32>
    %eq3A_2532 = arith.cmpi eq, %iota3A_0, %eq3A_2531 : vector<128x128xi32>
    %get3A_2533 = arith.constant 8 : index
    %get3A_2534 = arith.constant 2 : index
    %get3A_2535 = memref.load %arg1[%get3A_2533, %get3A_2534] : memref<16x8xi32, #tpu.memory_space<smem>>
    %eq3A_2536 = vector.broadcast %get3A_2535 : i32 to vector<128x128xi32>
    %eq3A_2537 = arith.cmpi eq, %iota3A, %eq3A_2536 : vector<128x128xi32>
    %and3A_2538 = arith.andi %eq3A_2532, %eq3A_2537 : vector<128x128xi1>
    %or3A_2539 = arith.ori %or3A_2517, %and3A_2538 : vector<128x128xi1>
    %get3A_2540 = arith.constant 8 : index
    %get3A_2541 = arith.constant 2 : index
    %get3A_2542 = memref.load %arg2[%get3A_2540, %get3A_2541] : memref<16x8xf32, #tpu.memory_space<smem>>
    %broadcast_in_dim3A_2543 = vector.broadcast %get3A_2542 : f32 to vector<128x128xf32>
    %select_n3A_2544 = arith.select %and3A_2538, %broadcast_in_dim3A_2543, %select_n3A_2522 : vector<128x128xi1>, vector<128x128xf32>
    %get3A_2545 = arith.constant 8 : index
    %get3A_2546 = arith.constant 2 : index
    %get3A_2547 = memref.load %arg3[%get3A_2545, %get3A_2546] : memref<16x8xf32, #tpu.memory_space<smem>>
    %broadcast_in_dim3A_2548 = vector.broadcast %get3A_2547 : f32 to vector<128x128xf32>
    %select_n3A_2549 = arith.select %and3A_2538, %broadcast_in_dim3A_2548, %select_n3A_2527 : vector<128x128xi1>, vector<128x128xf32>
    %get3A_2550 = arith.constant 8 : index
    %get3A_2551 = arith.constant 3 : index
    %get3A_2552 = memref.load %arg0[%get3A_2550, %get3A_2551] : memref<16x8xi32, #tpu.memory_space<smem>>
    %eq3A_2553 = vector.broadcast %get3A_2552 : i32 to vector<128x128xi32>
    %eq3A_2554 = arith.cmpi eq, %iota3A_0, %eq3A_2553 : vector<128x128xi32>
    %get3A_2555 = arith.constant 8 : index
    %get3A_2556 = arith.constant 3 : index
    %get3A_2557 = memref.load %arg1[%get3A_2555, %get3A_2556] : memref<16x8xi32, #tpu.memory_space<smem>>
    %eq3A_2558 = vector.broadcast %get3A_2557 : i32 to vector<128x128xi32>
    %eq3A_2559 = arith.cmpi eq, %iota3A, %eq3A_2558 : vector<128x128xi32>
    %and3A_2560 = arith.andi %eq3A_2554, %eq3A_2559 : vector<128x128xi1>
    %or3A_2561 = arith.ori %or3A_2539, %and3A_2560 : vector<128x128xi1>
    %get3A_2562 = arith.constant 8 : index
    %get3A_2563 = arith.constant 3 : index
    %get3A_2564 = memref.load %arg2[%get3A_2562, %get3A_2563] : memref<16x8xf32, #tpu.memory_space<smem>>
    %broadcast_in_dim3A_2565 = vector.broadcast %get3A_2564 : f32 to vector<128x128xf32>
    %select_n3A_2566 = arith.select %and3A_2560, %broadcast_in_dim3A_2565, %select_n3A_2544 : vector<128x128xi1>, vector<128x128xf32>
    %get3A_2567 = arith.constant 8 : index
    %get3A_2568 = arith.constant 3 : index
    %get3A_2569 = memref.load %arg3[%get3A_2567, %get3A_2568] : memref<16x8xf32, #tpu.memory_space<smem>>
    %broadcast_in_dim3A_2570 = vector.broadcast %get3A_2569 : f32 to vector<128x128xf32>
    %select_n3A_2571 = arith.select %and3A_2560, %broadcast_in_dim3A_2570, %select_n3A_2549 : vector<128x128xi1>, vector<128x128xf32>
    %get3A_2572 = arith.constant 8 : index
    %get3A_2573 = arith.constant 4 : index
    %get3A_2574 = memref.load %arg0[%get3A_2572, %get3A_2573] : memref<16x8xi32, #tpu.memory_space<smem>>
    %eq3A_2575 = vector.broadcast %get3A_2574 : i32 to vector<128x128xi32>
    %eq3A_2576 = arith.cmpi eq, %iota3A_0, %eq3A_2575 : vector<128x128xi32>
    %get3A_2577 = arith.constant 8 : index
    %get3A_2578 = arith.constant 4 : index
    %get3A_2579 = memref.load %arg1[%get3A_2577, %get3A_2578] : memref<16x8xi32, #tpu.memory_space<smem>>
    %eq3A_2580 = vector.broadcast %get3A_2579 : i32 to vector<128x128xi32>
    %eq3A_2581 = arith.cmpi eq, %iota3A, %eq3A_2580 : vector<128x128xi32>
    %and3A_2582 = arith.andi %eq3A_2576, %eq3A_2581 : vector<128x128xi1>
    %or3A_2583 = arith.ori %or3A_2561, %and3A_2582 : vector<128x128xi1>
    %get3A_2584 = arith.constant 8 : index
    %get3A_2585 = arith.constant 4 : index
    %get3A_2586 = memref.load %arg2[%get3A_2584, %get3A_2585] : memref<16x8xf32, #tpu.memory_space<smem>>
    %broadcast_in_dim3A_2587 = vector.broadcast %get3A_2586 : f32 to vector<128x128xf32>
    %select_n3A_2588 = arith.select %and3A_2582, %broadcast_in_dim3A_2587, %select_n3A_2566 : vector<128x128xi1>, vector<128x128xf32>
    %get3A_2589 = arith.constant 8 : index
    %get3A_2590 = arith.constant 4 : index
    %get3A_2591 = memref.load %arg3[%get3A_2589, %get3A_2590] : memref<16x8xf32, #tpu.memory_space<smem>>
    %broadcast_in_dim3A_2592 = vector.broadcast %get3A_2591 : f32 to vector<128x128xf32>
    %select_n3A_2593 = arith.select %and3A_2582, %broadcast_in_dim3A_2592, %select_n3A_2571 : vector<128x128xi1>, vector<128x128xf32>
    %get3A_2594 = arith.constant 8 : index
    %get3A_2595 = arith.constant 5 : index
    %get3A_2596 = memref.load %arg0[%get3A_2594, %get3A_2595] : memref<16x8xi32, #tpu.memory_space<smem>>
    %eq3A_2597 = vector.broadcast %get3A_2596 : i32 to vector<128x128xi32>
    %eq3A_2598 = arith.cmpi eq, %iota3A_0, %eq3A_2597 : vector<128x128xi32>
    %get3A_2599 = arith.constant 8 : index
    %get3A_2600 = arith.constant 5 : index
    %get3A_2601 = memref.load %arg1[%get3A_2599, %get3A_2600] : memref<16x8xi32, #tpu.memory_space<smem>>
    %eq3A_2602 = vector.broadcast %get3A_2601 : i32 to vector<128x128xi32>
    %eq3A_2603 = arith.cmpi eq, %iota3A, %eq3A_2602 : vector<128x128xi32>
    %and3A_2604 = arith.andi %eq3A_2598, %eq3A_2603 : vector<128x128xi1>
    %or3A_2605 = arith.ori %or3A_2583, %and3A_2604 : vector<128x128xi1>
    %get3A_2606 = arith.constant 8 : index
    %get3A_2607 = arith.constant 5 : index
    %get3A_2608 = memref.load %arg2[%get3A_2606, %get3A_2607] : memref<16x8xf32, #tpu.memory_space<smem>>
    %broadcast_in_dim3A_2609 = vector.broadcast %get3A_2608 : f32 to vector<128x128xf32>
    %select_n3A_2610 = arith.select %and3A_2604, %broadcast_in_dim3A_2609, %select_n3A_2588 : vector<128x128xi1>, vector<128x128xf32>
    %get3A_2611 = arith.constant 8 : index
    %get3A_2612 = arith.constant 5 : index
    %get3A_2613 = memref.load %arg3[%get3A_2611, %get3A_2612] : memref<16x8xf32, #tpu.memory_space<smem>>
    %broadcast_in_dim3A_2614 = vector.broadcast %get3A_2613 : f32 to vector<128x128xf32>
    %select_n3A_2615 = arith.select %and3A_2604, %broadcast_in_dim3A_2614, %select_n3A_2593 : vector<128x128xi1>, vector<128x128xf32>
    %get3A_2616 = arith.constant 8 : index
    %get3A_2617 = arith.constant 6 : index
    %get3A_2618 = memref.load %arg0[%get3A_2616, %get3A_2617] : memref<16x8xi32, #tpu.memory_space<smem>>
    %eq3A_2619 = vector.broadcast %get3A_2618 : i32 to vector<128x128xi32>
    %eq3A_2620 = arith.cmpi eq, %iota3A_0, %eq3A_2619 : vector<128x128xi32>
    %get3A_2621 = arith.constant 8 : index
    %get3A_2622 = arith.constant 6 : index
    %get3A_2623 = memref.load %arg1[%get3A_2621, %get3A_2622] : memref<16x8xi32, #tpu.memory_space<smem>>
    %eq3A_2624 = vector.broadcast %get3A_2623 : i32 to vector<128x128xi32>
    %eq3A_2625 = arith.cmpi eq, %iota3A, %eq3A_2624 : vector<128x128xi32>
    %and3A_2626 = arith.andi %eq3A_2620, %eq3A_2625 : vector<128x128xi1>
    %or3A_2627 = arith.ori %or3A_2605, %and3A_2626 : vector<128x128xi1>
    %get3A_2628 = arith.constant 8 : index
    %get3A_2629 = arith.constant 6 : index
    %get3A_2630 = memref.load %arg2[%get3A_2628, %get3A_2629] : memref<16x8xf32, #tpu.memory_space<smem>>
    %broadcast_in_dim3A_2631 = vector.broadcast %get3A_2630 : f32 to vector<128x128xf32>
    %select_n3A_2632 = arith.select %and3A_2626, %broadcast_in_dim3A_2631, %select_n3A_2610 : vector<128x128xi1>, vector<128x128xf32>
    %get3A_2633 = arith.constant 8 : index
    %get3A_2634 = arith.constant 6 : index
    %get3A_2635 = memref.load %arg3[%get3A_2633, %get3A_2634] : memref<16x8xf32, #tpu.memory_space<smem>>
    %broadcast_in_dim3A_2636 = vector.broadcast %get3A_2635 : f32 to vector<128x128xf32>
    %select_n3A_2637 = arith.select %and3A_2626, %broadcast_in_dim3A_2636, %select_n3A_2615 : vector<128x128xi1>, vector<128x128xf32>
    %get3A_2638 = arith.constant 8 : index
    %get3A_2639 = arith.constant 7 : index
    %get3A_2640 = memref.load %arg0[%get3A_2638, %get3A_2639] : memref<16x8xi32, #tpu.memory_space<smem>>
    %eq3A_2641 = vector.broadcast %get3A_2640 : i32 to vector<128x128xi32>
    %eq3A_2642 = arith.cmpi eq, %iota3A_0, %eq3A_2641 : vector<128x128xi32>
    %get3A_2643 = arith.constant 8 : index
    %get3A_2644 = arith.constant 7 : index
    %get3A_2645 = memref.load %arg1[%get3A_2643, %get3A_2644] : memref<16x8xi32, #tpu.memory_space<smem>>
    %eq3A_2646 = vector.broadcast %get3A_2645 : i32 to vector<128x128xi32>
    %eq3A_2647 = arith.cmpi eq, %iota3A, %eq3A_2646 : vector<128x128xi32>
    %and3A_2648 = arith.andi %eq3A_2642, %eq3A_2647 : vector<128x128xi1>
    %or3A_2649 = arith.ori %or3A_2627, %and3A_2648 : vector<128x128xi1>
    %get3A_2650 = arith.constant 8 : index
    %get3A_2651 = arith.constant 7 : index
    %get3A_2652 = memref.load %arg2[%get3A_2650, %get3A_2651] : memref<16x8xf32, #tpu.memory_space<smem>>
    %broadcast_in_dim3A_2653 = vector.broadcast %get3A_2652 : f32 to vector<128x128xf32>
    %select_n3A_2654 = arith.select %and3A_2648, %broadcast_in_dim3A_2653, %select_n3A_2632 : vector<128x128xi1>, vector<128x128xf32>
    %get3A_2655 = arith.constant 8 : index
    %get3A_2656 = arith.constant 7 : index
    %get3A_2657 = memref.load %arg3[%get3A_2655, %get3A_2656] : memref<16x8xf32, #tpu.memory_space<smem>>
    %broadcast_in_dim3A_2658 = vector.broadcast %get3A_2657 : f32 to vector<128x128xf32>
    %select_n3A_2659 = arith.select %and3A_2648, %broadcast_in_dim3A_2658, %select_n3A_2637 : vector<128x128xi1>, vector<128x128xf32>
    %convert_element_type3A_2660 = arith.extui %or3A_2649 : vector<128x128xi1> to vector<128x128xi32>
    %convert_element_type3A_2661 = arith.sitofp %convert_element_type3A_2660 : vector<128x128xi32> to vector<128x128xf32>
    %neg3A_2662 = arith.constant 0.000000e+00 : f32
    %neg3A_2663 = vector.broadcast %neg3A_2662 : f32 to vector<128x128xf32>
    %neg3A_2664 = arith.subf %neg3A_2663, %get3A_2426 : vector<128x128xf32>
    %exp3A_2665 = math.exp %neg3A_2664 : vector<128x128xf32>
    %add3A_2666 = arith.constant 1.000000e+00 : f32
    %add3A_2667 = vector.broadcast %add3A_2666 : f32 to vector<128x128xf32>
    %add3A_2668 = arith.addf %add3A_2667, %exp3A_2665 : vector<128x128xf32>
    %div3A_2669 = arith.constant 1.000000e+00 : f32
    %div3A_2670 = vector.broadcast %div3A_2669 : f32 to vector<128x128xf32>
    %div3A_2671 = arith.divf %div3A_2670, %add3A_2668 : vector<128x128xf32>
    %jit3A_2672 = arith.constant 0xFF800000 : f32
    %broadcast_in_dim3A_2673 = vector.broadcast %jit3A_2672 : f32 to vector<128x128xf32>
    %select_n3A_2674 = arith.select %or3A_2649, %broadcast_in_dim3A_2673, %div3A_2671 : vector<128x128xi1>, vector<128x128xf32>
    %bitcast_convert_type3A_2675 = tpu.bitcast %select_n3A_2674 : vector<128x128xf32> -> vector<128x128xi32>
    %ge3A_2676 = arith.constant 0 : i32
    %ge3A_2677 = vector.broadcast %ge3A_2676 : i32 to vector<128x128xi32>
    %ge3A_2678 = arith.cmpi sge, %bitcast_convert_type3A_2675, %ge3A_2677 : vector<128x128xi32>
    %xor3A_2679 = arith.constant 2147483647 : i32
    %xor3A_2680 = vector.broadcast %xor3A_2679 : i32 to vector<128x128xi32>
    %xor3A_2681 = arith.xori %bitcast_convert_type3A_2675, %xor3A_2680 : vector<128x128xi32>
    %select_n3A_2682 = arith.select %ge3A_2678, %bitcast_convert_type3A_2675, %xor3A_2681 : vector<128x128xi1>, vector<128x128xi32>
    %max3A_2683 = arith.constant -1 : i32
    %max3A_2684 = vector.broadcast %max3A_2683 : i32 to vector<128x128xi32>
    %max3A_2685 = arith.maxsi %select_n3A_2682, %max3A_2684 : vector<128x128xi32>
    %swap3A_2686 = arith.constant 1024 : index
    %swap3A_2687 = arith.constant 0 : index
    %swap3A_2688 = vector.load %arg8[%swap3A_2686, %swap3A_2687] : memref<2048x128xi32, #tpu.memory_space<vmem>>, vector<128x128xi32>
    tpu.vector_store %arg8[%swap3A_2686, %swap3A_2687], %max3A_2685 {strides = array<i32>} : memref<2048x128xi32, #tpu.memory_space<vmem>>, vector<128x128xi32>,
    %swap3A_2689 = arith.constant 1024 : index
    %swap3A_2690 = arith.constant 0 : index
    %swap3A_2691 = vector.load %arg9[%swap3A_2689, %swap3A_2690] : memref<2048x128xf32, #tpu.memory_space<vmem>>, vector<128x128xf32>
    tpu.vector_store %arg9[%swap3A_2689, %swap3A_2690], %add3A_2457 {strides = array<i32>} : memref<2048x128xf32, #tpu.memory_space<vmem>>, vector<128x128xf32>,
    %reduce_sum3A_2692 = vector.shape_cast %mul3A_2477 : vector<128x128xf32> to vector<1x128x128xf32>
    %reduce_sum3A_2693 = arith.constant dense<0.000000e+00> : vector<1xf32>
    %reduce_sum3A_2694 = vector.multi_reduction <add>, %reduce_sum3A_2692, %reduce_sum3A_2693 [1, 2] : vector<1x128x128xf32> to vector<1xf32>
    %reduce_sum3A_2695 = vector.shape_cast %reduce_sum3A_2694 : vector<1xf32> to vector<1x1x1xf32>
    %reduce_sum3A_2696 = vector.extract %reduce_sum3A_2695[0, 0, 0] : f32 from vector<1x1x1xf32>
    %add3A_2697 = arith.addf %add3A_2392, %reduce_sum3A_2696 : f32
    %mul3A_2698 = arith.mulf %mul3A_2477, %convert_element_type3A_2661 : vector<128x128xf32>
    %reduce_sum3A_2699 = vector.shape_cast %mul3A_2698 : vector<128x128xf32> to vector<1x128x128xf32>
    %reduce_sum3A_2700 = arith.constant dense<0.000000e+00> : vector<1xf32>
    %reduce_sum3A_2701 = vector.multi_reduction <add>, %reduce_sum3A_2699, %reduce_sum3A_2700 [1, 2] : vector<1x128x128xf32> to vector<1xf32>
    %reduce_sum3A_2702 = vector.shape_cast %reduce_sum3A_2701 : vector<1xf32> to vector<1x1x1xf32>
    %reduce_sum3A_2703 = vector.extract %reduce_sum3A_2702[0, 0, 0] : f32 from vector<1x1x1xf32>
    %add3A_2704 = arith.addf %add3A_2399, %reduce_sum3A_2703 : f32
    %reduce_sum3A_2705 = vector.shape_cast %convert_element_type3A_2661 : vector<128x128xf32> to vector<1x128x128xf32>
    %reduce_sum3A_2706 = arith.constant dense<0.000000e+00> : vector<1xf32>
    %reduce_sum3A_2707 = vector.multi_reduction <add>, %reduce_sum3A_2705, %reduce_sum3A_2706 [1, 2] : vector<1x128x128xf32> to vector<1xf32>
    %reduce_sum3A_2708 = vector.shape_cast %reduce_sum3A_2707 : vector<1xf32> to vector<1x1x1xf32>
    %reduce_sum3A_2709 = vector.extract %reduce_sum3A_2708[0, 0, 0] : f32 from vector<1x1x1xf32>
    %add3A_2710 = arith.addf %add3A_2405, %reduce_sum3A_2709 : f32
    %get3A_2711 = arith.constant 1024 : index
    %get3A_2712 = arith.constant 0 : index
    %get3A_2713 = vector.load %arg6[%get3A_2711, %get3A_2712] : memref<2048x128xf32, #tpu.memory_space<vmem>>, vector<128x128xf32>
    %get3A_2714 = arith.constant 1024 : index
    %get3A_2715 = arith.constant 0 : index
    %get3A_2716 = vector.load %arg7[%get3A_2714, %get3A_2715] : memref<2048x128xf32, #tpu.memory_space<vmem>>, vector<128x128xf32>
    %sub3A_2717 = arith.subf %get3A_2713, %select_n3A_2654 : vector<128x128xf32>
    %abs3A_2718 = math.absf %sub3A_2717 : vector<128x128xf32>
    %sub3A_2719 = arith.subf %get3A_2716, %select_n3A_2659 : vector<128x128xf32>
    %abs3A_2720 = math.absf %sub3A_2719 : vector<128x128xf32>
    %add3A_2721 = arith.addf %abs3A_2718, %abs3A_2720 : vector<128x128xf32>
    %mul3A_2722 = arith.mulf %convert_element_type3A_2661, %add3A_2721 : vector<128x128xf32>
    %reduce_sum3A_2723 = vector.shape_cast %mul3A_2722 : vector<128x128xf32> to vector<1x128x128xf32>
    %reduce_sum3A_2724 = arith.constant dense<0.000000e+00> : vector<1xf32>
    %reduce_sum3A_2725 = vector.multi_reduction <add>, %reduce_sum3A_2723, %reduce_sum3A_2724 [1, 2] : vector<1x128x128xf32> to vector<1xf32>
    %reduce_sum3A_2726 = vector.shape_cast %reduce_sum3A_2725 : vector<1xf32> to vector<1x1x1xf32>
    %reduce_sum3A_2727 = vector.extract %reduce_sum3A_2726[0, 0, 0] : f32 from vector<1x1x1xf32>
    %add3A_2728 = arith.addf %add3A_2423, %reduce_sum3A_2727 : f32
    %get3A_2729 = arith.constant 1152 : index
    %get3A_2730 = arith.constant 0 : index
    %get3A_2731 = vector.load %arg5[%get3A_2729, %get3A_2730] : memref<2048x128xf32, #tpu.memory_space<vmem>>, vector<128x128xf32>
    %get3A_2732 = arith.constant 9 : index
    %get3A_2733 = arith.constant 7 : index
    %get3A_2734 = memref.load %arg0[%get3A_2732, %get3A_2733] : memref<16x8xi32, #tpu.memory_space<smem>>
    %convert_element_type3A_2735 = arith.sitofp %get3A_2734 : i32 to f32
    %get3A_2736 = arith.constant 9 : index
    %get3A_2737 = arith.constant 7 : index
    %get3A_2738 = memref.load %arg1[%get3A_2736, %get3A_2737] : memref<16x8xi32, #tpu.memory_space<smem>>
    %convert_element_type3A_2739 = arith.sitofp %get3A_2738 : i32 to f32
    %sub3A_2740 = vector.broadcast %convert_element_type3A_2735 : f32 to vector<128x128xf32>
    %sub3A_2741 = arith.subf %convert_element_type3A_1, %sub3A_2740 : vector<128x128xf32>
    %integer_pow3A_2742 = arith.mulf %sub3A_2741, %sub3A_2741 : vector<128x128xf32>
    %sub3A_2743 = vector.broadcast %convert_element_type3A_2739 : f32 to vector<128x128xf32>
    %sub3A_2744 = arith.subf %convert_element_type3A, %sub3A_2743 : vector<128x128xf32>
    %integer_pow3A_2745 = arith.mulf %sub3A_2744, %sub3A_2744 : vector<128x128xf32>
    %add3A_2746 = arith.addf %integer_pow3A_2742, %integer_pow3A_2745 : vector<128x128xf32>
    %mul3A_2747 = arith.constant -2.000000e+00 : f32
    %mul3A_2748 = vector.broadcast %mul3A_2747 : f32 to vector<128x128xf32>
    %mul3A_2749 = arith.mulf %mul3A_2748, %add3A_2746 : vector<128x128xf32>
    %exp3A_2750 = math.exp %mul3A_2749 : vector<128x128xf32>
    %abs3A_2751 = math.absf %get3A_2731 : vector<128x128xf32>
    %max3A_2752 = arith.constant 0.000000e+00 : f32
    %max3A_2753 = vector.broadcast %max3A_2752 : f32 to vector<128x128xf32>
    %max3A_2754 = arith.maximumf %get3A_2731, %max3A_2753 : vector<128x128xf32>
    %mul3A_2755 = arith.mulf %get3A_2731, %exp3A_2750 : vector<128x128xf32>
    %sub3A_2756 = arith.subf %max3A_2754, %mul3A_2755 : vector<128x128xf32>
    %neg3A_2757 = arith.constant 0.000000e+00 : f32
    %neg3A_2758 = vector.broadcast %neg3A_2757 : f32 to vector<128x128xf32>
    %neg3A_2759 = arith.subf %neg3A_2758, %abs3A_2751 : vector<128x128xf32>
    %exp3A_2760 = math.exp %neg3A_2759 : vector<128x128xf32>
    %log1p3A_2761 = math.log1p %exp3A_2760 : vector<128x128xf32>
    %add3A_2762 = arith.addf %sub3A_2756, %log1p3A_2761 : vector<128x128xf32>
    %neg3A_2763 = arith.constant 0.000000e+00 : f32
    %neg3A_2764 = vector.broadcast %neg3A_2763 : f32 to vector<128x128xf32>
    %neg3A_2765 = arith.subf %neg3A_2764, %add3A_2762 : vector<128x128xf32>
    %exp3A_2766 = math.exp %neg3A_2765 : vector<128x128xf32>
    %mul3A_2767 = arith.constant 2.500000e-01 : f32
    %mul3A_2768 = vector.broadcast %mul3A_2767 : f32 to vector<128x128xf32>
    %mul3A_2769 = arith.mulf %exp3A_2750, %mul3A_2768 : vector<128x128xf32>
    %sub3A_2770 = arith.constant 1.000000e+00 : f32
    %sub3A_2771 = vector.broadcast %sub3A_2770 : f32 to vector<128x128xf32>
    %sub3A_2772 = arith.subf %sub3A_2771, %exp3A_2750 : vector<128x128xf32>
    %mul3A_2773 = arith.constant 7.500000e-01 : f32
    %mul3A_2774 = vector.broadcast %mul3A_2773 : f32 to vector<128x128xf32>
    %mul3A_2775 = arith.mulf %sub3A_2772, %mul3A_2774 : vector<128x128xf32>
    %add3A_2776 = arith.addf %mul3A_2769, %mul3A_2775 : vector<128x128xf32>
    %sub3A_2777 = arith.constant 1.000000e+00 : f32
    %sub3A_2778 = vector.broadcast %sub3A_2777 : f32 to vector<128x128xf32>
    %sub3A_2779 = arith.subf %sub3A_2778, %exp3A_2766 : vector<128x128xf32>
    %mul3A_2780 = arith.mulf %add3A_2776, %sub3A_2779 : vector<128x128xf32>
    %mul3A_2781 = arith.mulf %mul3A_2780, %sub3A_2779 : vector<128x128xf32>
    %mul3A_2782 = arith.mulf %mul3A_2781, %add3A_2762 : vector<128x128xf32>
    %broadcast_in_dim3A_2783 = arith.constant false
    %broadcast_in_dim3A_2784 = vector.broadcast %broadcast_in_dim3A_2783 : i1 to vector<128x128xi1>
    %broadcast_in_dim3A_2785 = arith.constant 0.000000e+00 : f32
    %broadcast_in_dim3A_2786 = vector.broadcast %broadcast_in_dim3A_2785 : f32 to vector<128x128xf32>
    %broadcast_in_dim3A_2787 = arith.constant 0.000000e+00 : f32
    %broadcast_in_dim3A_2788 = vector.broadcast %broadcast_in_dim3A_2787 : f32 to vector<128x128xf32>
    %get3A_2789 = arith.constant 9 : index
    %get3A_2790 = arith.constant 0 : index
    %get3A_2791 = memref.load %arg0[%get3A_2789, %get3A_2790] : memref<16x8xi32, #tpu.memory_space<smem>>
    %eq3A_2792 = vector.broadcast %get3A_2791 : i32 to vector<128x128xi32>
    %eq3A_2793 = arith.cmpi eq, %iota3A_0, %eq3A_2792 : vector<128x128xi32>
    %get3A_2794 = arith.constant 9 : index
    %get3A_2795 = arith.constant 0 : index
    %get3A_2796 = memref.load %arg1[%get3A_2794, %get3A_2795] : memref<16x8xi32, #tpu.memory_space<smem>>
    %eq3A_2797 = vector.broadcast %get3A_2796 : i32 to vector<128x128xi32>
    %eq3A_2798 = arith.cmpi eq, %iota3A, %eq3A_2797 : vector<128x128xi32>
    %and3A_2799 = arith.andi %eq3A_2793, %eq3A_2798 : vector<128x128xi1>
    %or3A_2800 = arith.ori %broadcast_in_dim3A_2784, %and3A_2799 : vector<128x128xi1>
    %get3A_2801 = arith.constant 9 : index
    %get3A_2802 = arith.constant 0 : index
    %get3A_2803 = memref.load %arg2[%get3A_2801, %get3A_2802] : memref<16x8xf32, #tpu.memory_space<smem>>
    %broadcast_in_dim3A_2804 = vector.broadcast %get3A_2803 : f32 to vector<128x128xf32>
    %select_n3A_2805 = arith.select %and3A_2799, %broadcast_in_dim3A_2804, %broadcast_in_dim3A_2786 : vector<128x128xi1>, vector<128x128xf32>
    %get3A_2806 = arith.constant 9 : index
    %get3A_2807 = arith.constant 0 : index
    %get3A_2808 = memref.load %arg3[%get3A_2806, %get3A_2807] : memref<16x8xf32, #tpu.memory_space<smem>>
    %broadcast_in_dim3A_2809 = vector.broadcast %get3A_2808 : f32 to vector<128x128xf32>
    %select_n3A_2810 = arith.select %and3A_2799, %broadcast_in_dim3A_2809, %broadcast_in_dim3A_2788 : vector<128x128xi1>, vector<128x128xf32>
    %get3A_2811 = arith.constant 9 : index
    %get3A_2812 = arith.constant 1 : index
    %get3A_2813 = memref.load %arg0[%get3A_2811, %get3A_2812] : memref<16x8xi32, #tpu.memory_space<smem>>
    %eq3A_2814 = vector.broadcast %get3A_2813 : i32 to vector<128x128xi32>
    %eq3A_2815 = arith.cmpi eq, %iota3A_0, %eq3A_2814 : vector<128x128xi32>
    %get3A_2816 = arith.constant 9 : index
    %get3A_2817 = arith.constant 1 : index
    %get3A_2818 = memref.load %arg1[%get3A_2816, %get3A_2817] : memref<16x8xi32, #tpu.memory_space<smem>>
    %eq3A_2819 = vector.broadcast %get3A_2818 : i32 to vector<128x128xi32>
    %eq3A_2820 = arith.cmpi eq, %iota3A, %eq3A_2819 : vector<128x128xi32>
    %and3A_2821 = arith.andi %eq3A_2815, %eq3A_2820 : vector<128x128xi1>
    %or3A_2822 = arith.ori %or3A_2800, %and3A_2821 : vector<128x128xi1>
    %get3A_2823 = arith.constant 9 : index
    %get3A_2824 = arith.constant 1 : index
    %get3A_2825 = memref.load %arg2[%get3A_2823, %get3A_2824] : memref<16x8xf32, #tpu.memory_space<smem>>
    %broadcast_in_dim3A_2826 = vector.broadcast %get3A_2825 : f32 to vector<128x128xf32>
    %select_n3A_2827 = arith.select %and3A_2821, %broadcast_in_dim3A_2826, %select_n3A_2805 : vector<128x128xi1>, vector<128x128xf32>
    %get3A_2828 = arith.constant 9 : index
    %get3A_2829 = arith.constant 1 : index
    %get3A_2830 = memref.load %arg3[%get3A_2828, %get3A_2829] : memref<16x8xf32, #tpu.memory_space<smem>>
    %broadcast_in_dim3A_2831 = vector.broadcast %get3A_2830 : f32 to vector<128x128xf32>
    %select_n3A_2832 = arith.select %and3A_2821, %broadcast_in_dim3A_2831, %select_n3A_2810 : vector<128x128xi1>, vector<128x128xf32>
    %get3A_2833 = arith.constant 9 : index
    %get3A_2834 = arith.constant 2 : index
    %get3A_2835 = memref.load %arg0[%get3A_2833, %get3A_2834] : memref<16x8xi32, #tpu.memory_space<smem>>
    %eq3A_2836 = vector.broadcast %get3A_2835 : i32 to vector<128x128xi32>
    %eq3A_2837 = arith.cmpi eq, %iota3A_0, %eq3A_2836 : vector<128x128xi32>
    %get3A_2838 = arith.constant 9 : index
    %get3A_2839 = arith.constant 2 : index
    %get3A_2840 = memref.load %arg1[%get3A_2838, %get3A_2839] : memref<16x8xi32, #tpu.memory_space<smem>>
    %eq3A_2841 = vector.broadcast %get3A_2840 : i32 to vector<128x128xi32>
    %eq3A_2842 = arith.cmpi eq, %iota3A, %eq3A_2841 : vector<128x128xi32>
    %and3A_2843 = arith.andi %eq3A_2837, %eq3A_2842 : vector<128x128xi1>
    %or3A_2844 = arith.ori %or3A_2822, %and3A_2843 : vector<128x128xi1>
    %get3A_2845 = arith.constant 9 : index
    %get3A_2846 = arith.constant 2 : index
    %get3A_2847 = memref.load %arg2[%get3A_2845, %get3A_2846] : memref<16x8xf32, #tpu.memory_space<smem>>
    %broadcast_in_dim3A_2848 = vector.broadcast %get3A_2847 : f32 to vector<128x128xf32>
    %select_n3A_2849 = arith.select %and3A_2843, %broadcast_in_dim3A_2848, %select_n3A_2827 : vector<128x128xi1>, vector<128x128xf32>
    %get3A_2850 = arith.constant 9 : index
    %get3A_2851 = arith.constant 2 : index
    %get3A_2852 = memref.load %arg3[%get3A_2850, %get3A_2851] : memref<16x8xf32, #tpu.memory_space<smem>>
    %broadcast_in_dim3A_2853 = vector.broadcast %get3A_2852 : f32 to vector<128x128xf32>
    %select_n3A_2854 = arith.select %and3A_2843, %broadcast_in_dim3A_2853, %select_n3A_2832 : vector<128x128xi1>, vector<128x128xf32>
    %get3A_2855 = arith.constant 9 : index
    %get3A_2856 = arith.constant 3 : index
    %get3A_2857 = memref.load %arg0[%get3A_2855, %get3A_2856] : memref<16x8xi32, #tpu.memory_space<smem>>
    %eq3A_2858 = vector.broadcast %get3A_2857 : i32 to vector<128x128xi32>
    %eq3A_2859 = arith.cmpi eq, %iota3A_0, %eq3A_2858 : vector<128x128xi32>
    %get3A_2860 = arith.constant 9 : index
    %get3A_2861 = arith.constant 3 : index
    %get3A_2862 = memref.load %arg1[%get3A_2860, %get3A_2861] : memref<16x8xi32, #tpu.memory_space<smem>>
    %eq3A_2863 = vector.broadcast %get3A_2862 : i32 to vector<128x128xi32>
    %eq3A_2864 = arith.cmpi eq, %iota3A, %eq3A_2863 : vector<128x128xi32>
    %and3A_2865 = arith.andi %eq3A_2859, %eq3A_2864 : vector<128x128xi1>
    %or3A_2866 = arith.ori %or3A_2844, %and3A_2865 : vector<128x128xi1>
    %get3A_2867 = arith.constant 9 : index
    %get3A_2868 = arith.constant 3 : index
    %get3A_2869 = memref.load %arg2[%get3A_2867, %get3A_2868] : memref<16x8xf32, #tpu.memory_space<smem>>
    %broadcast_in_dim3A_2870 = vector.broadcast %get3A_2869 : f32 to vector<128x128xf32>
    %select_n3A_2871 = arith.select %and3A_2865, %broadcast_in_dim3A_2870, %select_n3A_2849 : vector<128x128xi1>, vector<128x128xf32>
    %get3A_2872 = arith.constant 9 : index
    %get3A_2873 = arith.constant 3 : index
    %get3A_2874 = memref.load %arg3[%get3A_2872, %get3A_2873] : memref<16x8xf32, #tpu.memory_space<smem>>
    %broadcast_in_dim3A_2875 = vector.broadcast %get3A_2874 : f32 to vector<128x128xf32>
    %select_n3A_2876 = arith.select %and3A_2865, %broadcast_in_dim3A_2875, %select_n3A_2854 : vector<128x128xi1>, vector<128x128xf32>
    %get3A_2877 = arith.constant 9 : index
    %get3A_2878 = arith.constant 4 : index
    %get3A_2879 = memref.load %arg0[%get3A_2877, %get3A_2878] : memref<16x8xi32, #tpu.memory_space<smem>>
    %eq3A_2880 = vector.broadcast %get3A_2879 : i32 to vector<128x128xi32>
    %eq3A_2881 = arith.cmpi eq, %iota3A_0, %eq3A_2880 : vector<128x128xi32>
    %get3A_2882 = arith.constant 9 : index
    %get3A_2883 = arith.constant 4 : index
    %get3A_2884 = memref.load %arg1[%get3A_2882, %get3A_2883] : memref<16x8xi32, #tpu.memory_space<smem>>
    %eq3A_2885 = vector.broadcast %get3A_2884 : i32 to vector<128x128xi32>
    %eq3A_2886 = arith.cmpi eq, %iota3A, %eq3A_2885 : vector<128x128xi32>
    %and3A_2887 = arith.andi %eq3A_2881, %eq3A_2886 : vector<128x128xi1>
    %or3A_2888 = arith.ori %or3A_2866, %and3A_2887 : vector<128x128xi1>
    %get3A_2889 = arith.constant 9 : index
    %get3A_2890 = arith.constant 4 : index
    %get3A_2891 = memref.load %arg2[%get3A_2889, %get3A_2890] : memref<16x8xf32, #tpu.memory_space<smem>>
    %broadcast_in_dim3A_2892 = vector.broadcast %get3A_2891 : f32 to vector<128x128xf32>
    %select_n3A_2893 = arith.select %and3A_2887, %broadcast_in_dim3A_2892, %select_n3A_2871 : vector<128x128xi1>, vector<128x128xf32>
    %get3A_2894 = arith.constant 9 : index
    %get3A_2895 = arith.constant 4 : index
    %get3A_2896 = memref.load %arg3[%get3A_2894, %get3A_2895] : memref<16x8xf32, #tpu.memory_space<smem>>
    %broadcast_in_dim3A_2897 = vector.broadcast %get3A_2896 : f32 to vector<128x128xf32>
    %select_n3A_2898 = arith.select %and3A_2887, %broadcast_in_dim3A_2897, %select_n3A_2876 : vector<128x128xi1>, vector<128x128xf32>
    %get3A_2899 = arith.constant 9 : index
    %get3A_2900 = arith.constant 5 : index
    %get3A_2901 = memref.load %arg0[%get3A_2899, %get3A_2900] : memref<16x8xi32, #tpu.memory_space<smem>>
    %eq3A_2902 = vector.broadcast %get3A_2901 : i32 to vector<128x128xi32>
    %eq3A_2903 = arith.cmpi eq, %iota3A_0, %eq3A_2902 : vector<128x128xi32>
    %get3A_2904 = arith.constant 9 : index
    %get3A_2905 = arith.constant 5 : index
    %get3A_2906 = memref.load %arg1[%get3A_2904, %get3A_2905] : memref<16x8xi32, #tpu.memory_space<smem>>
    %eq3A_2907 = vector.broadcast %get3A_2906 : i32 to vector<128x128xi32>
    %eq3A_2908 = arith.cmpi eq, %iota3A, %eq3A_2907 : vector<128x128xi32>
    %and3A_2909 = arith.andi %eq3A_2903, %eq3A_2908 : vector<128x128xi1>
    %or3A_2910 = arith.ori %or3A_2888, %and3A_2909 : vector<128x128xi1>
    %get3A_2911 = arith.constant 9 : index
    %get3A_2912 = arith.constant 5 : index
    %get3A_2913 = memref.load %arg2[%get3A_2911, %get3A_2912] : memref<16x8xf32, #tpu.memory_space<smem>>
    %broadcast_in_dim3A_2914 = vector.broadcast %get3A_2913 : f32 to vector<128x128xf32>
    %select_n3A_2915 = arith.select %and3A_2909, %broadcast_in_dim3A_2914, %select_n3A_2893 : vector<128x128xi1>, vector<128x128xf32>
    %get3A_2916 = arith.constant 9 : index
    %get3A_2917 = arith.constant 5 : index
    %get3A_2918 = memref.load %arg3[%get3A_2916, %get3A_2917] : memref<16x8xf32, #tpu.memory_space<smem>>
    %broadcast_in_dim3A_2919 = vector.broadcast %get3A_2918 : f32 to vector<128x128xf32>
    %select_n3A_2920 = arith.select %and3A_2909, %broadcast_in_dim3A_2919, %select_n3A_2898 : vector<128x128xi1>, vector<128x128xf32>
    %get3A_2921 = arith.constant 9 : index
    %get3A_2922 = arith.constant 6 : index
    %get3A_2923 = memref.load %arg0[%get3A_2921, %get3A_2922] : memref<16x8xi32, #tpu.memory_space<smem>>
    %eq3A_2924 = vector.broadcast %get3A_2923 : i32 to vector<128x128xi32>
    %eq3A_2925 = arith.cmpi eq, %iota3A_0, %eq3A_2924 : vector<128x128xi32>
    %get3A_2926 = arith.constant 9 : index
    %get3A_2927 = arith.constant 6 : index
    %get3A_2928 = memref.load %arg1[%get3A_2926, %get3A_2927] : memref<16x8xi32, #tpu.memory_space<smem>>
    %eq3A_2929 = vector.broadcast %get3A_2928 : i32 to vector<128x128xi32>
    %eq3A_2930 = arith.cmpi eq, %iota3A, %eq3A_2929 : vector<128x128xi32>
    %and3A_2931 = arith.andi %eq3A_2925, %eq3A_2930 : vector<128x128xi1>
    %or3A_2932 = arith.ori %or3A_2910, %and3A_2931 : vector<128x128xi1>
    %get3A_2933 = arith.constant 9 : index
    %get3A_2934 = arith.constant 6 : index
    %get3A_2935 = memref.load %arg2[%get3A_2933, %get3A_2934] : memref<16x8xf32, #tpu.memory_space<smem>>
    %broadcast_in_dim3A_2936 = vector.broadcast %get3A_2935 : f32 to vector<128x128xf32>
    %select_n3A_2937 = arith.select %and3A_2931, %broadcast_in_dim3A_2936, %select_n3A_2915 : vector<128x128xi1>, vector<128x128xf32>
    %get3A_2938 = arith.constant 9 : index
    %get3A_2939 = arith.constant 6 : index
    %get3A_2940 = memref.load %arg3[%get3A_2938, %get3A_2939] : memref<16x8xf32, #tpu.memory_space<smem>>
    %broadcast_in_dim3A_2941 = vector.broadcast %get3A_2940 : f32 to vector<128x128xf32>
    %select_n3A_2942 = arith.select %and3A_2931, %broadcast_in_dim3A_2941, %select_n3A_2920 : vector<128x128xi1>, vector<128x128xf32>
    %get3A_2943 = arith.constant 9 : index
    %get3A_2944 = arith.constant 7 : index
    %get3A_2945 = memref.load %arg0[%get3A_2943, %get3A_2944] : memref<16x8xi32, #tpu.memory_space<smem>>
    %eq3A_2946 = vector.broadcast %get3A_2945 : i32 to vector<128x128xi32>
    %eq3A_2947 = arith.cmpi eq, %iota3A_0, %eq3A_2946 : vector<128x128xi32>
    %get3A_2948 = arith.constant 9 : index
    %get3A_2949 = arith.constant 7 : index
    %get3A_2950 = memref.load %arg1[%get3A_2948, %get3A_2949] : memref<16x8xi32, #tpu.memory_space<smem>>
    %eq3A_2951 = vector.broadcast %get3A_2950 : i32 to vector<128x128xi32>
    %eq3A_2952 = arith.cmpi eq, %iota3A, %eq3A_2951 : vector<128x128xi32>
    %and3A_2953 = arith.andi %eq3A_2947, %eq3A_2952 : vector<128x128xi1>
    %or3A_2954 = arith.ori %or3A_2932, %and3A_2953 : vector<128x128xi1>
    %get3A_2955 = arith.constant 9 : index
    %get3A_2956 = arith.constant 7 : index
    %get3A_2957 = memref.load %arg2[%get3A_2955, %get3A_2956] : memref<16x8xf32, #tpu.memory_space<smem>>
    %broadcast_in_dim3A_2958 = vector.broadcast %get3A_2957 : f32 to vector<128x128xf32>
    %select_n3A_2959 = arith.select %and3A_2953, %broadcast_in_dim3A_2958, %select_n3A_2937 : vector<128x128xi1>, vector<128x128xf32>
    %get3A_2960 = arith.constant 9 : index
    %get3A_2961 = arith.constant 7 : index
    %get3A_2962 = memref.load %arg3[%get3A_2960, %get3A_2961] : memref<16x8xf32, #tpu.memory_space<smem>>
    %broadcast_in_dim3A_2963 = vector.broadcast %get3A_2962 : f32 to vector<128x128xf32>
    %select_n3A_2964 = arith.select %and3A_2953, %broadcast_in_dim3A_2963, %select_n3A_2942 : vector<128x128xi1>, vector<128x128xf32>
    %convert_element_type3A_2965 = arith.extui %or3A_2954 : vector<128x128xi1> to vector<128x128xi32>
    %convert_element_type3A_2966 = arith.sitofp %convert_element_type3A_2965 : vector<128x128xi32> to vector<128x128xf32>
    %neg3A_2967 = arith.constant 0.000000e+00 : f32
    %neg3A_2968 = vector.broadcast %neg3A_2967 : f32 to vector<128x128xf32>
    %neg3A_2969 = arith.subf %neg3A_2968, %get3A_2731 : vector<128x128xf32>
    %exp3A_2970 = math.exp %neg3A_2969 : vector<128x128xf32>
    %add3A_2971 = arith.constant 1.000000e+00 : f32
    %add3A_2972 = vector.broadcast %add3A_2971 : f32 to vector<128x128xf32>
    %add3A_2973 = arith.addf %add3A_2972, %exp3A_2970 : vector<128x128xf32>
    %div3A_2974 = arith.constant 1.000000e+00 : f32
    %div3A_2975 = vector.broadcast %div3A_2974 : f32 to vector<128x128xf32>
    %div3A_2976 = arith.divf %div3A_2975, %add3A_2973 : vector<128x128xf32>
    %jit3A_2977 = arith.constant 0xFF800000 : f32
    %broadcast_in_dim3A_2978 = vector.broadcast %jit3A_2977 : f32 to vector<128x128xf32>
    %select_n3A_2979 = arith.select %or3A_2954, %broadcast_in_dim3A_2978, %div3A_2976 : vector<128x128xi1>, vector<128x128xf32>
    %bitcast_convert_type3A_2980 = tpu.bitcast %select_n3A_2979 : vector<128x128xf32> -> vector<128x128xi32>
    %ge3A_2981 = arith.constant 0 : i32
    %ge3A_2982 = vector.broadcast %ge3A_2981 : i32 to vector<128x128xi32>
    %ge3A_2983 = arith.cmpi sge, %bitcast_convert_type3A_2980, %ge3A_2982 : vector<128x128xi32>
    %xor3A_2984 = arith.constant 2147483647 : i32
    %xor3A_2985 = vector.broadcast %xor3A_2984 : i32 to vector<128x128xi32>
    %xor3A_2986 = arith.xori %bitcast_convert_type3A_2980, %xor3A_2985 : vector<128x128xi32>
    %select_n3A_2987 = arith.select %ge3A_2983, %bitcast_convert_type3A_2980, %xor3A_2986 : vector<128x128xi1>, vector<128x128xi32>
    %max3A_2988 = arith.constant -1 : i32
    %max3A_2989 = vector.broadcast %max3A_2988 : i32 to vector<128x128xi32>
    %max3A_2990 = arith.maxsi %select_n3A_2987, %max3A_2989 : vector<128x128xi32>
    %swap3A_2991 = arith.constant 1152 : index
    %swap3A_2992 = arith.constant 0 : index
    %swap3A_2993 = vector.load %arg8[%swap3A_2991, %swap3A_2992] : memref<2048x128xi32, #tpu.memory_space<vmem>>, vector<128x128xi32>
    tpu.vector_store %arg8[%swap3A_2991, %swap3A_2992], %max3A_2990 {strides = array<i32>} : memref<2048x128xi32, #tpu.memory_space<vmem>>, vector<128x128xi32>,
    %swap3A_2994 = arith.constant 1152 : index
    %swap3A_2995 = arith.constant 0 : index
    %swap3A_2996 = vector.load %arg9[%swap3A_2994, %swap3A_2995] : memref<2048x128xf32, #tpu.memory_space<vmem>>, vector<128x128xf32>
    tpu.vector_store %arg9[%swap3A_2994, %swap3A_2995], %add3A_2762 {strides = array<i32>} : memref<2048x128xf32, #tpu.memory_space<vmem>>, vector<128x128xf32>,
    %reduce_sum3A_2997 = vector.shape_cast %mul3A_2782 : vector<128x128xf32> to vector<1x128x128xf32>
    %reduce_sum3A_2998 = arith.constant dense<0.000000e+00> : vector<1xf32>
    %reduce_sum3A_2999 = vector.multi_reduction <add>, %reduce_sum3A_2997, %reduce_sum3A_2998 [1, 2] : vector<1x128x128xf32> to vector<1xf32>
    %reduce_sum3A_3000 = vector.shape_cast %reduce_sum3A_2999 : vector<1xf32> to vector<1x1x1xf32>
    %reduce_sum3A_3001 = vector.extract %reduce_sum3A_3000[0, 0, 0] : f32 from vector<1x1x1xf32>
    %add3A_3002 = arith.addf %add3A_2697, %reduce_sum3A_3001 : f32
    %mul3A_3003 = arith.mulf %mul3A_2782, %convert_element_type3A_2966 : vector<128x128xf32>
    %reduce_sum3A_3004 = vector.shape_cast %mul3A_3003 : vector<128x128xf32> to vector<1x128x128xf32>
    %reduce_sum3A_3005 = arith.constant dense<0.000000e+00> : vector<1xf32>
    %reduce_sum3A_3006 = vector.multi_reduction <add>, %reduce_sum3A_3004, %reduce_sum3A_3005 [1, 2] : vector<1x128x128xf32> to vector<1xf32>
    %reduce_sum3A_3007 = vector.shape_cast %reduce_sum3A_3006 : vector<1xf32> to vector<1x1x1xf32>
    %reduce_sum3A_3008 = vector.extract %reduce_sum3A_3007[0, 0, 0] : f32 from vector<1x1x1xf32>
    %add3A_3009 = arith.addf %add3A_2704, %reduce_sum3A_3008 : f32
    %reduce_sum3A_3010 = vector.shape_cast %convert_element_type3A_2966 : vector<128x128xf32> to vector<1x128x128xf32>
    %reduce_sum3A_3011 = arith.constant dense<0.000000e+00> : vector<1xf32>
    %reduce_sum3A_3012 = vector.multi_reduction <add>, %reduce_sum3A_3010, %reduce_sum3A_3011 [1, 2] : vector<1x128x128xf32> to vector<1xf32>
    %reduce_sum3A_3013 = vector.shape_cast %reduce_sum3A_3012 : vector<1xf32> to vector<1x1x1xf32>
    %reduce_sum3A_3014 = vector.extract %reduce_sum3A_3013[0, 0, 0] : f32 from vector<1x1x1xf32>
    %add3A_3015 = arith.addf %add3A_2710, %reduce_sum3A_3014 : f32
    %get3A_3016 = arith.constant 1152 : index
    %get3A_3017 = arith.constant 0 : index
    %get3A_3018 = vector.load %arg6[%get3A_3016, %get3A_3017] : memref<2048x128xf32, #tpu.memory_space<vmem>>, vector<128x128xf32>
    %get3A_3019 = arith.constant 1152 : index
    %get3A_3020 = arith.constant 0 : index
    %get3A_3021 = vector.load %arg7[%get3A_3019, %get3A_3020] : memref<2048x128xf32, #tpu.memory_space<vmem>>, vector<128x128xf32>
    %sub3A_3022 = arith.subf %get3A_3018, %select_n3A_2959 : vector<128x128xf32>
    %abs3A_3023 = math.absf %sub3A_3022 : vector<128x128xf32>
    %sub3A_3024 = arith.subf %get3A_3021, %select_n3A_2964 : vector<128x128xf32>
    %abs3A_3025 = math.absf %sub3A_3024 : vector<128x128xf32>
    %add3A_3026 = arith.addf %abs3A_3023, %abs3A_3025 : vector<128x128xf32>
    %mul3A_3027 = arith.mulf %convert_element_type3A_2966, %add3A_3026 : vector<128x128xf32>
    %reduce_sum3A_3028 = vector.shape_cast %mul3A_3027 : vector<128x128xf32> to vector<1x128x128xf32>
    %reduce_sum3A_3029 = arith.constant dense<0.000000e+00> : vector<1xf32>
    %reduce_sum3A_3030 = vector.multi_reduction <add>, %reduce_sum3A_3028, %reduce_sum3A_3029 [1, 2] : vector<1x128x128xf32> to vector<1xf32>
    %reduce_sum3A_3031 = vector.shape_cast %reduce_sum3A_3030 : vector<1xf32> to vector<1x1x1xf32>
    %reduce_sum3A_3032 = vector.extract %reduce_sum3A_3031[0, 0, 0] : f32 from vector<1x1x1xf32>
    %add3A_3033 = arith.addf %add3A_2728, %reduce_sum3A_3032 : f32
    %get3A_3034 = arith.constant 1280 : index
    %get3A_3035 = arith.constant 0 : index
    %get3A_3036 = vector.load %arg5[%get3A_3034, %get3A_3035] : memref<2048x128xf32, #tpu.memory_space<vmem>>, vector<128x128xf32>
    %get3A_3037 = arith.constant 10 : index
    %get3A_3038 = arith.constant 7 : index
    %get3A_3039 = memref.load %arg0[%get3A_3037, %get3A_3038] : memref<16x8xi32, #tpu.memory_space<smem>>
    %convert_element_type3A_3040 = arith.sitofp %get3A_3039 : i32 to f32
    %get3A_3041 = arith.constant 10 : index
    %get3A_3042 = arith.constant 7 : index
    %get3A_3043 = memref.load %arg1[%get3A_3041, %get3A_3042] : memref<16x8xi32, #tpu.memory_space<smem>>
    %convert_element_type3A_3044 = arith.sitofp %get3A_3043 : i32 to f32
    %sub3A_3045 = vector.broadcast %convert_element_type3A_3040 : f32 to vector<128x128xf32>
    %sub3A_3046 = arith.subf %convert_element_type3A_1, %sub3A_3045 : vector<128x128xf32>
    %integer_pow3A_3047 = arith.mulf %sub3A_3046, %sub3A_3046 : vector<128x128xf32>
    %sub3A_3048 = vector.broadcast %convert_element_type3A_3044 : f32 to vector<128x128xf32>
    %sub3A_3049 = arith.subf %convert_element_type3A, %sub3A_3048 : vector<128x128xf32>
    %integer_pow3A_3050 = arith.mulf %sub3A_3049, %sub3A_3049 : vector<128x128xf32>
    %add3A_3051 = arith.addf %integer_pow3A_3047, %integer_pow3A_3050 : vector<128x128xf32>
    %mul3A_3052 = arith.constant -2.000000e+00 : f32
    %mul3A_3053 = vector.broadcast %mul3A_3052 : f32 to vector<128x128xf32>
    %mul3A_3054 = arith.mulf %mul3A_3053, %add3A_3051 : vector<128x128xf32>
    %exp3A_3055 = math.exp %mul3A_3054 : vector<128x128xf32>
    %abs3A_3056 = math.absf %get3A_3036 : vector<128x128xf32>
    %max3A_3057 = arith.constant 0.000000e+00 : f32
    %max3A_3058 = vector.broadcast %max3A_3057 : f32 to vector<128x128xf32>
    %max3A_3059 = arith.maximumf %get3A_3036, %max3A_3058 : vector<128x128xf32>
    %mul3A_3060 = arith.mulf %get3A_3036, %exp3A_3055 : vector<128x128xf32>
    %sub3A_3061 = arith.subf %max3A_3059, %mul3A_3060 : vector<128x128xf32>
    %neg3A_3062 = arith.constant 0.000000e+00 : f32
    %neg3A_3063 = vector.broadcast %neg3A_3062 : f32 to vector<128x128xf32>
    %neg3A_3064 = arith.subf %neg3A_3063, %abs3A_3056 : vector<128x128xf32>
    %exp3A_3065 = math.exp %neg3A_3064 : vector<128x128xf32>
    %log1p3A_3066 = math.log1p %exp3A_3065 : vector<128x128xf32>
    %add3A_3067 = arith.addf %sub3A_3061, %log1p3A_3066 : vector<128x128xf32>
    %neg3A_3068 = arith.constant 0.000000e+00 : f32
    %neg3A_3069 = vector.broadcast %neg3A_3068 : f32 to vector<128x128xf32>
    %neg3A_3070 = arith.subf %neg3A_3069, %add3A_3067 : vector<128x128xf32>
    %exp3A_3071 = math.exp %neg3A_3070 : vector<128x128xf32>
    %mul3A_3072 = arith.constant 2.500000e-01 : f32
    %mul3A_3073 = vector.broadcast %mul3A_3072 : f32 to vector<128x128xf32>
    %mul3A_3074 = arith.mulf %exp3A_3055, %mul3A_3073 : vector<128x128xf32>
    %sub3A_3075 = arith.constant 1.000000e+00 : f32
    %sub3A_3076 = vector.broadcast %sub3A_3075 : f32 to vector<128x128xf32>
    %sub3A_3077 = arith.subf %sub3A_3076, %exp3A_3055 : vector<128x128xf32>
    %mul3A_3078 = arith.constant 7.500000e-01 : f32
    %mul3A_3079 = vector.broadcast %mul3A_3078 : f32 to vector<128x128xf32>
    %mul3A_3080 = arith.mulf %sub3A_3077, %mul3A_3079 : vector<128x128xf32>
    %add3A_3081 = arith.addf %mul3A_3074, %mul3A_3080 : vector<128x128xf32>
    %sub3A_3082 = arith.constant 1.000000e+00 : f32
    %sub3A_3083 = vector.broadcast %sub3A_3082 : f32 to vector<128x128xf32>
    %sub3A_3084 = arith.subf %sub3A_3083, %exp3A_3071 : vector<128x128xf32>
    %mul3A_3085 = arith.mulf %add3A_3081, %sub3A_3084 : vector<128x128xf32>
    %mul3A_3086 = arith.mulf %mul3A_3085, %sub3A_3084 : vector<128x128xf32>
    %mul3A_3087 = arith.mulf %mul3A_3086, %add3A_3067 : vector<128x128xf32>
    %broadcast_in_dim3A_3088 = arith.constant false
    %broadcast_in_dim3A_3089 = vector.broadcast %broadcast_in_dim3A_3088 : i1 to vector<128x128xi1>
    %broadcast_in_dim3A_3090 = arith.constant 0.000000e+00 : f32
    %broadcast_in_dim3A_3091 = vector.broadcast %broadcast_in_dim3A_3090 : f32 to vector<128x128xf32>
    %broadcast_in_dim3A_3092 = arith.constant 0.000000e+00 : f32
    %broadcast_in_dim3A_3093 = vector.broadcast %broadcast_in_dim3A_3092 : f32 to vector<128x128xf32>
    %get3A_3094 = arith.constant 10 : index
    %get3A_3095 = arith.constant 0 : index
    %get3A_3096 = memref.load %arg0[%get3A_3094, %get3A_3095] : memref<16x8xi32, #tpu.memory_space<smem>>
    %eq3A_3097 = vector.broadcast %get3A_3096 : i32 to vector<128x128xi32>
    %eq3A_3098 = arith.cmpi eq, %iota3A_0, %eq3A_3097 : vector<128x128xi32>
    %get3A_3099 = arith.constant 10 : index
    %get3A_3100 = arith.constant 0 : index
    %get3A_3101 = memref.load %arg1[%get3A_3099, %get3A_3100] : memref<16x8xi32, #tpu.memory_space<smem>>
    %eq3A_3102 = vector.broadcast %get3A_3101 : i32 to vector<128x128xi32>
    %eq3A_3103 = arith.cmpi eq, %iota3A, %eq3A_3102 : vector<128x128xi32>
    %and3A_3104 = arith.andi %eq3A_3098, %eq3A_3103 : vector<128x128xi1>
    %or3A_3105 = arith.ori %broadcast_in_dim3A_3089, %and3A_3104 : vector<128x128xi1>
    %get3A_3106 = arith.constant 10 : index
    %get3A_3107 = arith.constant 0 : index
    %get3A_3108 = memref.load %arg2[%get3A_3106, %get3A_3107] : memref<16x8xf32, #tpu.memory_space<smem>>
    %broadcast_in_dim3A_3109 = vector.broadcast %get3A_3108 : f32 to vector<128x128xf32>
    %select_n3A_3110 = arith.select %and3A_3104, %broadcast_in_dim3A_3109, %broadcast_in_dim3A_3091 : vector<128x128xi1>, vector<128x128xf32>
    %get3A_3111 = arith.constant 10 : index
    %get3A_3112 = arith.constant 0 : index
    %get3A_3113 = memref.load %arg3[%get3A_3111, %get3A_3112] : memref<16x8xf32, #tpu.memory_space<smem>>
    %broadcast_in_dim3A_3114 = vector.broadcast %get3A_3113 : f32 to vector<128x128xf32>
    %select_n3A_3115 = arith.select %and3A_3104, %broadcast_in_dim3A_3114, %broadcast_in_dim3A_3093 : vector<128x128xi1>, vector<128x128xf32>
    %get3A_3116 = arith.constant 10 : index
    %get3A_3117 = arith.constant 1 : index
    %get3A_3118 = memref.load %arg0[%get3A_3116, %get3A_3117] : memref<16x8xi32, #tpu.memory_space<smem>>
    %eq3A_3119 = vector.broadcast %get3A_3118 : i32 to vector<128x128xi32>
    %eq3A_3120 = arith.cmpi eq, %iota3A_0, %eq3A_3119 : vector<128x128xi32>
    %get3A_3121 = arith.constant 10 : index
    %get3A_3122 = arith.constant 1 : index
    %get3A_3123 = memref.load %arg1[%get3A_3121, %get3A_3122] : memref<16x8xi32, #tpu.memory_space<smem>>
    %eq3A_3124 = vector.broadcast %get3A_3123 : i32 to vector<128x128xi32>
    %eq3A_3125 = arith.cmpi eq, %iota3A, %eq3A_3124 : vector<128x128xi32>
    %and3A_3126 = arith.andi %eq3A_3120, %eq3A_3125 : vector<128x128xi1>
    %or3A_3127 = arith.ori %or3A_3105, %and3A_3126 : vector<128x128xi1>
    %get3A_3128 = arith.constant 10 : index
    %get3A_3129 = arith.constant 1 : index
    %get3A_3130 = memref.load %arg2[%get3A_3128, %get3A_3129] : memref<16x8xf32, #tpu.memory_space<smem>>
    %broadcast_in_dim3A_3131 = vector.broadcast %get3A_3130 : f32 to vector<128x128xf32>
    %select_n3A_3132 = arith.select %and3A_3126, %broadcast_in_dim3A_3131, %select_n3A_3110 : vector<128x128xi1>, vector<128x128xf32>
    %get3A_3133 = arith.constant 10 : index
    %get3A_3134 = arith.constant 1 : index
    %get3A_3135 = memref.load %arg3[%get3A_3133, %get3A_3134] : memref<16x8xf32, #tpu.memory_space<smem>>
    %broadcast_in_dim3A_3136 = vector.broadcast %get3A_3135 : f32 to vector<128x128xf32>
    %select_n3A_3137 = arith.select %and3A_3126, %broadcast_in_dim3A_3136, %select_n3A_3115 : vector<128x128xi1>, vector<128x128xf32>
    %get3A_3138 = arith.constant 10 : index
    %get3A_3139 = arith.constant 2 : index
    %get3A_3140 = memref.load %arg0[%get3A_3138, %get3A_3139] : memref<16x8xi32, #tpu.memory_space<smem>>
    %eq3A_3141 = vector.broadcast %get3A_3140 : i32 to vector<128x128xi32>
    %eq3A_3142 = arith.cmpi eq, %iota3A_0, %eq3A_3141 : vector<128x128xi32>
    %get3A_3143 = arith.constant 10 : index
    %get3A_3144 = arith.constant 2 : index
    %get3A_3145 = memref.load %arg1[%get3A_3143, %get3A_3144] : memref<16x8xi32, #tpu.memory_space<smem>>
    %eq3A_3146 = vector.broadcast %get3A_3145 : i32 to vector<128x128xi32>
    %eq3A_3147 = arith.cmpi eq, %iota3A, %eq3A_3146 : vector<128x128xi32>
    %and3A_3148 = arith.andi %eq3A_3142, %eq3A_3147 : vector<128x128xi1>
    %or3A_3149 = arith.ori %or3A_3127, %and3A_3148 : vector<128x128xi1>
    %get3A_3150 = arith.constant 10 : index
    %get3A_3151 = arith.constant 2 : index
    %get3A_3152 = memref.load %arg2[%get3A_3150, %get3A_3151] : memref<16x8xf32, #tpu.memory_space<smem>>
    %broadcast_in_dim3A_3153 = vector.broadcast %get3A_3152 : f32 to vector<128x128xf32>
    %select_n3A_3154 = arith.select %and3A_3148, %broadcast_in_dim3A_3153, %select_n3A_3132 : vector<128x128xi1>, vector<128x128xf32>
    %get3A_3155 = arith.constant 10 : index
    %get3A_3156 = arith.constant 2 : index
    %get3A_3157 = memref.load %arg3[%get3A_3155, %get3A_3156] : memref<16x8xf32, #tpu.memory_space<smem>>
    %broadcast_in_dim3A_3158 = vector.broadcast %get3A_3157 : f32 to vector<128x128xf32>
    %select_n3A_3159 = arith.select %and3A_3148, %broadcast_in_dim3A_3158, %select_n3A_3137 : vector<128x128xi1>, vector<128x128xf32>
    %get3A_3160 = arith.constant 10 : index
    %get3A_3161 = arith.constant 3 : index
    %get3A_3162 = memref.load %arg0[%get3A_3160, %get3A_3161] : memref<16x8xi32, #tpu.memory_space<smem>>
    %eq3A_3163 = vector.broadcast %get3A_3162 : i32 to vector<128x128xi32>
    %eq3A_3164 = arith.cmpi eq, %iota3A_0, %eq3A_3163 : vector<128x128xi32>
    %get3A_3165 = arith.constant 10 : index
    %get3A_3166 = arith.constant 3 : index
    %get3A_3167 = memref.load %arg1[%get3A_3165, %get3A_3166] : memref<16x8xi32, #tpu.memory_space<smem>>
    %eq3A_3168 = vector.broadcast %get3A_3167 : i32 to vector<128x128xi32>
    %eq3A_3169 = arith.cmpi eq, %iota3A, %eq3A_3168 : vector<128x128xi32>
    %and3A_3170 = arith.andi %eq3A_3164, %eq3A_3169 : vector<128x128xi1>
    %or3A_3171 = arith.ori %or3A_3149, %and3A_3170 : vector<128x128xi1>
    %get3A_3172 = arith.constant 10 : index
    %get3A_3173 = arith.constant 3 : index
    %get3A_3174 = memref.load %arg2[%get3A_3172, %get3A_3173] : memref<16x8xf32, #tpu.memory_space<smem>>
    %broadcast_in_dim3A_3175 = vector.broadcast %get3A_3174 : f32 to vector<128x128xf32>
    %select_n3A_3176 = arith.select %and3A_3170, %broadcast_in_dim3A_3175, %select_n3A_3154 : vector<128x128xi1>, vector<128x128xf32>
    %get3A_3177 = arith.constant 10 : index
    %get3A_3178 = arith.constant 3 : index
    %get3A_3179 = memref.load %arg3[%get3A_3177, %get3A_3178] : memref<16x8xf32, #tpu.memory_space<smem>>
    %broadcast_in_dim3A_3180 = vector.broadcast %get3A_3179 : f32 to vector<128x128xf32>
    %select_n3A_3181 = arith.select %and3A_3170, %broadcast_in_dim3A_3180, %select_n3A_3159 : vector<128x128xi1>, vector<128x128xf32>
    %get3A_3182 = arith.constant 10 : index
    %get3A_3183 = arith.constant 4 : index
    %get3A_3184 = memref.load %arg0[%get3A_3182, %get3A_3183] : memref<16x8xi32, #tpu.memory_space<smem>>
    %eq3A_3185 = vector.broadcast %get3A_3184 : i32 to vector<128x128xi32>
    %eq3A_3186 = arith.cmpi eq, %iota3A_0, %eq3A_3185 : vector<128x128xi32>
    %get3A_3187 = arith.constant 10 : index
    %get3A_3188 = arith.constant 4 : index
    %get3A_3189 = memref.load %arg1[%get3A_3187, %get3A_3188] : memref<16x8xi32, #tpu.memory_space<smem>>
    %eq3A_3190 = vector.broadcast %get3A_3189 : i32 to vector<128x128xi32>
    %eq3A_3191 = arith.cmpi eq, %iota3A, %eq3A_3190 : vector<128x128xi32>
    %and3A_3192 = arith.andi %eq3A_3186, %eq3A_3191 : vector<128x128xi1>
    %or3A_3193 = arith.ori %or3A_3171, %and3A_3192 : vector<128x128xi1>
    %get3A_3194 = arith.constant 10 : index
    %get3A_3195 = arith.constant 4 : index
    %get3A_3196 = memref.load %arg2[%get3A_3194, %get3A_3195] : memref<16x8xf32, #tpu.memory_space<smem>>
    %broadcast_in_dim3A_3197 = vector.broadcast %get3A_3196 : f32 to vector<128x128xf32>
    %select_n3A_3198 = arith.select %and3A_3192, %broadcast_in_dim3A_3197, %select_n3A_3176 : vector<128x128xi1>, vector<128x128xf32>
    %get3A_3199 = arith.constant 10 : index
    %get3A_3200 = arith.constant 4 : index
    %get3A_3201 = memref.load %arg3[%get3A_3199, %get3A_3200] : memref<16x8xf32, #tpu.memory_space<smem>>
    %broadcast_in_dim3A_3202 = vector.broadcast %get3A_3201 : f32 to vector<128x128xf32>
    %select_n3A_3203 = arith.select %and3A_3192, %broadcast_in_dim3A_3202, %select_n3A_3181 : vector<128x128xi1>, vector<128x128xf32>
    %get3A_3204 = arith.constant 10 : index
    %get3A_3205 = arith.constant 5 : index
    %get3A_3206 = memref.load %arg0[%get3A_3204, %get3A_3205] : memref<16x8xi32, #tpu.memory_space<smem>>
    %eq3A_3207 = vector.broadcast %get3A_3206 : i32 to vector<128x128xi32>
    %eq3A_3208 = arith.cmpi eq, %iota3A_0, %eq3A_3207 : vector<128x128xi32>
    %get3A_3209 = arith.constant 10 : index
    %get3A_3210 = arith.constant 5 : index
    %get3A_3211 = memref.load %arg1[%get3A_3209, %get3A_3210] : memref<16x8xi32, #tpu.memory_space<smem>>
    %eq3A_3212 = vector.broadcast %get3A_3211 : i32 to vector<128x128xi32>
    %eq3A_3213 = arith.cmpi eq, %iota3A, %eq3A_3212 : vector<128x128xi32>
    %and3A_3214 = arith.andi %eq3A_3208, %eq3A_3213 : vector<128x128xi1>
    %or3A_3215 = arith.ori %or3A_3193, %and3A_3214 : vector<128x128xi1>
    %get3A_3216 = arith.constant 10 : index
    %get3A_3217 = arith.constant 5 : index
    %get3A_3218 = memref.load %arg2[%get3A_3216, %get3A_3217] : memref<16x8xf32, #tpu.memory_space<smem>>
    %broadcast_in_dim3A_3219 = vector.broadcast %get3A_3218 : f32 to vector<128x128xf32>
    %select_n3A_3220 = arith.select %and3A_3214, %broadcast_in_dim3A_3219, %select_n3A_3198 : vector<128x128xi1>, vector<128x128xf32>
    %get3A_3221 = arith.constant 10 : index
    %get3A_3222 = arith.constant 5 : index
    %get3A_3223 = memref.load %arg3[%get3A_3221, %get3A_3222] : memref<16x8xf32, #tpu.memory_space<smem>>
    %broadcast_in_dim3A_3224 = vector.broadcast %get3A_3223 : f32 to vector<128x128xf32>
    %select_n3A_3225 = arith.select %and3A_3214, %broadcast_in_dim3A_3224, %select_n3A_3203 : vector<128x128xi1>, vector<128x128xf32>
    %get3A_3226 = arith.constant 10 : index
    %get3A_3227 = arith.constant 6 : index
    %get3A_3228 = memref.load %arg0[%get3A_3226, %get3A_3227] : memref<16x8xi32, #tpu.memory_space<smem>>
    %eq3A_3229 = vector.broadcast %get3A_3228 : i32 to vector<128x128xi32>
    %eq3A_3230 = arith.cmpi eq, %iota3A_0, %eq3A_3229 : vector<128x128xi32>
    %get3A_3231 = arith.constant 10 : index
    %get3A_3232 = arith.constant 6 : index
    %get3A_3233 = memref.load %arg1[%get3A_3231, %get3A_3232] : memref<16x8xi32, #tpu.memory_space<smem>>
    %eq3A_3234 = vector.broadcast %get3A_3233 : i32 to vector<128x128xi32>
    %eq3A_3235 = arith.cmpi eq, %iota3A, %eq3A_3234 : vector<128x128xi32>
    %and3A_3236 = arith.andi %eq3A_3230, %eq3A_3235 : vector<128x128xi1>
    %or3A_3237 = arith.ori %or3A_3215, %and3A_3236 : vector<128x128xi1>
    %get3A_3238 = arith.constant 10 : index
    %get3A_3239 = arith.constant 6 : index
    %get3A_3240 = memref.load %arg2[%get3A_3238, %get3A_3239] : memref<16x8xf32, #tpu.memory_space<smem>>
    %broadcast_in_dim3A_3241 = vector.broadcast %get3A_3240 : f32 to vector<128x128xf32>
    %select_n3A_3242 = arith.select %and3A_3236, %broadcast_in_dim3A_3241, %select_n3A_3220 : vector<128x128xi1>, vector<128x128xf32>
    %get3A_3243 = arith.constant 10 : index
    %get3A_3244 = arith.constant 6 : index
    %get3A_3245 = memref.load %arg3[%get3A_3243, %get3A_3244] : memref<16x8xf32, #tpu.memory_space<smem>>
    %broadcast_in_dim3A_3246 = vector.broadcast %get3A_3245 : f32 to vector<128x128xf32>
    %select_n3A_3247 = arith.select %and3A_3236, %broadcast_in_dim3A_3246, %select_n3A_3225 : vector<128x128xi1>, vector<128x128xf32>
    %get3A_3248 = arith.constant 10 : index
    %get3A_3249 = arith.constant 7 : index
    %get3A_3250 = memref.load %arg0[%get3A_3248, %get3A_3249] : memref<16x8xi32, #tpu.memory_space<smem>>
    %eq3A_3251 = vector.broadcast %get3A_3250 : i32 to vector<128x128xi32>
    %eq3A_3252 = arith.cmpi eq, %iota3A_0, %eq3A_3251 : vector<128x128xi32>
    %get3A_3253 = arith.constant 10 : index
    %get3A_3254 = arith.constant 7 : index
    %get3A_3255 = memref.load %arg1[%get3A_3253, %get3A_3254] : memref<16x8xi32, #tpu.memory_space<smem>>
    %eq3A_3256 = vector.broadcast %get3A_3255 : i32 to vector<128x128xi32>
    %eq3A_3257 = arith.cmpi eq, %iota3A, %eq3A_3256 : vector<128x128xi32>
    %and3A_3258 = arith.andi %eq3A_3252, %eq3A_3257 : vector<128x128xi1>
    %or3A_3259 = arith.ori %or3A_3237, %and3A_3258 : vector<128x128xi1>
    %get3A_3260 = arith.constant 10 : index
    %get3A_3261 = arith.constant 7 : index
    %get3A_3262 = memref.load %arg2[%get3A_3260, %get3A_3261] : memref<16x8xf32, #tpu.memory_space<smem>>
    %broadcast_in_dim3A_3263 = vector.broadcast %get3A_3262 : f32 to vector<128x128xf32>
    %select_n3A_3264 = arith.select %and3A_3258, %broadcast_in_dim3A_3263, %select_n3A_3242 : vector<128x128xi1>, vector<128x128xf32>
    %get3A_3265 = arith.constant 10 : index
    %get3A_3266 = arith.constant 7 : index
    %get3A_3267 = memref.load %arg3[%get3A_3265, %get3A_3266] : memref<16x8xf32, #tpu.memory_space<smem>>
    %broadcast_in_dim3A_3268 = vector.broadcast %get3A_3267 : f32 to vector<128x128xf32>
    %select_n3A_3269 = arith.select %and3A_3258, %broadcast_in_dim3A_3268, %select_n3A_3247 : vector<128x128xi1>, vector<128x128xf32>
    %convert_element_type3A_3270 = arith.extui %or3A_3259 : vector<128x128xi1> to vector<128x128xi32>
    %convert_element_type3A_3271 = arith.sitofp %convert_element_type3A_3270 : vector<128x128xi32> to vector<128x128xf32>
    %neg3A_3272 = arith.constant 0.000000e+00 : f32
    %neg3A_3273 = vector.broadcast %neg3A_3272 : f32 to vector<128x128xf32>
    %neg3A_3274 = arith.subf %neg3A_3273, %get3A_3036 : vector<128x128xf32>
    %exp3A_3275 = math.exp %neg3A_3274 : vector<128x128xf32>
    %add3A_3276 = arith.constant 1.000000e+00 : f32
    %add3A_3277 = vector.broadcast %add3A_3276 : f32 to vector<128x128xf32>
    %add3A_3278 = arith.addf %add3A_3277, %exp3A_3275 : vector<128x128xf32>
    %div3A_3279 = arith.constant 1.000000e+00 : f32
    %div3A_3280 = vector.broadcast %div3A_3279 : f32 to vector<128x128xf32>
    %div3A_3281 = arith.divf %div3A_3280, %add3A_3278 : vector<128x128xf32>
    %jit3A_3282 = arith.constant 0xFF800000 : f32
    %broadcast_in_dim3A_3283 = vector.broadcast %jit3A_3282 : f32 to vector<128x128xf32>
    %select_n3A_3284 = arith.select %or3A_3259, %broadcast_in_dim3A_3283, %div3A_3281 : vector<128x128xi1>, vector<128x128xf32>
    %bitcast_convert_type3A_3285 = tpu.bitcast %select_n3A_3284 : vector<128x128xf32> -> vector<128x128xi32>
    %ge3A_3286 = arith.constant 0 : i32
    %ge3A_3287 = vector.broadcast %ge3A_3286 : i32 to vector<128x128xi32>
    %ge3A_3288 = arith.cmpi sge, %bitcast_convert_type3A_3285, %ge3A_3287 : vector<128x128xi32>
    %xor3A_3289 = arith.constant 2147483647 : i32
    %xor3A_3290 = vector.broadcast %xor3A_3289 : i32 to vector<128x128xi32>
    %xor3A_3291 = arith.xori %bitcast_convert_type3A_3285, %xor3A_3290 : vector<128x128xi32>
    %select_n3A_3292 = arith.select %ge3A_3288, %bitcast_convert_type3A_3285, %xor3A_3291 : vector<128x128xi1>, vector<128x128xi32>
    %max3A_3293 = arith.constant -1 : i32
    %max3A_3294 = vector.broadcast %max3A_3293 : i32 to vector<128x128xi32>
    %max3A_3295 = arith.maxsi %select_n3A_3292, %max3A_3294 : vector<128x128xi32>
    %swap3A_3296 = arith.constant 1280 : index
    %swap3A_3297 = arith.constant 0 : index
    %swap3A_3298 = vector.load %arg8[%swap3A_3296, %swap3A_3297] : memref<2048x128xi32, #tpu.memory_space<vmem>>, vector<128x128xi32>
    tpu.vector_store %arg8[%swap3A_3296, %swap3A_3297], %max3A_3295 {strides = array<i32>} : memref<2048x128xi32, #tpu.memory_space<vmem>>, vector<128x128xi32>,
    %swap3A_3299 = arith.constant 1280 : index
    %swap3A_3300 = arith.constant 0 : index
    %swap3A_3301 = vector.load %arg9[%swap3A_3299, %swap3A_3300] : memref<2048x128xf32, #tpu.memory_space<vmem>>, vector<128x128xf32>
    tpu.vector_store %arg9[%swap3A_3299, %swap3A_3300], %add3A_3067 {strides = array<i32>} : memref<2048x128xf32, #tpu.memory_space<vmem>>, vector<128x128xf32>,
    %reduce_sum3A_3302 = vector.shape_cast %mul3A_3087 : vector<128x128xf32> to vector<1x128x128xf32>
    %reduce_sum3A_3303 = arith.constant dense<0.000000e+00> : vector<1xf32>
    %reduce_sum3A_3304 = vector.multi_reduction <add>, %reduce_sum3A_3302, %reduce_sum3A_3303 [1, 2] : vector<1x128x128xf32> to vector<1xf32>
    %reduce_sum3A_3305 = vector.shape_cast %reduce_sum3A_3304 : vector<1xf32> to vector<1x1x1xf32>
    %reduce_sum3A_3306 = vector.extract %reduce_sum3A_3305[0, 0, 0] : f32 from vector<1x1x1xf32>
    %add3A_3307 = arith.addf %add3A_3002, %reduce_sum3A_3306 : f32
    %mul3A_3308 = arith.mulf %mul3A_3087, %convert_element_type3A_3271 : vector<128x128xf32>
    %reduce_sum3A_3309 = vector.shape_cast %mul3A_3308 : vector<128x128xf32> to vector<1x128x128xf32>
    %reduce_sum3A_3310 = arith.constant dense<0.000000e+00> : vector<1xf32>
    %reduce_sum3A_3311 = vector.multi_reduction <add>, %reduce_sum3A_3309, %reduce_sum3A_3310 [1, 2] : vector<1x128x128xf32> to vector<1xf32>
    %reduce_sum3A_3312 = vector.shape_cast %reduce_sum3A_3311 : vector<1xf32> to vector<1x1x1xf32>
    %reduce_sum3A_3313 = vector.extract %reduce_sum3A_3312[0, 0, 0] : f32 from vector<1x1x1xf32>
    %add3A_3314 = arith.addf %add3A_3009, %reduce_sum3A_3313 : f32
    %reduce_sum3A_3315 = vector.shape_cast %convert_element_type3A_3271 : vector<128x128xf32> to vector<1x128x128xf32>
    %reduce_sum3A_3316 = arith.constant dense<0.000000e+00> : vector<1xf32>
    %reduce_sum3A_3317 = vector.multi_reduction <add>, %reduce_sum3A_3315, %reduce_sum3A_3316 [1, 2] : vector<1x128x128xf32> to vector<1xf32>
    %reduce_sum3A_3318 = vector.shape_cast %reduce_sum3A_3317 : vector<1xf32> to vector<1x1x1xf32>
    %reduce_sum3A_3319 = vector.extract %reduce_sum3A_3318[0, 0, 0] : f32 from vector<1x1x1xf32>
    %add3A_3320 = arith.addf %add3A_3015, %reduce_sum3A_3319 : f32
    %get3A_3321 = arith.constant 1280 : index
    %get3A_3322 = arith.constant 0 : index
    %get3A_3323 = vector.load %arg6[%get3A_3321, %get3A_3322] : memref<2048x128xf32, #tpu.memory_space<vmem>>, vector<128x128xf32>
    %get3A_3324 = arith.constant 1280 : index
    %get3A_3325 = arith.constant 0 : index
    %get3A_3326 = vector.load %arg7[%get3A_3324, %get3A_3325] : memref<2048x128xf32, #tpu.memory_space<vmem>>, vector<128x128xf32>
    %sub3A_3327 = arith.subf %get3A_3323, %select_n3A_3264 : vector<128x128xf32>
    %abs3A_3328 = math.absf %sub3A_3327 : vector<128x128xf32>
    %sub3A_3329 = arith.subf %get3A_3326, %select_n3A_3269 : vector<128x128xf32>
    %abs3A_3330 = math.absf %sub3A_3329 : vector<128x128xf32>
    %add3A_3331 = arith.addf %abs3A_3328, %abs3A_3330 : vector<128x128xf32>
    %mul3A_3332 = arith.mulf %convert_element_type3A_3271, %add3A_3331 : vector<128x128xf32>
    %reduce_sum3A_3333 = vector.shape_cast %mul3A_3332 : vector<128x128xf32> to vector<1x128x128xf32>
    %reduce_sum3A_3334 = arith.constant dense<0.000000e+00> : vector<1xf32>
    %reduce_sum3A_3335 = vector.multi_reduction <add>, %reduce_sum3A_3333, %reduce_sum3A_3334 [1, 2] : vector<1x128x128xf32> to vector<1xf32>
    %reduce_sum3A_3336 = vector.shape_cast %reduce_sum3A_3335 : vector<1xf32> to vector<1x1x1xf32>
    %reduce_sum3A_3337 = vector.extract %reduce_sum3A_3336[0, 0, 0] : f32 from vector<1x1x1xf32>
    %add3A_3338 = arith.addf %add3A_3033, %reduce_sum3A_3337 : f32
    %get3A_3339 = arith.constant 1408 : index
    %get3A_3340 = arith.constant 0 : index
    %get3A_3341 = vector.load %arg5[%get3A_3339, %get3A_3340] : memref<2048x128xf32, #tpu.memory_space<vmem>>, vector<128x128xf32>
    %get3A_3342 = arith.constant 11 : index
    %get3A_3343 = arith.constant 7 : index
    %get3A_3344 = memref.load %arg0[%get3A_3342, %get3A_3343] : memref<16x8xi32, #tpu.memory_space<smem>>
    %convert_element_type3A_3345 = arith.sitofp %get3A_3344 : i32 to f32
    %get3A_3346 = arith.constant 11 : index
    %get3A_3347 = arith.constant 7 : index
    %get3A_3348 = memref.load %arg1[%get3A_3346, %get3A_3347] : memref<16x8xi32, #tpu.memory_space<smem>>
    %convert_element_type3A_3349 = arith.sitofp %get3A_3348 : i32 to f32
    %sub3A_3350 = vector.broadcast %convert_element_type3A_3345 : f32 to vector<128x128xf32>
    %sub3A_3351 = arith.subf %convert_element_type3A_1, %sub3A_3350 : vector<128x128xf32>
    %integer_pow3A_3352 = arith.mulf %sub3A_3351, %sub3A_3351 : vector<128x128xf32>
    %sub3A_3353 = vector.broadcast %convert_element_type3A_3349 : f32 to vector<128x128xf32>
    %sub3A_3354 = arith.subf %convert_element_type3A, %sub3A_3353 : vector<128x128xf32>
    %integer_pow3A_3355 = arith.mulf %sub3A_3354, %sub3A_3354 : vector<128x128xf32>
    %add3A_3356 = arith.addf %integer_pow3A_3352, %integer_pow3A_3355 : vector<128x128xf32>
    %mul3A_3357 = arith.constant -2.000000e+00 : f32
    %mul3A_3358 = vector.broadcast %mul3A_3357 : f32 to vector<128x128xf32>
    %mul3A_3359 = arith.mulf %mul3A_3358, %add3A_3356 : vector<128x128xf32>
    %exp3A_3360 = math.exp %mul3A_3359 : vector<128x128xf32>
    %abs3A_3361 = math.absf %get3A_3341 : vector<128x128xf32>
    %max3A_3362 = arith.constant 0.000000e+00 : f32
    %max3A_3363 = vector.broadcast %max3A_3362 : f32 to vector<128x128xf32>
    %max3A_3364 = arith.maximumf %get3A_3341, %max3A_3363 : vector<128x128xf32>
    %mul3A_3365 = arith.mulf %get3A_3341, %exp3A_3360 : vector<128x128xf32>
    %sub3A_3366 = arith.subf %max3A_3364, %mul3A_3365 : vector<128x128xf32>
    %neg3A_3367 = arith.constant 0.000000e+00 : f32
    %neg3A_3368 = vector.broadcast %neg3A_3367 : f32 to vector<128x128xf32>
    %neg3A_3369 = arith.subf %neg3A_3368, %abs3A_3361 : vector<128x128xf32>
    %exp3A_3370 = math.exp %neg3A_3369 : vector<128x128xf32>
    %log1p3A_3371 = math.log1p %exp3A_3370 : vector<128x128xf32>
    %add3A_3372 = arith.addf %sub3A_3366, %log1p3A_3371 : vector<128x128xf32>
    %neg3A_3373 = arith.constant 0.000000e+00 : f32
    %neg3A_3374 = vector.broadcast %neg3A_3373 : f32 to vector<128x128xf32>
    %neg3A_3375 = arith.subf %neg3A_3374, %add3A_3372 : vector<128x128xf32>
    %exp3A_3376 = math.exp %neg3A_3375 : vector<128x128xf32>
    %mul3A_3377 = arith.constant 2.500000e-01 : f32
    %mul3A_3378 = vector.broadcast %mul3A_3377 : f32 to vector<128x128xf32>
    %mul3A_3379 = arith.mulf %exp3A_3360, %mul3A_3378 : vector<128x128xf32>
    %sub3A_3380 = arith.constant 1.000000e+00 : f32
    %sub3A_3381 = vector.broadcast %sub3A_3380 : f32 to vector<128x128xf32>
    %sub3A_3382 = arith.subf %sub3A_3381, %exp3A_3360 : vector<128x128xf32>
    %mul3A_3383 = arith.constant 7.500000e-01 : f32
    %mul3A_3384 = vector.broadcast %mul3A_3383 : f32 to vector<128x128xf32>
    %mul3A_3385 = arith.mulf %sub3A_3382, %mul3A_3384 : vector<128x128xf32>
    %add3A_3386 = arith.addf %mul3A_3379, %mul3A_3385 : vector<128x128xf32>
    %sub3A_3387 = arith.constant 1.000000e+00 : f32
    %sub3A_3388 = vector.broadcast %sub3A_3387 : f32 to vector<128x128xf32>
    %sub3A_3389 = arith.subf %sub3A_3388, %exp3A_3376 : vector<128x128xf32>
    %mul3A_3390 = arith.mulf %add3A_3386, %sub3A_3389 : vector<128x128xf32>
    %mul3A_3391 = arith.mulf %mul3A_3390, %sub3A_3389 : vector<128x128xf32>
    %mul3A_3392 = arith.mulf %mul3A_3391, %add3A_3372 : vector<128x128xf32>
    %broadcast_in_dim3A_3393 = arith.constant false
    %broadcast_in_dim3A_3394 = vector.broadcast %broadcast_in_dim3A_3393 : i1 to vector<128x128xi1>
    %broadcast_in_dim3A_3395 = arith.constant 0.000000e+00 : f32
    %broadcast_in_dim3A_3396 = vector.broadcast %broadcast_in_dim3A_3395 : f32 to vector<128x128xf32>
    %broadcast_in_dim3A_3397 = arith.constant 0.000000e+00 : f32
    %broadcast_in_dim3A_3398 = vector.broadcast %broadcast_in_dim3A_3397 : f32 to vector<128x128xf32>
    %get3A_3399 = arith.constant 11 : index
    %get3A_3400 = arith.constant 0 : index
    %get3A_3401 = memref.load %arg0[%get3A_3399, %get3A_3400] : memref<16x8xi32, #tpu.memory_space<smem>>
    %eq3A_3402 = vector.broadcast %get3A_3401 : i32 to vector<128x128xi32>
    %eq3A_3403 = arith.cmpi eq, %iota3A_0, %eq3A_3402 : vector<128x128xi32>
    %get3A_3404 = arith.constant 11 : index
    %get3A_3405 = arith.constant 0 : index
    %get3A_3406 = memref.load %arg1[%get3A_3404, %get3A_3405] : memref<16x8xi32, #tpu.memory_space<smem>>
    %eq3A_3407 = vector.broadcast %get3A_3406 : i32 to vector<128x128xi32>
    %eq3A_3408 = arith.cmpi eq, %iota3A, %eq3A_3407 : vector<128x128xi32>
    %and3A_3409 = arith.andi %eq3A_3403, %eq3A_3408 : vector<128x128xi1>
    %or3A_3410 = arith.ori %broadcast_in_dim3A_3394, %and3A_3409 : vector<128x128xi1>
    %get3A_3411 = arith.constant 11 : index
    %get3A_3412 = arith.constant 0 : index
    %get3A_3413 = memref.load %arg2[%get3A_3411, %get3A_3412] : memref<16x8xf32, #tpu.memory_space<smem>>
    %broadcast_in_dim3A_3414 = vector.broadcast %get3A_3413 : f32 to vector<128x128xf32>
    %select_n3A_3415 = arith.select %and3A_3409, %broadcast_in_dim3A_3414, %broadcast_in_dim3A_3396 : vector<128x128xi1>, vector<128x128xf32>
    %get3A_3416 = arith.constant 11 : index
    %get3A_3417 = arith.constant 0 : index
    %get3A_3418 = memref.load %arg3[%get3A_3416, %get3A_3417] : memref<16x8xf32, #tpu.memory_space<smem>>
    %broadcast_in_dim3A_3419 = vector.broadcast %get3A_3418 : f32 to vector<128x128xf32>
    %select_n3A_3420 = arith.select %and3A_3409, %broadcast_in_dim3A_3419, %broadcast_in_dim3A_3398 : vector<128x128xi1>, vector<128x128xf32>
    %get3A_3421 = arith.constant 11 : index
    %get3A_3422 = arith.constant 1 : index
    %get3A_3423 = memref.load %arg0[%get3A_3421, %get3A_3422] : memref<16x8xi32, #tpu.memory_space<smem>>
    %eq3A_3424 = vector.broadcast %get3A_3423 : i32 to vector<128x128xi32>
    %eq3A_3425 = arith.cmpi eq, %iota3A_0, %eq3A_3424 : vector<128x128xi32>
    %get3A_3426 = arith.constant 11 : index
    %get3A_3427 = arith.constant 1 : index
    %get3A_3428 = memref.load %arg1[%get3A_3426, %get3A_3427] : memref<16x8xi32, #tpu.memory_space<smem>>
    %eq3A_3429 = vector.broadcast %get3A_3428 : i32 to vector<128x128xi32>
    %eq3A_3430 = arith.cmpi eq, %iota3A, %eq3A_3429 : vector<128x128xi32>
    %and3A_3431 = arith.andi %eq3A_3425, %eq3A_3430 : vector<128x128xi1>
    %or3A_3432 = arith.ori %or3A_3410, %and3A_3431 : vector<128x128xi1>
    %get3A_3433 = arith.constant 11 : index
    %get3A_3434 = arith.constant 1 : index
    %get3A_3435 = memref.load %arg2[%get3A_3433, %get3A_3434] : memref<16x8xf32, #tpu.memory_space<smem>>
    %broadcast_in_dim3A_3436 = vector.broadcast %get3A_3435 : f32 to vector<128x128xf32>
    %select_n3A_3437 = arith.select %and3A_3431, %broadcast_in_dim3A_3436, %select_n3A_3415 : vector<128x128xi1>, vector<128x128xf32>
    %get3A_3438 = arith.constant 11 : index
    %get3A_3439 = arith.constant 1 : index
    %get3A_3440 = memref.load %arg3[%get3A_3438, %get3A_3439] : memref<16x8xf32, #tpu.memory_space<smem>>
    %broadcast_in_dim3A_3441 = vector.broadcast %get3A_3440 : f32 to vector<128x128xf32>
    %select_n3A_3442 = arith.select %and3A_3431, %broadcast_in_dim3A_3441, %select_n3A_3420 : vector<128x128xi1>, vector<128x128xf32>
    %get3A_3443 = arith.constant 11 : index
    %get3A_3444 = arith.constant 2 : index
    %get3A_3445 = memref.load %arg0[%get3A_3443, %get3A_3444] : memref<16x8xi32, #tpu.memory_space<smem>>
    %eq3A_3446 = vector.broadcast %get3A_3445 : i32 to vector<128x128xi32>
    %eq3A_3447 = arith.cmpi eq, %iota3A_0, %eq3A_3446 : vector<128x128xi32>
    %get3A_3448 = arith.constant 11 : index
    %get3A_3449 = arith.constant 2 : index
    %get3A_3450 = memref.load %arg1[%get3A_3448, %get3A_3449] : memref<16x8xi32, #tpu.memory_space<smem>>
    %eq3A_3451 = vector.broadcast %get3A_3450 : i32 to vector<128x128xi32>
    %eq3A_3452 = arith.cmpi eq, %iota3A, %eq3A_3451 : vector<128x128xi32>
    %and3A_3453 = arith.andi %eq3A_3447, %eq3A_3452 : vector<128x128xi1>
    %or3A_3454 = arith.ori %or3A_3432, %and3A_3453 : vector<128x128xi1>
    %get3A_3455 = arith.constant 11 : index
    %get3A_3456 = arith.constant 2 : index
    %get3A_3457 = memref.load %arg2[%get3A_3455, %get3A_3456] : memref<16x8xf32, #tpu.memory_space<smem>>
    %broadcast_in_dim3A_3458 = vector.broadcast %get3A_3457 : f32 to vector<128x128xf32>
    %select_n3A_3459 = arith.select %and3A_3453, %broadcast_in_dim3A_3458, %select_n3A_3437 : vector<128x128xi1>, vector<128x128xf32>
    %get3A_3460 = arith.constant 11 : index
    %get3A_3461 = arith.constant 2 : index
    %get3A_3462 = memref.load %arg3[%get3A_3460, %get3A_3461] : memref<16x8xf32, #tpu.memory_space<smem>>
    %broadcast_in_dim3A_3463 = vector.broadcast %get3A_3462 : f32 to vector<128x128xf32>
    %select_n3A_3464 = arith.select %and3A_3453, %broadcast_in_dim3A_3463, %select_n3A_3442 : vector<128x128xi1>, vector<128x128xf32>
    %get3A_3465 = arith.constant 11 : index
    %get3A_3466 = arith.constant 3 : index
    %get3A_3467 = memref.load %arg0[%get3A_3465, %get3A_3466] : memref<16x8xi32, #tpu.memory_space<smem>>
    %eq3A_3468 = vector.broadcast %get3A_3467 : i32 to vector<128x128xi32>
    %eq3A_3469 = arith.cmpi eq, %iota3A_0, %eq3A_3468 : vector<128x128xi32>
    %get3A_3470 = arith.constant 11 : index
    %get3A_3471 = arith.constant 3 : index
    %get3A_3472 = memref.load %arg1[%get3A_3470, %get3A_3471] : memref<16x8xi32, #tpu.memory_space<smem>>
    %eq3A_3473 = vector.broadcast %get3A_3472 : i32 to vector<128x128xi32>
    %eq3A_3474 = arith.cmpi eq, %iota3A, %eq3A_3473 : vector<128x128xi32>
    %and3A_3475 = arith.andi %eq3A_3469, %eq3A_3474 : vector<128x128xi1>
    %or3A_3476 = arith.ori %or3A_3454, %and3A_3475 : vector<128x128xi1>
    %get3A_3477 = arith.constant 11 : index
    %get3A_3478 = arith.constant 3 : index
    %get3A_3479 = memref.load %arg2[%get3A_3477, %get3A_3478] : memref<16x8xf32, #tpu.memory_space<smem>>
    %broadcast_in_dim3A_3480 = vector.broadcast %get3A_3479 : f32 to vector<128x128xf32>
    %select_n3A_3481 = arith.select %and3A_3475, %broadcast_in_dim3A_3480, %select_n3A_3459 : vector<128x128xi1>, vector<128x128xf32>
    %get3A_3482 = arith.constant 11 : index
    %get3A_3483 = arith.constant 3 : index
    %get3A_3484 = memref.load %arg3[%get3A_3482, %get3A_3483] : memref<16x8xf32, #tpu.memory_space<smem>>
    %broadcast_in_dim3A_3485 = vector.broadcast %get3A_3484 : f32 to vector<128x128xf32>
    %select_n3A_3486 = arith.select %and3A_3475, %broadcast_in_dim3A_3485, %select_n3A_3464 : vector<128x128xi1>, vector<128x128xf32>
    %get3A_3487 = arith.constant 11 : index
    %get3A_3488 = arith.constant 4 : index
    %get3A_3489 = memref.load %arg0[%get3A_3487, %get3A_3488] : memref<16x8xi32, #tpu.memory_space<smem>>
    %eq3A_3490 = vector.broadcast %get3A_3489 : i32 to vector<128x128xi32>
    %eq3A_3491 = arith.cmpi eq, %iota3A_0, %eq3A_3490 : vector<128x128xi32>
    %get3A_3492 = arith.constant 11 : index
    %get3A_3493 = arith.constant 4 : index
    %get3A_3494 = memref.load %arg1[%get3A_3492, %get3A_3493] : memref<16x8xi32, #tpu.memory_space<smem>>
    %eq3A_3495 = vector.broadcast %get3A_3494 : i32 to vector<128x128xi32>
    %eq3A_3496 = arith.cmpi eq, %iota3A, %eq3A_3495 : vector<128x128xi32>
    %and3A_3497 = arith.andi %eq3A_3491, %eq3A_3496 : vector<128x128xi1>
    %or3A_3498 = arith.ori %or3A_3476, %and3A_3497 : vector<128x128xi1>
    %get3A_3499 = arith.constant 11 : index
    %get3A_3500 = arith.constant 4 : index
    %get3A_3501 = memref.load %arg2[%get3A_3499, %get3A_3500] : memref<16x8xf32, #tpu.memory_space<smem>>
    %broadcast_in_dim3A_3502 = vector.broadcast %get3A_3501 : f32 to vector<128x128xf32>
    %select_n3A_3503 = arith.select %and3A_3497, %broadcast_in_dim3A_3502, %select_n3A_3481 : vector<128x128xi1>, vector<128x128xf32>
    %get3A_3504 = arith.constant 11 : index
    %get3A_3505 = arith.constant 4 : index
    %get3A_3506 = memref.load %arg3[%get3A_3504, %get3A_3505] : memref<16x8xf32, #tpu.memory_space<smem>>
    %broadcast_in_dim3A_3507 = vector.broadcast %get3A_3506 : f32 to vector<128x128xf32>
    %select_n3A_3508 = arith.select %and3A_3497, %broadcast_in_dim3A_3507, %select_n3A_3486 : vector<128x128xi1>, vector<128x128xf32>
    %get3A_3509 = arith.constant 11 : index
    %get3A_3510 = arith.constant 5 : index
    %get3A_3511 = memref.load %arg0[%get3A_3509, %get3A_3510] : memref<16x8xi32, #tpu.memory_space<smem>>
    %eq3A_3512 = vector.broadcast %get3A_3511 : i32 to vector<128x128xi32>
    %eq3A_3513 = arith.cmpi eq, %iota3A_0, %eq3A_3512 : vector<128x128xi32>
    %get3A_3514 = arith.constant 11 : index
    %get3A_3515 = arith.constant 5 : index
    %get3A_3516 = memref.load %arg1[%get3A_3514, %get3A_3515] : memref<16x8xi32, #tpu.memory_space<smem>>
    %eq3A_3517 = vector.broadcast %get3A_3516 : i32 to vector<128x128xi32>
    %eq3A_3518 = arith.cmpi eq, %iota3A, %eq3A_3517 : vector<128x128xi32>
    %and3A_3519 = arith.andi %eq3A_3513, %eq3A_3518 : vector<128x128xi1>
    %or3A_3520 = arith.ori %or3A_3498, %and3A_3519 : vector<128x128xi1>
    %get3A_3521 = arith.constant 11 : index
    %get3A_3522 = arith.constant 5 : index
    %get3A_3523 = memref.load %arg2[%get3A_3521, %get3A_3522] : memref<16x8xf32, #tpu.memory_space<smem>>
    %broadcast_in_dim3A_3524 = vector.broadcast %get3A_3523 : f32 to vector<128x128xf32>
    %select_n3A_3525 = arith.select %and3A_3519, %broadcast_in_dim3A_3524, %select_n3A_3503 : vector<128x128xi1>, vector<128x128xf32>
    %get3A_3526 = arith.constant 11 : index
    %get3A_3527 = arith.constant 5 : index
    %get3A_3528 = memref.load %arg3[%get3A_3526, %get3A_3527] : memref<16x8xf32, #tpu.memory_space<smem>>
    %broadcast_in_dim3A_3529 = vector.broadcast %get3A_3528 : f32 to vector<128x128xf32>
    %select_n3A_3530 = arith.select %and3A_3519, %broadcast_in_dim3A_3529, %select_n3A_3508 : vector<128x128xi1>, vector<128x128xf32>
    %get3A_3531 = arith.constant 11 : index
    %get3A_3532 = arith.constant 6 : index
    %get3A_3533 = memref.load %arg0[%get3A_3531, %get3A_3532] : memref<16x8xi32, #tpu.memory_space<smem>>
    %eq3A_3534 = vector.broadcast %get3A_3533 : i32 to vector<128x128xi32>
    %eq3A_3535 = arith.cmpi eq, %iota3A_0, %eq3A_3534 : vector<128x128xi32>
    %get3A_3536 = arith.constant 11 : index
    %get3A_3537 = arith.constant 6 : index
    %get3A_3538 = memref.load %arg1[%get3A_3536, %get3A_3537] : memref<16x8xi32, #tpu.memory_space<smem>>
    %eq3A_3539 = vector.broadcast %get3A_3538 : i32 to vector<128x128xi32>
    %eq3A_3540 = arith.cmpi eq, %iota3A, %eq3A_3539 : vector<128x128xi32>
    %and3A_3541 = arith.andi %eq3A_3535, %eq3A_3540 : vector<128x128xi1>
    %or3A_3542 = arith.ori %or3A_3520, %and3A_3541 : vector<128x128xi1>
    %get3A_3543 = arith.constant 11 : index
    %get3A_3544 = arith.constant 6 : index
    %get3A_3545 = memref.load %arg2[%get3A_3543, %get3A_3544] : memref<16x8xf32, #tpu.memory_space<smem>>
    %broadcast_in_dim3A_3546 = vector.broadcast %get3A_3545 : f32 to vector<128x128xf32>
    %select_n3A_3547 = arith.select %and3A_3541, %broadcast_in_dim3A_3546, %select_n3A_3525 : vector<128x128xi1>, vector<128x128xf32>
    %get3A_3548 = arith.constant 11 : index
    %get3A_3549 = arith.constant 6 : index
    %get3A_3550 = memref.load %arg3[%get3A_3548, %get3A_3549] : memref<16x8xf32, #tpu.memory_space<smem>>
    %broadcast_in_dim3A_3551 = vector.broadcast %get3A_3550 : f32 to vector<128x128xf32>
    %select_n3A_3552 = arith.select %and3A_3541, %broadcast_in_dim3A_3551, %select_n3A_3530 : vector<128x128xi1>, vector<128x128xf32>
    %get3A_3553 = arith.constant 11 : index
    %get3A_3554 = arith.constant 7 : index
    %get3A_3555 = memref.load %arg0[%get3A_3553, %get3A_3554] : memref<16x8xi32, #tpu.memory_space<smem>>
    %eq3A_3556 = vector.broadcast %get3A_3555 : i32 to vector<128x128xi32>
    %eq3A_3557 = arith.cmpi eq, %iota3A_0, %eq3A_3556 : vector<128x128xi32>
    %get3A_3558 = arith.constant 11 : index
    %get3A_3559 = arith.constant 7 : index
    %get3A_3560 = memref.load %arg1[%get3A_3558, %get3A_3559] : memref<16x8xi32, #tpu.memory_space<smem>>
    %eq3A_3561 = vector.broadcast %get3A_3560 : i32 to vector<128x128xi32>
    %eq3A_3562 = arith.cmpi eq, %iota3A, %eq3A_3561 : vector<128x128xi32>
    %and3A_3563 = arith.andi %eq3A_3557, %eq3A_3562 : vector<128x128xi1>
    %or3A_3564 = arith.ori %or3A_3542, %and3A_3563 : vector<128x128xi1>
    %get3A_3565 = arith.constant 11 : index
    %get3A_3566 = arith.constant 7 : index
    %get3A_3567 = memref.load %arg2[%get3A_3565, %get3A_3566] : memref<16x8xf32, #tpu.memory_space<smem>>
    %broadcast_in_dim3A_3568 = vector.broadcast %get3A_3567 : f32 to vector<128x128xf32>
    %select_n3A_3569 = arith.select %and3A_3563, %broadcast_in_dim3A_3568, %select_n3A_3547 : vector<128x128xi1>, vector<128x128xf32>
    %get3A_3570 = arith.constant 11 : index
    %get3A_3571 = arith.constant 7 : index
    %get3A_3572 = memref.load %arg3[%get3A_3570, %get3A_3571] : memref<16x8xf32, #tpu.memory_space<smem>>
    %broadcast_in_dim3A_3573 = vector.broadcast %get3A_3572 : f32 to vector<128x128xf32>
    %select_n3A_3574 = arith.select %and3A_3563, %broadcast_in_dim3A_3573, %select_n3A_3552 : vector<128x128xi1>, vector<128x128xf32>
    %convert_element_type3A_3575 = arith.extui %or3A_3564 : vector<128x128xi1> to vector<128x128xi32>
    %convert_element_type3A_3576 = arith.sitofp %convert_element_type3A_3575 : vector<128x128xi32> to vector<128x128xf32>
    %neg3A_3577 = arith.constant 0.000000e+00 : f32
    %neg3A_3578 = vector.broadcast %neg3A_3577 : f32 to vector<128x128xf32>
    %neg3A_3579 = arith.subf %neg3A_3578, %get3A_3341 : vector<128x128xf32>
    %exp3A_3580 = math.exp %neg3A_3579 : vector<128x128xf32>
    %add3A_3581 = arith.constant 1.000000e+00 : f32
    %add3A_3582 = vector.broadcast %add3A_3581 : f32 to vector<128x128xf32>
    %add3A_3583 = arith.addf %add3A_3582, %exp3A_3580 : vector<128x128xf32>
    %div3A_3584 = arith.constant 1.000000e+00 : f32
    %div3A_3585 = vector.broadcast %div3A_3584 : f32 to vector<128x128xf32>
    %div3A_3586 = arith.divf %div3A_3585, %add3A_3583 : vector<128x128xf32>
    %jit3A_3587 = arith.constant 0xFF800000 : f32
    %broadcast_in_dim3A_3588 = vector.broadcast %jit3A_3587 : f32 to vector<128x128xf32>
    %select_n3A_3589 = arith.select %or3A_3564, %broadcast_in_dim3A_3588, %div3A_3586 : vector<128x128xi1>, vector<128x128xf32>
    %bitcast_convert_type3A_3590 = tpu.bitcast %select_n3A_3589 : vector<128x128xf32> -> vector<128x128xi32>
    %ge3A_3591 = arith.constant 0 : i32
    %ge3A_3592 = vector.broadcast %ge3A_3591 : i32 to vector<128x128xi32>
    %ge3A_3593 = arith.cmpi sge, %bitcast_convert_type3A_3590, %ge3A_3592 : vector<128x128xi32>
    %xor3A_3594 = arith.constant 2147483647 : i32
    %xor3A_3595 = vector.broadcast %xor3A_3594 : i32 to vector<128x128xi32>
    %xor3A_3596 = arith.xori %bitcast_convert_type3A_3590, %xor3A_3595 : vector<128x128xi32>
    %select_n3A_3597 = arith.select %ge3A_3593, %bitcast_convert_type3A_3590, %xor3A_3596 : vector<128x128xi1>, vector<128x128xi32>
    %max3A_3598 = arith.constant -1 : i32
    %max3A_3599 = vector.broadcast %max3A_3598 : i32 to vector<128x128xi32>
    %max3A_3600 = arith.maxsi %select_n3A_3597, %max3A_3599 : vector<128x128xi32>
    %swap3A_3601 = arith.constant 1408 : index
    %swap3A_3602 = arith.constant 0 : index
    %swap3A_3603 = vector.load %arg8[%swap3A_3601, %swap3A_3602] : memref<2048x128xi32, #tpu.memory_space<vmem>>, vector<128x128xi32>
    tpu.vector_store %arg8[%swap3A_3601, %swap3A_3602], %max3A_3600 {strides = array<i32>} : memref<2048x128xi32, #tpu.memory_space<vmem>>, vector<128x128xi32>,
    %swap3A_3604 = arith.constant 1408 : index
    %swap3A_3605 = arith.constant 0 : index
    %swap3A_3606 = vector.load %arg9[%swap3A_3604, %swap3A_3605] : memref<2048x128xf32, #tpu.memory_space<vmem>>, vector<128x128xf32>
    tpu.vector_store %arg9[%swap3A_3604, %swap3A_3605], %add3A_3372 {strides = array<i32>} : memref<2048x128xf32, #tpu.memory_space<vmem>>, vector<128x128xf32>,
    %reduce_sum3A_3607 = vector.shape_cast %mul3A_3392 : vector<128x128xf32> to vector<1x128x128xf32>
    %reduce_sum3A_3608 = arith.constant dense<0.000000e+00> : vector<1xf32>
    %reduce_sum3A_3609 = vector.multi_reduction <add>, %reduce_sum3A_3607, %reduce_sum3A_3608 [1, 2] : vector<1x128x128xf32> to vector<1xf32>
    %reduce_sum3A_3610 = vector.shape_cast %reduce_sum3A_3609 : vector<1xf32> to vector<1x1x1xf32>
    %reduce_sum3A_3611 = vector.extract %reduce_sum3A_3610[0, 0, 0] : f32 from vector<1x1x1xf32>
    %add3A_3612 = arith.addf %add3A_3307, %reduce_sum3A_3611 : f32
    %mul3A_3613 = arith.mulf %mul3A_3392, %convert_element_type3A_3576 : vector<128x128xf32>
    %reduce_sum3A_3614 = vector.shape_cast %mul3A_3613 : vector<128x128xf32> to vector<1x128x128xf32>
    %reduce_sum3A_3615 = arith.constant dense<0.000000e+00> : vector<1xf32>
    %reduce_sum3A_3616 = vector.multi_reduction <add>, %reduce_sum3A_3614, %reduce_sum3A_3615 [1, 2] : vector<1x128x128xf32> to vector<1xf32>
    %reduce_sum3A_3617 = vector.shape_cast %reduce_sum3A_3616 : vector<1xf32> to vector<1x1x1xf32>
    %reduce_sum3A_3618 = vector.extract %reduce_sum3A_3617[0, 0, 0] : f32 from vector<1x1x1xf32>
    %add3A_3619 = arith.addf %add3A_3314, %reduce_sum3A_3618 : f32
    %reduce_sum3A_3620 = vector.shape_cast %convert_element_type3A_3576 : vector<128x128xf32> to vector<1x128x128xf32>
    %reduce_sum3A_3621 = arith.constant dense<0.000000e+00> : vector<1xf32>
    %reduce_sum3A_3622 = vector.multi_reduction <add>, %reduce_sum3A_3620, %reduce_sum3A_3621 [1, 2] : vector<1x128x128xf32> to vector<1xf32>
    %reduce_sum3A_3623 = vector.shape_cast %reduce_sum3A_3622 : vector<1xf32> to vector<1x1x1xf32>
    %reduce_sum3A_3624 = vector.extract %reduce_sum3A_3623[0, 0, 0] : f32 from vector<1x1x1xf32>
    %add3A_3625 = arith.addf %add3A_3320, %reduce_sum3A_3624 : f32
    %get3A_3626 = arith.constant 1408 : index
    %get3A_3627 = arith.constant 0 : index
    %get3A_3628 = vector.load %arg6[%get3A_3626, %get3A_3627] : memref<2048x128xf32, #tpu.memory_space<vmem>>, vector<128x128xf32>
    %get3A_3629 = arith.constant 1408 : index
    %get3A_3630 = arith.constant 0 : index
    %get3A_3631 = vector.load %arg7[%get3A_3629, %get3A_3630] : memref<2048x128xf32, #tpu.memory_space<vmem>>, vector<128x128xf32>
    %sub3A_3632 = arith.subf %get3A_3628, %select_n3A_3569 : vector<128x128xf32>
    %abs3A_3633 = math.absf %sub3A_3632 : vector<128x128xf32>
    %sub3A_3634 = arith.subf %get3A_3631, %select_n3A_3574 : vector<128x128xf32>
    %abs3A_3635 = math.absf %sub3A_3634 : vector<128x128xf32>
    %add3A_3636 = arith.addf %abs3A_3633, %abs3A_3635 : vector<128x128xf32>
    %mul3A_3637 = arith.mulf %convert_element_type3A_3576, %add3A_3636 : vector<128x128xf32>
    %reduce_sum3A_3638 = vector.shape_cast %mul3A_3637 : vector<128x128xf32> to vector<1x128x128xf32>
    %reduce_sum3A_3639 = arith.constant dense<0.000000e+00> : vector<1xf32>
    %reduce_sum3A_3640 = vector.multi_reduction <add>, %reduce_sum3A_3638, %reduce_sum3A_3639 [1, 2] : vector<1x128x128xf32> to vector<1xf32>
    %reduce_sum3A_3641 = vector.shape_cast %reduce_sum3A_3640 : vector<1xf32> to vector<1x1x1xf32>
    %reduce_sum3A_3642 = vector.extract %reduce_sum3A_3641[0, 0, 0] : f32 from vector<1x1x1xf32>
    %add3A_3643 = arith.addf %add3A_3338, %reduce_sum3A_3642 : f32
    %get3A_3644 = arith.constant 1536 : index
    %get3A_3645 = arith.constant 0 : index
    %get3A_3646 = vector.load %arg5[%get3A_3644, %get3A_3645] : memref<2048x128xf32, #tpu.memory_space<vmem>>, vector<128x128xf32>
    %get3A_3647 = arith.constant 12 : index
    %get3A_3648 = arith.constant 7 : index
    %get3A_3649 = memref.load %arg0[%get3A_3647, %get3A_3648] : memref<16x8xi32, #tpu.memory_space<smem>>
    %convert_element_type3A_3650 = arith.sitofp %get3A_3649 : i32 to f32
    %get3A_3651 = arith.constant 12 : index
    %get3A_3652 = arith.constant 7 : index
    %get3A_3653 = memref.load %arg1[%get3A_3651, %get3A_3652] : memref<16x8xi32, #tpu.memory_space<smem>>
    %convert_element_type3A_3654 = arith.sitofp %get3A_3653 : i32 to f32
    %sub3A_3655 = vector.broadcast %convert_element_type3A_3650 : f32 to vector<128x128xf32>
    %sub3A_3656 = arith.subf %convert_element_type3A_1, %sub3A_3655 : vector<128x128xf32>
    %integer_pow3A_3657 = arith.mulf %sub3A_3656, %sub3A_3656 : vector<128x128xf32>
    %sub3A_3658 = vector.broadcast %convert_element_type3A_3654 : f32 to vector<128x128xf32>
    %sub3A_3659 = arith.subf %convert_element_type3A, %sub3A_3658 : vector<128x128xf32>
    %integer_pow3A_3660 = arith.mulf %sub3A_3659, %sub3A_3659 : vector<128x128xf32>
    %add3A_3661 = arith.addf %integer_pow3A_3657, %integer_pow3A_3660 : vector<128x128xf32>
    %mul3A_3662 = arith.constant -2.000000e+00 : f32
    %mul3A_3663 = vector.broadcast %mul3A_3662 : f32 to vector<128x128xf32>
    %mul3A_3664 = arith.mulf %mul3A_3663, %add3A_3661 : vector<128x128xf32>
    %exp3A_3665 = math.exp %mul3A_3664 : vector<128x128xf32>
    %abs3A_3666 = math.absf %get3A_3646 : vector<128x128xf32>
    %max3A_3667 = arith.constant 0.000000e+00 : f32
    %max3A_3668 = vector.broadcast %max3A_3667 : f32 to vector<128x128xf32>
    %max3A_3669 = arith.maximumf %get3A_3646, %max3A_3668 : vector<128x128xf32>
    %mul3A_3670 = arith.mulf %get3A_3646, %exp3A_3665 : vector<128x128xf32>
    %sub3A_3671 = arith.subf %max3A_3669, %mul3A_3670 : vector<128x128xf32>
    %neg3A_3672 = arith.constant 0.000000e+00 : f32
    %neg3A_3673 = vector.broadcast %neg3A_3672 : f32 to vector<128x128xf32>
    %neg3A_3674 = arith.subf %neg3A_3673, %abs3A_3666 : vector<128x128xf32>
    %exp3A_3675 = math.exp %neg3A_3674 : vector<128x128xf32>
    %log1p3A_3676 = math.log1p %exp3A_3675 : vector<128x128xf32>
    %add3A_3677 = arith.addf %sub3A_3671, %log1p3A_3676 : vector<128x128xf32>
    %neg3A_3678 = arith.constant 0.000000e+00 : f32
    %neg3A_3679 = vector.broadcast %neg3A_3678 : f32 to vector<128x128xf32>
    %neg3A_3680 = arith.subf %neg3A_3679, %add3A_3677 : vector<128x128xf32>
    %exp3A_3681 = math.exp %neg3A_3680 : vector<128x128xf32>
    %mul3A_3682 = arith.constant 2.500000e-01 : f32
    %mul3A_3683 = vector.broadcast %mul3A_3682 : f32 to vector<128x128xf32>
    %mul3A_3684 = arith.mulf %exp3A_3665, %mul3A_3683 : vector<128x128xf32>
    %sub3A_3685 = arith.constant 1.000000e+00 : f32
    %sub3A_3686 = vector.broadcast %sub3A_3685 : f32 to vector<128x128xf32>
    %sub3A_3687 = arith.subf %sub3A_3686, %exp3A_3665 : vector<128x128xf32>
    %mul3A_3688 = arith.constant 7.500000e-01 : f32
    %mul3A_3689 = vector.broadcast %mul3A_3688 : f32 to vector<128x128xf32>
    %mul3A_3690 = arith.mulf %sub3A_3687, %mul3A_3689 : vector<128x128xf32>
    %add3A_3691 = arith.addf %mul3A_3684, %mul3A_3690 : vector<128x128xf32>
    %sub3A_3692 = arith.constant 1.000000e+00 : f32
    %sub3A_3693 = vector.broadcast %sub3A_3692 : f32 to vector<128x128xf32>
    %sub3A_3694 = arith.subf %sub3A_3693, %exp3A_3681 : vector<128x128xf32>
    %mul3A_3695 = arith.mulf %add3A_3691, %sub3A_3694 : vector<128x128xf32>
    %mul3A_3696 = arith.mulf %mul3A_3695, %sub3A_3694 : vector<128x128xf32>
    %mul3A_3697 = arith.mulf %mul3A_3696, %add3A_3677 : vector<128x128xf32>
    %broadcast_in_dim3A_3698 = arith.constant false
    %broadcast_in_dim3A_3699 = vector.broadcast %broadcast_in_dim3A_3698 : i1 to vector<128x128xi1>
    %broadcast_in_dim3A_3700 = arith.constant 0.000000e+00 : f32
    %broadcast_in_dim3A_3701 = vector.broadcast %broadcast_in_dim3A_3700 : f32 to vector<128x128xf32>
    %broadcast_in_dim3A_3702 = arith.constant 0.000000e+00 : f32
    %broadcast_in_dim3A_3703 = vector.broadcast %broadcast_in_dim3A_3702 : f32 to vector<128x128xf32>
    %get3A_3704 = arith.constant 12 : index
    %get3A_3705 = arith.constant 0 : index
    %get3A_3706 = memref.load %arg0[%get3A_3704, %get3A_3705] : memref<16x8xi32, #tpu.memory_space<smem>>
    %eq3A_3707 = vector.broadcast %get3A_3706 : i32 to vector<128x128xi32>
    %eq3A_3708 = arith.cmpi eq, %iota3A_0, %eq3A_3707 : vector<128x128xi32>
    %get3A_3709 = arith.constant 12 : index
    %get3A_3710 = arith.constant 0 : index
    %get3A_3711 = memref.load %arg1[%get3A_3709, %get3A_3710] : memref<16x8xi32, #tpu.memory_space<smem>>
    %eq3A_3712 = vector.broadcast %get3A_3711 : i32 to vector<128x128xi32>
    %eq3A_3713 = arith.cmpi eq, %iota3A, %eq3A_3712 : vector<128x128xi32>
    %and3A_3714 = arith.andi %eq3A_3708, %eq3A_3713 : vector<128x128xi1>
    %or3A_3715 = arith.ori %broadcast_in_dim3A_3699, %and3A_3714 : vector<128x128xi1>
    %get3A_3716 = arith.constant 12 : index
    %get3A_3717 = arith.constant 0 : index
    %get3A_3718 = memref.load %arg2[%get3A_3716, %get3A_3717] : memref<16x8xf32, #tpu.memory_space<smem>>
    %broadcast_in_dim3A_3719 = vector.broadcast %get3A_3718 : f32 to vector<128x128xf32>
    %select_n3A_3720 = arith.select %and3A_3714, %broadcast_in_dim3A_3719, %broadcast_in_dim3A_3701 : vector<128x128xi1>, vector<128x128xf32>
    %get3A_3721 = arith.constant 12 : index
    %get3A_3722 = arith.constant 0 : index
    %get3A_3723 = memref.load %arg3[%get3A_3721, %get3A_3722] : memref<16x8xf32, #tpu.memory_space<smem>>
    %broadcast_in_dim3A_3724 = vector.broadcast %get3A_3723 : f32 to vector<128x128xf32>
    %select_n3A_3725 = arith.select %and3A_3714, %broadcast_in_dim3A_3724, %broadcast_in_dim3A_3703 : vector<128x128xi1>, vector<128x128xf32>
    %get3A_3726 = arith.constant 12 : index
    %get3A_3727 = arith.constant 1 : index
    %get3A_3728 = memref.load %arg0[%get3A_3726, %get3A_3727] : memref<16x8xi32, #tpu.memory_space<smem>>
    %eq3A_3729 = vector.broadcast %get3A_3728 : i32 to vector<128x128xi32>
    %eq3A_3730 = arith.cmpi eq, %iota3A_0, %eq3A_3729 : vector<128x128xi32>
    %get3A_3731 = arith.constant 12 : index
    %get3A_3732 = arith.constant 1 : index
    %get3A_3733 = memref.load %arg1[%get3A_3731, %get3A_3732] : memref<16x8xi32, #tpu.memory_space<smem>>
    %eq3A_3734 = vector.broadcast %get3A_3733 : i32 to vector<128x128xi32>
    %eq3A_3735 = arith.cmpi eq, %iota3A, %eq3A_3734 : vector<128x128xi32>
    %and3A_3736 = arith.andi %eq3A_3730, %eq3A_3735 : vector<128x128xi1>
    %or3A_3737 = arith.ori %or3A_3715, %and3A_3736 : vector<128x128xi1>
    %get3A_3738 = arith.constant 12 : index
    %get3A_3739 = arith.constant 1 : index
    %get3A_3740 = memref.load %arg2[%get3A_3738, %get3A_3739] : memref<16x8xf32, #tpu.memory_space<smem>>
    %broadcast_in_dim3A_3741 = vector.broadcast %get3A_3740 : f32 to vector<128x128xf32>
    %select_n3A_3742 = arith.select %and3A_3736, %broadcast_in_dim3A_3741, %select_n3A_3720 : vector<128x128xi1>, vector<128x128xf32>
    %get3A_3743 = arith.constant 12 : index
    %get3A_3744 = arith.constant 1 : index
    %get3A_3745 = memref.load %arg3[%get3A_3743, %get3A_3744] : memref<16x8xf32, #tpu.memory_space<smem>>
    %broadcast_in_dim3A_3746 = vector.broadcast %get3A_3745 : f32 to vector<128x128xf32>
    %select_n3A_3747 = arith.select %and3A_3736, %broadcast_in_dim3A_3746, %select_n3A_3725 : vector<128x128xi1>, vector<128x128xf32>
    %get3A_3748 = arith.constant 12 : index
    %get3A_3749 = arith.constant 2 : index
    %get3A_3750 = memref.load %arg0[%get3A_3748, %get3A_3749] : memref<16x8xi32, #tpu.memory_space<smem>>
    %eq3A_3751 = vector.broadcast %get3A_3750 : i32 to vector<128x128xi32>
    %eq3A_3752 = arith.cmpi eq, %iota3A_0, %eq3A_3751 : vector<128x128xi32>
    %get3A_3753 = arith.constant 12 : index
    %get3A_3754 = arith.constant 2 : index
    %get3A_3755 = memref.load %arg1[%get3A_3753, %get3A_3754] : memref<16x8xi32, #tpu.memory_space<smem>>
    %eq3A_3756 = vector.broadcast %get3A_3755 : i32 to vector<128x128xi32>
    %eq3A_3757 = arith.cmpi eq, %iota3A, %eq3A_3756 : vector<128x128xi32>
    %and3A_3758 = arith.andi %eq3A_3752, %eq3A_3757 : vector<128x128xi1>
    %or3A_3759 = arith.ori %or3A_3737, %and3A_3758 : vector<128x128xi1>
    %get3A_3760 = arith.constant 12 : index
    %get3A_3761 = arith.constant 2 : index
    %get3A_3762 = memref.load %arg2[%get3A_3760, %get3A_3761] : memref<16x8xf32, #tpu.memory_space<smem>>
    %broadcast_in_dim3A_3763 = vector.broadcast %get3A_3762 : f32 to vector<128x128xf32>
    %select_n3A_3764 = arith.select %and3A_3758, %broadcast_in_dim3A_3763, %select_n3A_3742 : vector<128x128xi1>, vector<128x128xf32>
    %get3A_3765 = arith.constant 12 : index
    %get3A_3766 = arith.constant 2 : index
    %get3A_3767 = memref.load %arg3[%get3A_3765, %get3A_3766] : memref<16x8xf32, #tpu.memory_space<smem>>
    %broadcast_in_dim3A_3768 = vector.broadcast %get3A_3767 : f32 to vector<128x128xf32>
    %select_n3A_3769 = arith.select %and3A_3758, %broadcast_in_dim3A_3768, %select_n3A_3747 : vector<128x128xi1>, vector<128x128xf32>
    %get3A_3770 = arith.constant 12 : index
    %get3A_3771 = arith.constant 3 : index
    %get3A_3772 = memref.load %arg0[%get3A_3770, %get3A_3771] : memref<16x8xi32, #tpu.memory_space<smem>>
    %eq3A_3773 = vector.broadcast %get3A_3772 : i32 to vector<128x128xi32>
    %eq3A_3774 = arith.cmpi eq, %iota3A_0, %eq3A_3773 : vector<128x128xi32>
    %get3A_3775 = arith.constant 12 : index
    %get3A_3776 = arith.constant 3 : index
    %get3A_3777 = memref.load %arg1[%get3A_3775, %get3A_3776] : memref<16x8xi32, #tpu.memory_space<smem>>
    %eq3A_3778 = vector.broadcast %get3A_3777 : i32 to vector<128x128xi32>
    %eq3A_3779 = arith.cmpi eq, %iota3A, %eq3A_3778 : vector<128x128xi32>
    %and3A_3780 = arith.andi %eq3A_3774, %eq3A_3779 : vector<128x128xi1>
    %or3A_3781 = arith.ori %or3A_3759, %and3A_3780 : vector<128x128xi1>
    %get3A_3782 = arith.constant 12 : index
    %get3A_3783 = arith.constant 3 : index
    %get3A_3784 = memref.load %arg2[%get3A_3782, %get3A_3783] : memref<16x8xf32, #tpu.memory_space<smem>>
    %broadcast_in_dim3A_3785 = vector.broadcast %get3A_3784 : f32 to vector<128x128xf32>
    %select_n3A_3786 = arith.select %and3A_3780, %broadcast_in_dim3A_3785, %select_n3A_3764 : vector<128x128xi1>, vector<128x128xf32>
    %get3A_3787 = arith.constant 12 : index
    %get3A_3788 = arith.constant 3 : index
    %get3A_3789 = memref.load %arg3[%get3A_3787, %get3A_3788] : memref<16x8xf32, #tpu.memory_space<smem>>
    %broadcast_in_dim3A_3790 = vector.broadcast %get3A_3789 : f32 to vector<128x128xf32>
    %select_n3A_3791 = arith.select %and3A_3780, %broadcast_in_dim3A_3790, %select_n3A_3769 : vector<128x128xi1>, vector<128x128xf32>
    %get3A_3792 = arith.constant 12 : index
    %get3A_3793 = arith.constant 4 : index
    %get3A_3794 = memref.load %arg0[%get3A_3792, %get3A_3793] : memref<16x8xi32, #tpu.memory_space<smem>>
    %eq3A_3795 = vector.broadcast %get3A_3794 : i32 to vector<128x128xi32>
    %eq3A_3796 = arith.cmpi eq, %iota3A_0, %eq3A_3795 : vector<128x128xi32>
    %get3A_3797 = arith.constant 12 : index
    %get3A_3798 = arith.constant 4 : index
    %get3A_3799 = memref.load %arg1[%get3A_3797, %get3A_3798] : memref<16x8xi32, #tpu.memory_space<smem>>
    %eq3A_3800 = vector.broadcast %get3A_3799 : i32 to vector<128x128xi32>
    %eq3A_3801 = arith.cmpi eq, %iota3A, %eq3A_3800 : vector<128x128xi32>
    %and3A_3802 = arith.andi %eq3A_3796, %eq3A_3801 : vector<128x128xi1>
    %or3A_3803 = arith.ori %or3A_3781, %and3A_3802 : vector<128x128xi1>
    %get3A_3804 = arith.constant 12 : index
    %get3A_3805 = arith.constant 4 : index
    %get3A_3806 = memref.load %arg2[%get3A_3804, %get3A_3805] : memref<16x8xf32, #tpu.memory_space<smem>>
    %broadcast_in_dim3A_3807 = vector.broadcast %get3A_3806 : f32 to vector<128x128xf32>
    %select_n3A_3808 = arith.select %and3A_3802, %broadcast_in_dim3A_3807, %select_n3A_3786 : vector<128x128xi1>, vector<128x128xf32>
    %get3A_3809 = arith.constant 12 : index
    %get3A_3810 = arith.constant 4 : index
    %get3A_3811 = memref.load %arg3[%get3A_3809, %get3A_3810] : memref<16x8xf32, #tpu.memory_space<smem>>
    %broadcast_in_dim3A_3812 = vector.broadcast %get3A_3811 : f32 to vector<128x128xf32>
    %select_n3A_3813 = arith.select %and3A_3802, %broadcast_in_dim3A_3812, %select_n3A_3791 : vector<128x128xi1>, vector<128x128xf32>
    %get3A_3814 = arith.constant 12 : index
    %get3A_3815 = arith.constant 5 : index
    %get3A_3816 = memref.load %arg0[%get3A_3814, %get3A_3815] : memref<16x8xi32, #tpu.memory_space<smem>>
    %eq3A_3817 = vector.broadcast %get3A_3816 : i32 to vector<128x128xi32>
    %eq3A_3818 = arith.cmpi eq, %iota3A_0, %eq3A_3817 : vector<128x128xi32>
    %get3A_3819 = arith.constant 12 : index
    %get3A_3820 = arith.constant 5 : index
    %get3A_3821 = memref.load %arg1[%get3A_3819, %get3A_3820] : memref<16x8xi32, #tpu.memory_space<smem>>
    %eq3A_3822 = vector.broadcast %get3A_3821 : i32 to vector<128x128xi32>
    %eq3A_3823 = arith.cmpi eq, %iota3A, %eq3A_3822 : vector<128x128xi32>
    %and3A_3824 = arith.andi %eq3A_3818, %eq3A_3823 : vector<128x128xi1>
    %or3A_3825 = arith.ori %or3A_3803, %and3A_3824 : vector<128x128xi1>
    %get3A_3826 = arith.constant 12 : index
    %get3A_3827 = arith.constant 5 : index
    %get3A_3828 = memref.load %arg2[%get3A_3826, %get3A_3827] : memref<16x8xf32, #tpu.memory_space<smem>>
    %broadcast_in_dim3A_3829 = vector.broadcast %get3A_3828 : f32 to vector<128x128xf32>
    %select_n3A_3830 = arith.select %and3A_3824, %broadcast_in_dim3A_3829, %select_n3A_3808 : vector<128x128xi1>, vector<128x128xf32>
    %get3A_3831 = arith.constant 12 : index
    %get3A_3832 = arith.constant 5 : index
    %get3A_3833 = memref.load %arg3[%get3A_3831, %get3A_3832] : memref<16x8xf32, #tpu.memory_space<smem>>
    %broadcast_in_dim3A_3834 = vector.broadcast %get3A_3833 : f32 to vector<128x128xf32>
    %select_n3A_3835 = arith.select %and3A_3824, %broadcast_in_dim3A_3834, %select_n3A_3813 : vector<128x128xi1>, vector<128x128xf32>
    %get3A_3836 = arith.constant 12 : index
    %get3A_3837 = arith.constant 6 : index
    %get3A_3838 = memref.load %arg0[%get3A_3836, %get3A_3837] : memref<16x8xi32, #tpu.memory_space<smem>>
    %eq3A_3839 = vector.broadcast %get3A_3838 : i32 to vector<128x128xi32>
    %eq3A_3840 = arith.cmpi eq, %iota3A_0, %eq3A_3839 : vector<128x128xi32>
    %get3A_3841 = arith.constant 12 : index
    %get3A_3842 = arith.constant 6 : index
    %get3A_3843 = memref.load %arg1[%get3A_3841, %get3A_3842] : memref<16x8xi32, #tpu.memory_space<smem>>
    %eq3A_3844 = vector.broadcast %get3A_3843 : i32 to vector<128x128xi32>
    %eq3A_3845 = arith.cmpi eq, %iota3A, %eq3A_3844 : vector<128x128xi32>
    %and3A_3846 = arith.andi %eq3A_3840, %eq3A_3845 : vector<128x128xi1>
    %or3A_3847 = arith.ori %or3A_3825, %and3A_3846 : vector<128x128xi1>
    %get3A_3848 = arith.constant 12 : index
    %get3A_3849 = arith.constant 6 : index
    %get3A_3850 = memref.load %arg2[%get3A_3848, %get3A_3849] : memref<16x8xf32, #tpu.memory_space<smem>>
    %broadcast_in_dim3A_3851 = vector.broadcast %get3A_3850 : f32 to vector<128x128xf32>
    %select_n3A_3852 = arith.select %and3A_3846, %broadcast_in_dim3A_3851, %select_n3A_3830 : vector<128x128xi1>, vector<128x128xf32>
    %get3A_3853 = arith.constant 12 : index
    %get3A_3854 = arith.constant 6 : index
    %get3A_3855 = memref.load %arg3[%get3A_3853, %get3A_3854] : memref<16x8xf32, #tpu.memory_space<smem>>
    %broadcast_in_dim3A_3856 = vector.broadcast %get3A_3855 : f32 to vector<128x128xf32>
    %select_n3A_3857 = arith.select %and3A_3846, %broadcast_in_dim3A_3856, %select_n3A_3835 : vector<128x128xi1>, vector<128x128xf32>
    %get3A_3858 = arith.constant 12 : index
    %get3A_3859 = arith.constant 7 : index
    %get3A_3860 = memref.load %arg0[%get3A_3858, %get3A_3859] : memref<16x8xi32, #tpu.memory_space<smem>>
    %eq3A_3861 = vector.broadcast %get3A_3860 : i32 to vector<128x128xi32>
    %eq3A_3862 = arith.cmpi eq, %iota3A_0, %eq3A_3861 : vector<128x128xi32>
    %get3A_3863 = arith.constant 12 : index
    %get3A_3864 = arith.constant 7 : index
    %get3A_3865 = memref.load %arg1[%get3A_3863, %get3A_3864] : memref<16x8xi32, #tpu.memory_space<smem>>
    %eq3A_3866 = vector.broadcast %get3A_3865 : i32 to vector<128x128xi32>
    %eq3A_3867 = arith.cmpi eq, %iota3A, %eq3A_3866 : vector<128x128xi32>
    %and3A_3868 = arith.andi %eq3A_3862, %eq3A_3867 : vector<128x128xi1>
    %or3A_3869 = arith.ori %or3A_3847, %and3A_3868 : vector<128x128xi1>
    %get3A_3870 = arith.constant 12 : index
    %get3A_3871 = arith.constant 7 : index
    %get3A_3872 = memref.load %arg2[%get3A_3870, %get3A_3871] : memref<16x8xf32, #tpu.memory_space<smem>>
    %broadcast_in_dim3A_3873 = vector.broadcast %get3A_3872 : f32 to vector<128x128xf32>
    %select_n3A_3874 = arith.select %and3A_3868, %broadcast_in_dim3A_3873, %select_n3A_3852 : vector<128x128xi1>, vector<128x128xf32>
    %get3A_3875 = arith.constant 12 : index
    %get3A_3876 = arith.constant 7 : index
    %get3A_3877 = memref.load %arg3[%get3A_3875, %get3A_3876] : memref<16x8xf32, #tpu.memory_space<smem>>
    %broadcast_in_dim3A_3878 = vector.broadcast %get3A_3877 : f32 to vector<128x128xf32>
    %select_n3A_3879 = arith.select %and3A_3868, %broadcast_in_dim3A_3878, %select_n3A_3857 : vector<128x128xi1>, vector<128x128xf32>
    %convert_element_type3A_3880 = arith.extui %or3A_3869 : vector<128x128xi1> to vector<128x128xi32>
    %convert_element_type3A_3881 = arith.sitofp %convert_element_type3A_3880 : vector<128x128xi32> to vector<128x128xf32>
    %neg3A_3882 = arith.constant 0.000000e+00 : f32
    %neg3A_3883 = vector.broadcast %neg3A_3882 : f32 to vector<128x128xf32>
    %neg3A_3884 = arith.subf %neg3A_3883, %get3A_3646 : vector<128x128xf32>
    %exp3A_3885 = math.exp %neg3A_3884 : vector<128x128xf32>
    %add3A_3886 = arith.constant 1.000000e+00 : f32
    %add3A_3887 = vector.broadcast %add3A_3886 : f32 to vector<128x128xf32>
    %add3A_3888 = arith.addf %add3A_3887, %exp3A_3885 : vector<128x128xf32>
    %div3A_3889 = arith.constant 1.000000e+00 : f32
    %div3A_3890 = vector.broadcast %div3A_3889 : f32 to vector<128x128xf32>
    %div3A_3891 = arith.divf %div3A_3890, %add3A_3888 : vector<128x128xf32>
    %jit3A_3892 = arith.constant 0xFF800000 : f32
    %broadcast_in_dim3A_3893 = vector.broadcast %jit3A_3892 : f32 to vector<128x128xf32>
    %select_n3A_3894 = arith.select %or3A_3869, %broadcast_in_dim3A_3893, %div3A_3891 : vector<128x128xi1>, vector<128x128xf32>
    %bitcast_convert_type3A_3895 = tpu.bitcast %select_n3A_3894 : vector<128x128xf32> -> vector<128x128xi32>
    %ge3A_3896 = arith.constant 0 : i32
    %ge3A_3897 = vector.broadcast %ge3A_3896 : i32 to vector<128x128xi32>
    %ge3A_3898 = arith.cmpi sge, %bitcast_convert_type3A_3895, %ge3A_3897 : vector<128x128xi32>
    %xor3A_3899 = arith.constant 2147483647 : i32
    %xor3A_3900 = vector.broadcast %xor3A_3899 : i32 to vector<128x128xi32>
    %xor3A_3901 = arith.xori %bitcast_convert_type3A_3895, %xor3A_3900 : vector<128x128xi32>
    %select_n3A_3902 = arith.select %ge3A_3898, %bitcast_convert_type3A_3895, %xor3A_3901 : vector<128x128xi1>, vector<128x128xi32>
    %max3A_3903 = arith.constant -1 : i32
    %max3A_3904 = vector.broadcast %max3A_3903 : i32 to vector<128x128xi32>
    %max3A_3905 = arith.maxsi %select_n3A_3902, %max3A_3904 : vector<128x128xi32>
    %swap3A_3906 = arith.constant 1536 : index
    %swap3A_3907 = arith.constant 0 : index
    %swap3A_3908 = vector.load %arg8[%swap3A_3906, %swap3A_3907] : memref<2048x128xi32, #tpu.memory_space<vmem>>, vector<128x128xi32>
    tpu.vector_store %arg8[%swap3A_3906, %swap3A_3907], %max3A_3905 {strides = array<i32>} : memref<2048x128xi32, #tpu.memory_space<vmem>>, vector<128x128xi32>,
    %swap3A_3909 = arith.constant 1536 : index
    %swap3A_3910 = arith.constant 0 : index
    %swap3A_3911 = vector.load %arg9[%swap3A_3909, %swap3A_3910] : memref<2048x128xf32, #tpu.memory_space<vmem>>, vector<128x128xf32>
    tpu.vector_store %arg9[%swap3A_3909, %swap3A_3910], %add3A_3677 {strides = array<i32>} : memref<2048x128xf32, #tpu.memory_space<vmem>>, vector<128x128xf32>,
    %reduce_sum3A_3912 = vector.shape_cast %mul3A_3697 : vector<128x128xf32> to vector<1x128x128xf32>
    %reduce_sum3A_3913 = arith.constant dense<0.000000e+00> : vector<1xf32>
    %reduce_sum3A_3914 = vector.multi_reduction <add>, %reduce_sum3A_3912, %reduce_sum3A_3913 [1, 2] : vector<1x128x128xf32> to vector<1xf32>
    %reduce_sum3A_3915 = vector.shape_cast %reduce_sum3A_3914 : vector<1xf32> to vector<1x1x1xf32>
    %reduce_sum3A_3916 = vector.extract %reduce_sum3A_3915[0, 0, 0] : f32 from vector<1x1x1xf32>
    %add3A_3917 = arith.addf %add3A_3612, %reduce_sum3A_3916 : f32
    %mul3A_3918 = arith.mulf %mul3A_3697, %convert_element_type3A_3881 : vector<128x128xf32>
    %reduce_sum3A_3919 = vector.shape_cast %mul3A_3918 : vector<128x128xf32> to vector<1x128x128xf32>
    %reduce_sum3A_3920 = arith.constant dense<0.000000e+00> : vector<1xf32>
    %reduce_sum3A_3921 = vector.multi_reduction <add>, %reduce_sum3A_3919, %reduce_sum3A_3920 [1, 2] : vector<1x128x128xf32> to vector<1xf32>
    %reduce_sum3A_3922 = vector.shape_cast %reduce_sum3A_3921 : vector<1xf32> to vector<1x1x1xf32>
    %reduce_sum3A_3923 = vector.extract %reduce_sum3A_3922[0, 0, 0] : f32 from vector<1x1x1xf32>
    %add3A_3924 = arith.addf %add3A_3619, %reduce_sum3A_3923 : f32
    %reduce_sum3A_3925 = vector.shape_cast %convert_element_type3A_3881 : vector<128x128xf32> to vector<1x128x128xf32>
    %reduce_sum3A_3926 = arith.constant dense<0.000000e+00> : vector<1xf32>
    %reduce_sum3A_3927 = vector.multi_reduction <add>, %reduce_sum3A_3925, %reduce_sum3A_3926 [1, 2] : vector<1x128x128xf32> to vector<1xf32>
    %reduce_sum3A_3928 = vector.shape_cast %reduce_sum3A_3927 : vector<1xf32> to vector<1x1x1xf32>
    %reduce_sum3A_3929 = vector.extract %reduce_sum3A_3928[0, 0, 0] : f32 from vector<1x1x1xf32>
    %add3A_3930 = arith.addf %add3A_3625, %reduce_sum3A_3929 : f32
    %get3A_3931 = arith.constant 1536 : index
    %get3A_3932 = arith.constant 0 : index
    %get3A_3933 = vector.load %arg6[%get3A_3931, %get3A_3932] : memref<2048x128xf32, #tpu.memory_space<vmem>>, vector<128x128xf32>
    %get3A_3934 = arith.constant 1536 : index
    %get3A_3935 = arith.constant 0 : index
    %get3A_3936 = vector.load %arg7[%get3A_3934, %get3A_3935] : memref<2048x128xf32, #tpu.memory_space<vmem>>, vector<128x128xf32>
    %sub3A_3937 = arith.subf %get3A_3933, %select_n3A_3874 : vector<128x128xf32>
    %abs3A_3938 = math.absf %sub3A_3937 : vector<128x128xf32>
    %sub3A_3939 = arith.subf %get3A_3936, %select_n3A_3879 : vector<128x128xf32>
    %abs3A_3940 = math.absf %sub3A_3939 : vector<128x128xf32>
    %add3A_3941 = arith.addf %abs3A_3938, %abs3A_3940 : vector<128x128xf32>
    %mul3A_3942 = arith.mulf %convert_element_type3A_3881, %add3A_3941 : vector<128x128xf32>
    %reduce_sum3A_3943 = vector.shape_cast %mul3A_3942 : vector<128x128xf32> to vector<1x128x128xf32>
    %reduce_sum3A_3944 = arith.constant dense<0.000000e+00> : vector<1xf32>
    %reduce_sum3A_3945 = vector.multi_reduction <add>, %reduce_sum3A_3943, %reduce_sum3A_3944 [1, 2] : vector<1x128x128xf32> to vector<1xf32>
    %reduce_sum3A_3946 = vector.shape_cast %reduce_sum3A_3945 : vector<1xf32> to vector<1x1x1xf32>
    %reduce_sum3A_3947 = vector.extract %reduce_sum3A_3946[0, 0, 0] : f32 from vector<1x1x1xf32>
    %add3A_3948 = arith.addf %add3A_3643, %reduce_sum3A_3947 : f32
    %get3A_3949 = arith.constant 1664 : index
    %get3A_3950 = arith.constant 0 : index
    %get3A_3951 = vector.load %arg5[%get3A_3949, %get3A_3950] : memref<2048x128xf32, #tpu.memory_space<vmem>>, vector<128x128xf32>
    %get3A_3952 = arith.constant 13 : index
    %get3A_3953 = arith.constant 7 : index
    %get3A_3954 = memref.load %arg0[%get3A_3952, %get3A_3953] : memref<16x8xi32, #tpu.memory_space<smem>>
    %convert_element_type3A_3955 = arith.sitofp %get3A_3954 : i32 to f32
    %get3A_3956 = arith.constant 13 : index
    %get3A_3957 = arith.constant 7 : index
    %get3A_3958 = memref.load %arg1[%get3A_3956, %get3A_3957] : memref<16x8xi32, #tpu.memory_space<smem>>
    %convert_element_type3A_3959 = arith.sitofp %get3A_3958 : i32 to f32
    %sub3A_3960 = vector.broadcast %convert_element_type3A_3955 : f32 to vector<128x128xf32>
    %sub3A_3961 = arith.subf %convert_element_type3A_1, %sub3A_3960 : vector<128x128xf32>
    %integer_pow3A_3962 = arith.mulf %sub3A_3961, %sub3A_3961 : vector<128x128xf32>
    %sub3A_3963 = vector.broadcast %convert_element_type3A_3959 : f32 to vector<128x128xf32>
    %sub3A_3964 = arith.subf %convert_element_type3A, %sub3A_3963 : vector<128x128xf32>
    %integer_pow3A_3965 = arith.mulf %sub3A_3964, %sub3A_3964 : vector<128x128xf32>
    %add3A_3966 = arith.addf %integer_pow3A_3962, %integer_pow3A_3965 : vector<128x128xf32>
    %mul3A_3967 = arith.constant -2.000000e+00 : f32
    %mul3A_3968 = vector.broadcast %mul3A_3967 : f32 to vector<128x128xf32>
    %mul3A_3969 = arith.mulf %mul3A_3968, %add3A_3966 : vector<128x128xf32>
    %exp3A_3970 = math.exp %mul3A_3969 : vector<128x128xf32>
    %abs3A_3971 = math.absf %get3A_3951 : vector<128x128xf32>
    %max3A_3972 = arith.constant 0.000000e+00 : f32
    %max3A_3973 = vector.broadcast %max3A_3972 : f32 to vector<128x128xf32>
    %max3A_3974 = arith.maximumf %get3A_3951, %max3A_3973 : vector<128x128xf32>
    %mul3A_3975 = arith.mulf %get3A_3951, %exp3A_3970 : vector<128x128xf32>
    %sub3A_3976 = arith.subf %max3A_3974, %mul3A_3975 : vector<128x128xf32>
    %neg3A_3977 = arith.constant 0.000000e+00 : f32
    %neg3A_3978 = vector.broadcast %neg3A_3977 : f32 to vector<128x128xf32>
    %neg3A_3979 = arith.subf %neg3A_3978, %abs3A_3971 : vector<128x128xf32>
    %exp3A_3980 = math.exp %neg3A_3979 : vector<128x128xf32>
    %log1p3A_3981 = math.log1p %exp3A_3980 : vector<128x128xf32>
    %add3A_3982 = arith.addf %sub3A_3976, %log1p3A_3981 : vector<128x128xf32>
    %neg3A_3983 = arith.constant 0.000000e+00 : f32
    %neg3A_3984 = vector.broadcast %neg3A_3983 : f32 to vector<128x128xf32>
    %neg3A_3985 = arith.subf %neg3A_3984, %add3A_3982 : vector<128x128xf32>
    %exp3A_3986 = math.exp %neg3A_3985 : vector<128x128xf32>
    %mul3A_3987 = arith.constant 2.500000e-01 : f32
    %mul3A_3988 = vector.broadcast %mul3A_3987 : f32 to vector<128x128xf32>
    %mul3A_3989 = arith.mulf %exp3A_3970, %mul3A_3988 : vector<128x128xf32>
    %sub3A_3990 = arith.constant 1.000000e+00 : f32
    %sub3A_3991 = vector.broadcast %sub3A_3990 : f32 to vector<128x128xf32>
    %sub3A_3992 = arith.subf %sub3A_3991, %exp3A_3970 : vector<128x128xf32>
    %mul3A_3993 = arith.constant 7.500000e-01 : f32
    %mul3A_3994 = vector.broadcast %mul3A_3993 : f32 to vector<128x128xf32>
    %mul3A_3995 = arith.mulf %sub3A_3992, %mul3A_3994 : vector<128x128xf32>
    %add3A_3996 = arith.addf %mul3A_3989, %mul3A_3995 : vector<128x128xf32>
    %sub3A_3997 = arith.constant 1.000000e+00 : f32
    %sub3A_3998 = vector.broadcast %sub3A_3997 : f32 to vector<128x128xf32>
    %sub3A_3999 = arith.subf %sub3A_3998, %exp3A_3986 : vector<128x128xf32>
    %mul3A_4000 = arith.mulf %add3A_3996, %sub3A_3999 : vector<128x128xf32>
    %mul3A_4001 = arith.mulf %mul3A_4000, %sub3A_3999 : vector<128x128xf32>
    %mul3A_4002 = arith.mulf %mul3A_4001, %add3A_3982 : vector<128x128xf32>
    %broadcast_in_dim3A_4003 = arith.constant false
    %broadcast_in_dim3A_4004 = vector.broadcast %broadcast_in_dim3A_4003 : i1 to vector<128x128xi1>
    %broadcast_in_dim3A_4005 = arith.constant 0.000000e+00 : f32
    %broadcast_in_dim3A_4006 = vector.broadcast %broadcast_in_dim3A_4005 : f32 to vector<128x128xf32>
    %broadcast_in_dim3A_4007 = arith.constant 0.000000e+00 : f32
    %broadcast_in_dim3A_4008 = vector.broadcast %broadcast_in_dim3A_4007 : f32 to vector<128x128xf32>
    %get3A_4009 = arith.constant 13 : index
    %get3A_4010 = arith.constant 0 : index
    %get3A_4011 = memref.load %arg0[%get3A_4009, %get3A_4010] : memref<16x8xi32, #tpu.memory_space<smem>>
    %eq3A_4012 = vector.broadcast %get3A_4011 : i32 to vector<128x128xi32>
    %eq3A_4013 = arith.cmpi eq, %iota3A_0, %eq3A_4012 : vector<128x128xi32>
    %get3A_4014 = arith.constant 13 : index
    %get3A_4015 = arith.constant 0 : index
    %get3A_4016 = memref.load %arg1[%get3A_4014, %get3A_4015] : memref<16x8xi32, #tpu.memory_space<smem>>
    %eq3A_4017 = vector.broadcast %get3A_4016 : i32 to vector<128x128xi32>
    %eq3A_4018 = arith.cmpi eq, %iota3A, %eq3A_4017 : vector<128x128xi32>
    %and3A_4019 = arith.andi %eq3A_4013, %eq3A_4018 : vector<128x128xi1>
    %or3A_4020 = arith.ori %broadcast_in_dim3A_4004, %and3A_4019 : vector<128x128xi1>
    %get3A_4021 = arith.constant 13 : index
    %get3A_4022 = arith.constant 0 : index
    %get3A_4023 = memref.load %arg2[%get3A_4021, %get3A_4022] : memref<16x8xf32, #tpu.memory_space<smem>>
    %broadcast_in_dim3A_4024 = vector.broadcast %get3A_4023 : f32 to vector<128x128xf32>
    %select_n3A_4025 = arith.select %and3A_4019, %broadcast_in_dim3A_4024, %broadcast_in_dim3A_4006 : vector<128x128xi1>, vector<128x128xf32>
    %get3A_4026 = arith.constant 13 : index
    %get3A_4027 = arith.constant 0 : index
    %get3A_4028 = memref.load %arg3[%get3A_4026, %get3A_4027] : memref<16x8xf32, #tpu.memory_space<smem>>
    %broadcast_in_dim3A_4029 = vector.broadcast %get3A_4028 : f32 to vector<128x128xf32>
    %select_n3A_4030 = arith.select %and3A_4019, %broadcast_in_dim3A_4029, %broadcast_in_dim3A_4008 : vector<128x128xi1>, vector<128x128xf32>
    %get3A_4031 = arith.constant 13 : index
    %get3A_4032 = arith.constant 1 : index
    %get3A_4033 = memref.load %arg0[%get3A_4031, %get3A_4032] : memref<16x8xi32, #tpu.memory_space<smem>>
    %eq3A_4034 = vector.broadcast %get3A_4033 : i32 to vector<128x128xi32>
    %eq3A_4035 = arith.cmpi eq, %iota3A_0, %eq3A_4034 : vector<128x128xi32>
    %get3A_4036 = arith.constant 13 : index
    %get3A_4037 = arith.constant 1 : index
    %get3A_4038 = memref.load %arg1[%get3A_4036, %get3A_4037] : memref<16x8xi32, #tpu.memory_space<smem>>
    %eq3A_4039 = vector.broadcast %get3A_4038 : i32 to vector<128x128xi32>
    %eq3A_4040 = arith.cmpi eq, %iota3A, %eq3A_4039 : vector<128x128xi32>
    %and3A_4041 = arith.andi %eq3A_4035, %eq3A_4040 : vector<128x128xi1>
    %or3A_4042 = arith.ori %or3A_4020, %and3A_4041 : vector<128x128xi1>
    %get3A_4043 = arith.constant 13 : index
    %get3A_4044 = arith.constant 1 : index
    %get3A_4045 = memref.load %arg2[%get3A_4043, %get3A_4044] : memref<16x8xf32, #tpu.memory_space<smem>>
    %broadcast_in_dim3A_4046 = vector.broadcast %get3A_4045 : f32 to vector<128x128xf32>
    %select_n3A_4047 = arith.select %and3A_4041, %broadcast_in_dim3A_4046, %select_n3A_4025 : vector<128x128xi1>, vector<128x128xf32>
    %get3A_4048 = arith.constant 13 : index
    %get3A_4049 = arith.constant 1 : index
    %get3A_4050 = memref.load %arg3[%get3A_4048, %get3A_4049] : memref<16x8xf32, #tpu.memory_space<smem>>
    %broadcast_in_dim3A_4051 = vector.broadcast %get3A_4050 : f32 to vector<128x128xf32>
    %select_n3A_4052 = arith.select %and3A_4041, %broadcast_in_dim3A_4051, %select_n3A_4030 : vector<128x128xi1>, vector<128x128xf32>
    %get3A_4053 = arith.constant 13 : index
    %get3A_4054 = arith.constant 2 : index
    %get3A_4055 = memref.load %arg0[%get3A_4053, %get3A_4054] : memref<16x8xi32, #tpu.memory_space<smem>>
    %eq3A_4056 = vector.broadcast %get3A_4055 : i32 to vector<128x128xi32>
    %eq3A_4057 = arith.cmpi eq, %iota3A_0, %eq3A_4056 : vector<128x128xi32>
    %get3A_4058 = arith.constant 13 : index
    %get3A_4059 = arith.constant 2 : index
    %get3A_4060 = memref.load %arg1[%get3A_4058, %get3A_4059] : memref<16x8xi32, #tpu.memory_space<smem>>
    %eq3A_4061 = vector.broadcast %get3A_4060 : i32 to vector<128x128xi32>
    %eq3A_4062 = arith.cmpi eq, %iota3A, %eq3A_4061 : vector<128x128xi32>
    %and3A_4063 = arith.andi %eq3A_4057, %eq3A_4062 : vector<128x128xi1>
    %or3A_4064 = arith.ori %or3A_4042, %and3A_4063 : vector<128x128xi1>
    %get3A_4065 = arith.constant 13 : index
    %get3A_4066 = arith.constant 2 : index
    %get3A_4067 = memref.load %arg2[%get3A_4065, %get3A_4066] : memref<16x8xf32, #tpu.memory_space<smem>>
    %broadcast_in_dim3A_4068 = vector.broadcast %get3A_4067 : f32 to vector<128x128xf32>
    %select_n3A_4069 = arith.select %and3A_4063, %broadcast_in_dim3A_4068, %select_n3A_4047 : vector<128x128xi1>, vector<128x128xf32>
    %get3A_4070 = arith.constant 13 : index
    %get3A_4071 = arith.constant 2 : index
    %get3A_4072 = memref.load %arg3[%get3A_4070, %get3A_4071] : memref<16x8xf32, #tpu.memory_space<smem>>
    %broadcast_in_dim3A_4073 = vector.broadcast %get3A_4072 : f32 to vector<128x128xf32>
    %select_n3A_4074 = arith.select %and3A_4063, %broadcast_in_dim3A_4073, %select_n3A_4052 : vector<128x128xi1>, vector<128x128xf32>
    %get3A_4075 = arith.constant 13 : index
    %get3A_4076 = arith.constant 3 : index
    %get3A_4077 = memref.load %arg0[%get3A_4075, %get3A_4076] : memref<16x8xi32, #tpu.memory_space<smem>>
    %eq3A_4078 = vector.broadcast %get3A_4077 : i32 to vector<128x128xi32>
    %eq3A_4079 = arith.cmpi eq, %iota3A_0, %eq3A_4078 : vector<128x128xi32>
    %get3A_4080 = arith.constant 13 : index
    %get3A_4081 = arith.constant 3 : index
    %get3A_4082 = memref.load %arg1[%get3A_4080, %get3A_4081] : memref<16x8xi32, #tpu.memory_space<smem>>
    %eq3A_4083 = vector.broadcast %get3A_4082 : i32 to vector<128x128xi32>
    %eq3A_4084 = arith.cmpi eq, %iota3A, %eq3A_4083 : vector<128x128xi32>
    %and3A_4085 = arith.andi %eq3A_4079, %eq3A_4084 : vector<128x128xi1>
    %or3A_4086 = arith.ori %or3A_4064, %and3A_4085 : vector<128x128xi1>
    %get3A_4087 = arith.constant 13 : index
    %get3A_4088 = arith.constant 3 : index
    %get3A_4089 = memref.load %arg2[%get3A_4087, %get3A_4088] : memref<16x8xf32, #tpu.memory_space<smem>>
    %broadcast_in_dim3A_4090 = vector.broadcast %get3A_4089 : f32 to vector<128x128xf32>
    %select_n3A_4091 = arith.select %and3A_4085, %broadcast_in_dim3A_4090, %select_n3A_4069 : vector<128x128xi1>, vector<128x128xf32>
    %get3A_4092 = arith.constant 13 : index
    %get3A_4093 = arith.constant 3 : index
    %get3A_4094 = memref.load %arg3[%get3A_4092, %get3A_4093] : memref<16x8xf32, #tpu.memory_space<smem>>
    %broadcast_in_dim3A_4095 = vector.broadcast %get3A_4094 : f32 to vector<128x128xf32>
    %select_n3A_4096 = arith.select %and3A_4085, %broadcast_in_dim3A_4095, %select_n3A_4074 : vector<128x128xi1>, vector<128x128xf32>
    %get3A_4097 = arith.constant 13 : index
    %get3A_4098 = arith.constant 4 : index
    %get3A_4099 = memref.load %arg0[%get3A_4097, %get3A_4098] : memref<16x8xi32, #tpu.memory_space<smem>>
    %eq3A_4100 = vector.broadcast %get3A_4099 : i32 to vector<128x128xi32>
    %eq3A_4101 = arith.cmpi eq, %iota3A_0, %eq3A_4100 : vector<128x128xi32>
    %get3A_4102 = arith.constant 13 : index
    %get3A_4103 = arith.constant 4 : index
    %get3A_4104 = memref.load %arg1[%get3A_4102, %get3A_4103] : memref<16x8xi32, #tpu.memory_space<smem>>
    %eq3A_4105 = vector.broadcast %get3A_4104 : i32 to vector<128x128xi32>
    %eq3A_4106 = arith.cmpi eq, %iota3A, %eq3A_4105 : vector<128x128xi32>
    %and3A_4107 = arith.andi %eq3A_4101, %eq3A_4106 : vector<128x128xi1>
    %or3A_4108 = arith.ori %or3A_4086, %and3A_4107 : vector<128x128xi1>
    %get3A_4109 = arith.constant 13 : index
    %get3A_4110 = arith.constant 4 : index
    %get3A_4111 = memref.load %arg2[%get3A_4109, %get3A_4110] : memref<16x8xf32, #tpu.memory_space<smem>>
    %broadcast_in_dim3A_4112 = vector.broadcast %get3A_4111 : f32 to vector<128x128xf32>
    %select_n3A_4113 = arith.select %and3A_4107, %broadcast_in_dim3A_4112, %select_n3A_4091 : vector<128x128xi1>, vector<128x128xf32>
    %get3A_4114 = arith.constant 13 : index
    %get3A_4115 = arith.constant 4 : index
    %get3A_4116 = memref.load %arg3[%get3A_4114, %get3A_4115] : memref<16x8xf32, #tpu.memory_space<smem>>
    %broadcast_in_dim3A_4117 = vector.broadcast %get3A_4116 : f32 to vector<128x128xf32>
    %select_n3A_4118 = arith.select %and3A_4107, %broadcast_in_dim3A_4117, %select_n3A_4096 : vector<128x128xi1>, vector<128x128xf32>
    %get3A_4119 = arith.constant 13 : index
    %get3A_4120 = arith.constant 5 : index
    %get3A_4121 = memref.load %arg0[%get3A_4119, %get3A_4120] : memref<16x8xi32, #tpu.memory_space<smem>>
    %eq3A_4122 = vector.broadcast %get3A_4121 : i32 to vector<128x128xi32>
    %eq3A_4123 = arith.cmpi eq, %iota3A_0, %eq3A_4122 : vector<128x128xi32>
    %get3A_4124 = arith.constant 13 : index
    %get3A_4125 = arith.constant 5 : index
    %get3A_4126 = memref.load %arg1[%get3A_4124, %get3A_4125] : memref<16x8xi32, #tpu.memory_space<smem>>
    %eq3A_4127 = vector.broadcast %get3A_4126 : i32 to vector<128x128xi32>
    %eq3A_4128 = arith.cmpi eq, %iota3A, %eq3A_4127 : vector<128x128xi32>
    %and3A_4129 = arith.andi %eq3A_4123, %eq3A_4128 : vector<128x128xi1>
    %or3A_4130 = arith.ori %or3A_4108, %and3A_4129 : vector<128x128xi1>
    %get3A_4131 = arith.constant 13 : index
    %get3A_4132 = arith.constant 5 : index
    %get3A_4133 = memref.load %arg2[%get3A_4131, %get3A_4132] : memref<16x8xf32, #tpu.memory_space<smem>>
    %broadcast_in_dim3A_4134 = vector.broadcast %get3A_4133 : f32 to vector<128x128xf32>
    %select_n3A_4135 = arith.select %and3A_4129, %broadcast_in_dim3A_4134, %select_n3A_4113 : vector<128x128xi1>, vector<128x128xf32>
    %get3A_4136 = arith.constant 13 : index
    %get3A_4137 = arith.constant 5 : index
    %get3A_4138 = memref.load %arg3[%get3A_4136, %get3A_4137] : memref<16x8xf32, #tpu.memory_space<smem>>
    %broadcast_in_dim3A_4139 = vector.broadcast %get3A_4138 : f32 to vector<128x128xf32>
    %select_n3A_4140 = arith.select %and3A_4129, %broadcast_in_dim3A_4139, %select_n3A_4118 : vector<128x128xi1>, vector<128x128xf32>
    %get3A_4141 = arith.constant 13 : index
    %get3A_4142 = arith.constant 6 : index
    %get3A_4143 = memref.load %arg0[%get3A_4141, %get3A_4142] : memref<16x8xi32, #tpu.memory_space<smem>>
    %eq3A_4144 = vector.broadcast %get3A_4143 : i32 to vector<128x128xi32>
    %eq3A_4145 = arith.cmpi eq, %iota3A_0, %eq3A_4144 : vector<128x128xi32>
    %get3A_4146 = arith.constant 13 : index
    %get3A_4147 = arith.constant 6 : index
    %get3A_4148 = memref.load %arg1[%get3A_4146, %get3A_4147] : memref<16x8xi32, #tpu.memory_space<smem>>
    %eq3A_4149 = vector.broadcast %get3A_4148 : i32 to vector<128x128xi32>
    %eq3A_4150 = arith.cmpi eq, %iota3A, %eq3A_4149 : vector<128x128xi32>
    %and3A_4151 = arith.andi %eq3A_4145, %eq3A_4150 : vector<128x128xi1>
    %or3A_4152 = arith.ori %or3A_4130, %and3A_4151 : vector<128x128xi1>
    %get3A_4153 = arith.constant 13 : index
    %get3A_4154 = arith.constant 6 : index
    %get3A_4155 = memref.load %arg2[%get3A_4153, %get3A_4154] : memref<16x8xf32, #tpu.memory_space<smem>>
    %broadcast_in_dim3A_4156 = vector.broadcast %get3A_4155 : f32 to vector<128x128xf32>
    %select_n3A_4157 = arith.select %and3A_4151, %broadcast_in_dim3A_4156, %select_n3A_4135 : vector<128x128xi1>, vector<128x128xf32>
    %get3A_4158 = arith.constant 13 : index
    %get3A_4159 = arith.constant 6 : index
    %get3A_4160 = memref.load %arg3[%get3A_4158, %get3A_4159] : memref<16x8xf32, #tpu.memory_space<smem>>
    %broadcast_in_dim3A_4161 = vector.broadcast %get3A_4160 : f32 to vector<128x128xf32>
    %select_n3A_4162 = arith.select %and3A_4151, %broadcast_in_dim3A_4161, %select_n3A_4140 : vector<128x128xi1>, vector<128x128xf32>
    %get3A_4163 = arith.constant 13 : index
    %get3A_4164 = arith.constant 7 : index
    %get3A_4165 = memref.load %arg0[%get3A_4163, %get3A_4164] : memref<16x8xi32, #tpu.memory_space<smem>>
    %eq3A_4166 = vector.broadcast %get3A_4165 : i32 to vector<128x128xi32>
    %eq3A_4167 = arith.cmpi eq, %iota3A_0, %eq3A_4166 : vector<128x128xi32>
    %get3A_4168 = arith.constant 13 : index
    %get3A_4169 = arith.constant 7 : index
    %get3A_4170 = memref.load %arg1[%get3A_4168, %get3A_4169] : memref<16x8xi32, #tpu.memory_space<smem>>
    %eq3A_4171 = vector.broadcast %get3A_4170 : i32 to vector<128x128xi32>
    %eq3A_4172 = arith.cmpi eq, %iota3A, %eq3A_4171 : vector<128x128xi32>
    %and3A_4173 = arith.andi %eq3A_4167, %eq3A_4172 : vector<128x128xi1>
    %or3A_4174 = arith.ori %or3A_4152, %and3A_4173 : vector<128x128xi1>
    %get3A_4175 = arith.constant 13 : index
    %get3A_4176 = arith.constant 7 : index
    %get3A_4177 = memref.load %arg2[%get3A_4175, %get3A_4176] : memref<16x8xf32, #tpu.memory_space<smem>>
    %broadcast_in_dim3A_4178 = vector.broadcast %get3A_4177 : f32 to vector<128x128xf32>
    %select_n3A_4179 = arith.select %and3A_4173, %broadcast_in_dim3A_4178, %select_n3A_4157 : vector<128x128xi1>, vector<128x128xf32>
    %get3A_4180 = arith.constant 13 : index
    %get3A_4181 = arith.constant 7 : index
    %get3A_4182 = memref.load %arg3[%get3A_4180, %get3A_4181] : memref<16x8xf32, #tpu.memory_space<smem>>
    %broadcast_in_dim3A_4183 = vector.broadcast %get3A_4182 : f32 to vector<128x128xf32>
    %select_n3A_4184 = arith.select %and3A_4173, %broadcast_in_dim3A_4183, %select_n3A_4162 : vector<128x128xi1>, vector<128x128xf32>
    %convert_element_type3A_4185 = arith.extui %or3A_4174 : vector<128x128xi1> to vector<128x128xi32>
    %convert_element_type3A_4186 = arith.sitofp %convert_element_type3A_4185 : vector<128x128xi32> to vector<128x128xf32>
    %neg3A_4187 = arith.constant 0.000000e+00 : f32
    %neg3A_4188 = vector.broadcast %neg3A_4187 : f32 to vector<128x128xf32>
    %neg3A_4189 = arith.subf %neg3A_4188, %get3A_3951 : vector<128x128xf32>
    %exp3A_4190 = math.exp %neg3A_4189 : vector<128x128xf32>
    %add3A_4191 = arith.constant 1.000000e+00 : f32
    %add3A_4192 = vector.broadcast %add3A_4191 : f32 to vector<128x128xf32>
    %add3A_4193 = arith.addf %add3A_4192, %exp3A_4190 : vector<128x128xf32>
    %div3A_4194 = arith.constant 1.000000e+00 : f32
    %div3A_4195 = vector.broadcast %div3A_4194 : f32 to vector<128x128xf32>
    %div3A_4196 = arith.divf %div3A_4195, %add3A_4193 : vector<128x128xf32>
    %jit3A_4197 = arith.constant 0xFF800000 : f32
    %broadcast_in_dim3A_4198 = vector.broadcast %jit3A_4197 : f32 to vector<128x128xf32>
    %select_n3A_4199 = arith.select %or3A_4174, %broadcast_in_dim3A_4198, %div3A_4196 : vector<128x128xi1>, vector<128x128xf32>
    %bitcast_convert_type3A_4200 = tpu.bitcast %select_n3A_4199 : vector<128x128xf32> -> vector<128x128xi32>
    %ge3A_4201 = arith.constant 0 : i32
    %ge3A_4202 = vector.broadcast %ge3A_4201 : i32 to vector<128x128xi32>
    %ge3A_4203 = arith.cmpi sge, %bitcast_convert_type3A_4200, %ge3A_4202 : vector<128x128xi32>
    %xor3A_4204 = arith.constant 2147483647 : i32
    %xor3A_4205 = vector.broadcast %xor3A_4204 : i32 to vector<128x128xi32>
    %xor3A_4206 = arith.xori %bitcast_convert_type3A_4200, %xor3A_4205 : vector<128x128xi32>
    %select_n3A_4207 = arith.select %ge3A_4203, %bitcast_convert_type3A_4200, %xor3A_4206 : vector<128x128xi1>, vector<128x128xi32>
    %max3A_4208 = arith.constant -1 : i32
    %max3A_4209 = vector.broadcast %max3A_4208 : i32 to vector<128x128xi32>
    %max3A_4210 = arith.maxsi %select_n3A_4207, %max3A_4209 : vector<128x128xi32>
    %swap3A_4211 = arith.constant 1664 : index
    %swap3A_4212 = arith.constant 0 : index
    %swap3A_4213 = vector.load %arg8[%swap3A_4211, %swap3A_4212] : memref<2048x128xi32, #tpu.memory_space<vmem>>, vector<128x128xi32>
    tpu.vector_store %arg8[%swap3A_4211, %swap3A_4212], %max3A_4210 {strides = array<i32>} : memref<2048x128xi32, #tpu.memory_space<vmem>>, vector<128x128xi32>,
    %swap3A_4214 = arith.constant 1664 : index
    %swap3A_4215 = arith.constant 0 : index
    %swap3A_4216 = vector.load %arg9[%swap3A_4214, %swap3A_4215] : memref<2048x128xf32, #tpu.memory_space<vmem>>, vector<128x128xf32>
    tpu.vector_store %arg9[%swap3A_4214, %swap3A_4215], %add3A_3982 {strides = array<i32>} : memref<2048x128xf32, #tpu.memory_space<vmem>>, vector<128x128xf32>,
    %reduce_sum3A_4217 = vector.shape_cast %mul3A_4002 : vector<128x128xf32> to vector<1x128x128xf32>
    %reduce_sum3A_4218 = arith.constant dense<0.000000e+00> : vector<1xf32>
    %reduce_sum3A_4219 = vector.multi_reduction <add>, %reduce_sum3A_4217, %reduce_sum3A_4218 [1, 2] : vector<1x128x128xf32> to vector<1xf32>
    %reduce_sum3A_4220 = vector.shape_cast %reduce_sum3A_4219 : vector<1xf32> to vector<1x1x1xf32>
    %reduce_sum3A_4221 = vector.extract %reduce_sum3A_4220[0, 0, 0] : f32 from vector<1x1x1xf32>
    %add3A_4222 = arith.addf %add3A_3917, %reduce_sum3A_4221 : f32
    %mul3A_4223 = arith.mulf %mul3A_4002, %convert_element_type3A_4186 : vector<128x128xf32>
    %reduce_sum3A_4224 = vector.shape_cast %mul3A_4223 : vector<128x128xf32> to vector<1x128x128xf32>
    %reduce_sum3A_4225 = arith.constant dense<0.000000e+00> : vector<1xf32>
    %reduce_sum3A_4226 = vector.multi_reduction <add>, %reduce_sum3A_4224, %reduce_sum3A_4225 [1, 2] : vector<1x128x128xf32> to vector<1xf32>
    %reduce_sum3A_4227 = vector.shape_cast %reduce_sum3A_4226 : vector<1xf32> to vector<1x1x1xf32>
    %reduce_sum3A_4228 = vector.extract %reduce_sum3A_4227[0, 0, 0] : f32 from vector<1x1x1xf32>
    %add3A_4229 = arith.addf %add3A_3924, %reduce_sum3A_4228 : f32
    %reduce_sum3A_4230 = vector.shape_cast %convert_element_type3A_4186 : vector<128x128xf32> to vector<1x128x128xf32>
    %reduce_sum3A_4231 = arith.constant dense<0.000000e+00> : vector<1xf32>
    %reduce_sum3A_4232 = vector.multi_reduction <add>, %reduce_sum3A_4230, %reduce_sum3A_4231 [1, 2] : vector<1x128x128xf32> to vector<1xf32>
    %reduce_sum3A_4233 = vector.shape_cast %reduce_sum3A_4232 : vector<1xf32> to vector<1x1x1xf32>
    %reduce_sum3A_4234 = vector.extract %reduce_sum3A_4233[0, 0, 0] : f32 from vector<1x1x1xf32>
    %add3A_4235 = arith.addf %add3A_3930, %reduce_sum3A_4234 : f32
    %get3A_4236 = arith.constant 1664 : index
    %get3A_4237 = arith.constant 0 : index
    %get3A_4238 = vector.load %arg6[%get3A_4236, %get3A_4237] : memref<2048x128xf32, #tpu.memory_space<vmem>>, vector<128x128xf32>
    %get3A_4239 = arith.constant 1664 : index
    %get3A_4240 = arith.constant 0 : index
    %get3A_4241 = vector.load %arg7[%get3A_4239, %get3A_4240] : memref<2048x128xf32, #tpu.memory_space<vmem>>, vector<128x128xf32>
    %sub3A_4242 = arith.subf %get3A_4238, %select_n3A_4179 : vector<128x128xf32>
    %abs3A_4243 = math.absf %sub3A_4242 : vector<128x128xf32>
    %sub3A_4244 = arith.subf %get3A_4241, %select_n3A_4184 : vector<128x128xf32>
    %abs3A_4245 = math.absf %sub3A_4244 : vector<128x128xf32>
    %add3A_4246 = arith.addf %abs3A_4243, %abs3A_4245 : vector<128x128xf32>
    %mul3A_4247 = arith.mulf %convert_element_type3A_4186, %add3A_4246 : vector<128x128xf32>
    %reduce_sum3A_4248 = vector.shape_cast %mul3A_4247 : vector<128x128xf32> to vector<1x128x128xf32>
    %reduce_sum3A_4249 = arith.constant dense<0.000000e+00> : vector<1xf32>
    %reduce_sum3A_4250 = vector.multi_reduction <add>, %reduce_sum3A_4248, %reduce_sum3A_4249 [1, 2] : vector<1x128x128xf32> to vector<1xf32>
    %reduce_sum3A_4251 = vector.shape_cast %reduce_sum3A_4250 : vector<1xf32> to vector<1x1x1xf32>
    %reduce_sum3A_4252 = vector.extract %reduce_sum3A_4251[0, 0, 0] : f32 from vector<1x1x1xf32>
    %add3A_4253 = arith.addf %add3A_3948, %reduce_sum3A_4252 : f32
    %get3A_4254 = arith.constant 1792 : index
    %get3A_4255 = arith.constant 0 : index
    %get3A_4256 = vector.load %arg5[%get3A_4254, %get3A_4255] : memref<2048x128xf32, #tpu.memory_space<vmem>>, vector<128x128xf32>
    %get3A_4257 = arith.constant 14 : index
    %get3A_4258 = arith.constant 7 : index
    %get3A_4259 = memref.load %arg0[%get3A_4257, %get3A_4258] : memref<16x8xi32, #tpu.memory_space<smem>>
    %convert_element_type3A_4260 = arith.sitofp %get3A_4259 : i32 to f32
    %get3A_4261 = arith.constant 14 : index
    %get3A_4262 = arith.constant 7 : index
    %get3A_4263 = memref.load %arg1[%get3A_4261, %get3A_4262] : memref<16x8xi32, #tpu.memory_space<smem>>
    %convert_element_type3A_4264 = arith.sitofp %get3A_4263 : i32 to f32
    %sub3A_4265 = vector.broadcast %convert_element_type3A_4260 : f32 to vector<128x128xf32>
    %sub3A_4266 = arith.subf %convert_element_type3A_1, %sub3A_4265 : vector<128x128xf32>
    %integer_pow3A_4267 = arith.mulf %sub3A_4266, %sub3A_4266 : vector<128x128xf32>
    %sub3A_4268 = vector.broadcast %convert_element_type3A_4264 : f32 to vector<128x128xf32>
    %sub3A_4269 = arith.subf %convert_element_type3A, %sub3A_4268 : vector<128x128xf32>
    %integer_pow3A_4270 = arith.mulf %sub3A_4269, %sub3A_4269 : vector<128x128xf32>
    %add3A_4271 = arith.addf %integer_pow3A_4267, %integer_pow3A_4270 : vector<128x128xf32>
    %mul3A_4272 = arith.constant -2.000000e+00 : f32
    %mul3A_4273 = vector.broadcast %mul3A_4272 : f32 to vector<128x128xf32>
    %mul3A_4274 = arith.mulf %mul3A_4273, %add3A_4271 : vector<128x128xf32>
    %exp3A_4275 = math.exp %mul3A_4274 : vector<128x128xf32>
    %abs3A_4276 = math.absf %get3A_4256 : vector<128x128xf32>
    %max3A_4277 = arith.constant 0.000000e+00 : f32
    %max3A_4278 = vector.broadcast %max3A_4277 : f32 to vector<128x128xf32>
    %max3A_4279 = arith.maximumf %get3A_4256, %max3A_4278 : vector<128x128xf32>
    %mul3A_4280 = arith.mulf %get3A_4256, %exp3A_4275 : vector<128x128xf32>
    %sub3A_4281 = arith.subf %max3A_4279, %mul3A_4280 : vector<128x128xf32>
    %neg3A_4282 = arith.constant 0.000000e+00 : f32
    %neg3A_4283 = vector.broadcast %neg3A_4282 : f32 to vector<128x128xf32>
    %neg3A_4284 = arith.subf %neg3A_4283, %abs3A_4276 : vector<128x128xf32>
    %exp3A_4285 = math.exp %neg3A_4284 : vector<128x128xf32>
    %log1p3A_4286 = math.log1p %exp3A_4285 : vector<128x128xf32>
    %add3A_4287 = arith.addf %sub3A_4281, %log1p3A_4286 : vector<128x128xf32>
    %neg3A_4288 = arith.constant 0.000000e+00 : f32
    %neg3A_4289 = vector.broadcast %neg3A_4288 : f32 to vector<128x128xf32>
    %neg3A_4290 = arith.subf %neg3A_4289, %add3A_4287 : vector<128x128xf32>
    %exp3A_4291 = math.exp %neg3A_4290 : vector<128x128xf32>
    %mul3A_4292 = arith.constant 2.500000e-01 : f32
    %mul3A_4293 = vector.broadcast %mul3A_4292 : f32 to vector<128x128xf32>
    %mul3A_4294 = arith.mulf %exp3A_4275, %mul3A_4293 : vector<128x128xf32>
    %sub3A_4295 = arith.constant 1.000000e+00 : f32
    %sub3A_4296 = vector.broadcast %sub3A_4295 : f32 to vector<128x128xf32>
    %sub3A_4297 = arith.subf %sub3A_4296, %exp3A_4275 : vector<128x128xf32>
    %mul3A_4298 = arith.constant 7.500000e-01 : f32
    %mul3A_4299 = vector.broadcast %mul3A_4298 : f32 to vector<128x128xf32>
    %mul3A_4300 = arith.mulf %sub3A_4297, %mul3A_4299 : vector<128x128xf32>
    %add3A_4301 = arith.addf %mul3A_4294, %mul3A_4300 : vector<128x128xf32>
    %sub3A_4302 = arith.constant 1.000000e+00 : f32
    %sub3A_4303 = vector.broadcast %sub3A_4302 : f32 to vector<128x128xf32>
    %sub3A_4304 = arith.subf %sub3A_4303, %exp3A_4291 : vector<128x128xf32>
    %mul3A_4305 = arith.mulf %add3A_4301, %sub3A_4304 : vector<128x128xf32>
    %mul3A_4306 = arith.mulf %mul3A_4305, %sub3A_4304 : vector<128x128xf32>
    %mul3A_4307 = arith.mulf %mul3A_4306, %add3A_4287 : vector<128x128xf32>
    %broadcast_in_dim3A_4308 = arith.constant false
    %broadcast_in_dim3A_4309 = vector.broadcast %broadcast_in_dim3A_4308 : i1 to vector<128x128xi1>
    %broadcast_in_dim3A_4310 = arith.constant 0.000000e+00 : f32
    %broadcast_in_dim3A_4311 = vector.broadcast %broadcast_in_dim3A_4310 : f32 to vector<128x128xf32>
    %broadcast_in_dim3A_4312 = arith.constant 0.000000e+00 : f32
    %broadcast_in_dim3A_4313 = vector.broadcast %broadcast_in_dim3A_4312 : f32 to vector<128x128xf32>
    %get3A_4314 = arith.constant 14 : index
    %get3A_4315 = arith.constant 0 : index
    %get3A_4316 = memref.load %arg0[%get3A_4314, %get3A_4315] : memref<16x8xi32, #tpu.memory_space<smem>>
    %eq3A_4317 = vector.broadcast %get3A_4316 : i32 to vector<128x128xi32>
    %eq3A_4318 = arith.cmpi eq, %iota3A_0, %eq3A_4317 : vector<128x128xi32>
    %get3A_4319 = arith.constant 14 : index
    %get3A_4320 = arith.constant 0 : index
    %get3A_4321 = memref.load %arg1[%get3A_4319, %get3A_4320] : memref<16x8xi32, #tpu.memory_space<smem>>
    %eq3A_4322 = vector.broadcast %get3A_4321 : i32 to vector<128x128xi32>
    %eq3A_4323 = arith.cmpi eq, %iota3A, %eq3A_4322 : vector<128x128xi32>
    %and3A_4324 = arith.andi %eq3A_4318, %eq3A_4323 : vector<128x128xi1>
    %or3A_4325 = arith.ori %broadcast_in_dim3A_4309, %and3A_4324 : vector<128x128xi1>
    %get3A_4326 = arith.constant 14 : index
    %get3A_4327 = arith.constant 0 : index
    %get3A_4328 = memref.load %arg2[%get3A_4326, %get3A_4327] : memref<16x8xf32, #tpu.memory_space<smem>>
    %broadcast_in_dim3A_4329 = vector.broadcast %get3A_4328 : f32 to vector<128x128xf32>
    %select_n3A_4330 = arith.select %and3A_4324, %broadcast_in_dim3A_4329, %broadcast_in_dim3A_4311 : vector<128x128xi1>, vector<128x128xf32>
    %get3A_4331 = arith.constant 14 : index
    %get3A_4332 = arith.constant 0 : index
    %get3A_4333 = memref.load %arg3[%get3A_4331, %get3A_4332] : memref<16x8xf32, #tpu.memory_space<smem>>
    %broadcast_in_dim3A_4334 = vector.broadcast %get3A_4333 : f32 to vector<128x128xf32>
    %select_n3A_4335 = arith.select %and3A_4324, %broadcast_in_dim3A_4334, %broadcast_in_dim3A_4313 : vector<128x128xi1>, vector<128x128xf32>
    %get3A_4336 = arith.constant 14 : index
    %get3A_4337 = arith.constant 1 : index
    %get3A_4338 = memref.load %arg0[%get3A_4336, %get3A_4337] : memref<16x8xi32, #tpu.memory_space<smem>>
    %eq3A_4339 = vector.broadcast %get3A_4338 : i32 to vector<128x128xi32>
    %eq3A_4340 = arith.cmpi eq, %iota3A_0, %eq3A_4339 : vector<128x128xi32>
    %get3A_4341 = arith.constant 14 : index
    %get3A_4342 = arith.constant 1 : index
    %get3A_4343 = memref.load %arg1[%get3A_4341, %get3A_4342] : memref<16x8xi32, #tpu.memory_space<smem>>
    %eq3A_4344 = vector.broadcast %get3A_4343 : i32 to vector<128x128xi32>
    %eq3A_4345 = arith.cmpi eq, %iota3A, %eq3A_4344 : vector<128x128xi32>
    %and3A_4346 = arith.andi %eq3A_4340, %eq3A_4345 : vector<128x128xi1>
    %or3A_4347 = arith.ori %or3A_4325, %and3A_4346 : vector<128x128xi1>
    %get3A_4348 = arith.constant 14 : index
    %get3A_4349 = arith.constant 1 : index
    %get3A_4350 = memref.load %arg2[%get3A_4348, %get3A_4349] : memref<16x8xf32, #tpu.memory_space<smem>>
    %broadcast_in_dim3A_4351 = vector.broadcast %get3A_4350 : f32 to vector<128x128xf32>
    %select_n3A_4352 = arith.select %and3A_4346, %broadcast_in_dim3A_4351, %select_n3A_4330 : vector<128x128xi1>, vector<128x128xf32>
    %get3A_4353 = arith.constant 14 : index
    %get3A_4354 = arith.constant 1 : index
    %get3A_4355 = memref.load %arg3[%get3A_4353, %get3A_4354] : memref<16x8xf32, #tpu.memory_space<smem>>
    %broadcast_in_dim3A_4356 = vector.broadcast %get3A_4355 : f32 to vector<128x128xf32>
    %select_n3A_4357 = arith.select %and3A_4346, %broadcast_in_dim3A_4356, %select_n3A_4335 : vector<128x128xi1>, vector<128x128xf32>
    %get3A_4358 = arith.constant 14 : index
    %get3A_4359 = arith.constant 2 : index
    %get3A_4360 = memref.load %arg0[%get3A_4358, %get3A_4359] : memref<16x8xi32, #tpu.memory_space<smem>>
    %eq3A_4361 = vector.broadcast %get3A_4360 : i32 to vector<128x128xi32>
    %eq3A_4362 = arith.cmpi eq, %iota3A_0, %eq3A_4361 : vector<128x128xi32>
    %get3A_4363 = arith.constant 14 : index
    %get3A_4364 = arith.constant 2 : index
    %get3A_4365 = memref.load %arg1[%get3A_4363, %get3A_4364] : memref<16x8xi32, #tpu.memory_space<smem>>
    %eq3A_4366 = vector.broadcast %get3A_4365 : i32 to vector<128x128xi32>
    %eq3A_4367 = arith.cmpi eq, %iota3A, %eq3A_4366 : vector<128x128xi32>
    %and3A_4368 = arith.andi %eq3A_4362, %eq3A_4367 : vector<128x128xi1>
    %or3A_4369 = arith.ori %or3A_4347, %and3A_4368 : vector<128x128xi1>
    %get3A_4370 = arith.constant 14 : index
    %get3A_4371 = arith.constant 2 : index
    %get3A_4372 = memref.load %arg2[%get3A_4370, %get3A_4371] : memref<16x8xf32, #tpu.memory_space<smem>>
    %broadcast_in_dim3A_4373 = vector.broadcast %get3A_4372 : f32 to vector<128x128xf32>
    %select_n3A_4374 = arith.select %and3A_4368, %broadcast_in_dim3A_4373, %select_n3A_4352 : vector<128x128xi1>, vector<128x128xf32>
    %get3A_4375 = arith.constant 14 : index
    %get3A_4376 = arith.constant 2 : index
    %get3A_4377 = memref.load %arg3[%get3A_4375, %get3A_4376] : memref<16x8xf32, #tpu.memory_space<smem>>
    %broadcast_in_dim3A_4378 = vector.broadcast %get3A_4377 : f32 to vector<128x128xf32>
    %select_n3A_4379 = arith.select %and3A_4368, %broadcast_in_dim3A_4378, %select_n3A_4357 : vector<128x128xi1>, vector<128x128xf32>
    %get3A_4380 = arith.constant 14 : index
    %get3A_4381 = arith.constant 3 : index
    %get3A_4382 = memref.load %arg0[%get3A_4380, %get3A_4381] : memref<16x8xi32, #tpu.memory_space<smem>>
    %eq3A_4383 = vector.broadcast %get3A_4382 : i32 to vector<128x128xi32>
    %eq3A_4384 = arith.cmpi eq, %iota3A_0, %eq3A_4383 : vector<128x128xi32>
    %get3A_4385 = arith.constant 14 : index
    %get3A_4386 = arith.constant 3 : index
    %get3A_4387 = memref.load %arg1[%get3A_4385, %get3A_4386] : memref<16x8xi32, #tpu.memory_space<smem>>
    %eq3A_4388 = vector.broadcast %get3A_4387 : i32 to vector<128x128xi32>
    %eq3A_4389 = arith.cmpi eq, %iota3A, %eq3A_4388 : vector<128x128xi32>
    %and3A_4390 = arith.andi %eq3A_4384, %eq3A_4389 : vector<128x128xi1>
    %or3A_4391 = arith.ori %or3A_4369, %and3A_4390 : vector<128x128xi1>
    %get3A_4392 = arith.constant 14 : index
    %get3A_4393 = arith.constant 3 : index
    %get3A_4394 = memref.load %arg2[%get3A_4392, %get3A_4393] : memref<16x8xf32, #tpu.memory_space<smem>>
    %broadcast_in_dim3A_4395 = vector.broadcast %get3A_4394 : f32 to vector<128x128xf32>
    %select_n3A_4396 = arith.select %and3A_4390, %broadcast_in_dim3A_4395, %select_n3A_4374 : vector<128x128xi1>, vector<128x128xf32>
    %get3A_4397 = arith.constant 14 : index
    %get3A_4398 = arith.constant 3 : index
    %get3A_4399 = memref.load %arg3[%get3A_4397, %get3A_4398] : memref<16x8xf32, #tpu.memory_space<smem>>
    %broadcast_in_dim3A_4400 = vector.broadcast %get3A_4399 : f32 to vector<128x128xf32>
    %select_n3A_4401 = arith.select %and3A_4390, %broadcast_in_dim3A_4400, %select_n3A_4379 : vector<128x128xi1>, vector<128x128xf32>
    %get3A_4402 = arith.constant 14 : index
    %get3A_4403 = arith.constant 4 : index
    %get3A_4404 = memref.load %arg0[%get3A_4402, %get3A_4403] : memref<16x8xi32, #tpu.memory_space<smem>>
    %eq3A_4405 = vector.broadcast %get3A_4404 : i32 to vector<128x128xi32>
    %eq3A_4406 = arith.cmpi eq, %iota3A_0, %eq3A_4405 : vector<128x128xi32>
    %get3A_4407 = arith.constant 14 : index
    %get3A_4408 = arith.constant 4 : index
    %get3A_4409 = memref.load %arg1[%get3A_4407, %get3A_4408] : memref<16x8xi32, #tpu.memory_space<smem>>
    %eq3A_4410 = vector.broadcast %get3A_4409 : i32 to vector<128x128xi32>
    %eq3A_4411 = arith.cmpi eq, %iota3A, %eq3A_4410 : vector<128x128xi32>
    %and3A_4412 = arith.andi %eq3A_4406, %eq3A_4411 : vector<128x128xi1>
    %or3A_4413 = arith.ori %or3A_4391, %and3A_4412 : vector<128x128xi1>
    %get3A_4414 = arith.constant 14 : index
    %get3A_4415 = arith.constant 4 : index
    %get3A_4416 = memref.load %arg2[%get3A_4414, %get3A_4415] : memref<16x8xf32, #tpu.memory_space<smem>>
    %broadcast_in_dim3A_4417 = vector.broadcast %get3A_4416 : f32 to vector<128x128xf32>
    %select_n3A_4418 = arith.select %and3A_4412, %broadcast_in_dim3A_4417, %select_n3A_4396 : vector<128x128xi1>, vector<128x128xf32>
    %get3A_4419 = arith.constant 14 : index
    %get3A_4420 = arith.constant 4 : index
    %get3A_4421 = memref.load %arg3[%get3A_4419, %get3A_4420] : memref<16x8xf32, #tpu.memory_space<smem>>
    %broadcast_in_dim3A_4422 = vector.broadcast %get3A_4421 : f32 to vector<128x128xf32>
    %select_n3A_4423 = arith.select %and3A_4412, %broadcast_in_dim3A_4422, %select_n3A_4401 : vector<128x128xi1>, vector<128x128xf32>
    %get3A_4424 = arith.constant 14 : index
    %get3A_4425 = arith.constant 5 : index
    %get3A_4426 = memref.load %arg0[%get3A_4424, %get3A_4425] : memref<16x8xi32, #tpu.memory_space<smem>>
    %eq3A_4427 = vector.broadcast %get3A_4426 : i32 to vector<128x128xi32>
    %eq3A_4428 = arith.cmpi eq, %iota3A_0, %eq3A_4427 : vector<128x128xi32>
    %get3A_4429 = arith.constant 14 : index
    %get3A_4430 = arith.constant 5 : index
    %get3A_4431 = memref.load %arg1[%get3A_4429, %get3A_4430] : memref<16x8xi32, #tpu.memory_space<smem>>
    %eq3A_4432 = vector.broadcast %get3A_4431 : i32 to vector<128x128xi32>
    %eq3A_4433 = arith.cmpi eq, %iota3A, %eq3A_4432 : vector<128x128xi32>
    %and3A_4434 = arith.andi %eq3A_4428, %eq3A_4433 : vector<128x128xi1>
    %or3A_4435 = arith.ori %or3A_4413, %and3A_4434 : vector<128x128xi1>
    %get3A_4436 = arith.constant 14 : index
    %get3A_4437 = arith.constant 5 : index
    %get3A_4438 = memref.load %arg2[%get3A_4436, %get3A_4437] : memref<16x8xf32, #tpu.memory_space<smem>>
    %broadcast_in_dim3A_4439 = vector.broadcast %get3A_4438 : f32 to vector<128x128xf32>
    %select_n3A_4440 = arith.select %and3A_4434, %broadcast_in_dim3A_4439, %select_n3A_4418 : vector<128x128xi1>, vector<128x128xf32>
    %get3A_4441 = arith.constant 14 : index
    %get3A_4442 = arith.constant 5 : index
    %get3A_4443 = memref.load %arg3[%get3A_4441, %get3A_4442] : memref<16x8xf32, #tpu.memory_space<smem>>
    %broadcast_in_dim3A_4444 = vector.broadcast %get3A_4443 : f32 to vector<128x128xf32>
    %select_n3A_4445 = arith.select %and3A_4434, %broadcast_in_dim3A_4444, %select_n3A_4423 : vector<128x128xi1>, vector<128x128xf32>
    %get3A_4446 = arith.constant 14 : index
    %get3A_4447 = arith.constant 6 : index
    %get3A_4448 = memref.load %arg0[%get3A_4446, %get3A_4447] : memref<16x8xi32, #tpu.memory_space<smem>>
    %eq3A_4449 = vector.broadcast %get3A_4448 : i32 to vector<128x128xi32>
    %eq3A_4450 = arith.cmpi eq, %iota3A_0, %eq3A_4449 : vector<128x128xi32>
    %get3A_4451 = arith.constant 14 : index
    %get3A_4452 = arith.constant 6 : index
    %get3A_4453 = memref.load %arg1[%get3A_4451, %get3A_4452] : memref<16x8xi32, #tpu.memory_space<smem>>
    %eq3A_4454 = vector.broadcast %get3A_4453 : i32 to vector<128x128xi32>
    %eq3A_4455 = arith.cmpi eq, %iota3A, %eq3A_4454 : vector<128x128xi32>
    %and3A_4456 = arith.andi %eq3A_4450, %eq3A_4455 : vector<128x128xi1>
    %or3A_4457 = arith.ori %or3A_4435, %and3A_4456 : vector<128x128xi1>
    %get3A_4458 = arith.constant 14 : index
    %get3A_4459 = arith.constant 6 : index
    %get3A_4460 = memref.load %arg2[%get3A_4458, %get3A_4459] : memref<16x8xf32, #tpu.memory_space<smem>>
    %broadcast_in_dim3A_4461 = vector.broadcast %get3A_4460 : f32 to vector<128x128xf32>
    %select_n3A_4462 = arith.select %and3A_4456, %broadcast_in_dim3A_4461, %select_n3A_4440 : vector<128x128xi1>, vector<128x128xf32>
    %get3A_4463 = arith.constant 14 : index
    %get3A_4464 = arith.constant 6 : index
    %get3A_4465 = memref.load %arg3[%get3A_4463, %get3A_4464] : memref<16x8xf32, #tpu.memory_space<smem>>
    %broadcast_in_dim3A_4466 = vector.broadcast %get3A_4465 : f32 to vector<128x128xf32>
    %select_n3A_4467 = arith.select %and3A_4456, %broadcast_in_dim3A_4466, %select_n3A_4445 : vector<128x128xi1>, vector<128x128xf32>
    %get3A_4468 = arith.constant 14 : index
    %get3A_4469 = arith.constant 7 : index
    %get3A_4470 = memref.load %arg0[%get3A_4468, %get3A_4469] : memref<16x8xi32, #tpu.memory_space<smem>>
    %eq3A_4471 = vector.broadcast %get3A_4470 : i32 to vector<128x128xi32>
    %eq3A_4472 = arith.cmpi eq, %iota3A_0, %eq3A_4471 : vector<128x128xi32>
    %get3A_4473 = arith.constant 14 : index
    %get3A_4474 = arith.constant 7 : index
    %get3A_4475 = memref.load %arg1[%get3A_4473, %get3A_4474] : memref<16x8xi32, #tpu.memory_space<smem>>
    %eq3A_4476 = vector.broadcast %get3A_4475 : i32 to vector<128x128xi32>
    %eq3A_4477 = arith.cmpi eq, %iota3A, %eq3A_4476 : vector<128x128xi32>
    %and3A_4478 = arith.andi %eq3A_4472, %eq3A_4477 : vector<128x128xi1>
    %or3A_4479 = arith.ori %or3A_4457, %and3A_4478 : vector<128x128xi1>
    %get3A_4480 = arith.constant 14 : index
    %get3A_4481 = arith.constant 7 : index
    %get3A_4482 = memref.load %arg2[%get3A_4480, %get3A_4481] : memref<16x8xf32, #tpu.memory_space<smem>>
    %broadcast_in_dim3A_4483 = vector.broadcast %get3A_4482 : f32 to vector<128x128xf32>
    %select_n3A_4484 = arith.select %and3A_4478, %broadcast_in_dim3A_4483, %select_n3A_4462 : vector<128x128xi1>, vector<128x128xf32>
    %get3A_4485 = arith.constant 14 : index
    %get3A_4486 = arith.constant 7 : index
    %get3A_4487 = memref.load %arg3[%get3A_4485, %get3A_4486] : memref<16x8xf32, #tpu.memory_space<smem>>
    %broadcast_in_dim3A_4488 = vector.broadcast %get3A_4487 : f32 to vector<128x128xf32>
    %select_n3A_4489 = arith.select %and3A_4478, %broadcast_in_dim3A_4488, %select_n3A_4467 : vector<128x128xi1>, vector<128x128xf32>
    %convert_element_type3A_4490 = arith.extui %or3A_4479 : vector<128x128xi1> to vector<128x128xi32>
    %convert_element_type3A_4491 = arith.sitofp %convert_element_type3A_4490 : vector<128x128xi32> to vector<128x128xf32>
    %neg3A_4492 = arith.constant 0.000000e+00 : f32
    %neg3A_4493 = vector.broadcast %neg3A_4492 : f32 to vector<128x128xf32>
    %neg3A_4494 = arith.subf %neg3A_4493, %get3A_4256 : vector<128x128xf32>
    %exp3A_4495 = math.exp %neg3A_4494 : vector<128x128xf32>
    %add3A_4496 = arith.constant 1.000000e+00 : f32
    %add3A_4497 = vector.broadcast %add3A_4496 : f32 to vector<128x128xf32>
    %add3A_4498 = arith.addf %add3A_4497, %exp3A_4495 : vector<128x128xf32>
    %div3A_4499 = arith.constant 1.000000e+00 : f32
    %div3A_4500 = vector.broadcast %div3A_4499 : f32 to vector<128x128xf32>
    %div3A_4501 = arith.divf %div3A_4500, %add3A_4498 : vector<128x128xf32>
    %jit3A_4502 = arith.constant 0xFF800000 : f32
    %broadcast_in_dim3A_4503 = vector.broadcast %jit3A_4502 : f32 to vector<128x128xf32>
    %select_n3A_4504 = arith.select %or3A_4479, %broadcast_in_dim3A_4503, %div3A_4501 : vector<128x128xi1>, vector<128x128xf32>
    %bitcast_convert_type3A_4505 = tpu.bitcast %select_n3A_4504 : vector<128x128xf32> -> vector<128x128xi32>
    %ge3A_4506 = arith.constant 0 : i32
    %ge3A_4507 = vector.broadcast %ge3A_4506 : i32 to vector<128x128xi32>
    %ge3A_4508 = arith.cmpi sge, %bitcast_convert_type3A_4505, %ge3A_4507 : vector<128x128xi32>
    %xor3A_4509 = arith.constant 2147483647 : i32
    %xor3A_4510 = vector.broadcast %xor3A_4509 : i32 to vector<128x128xi32>
    %xor3A_4511 = arith.xori %bitcast_convert_type3A_4505, %xor3A_4510 : vector<128x128xi32>
    %select_n3A_4512 = arith.select %ge3A_4508, %bitcast_convert_type3A_4505, %xor3A_4511 : vector<128x128xi1>, vector<128x128xi32>
    %max3A_4513 = arith.constant -1 : i32
    %max3A_4514 = vector.broadcast %max3A_4513 : i32 to vector<128x128xi32>
    %max3A_4515 = arith.maxsi %select_n3A_4512, %max3A_4514 : vector<128x128xi32>
    %swap3A_4516 = arith.constant 1792 : index
    %swap3A_4517 = arith.constant 0 : index
    %swap3A_4518 = vector.load %arg8[%swap3A_4516, %swap3A_4517] : memref<2048x128xi32, #tpu.memory_space<vmem>>, vector<128x128xi32>
    tpu.vector_store %arg8[%swap3A_4516, %swap3A_4517], %max3A_4515 {strides = array<i32>} : memref<2048x128xi32, #tpu.memory_space<vmem>>, vector<128x128xi32>,
    %swap3A_4519 = arith.constant 1792 : index
    %swap3A_4520 = arith.constant 0 : index
    %swap3A_4521 = vector.load %arg9[%swap3A_4519, %swap3A_4520] : memref<2048x128xf32, #tpu.memory_space<vmem>>, vector<128x128xf32>
    tpu.vector_store %arg9[%swap3A_4519, %swap3A_4520], %add3A_4287 {strides = array<i32>} : memref<2048x128xf32, #tpu.memory_space<vmem>>, vector<128x128xf32>,
    %reduce_sum3A_4522 = vector.shape_cast %mul3A_4307 : vector<128x128xf32> to vector<1x128x128xf32>
    %reduce_sum3A_4523 = arith.constant dense<0.000000e+00> : vector<1xf32>
    %reduce_sum3A_4524 = vector.multi_reduction <add>, %reduce_sum3A_4522, %reduce_sum3A_4523 [1, 2] : vector<1x128x128xf32> to vector<1xf32>
    %reduce_sum3A_4525 = vector.shape_cast %reduce_sum3A_4524 : vector<1xf32> to vector<1x1x1xf32>
    %reduce_sum3A_4526 = vector.extract %reduce_sum3A_4525[0, 0, 0] : f32 from vector<1x1x1xf32>
    %add3A_4527 = arith.addf %add3A_4222, %reduce_sum3A_4526 : f32
    %mul3A_4528 = arith.mulf %mul3A_4307, %convert_element_type3A_4491 : vector<128x128xf32>
    %reduce_sum3A_4529 = vector.shape_cast %mul3A_4528 : vector<128x128xf32> to vector<1x128x128xf32>
    %reduce_sum3A_4530 = arith.constant dense<0.000000e+00> : vector<1xf32>
    %reduce_sum3A_4531 = vector.multi_reduction <add>, %reduce_sum3A_4529, %reduce_sum3A_4530 [1, 2] : vector<1x128x128xf32> to vector<1xf32>
    %reduce_sum3A_4532 = vector.shape_cast %reduce_sum3A_4531 : vector<1xf32> to vector<1x1x1xf32>
    %reduce_sum3A_4533 = vector.extract %reduce_sum3A_4532[0, 0, 0] : f32 from vector<1x1x1xf32>
    %add3A_4534 = arith.addf %add3A_4229, %reduce_sum3A_4533 : f32
    %reduce_sum3A_4535 = vector.shape_cast %convert_element_type3A_4491 : vector<128x128xf32> to vector<1x128x128xf32>
    %reduce_sum3A_4536 = arith.constant dense<0.000000e+00> : vector<1xf32>
    %reduce_sum3A_4537 = vector.multi_reduction <add>, %reduce_sum3A_4535, %reduce_sum3A_4536 [1, 2] : vector<1x128x128xf32> to vector<1xf32>
    %reduce_sum3A_4538 = vector.shape_cast %reduce_sum3A_4537 : vector<1xf32> to vector<1x1x1xf32>
    %reduce_sum3A_4539 = vector.extract %reduce_sum3A_4538[0, 0, 0] : f32 from vector<1x1x1xf32>
    %add3A_4540 = arith.addf %add3A_4235, %reduce_sum3A_4539 : f32
    %get3A_4541 = arith.constant 1792 : index
    %get3A_4542 = arith.constant 0 : index
    %get3A_4543 = vector.load %arg6[%get3A_4541, %get3A_4542] : memref<2048x128xf32, #tpu.memory_space<vmem>>, vector<128x128xf32>
    %get3A_4544 = arith.constant 1792 : index
    %get3A_4545 = arith.constant 0 : index
    %get3A_4546 = vector.load %arg7[%get3A_4544, %get3A_4545] : memref<2048x128xf32, #tpu.memory_space<vmem>>, vector<128x128xf32>
    %sub3A_4547 = arith.subf %get3A_4543, %select_n3A_4484 : vector<128x128xf32>
    %abs3A_4548 = math.absf %sub3A_4547 : vector<128x128xf32>
    %sub3A_4549 = arith.subf %get3A_4546, %select_n3A_4489 : vector<128x128xf32>
    %abs3A_4550 = math.absf %sub3A_4549 : vector<128x128xf32>
    %add3A_4551 = arith.addf %abs3A_4548, %abs3A_4550 : vector<128x128xf32>
    %mul3A_4552 = arith.mulf %convert_element_type3A_4491, %add3A_4551 : vector<128x128xf32>
    %reduce_sum3A_4553 = vector.shape_cast %mul3A_4552 : vector<128x128xf32> to vector<1x128x128xf32>
    %reduce_sum3A_4554 = arith.constant dense<0.000000e+00> : vector<1xf32>
    %reduce_sum3A_4555 = vector.multi_reduction <add>, %reduce_sum3A_4553, %reduce_sum3A_4554 [1, 2] : vector<1x128x128xf32> to vector<1xf32>
    %reduce_sum3A_4556 = vector.shape_cast %reduce_sum3A_4555 : vector<1xf32> to vector<1x1x1xf32>
    %reduce_sum3A_4557 = vector.extract %reduce_sum3A_4556[0, 0, 0] : f32 from vector<1x1x1xf32>
    %add3A_4558 = arith.addf %add3A_4253, %reduce_sum3A_4557 : f32
    %get3A_4559 = arith.constant 1920 : index
    %get3A_4560 = arith.constant 0 : index
    %get3A_4561 = vector.load %arg5[%get3A_4559, %get3A_4560] : memref<2048x128xf32, #tpu.memory_space<vmem>>, vector<128x128xf32>
    %get3A_4562 = arith.constant 15 : index
    %get3A_4563 = arith.constant 7 : index
    %get3A_4564 = memref.load %arg0[%get3A_4562, %get3A_4563] : memref<16x8xi32, #tpu.memory_space<smem>>
    %convert_element_type3A_4565 = arith.sitofp %get3A_4564 : i32 to f32
    %get3A_4566 = arith.constant 15 : index
    %get3A_4567 = arith.constant 7 : index
    %get3A_4568 = memref.load %arg1[%get3A_4566, %get3A_4567] : memref<16x8xi32, #tpu.memory_space<smem>>
    %convert_element_type3A_4569 = arith.sitofp %get3A_4568 : i32 to f32
    %sub3A_4570 = vector.broadcast %convert_element_type3A_4565 : f32 to vector<128x128xf32>
    %sub3A_4571 = arith.subf %convert_element_type3A_1, %sub3A_4570 : vector<128x128xf32>
    %integer_pow3A_4572 = arith.mulf %sub3A_4571, %sub3A_4571 : vector<128x128xf32>
    %sub3A_4573 = vector.broadcast %convert_element_type3A_4569 : f32 to vector<128x128xf32>
    %sub3A_4574 = arith.subf %convert_element_type3A, %sub3A_4573 : vector<128x128xf32>
    %integer_pow3A_4575 = arith.mulf %sub3A_4574, %sub3A_4574 : vector<128x128xf32>
    %add3A_4576 = arith.addf %integer_pow3A_4572, %integer_pow3A_4575 : vector<128x128xf32>
    %mul3A_4577 = arith.constant -2.000000e+00 : f32
    %mul3A_4578 = vector.broadcast %mul3A_4577 : f32 to vector<128x128xf32>
    %mul3A_4579 = arith.mulf %mul3A_4578, %add3A_4576 : vector<128x128xf32>
    %exp3A_4580 = math.exp %mul3A_4579 : vector<128x128xf32>
    %abs3A_4581 = math.absf %get3A_4561 : vector<128x128xf32>
    %max3A_4582 = arith.constant 0.000000e+00 : f32
    %max3A_4583 = vector.broadcast %max3A_4582 : f32 to vector<128x128xf32>
    %max3A_4584 = arith.maximumf %get3A_4561, %max3A_4583 : vector<128x128xf32>
    %mul3A_4585 = arith.mulf %get3A_4561, %exp3A_4580 : vector<128x128xf32>
    %sub3A_4586 = arith.subf %max3A_4584, %mul3A_4585 : vector<128x128xf32>
    %neg3A_4587 = arith.constant 0.000000e+00 : f32
    %neg3A_4588 = vector.broadcast %neg3A_4587 : f32 to vector<128x128xf32>
    %neg3A_4589 = arith.subf %neg3A_4588, %abs3A_4581 : vector<128x128xf32>
    %exp3A_4590 = math.exp %neg3A_4589 : vector<128x128xf32>
    %log1p3A_4591 = math.log1p %exp3A_4590 : vector<128x128xf32>
    %add3A_4592 = arith.addf %sub3A_4586, %log1p3A_4591 : vector<128x128xf32>
    %neg3A_4593 = arith.constant 0.000000e+00 : f32
    %neg3A_4594 = vector.broadcast %neg3A_4593 : f32 to vector<128x128xf32>
    %neg3A_4595 = arith.subf %neg3A_4594, %add3A_4592 : vector<128x128xf32>
    %exp3A_4596 = math.exp %neg3A_4595 : vector<128x128xf32>
    %mul3A_4597 = arith.constant 2.500000e-01 : f32
    %mul3A_4598 = vector.broadcast %mul3A_4597 : f32 to vector<128x128xf32>
    %mul3A_4599 = arith.mulf %exp3A_4580, %mul3A_4598 : vector<128x128xf32>
    %sub3A_4600 = arith.constant 1.000000e+00 : f32
    %sub3A_4601 = vector.broadcast %sub3A_4600 : f32 to vector<128x128xf32>
    %sub3A_4602 = arith.subf %sub3A_4601, %exp3A_4580 : vector<128x128xf32>
    %mul3A_4603 = arith.constant 7.500000e-01 : f32
    %mul3A_4604 = vector.broadcast %mul3A_4603 : f32 to vector<128x128xf32>
    %mul3A_4605 = arith.mulf %sub3A_4602, %mul3A_4604 : vector<128x128xf32>
    %add3A_4606 = arith.addf %mul3A_4599, %mul3A_4605 : vector<128x128xf32>
    %sub3A_4607 = arith.constant 1.000000e+00 : f32
    %sub3A_4608 = vector.broadcast %sub3A_4607 : f32 to vector<128x128xf32>
    %sub3A_4609 = arith.subf %sub3A_4608, %exp3A_4596 : vector<128x128xf32>
    %mul3A_4610 = arith.mulf %add3A_4606, %sub3A_4609 : vector<128x128xf32>
    %mul3A_4611 = arith.mulf %mul3A_4610, %sub3A_4609 : vector<128x128xf32>
    %mul3A_4612 = arith.mulf %mul3A_4611, %add3A_4592 : vector<128x128xf32>
    %broadcast_in_dim3A_4613 = arith.constant false
    %broadcast_in_dim3A_4614 = vector.broadcast %broadcast_in_dim3A_4613 : i1 to vector<128x128xi1>
    %broadcast_in_dim3A_4615 = arith.constant 0.000000e+00 : f32
    %broadcast_in_dim3A_4616 = vector.broadcast %broadcast_in_dim3A_4615 : f32 to vector<128x128xf32>
    %broadcast_in_dim3A_4617 = arith.constant 0.000000e+00 : f32
    %broadcast_in_dim3A_4618 = vector.broadcast %broadcast_in_dim3A_4617 : f32 to vector<128x128xf32>
    %get3A_4619 = arith.constant 15 : index
    %get3A_4620 = arith.constant 0 : index
    %get3A_4621 = memref.load %arg0[%get3A_4619, %get3A_4620] : memref<16x8xi32, #tpu.memory_space<smem>>
    %eq3A_4622 = vector.broadcast %get3A_4621 : i32 to vector<128x128xi32>
    %eq3A_4623 = arith.cmpi eq, %iota3A_0, %eq3A_4622 : vector<128x128xi32>
    %get3A_4624 = arith.constant 15 : index
    %get3A_4625 = arith.constant 0 : index
    %get3A_4626 = memref.load %arg1[%get3A_4624, %get3A_4625] : memref<16x8xi32, #tpu.memory_space<smem>>
    %eq3A_4627 = vector.broadcast %get3A_4626 : i32 to vector<128x128xi32>
    %eq3A_4628 = arith.cmpi eq, %iota3A, %eq3A_4627 : vector<128x128xi32>
    %and3A_4629 = arith.andi %eq3A_4623, %eq3A_4628 : vector<128x128xi1>
    %or3A_4630 = arith.ori %broadcast_in_dim3A_4614, %and3A_4629 : vector<128x128xi1>
    %get3A_4631 = arith.constant 15 : index
    %get3A_4632 = arith.constant 0 : index
    %get3A_4633 = memref.load %arg2[%get3A_4631, %get3A_4632] : memref<16x8xf32, #tpu.memory_space<smem>>
    %broadcast_in_dim3A_4634 = vector.broadcast %get3A_4633 : f32 to vector<128x128xf32>
    %select_n3A_4635 = arith.select %and3A_4629, %broadcast_in_dim3A_4634, %broadcast_in_dim3A_4616 : vector<128x128xi1>, vector<128x128xf32>
    %get3A_4636 = arith.constant 15 : index
    %get3A_4637 = arith.constant 0 : index
    %get3A_4638 = memref.load %arg3[%get3A_4636, %get3A_4637] : memref<16x8xf32, #tpu.memory_space<smem>>
    %broadcast_in_dim3A_4639 = vector.broadcast %get3A_4638 : f32 to vector<128x128xf32>
    %select_n3A_4640 = arith.select %and3A_4629, %broadcast_in_dim3A_4639, %broadcast_in_dim3A_4618 : vector<128x128xi1>, vector<128x128xf32>
    %get3A_4641 = arith.constant 15 : index
    %get3A_4642 = arith.constant 1 : index
    %get3A_4643 = memref.load %arg0[%get3A_4641, %get3A_4642] : memref<16x8xi32, #tpu.memory_space<smem>>
    %eq3A_4644 = vector.broadcast %get3A_4643 : i32 to vector<128x128xi32>
    %eq3A_4645 = arith.cmpi eq, %iota3A_0, %eq3A_4644 : vector<128x128xi32>
    %get3A_4646 = arith.constant 15 : index
    %get3A_4647 = arith.constant 1 : index
    %get3A_4648 = memref.load %arg1[%get3A_4646, %get3A_4647] : memref<16x8xi32, #tpu.memory_space<smem>>
    %eq3A_4649 = vector.broadcast %get3A_4648 : i32 to vector<128x128xi32>
    %eq3A_4650 = arith.cmpi eq, %iota3A, %eq3A_4649 : vector<128x128xi32>
    %and3A_4651 = arith.andi %eq3A_4645, %eq3A_4650 : vector<128x128xi1>
    %or3A_4652 = arith.ori %or3A_4630, %and3A_4651 : vector<128x128xi1>
    %get3A_4653 = arith.constant 15 : index
    %get3A_4654 = arith.constant 1 : index
    %get3A_4655 = memref.load %arg2[%get3A_4653, %get3A_4654] : memref<16x8xf32, #tpu.memory_space<smem>>
    %broadcast_in_dim3A_4656 = vector.broadcast %get3A_4655 : f32 to vector<128x128xf32>
    %select_n3A_4657 = arith.select %and3A_4651, %broadcast_in_dim3A_4656, %select_n3A_4635 : vector<128x128xi1>, vector<128x128xf32>
    %get3A_4658 = arith.constant 15 : index
    %get3A_4659 = arith.constant 1 : index
    %get3A_4660 = memref.load %arg3[%get3A_4658, %get3A_4659] : memref<16x8xf32, #tpu.memory_space<smem>>
    %broadcast_in_dim3A_4661 = vector.broadcast %get3A_4660 : f32 to vector<128x128xf32>
    %select_n3A_4662 = arith.select %and3A_4651, %broadcast_in_dim3A_4661, %select_n3A_4640 : vector<128x128xi1>, vector<128x128xf32>
    %get3A_4663 = arith.constant 15 : index
    %get3A_4664 = arith.constant 2 : index
    %get3A_4665 = memref.load %arg0[%get3A_4663, %get3A_4664] : memref<16x8xi32, #tpu.memory_space<smem>>
    %eq3A_4666 = vector.broadcast %get3A_4665 : i32 to vector<128x128xi32>
    %eq3A_4667 = arith.cmpi eq, %iota3A_0, %eq3A_4666 : vector<128x128xi32>
    %get3A_4668 = arith.constant 15 : index
    %get3A_4669 = arith.constant 2 : index
    %get3A_4670 = memref.load %arg1[%get3A_4668, %get3A_4669] : memref<16x8xi32, #tpu.memory_space<smem>>
    %eq3A_4671 = vector.broadcast %get3A_4670 : i32 to vector<128x128xi32>
    %eq3A_4672 = arith.cmpi eq, %iota3A, %eq3A_4671 : vector<128x128xi32>
    %and3A_4673 = arith.andi %eq3A_4667, %eq3A_4672 : vector<128x128xi1>
    %or3A_4674 = arith.ori %or3A_4652, %and3A_4673 : vector<128x128xi1>
    %get3A_4675 = arith.constant 15 : index
    %get3A_4676 = arith.constant 2 : index
    %get3A_4677 = memref.load %arg2[%get3A_4675, %get3A_4676] : memref<16x8xf32, #tpu.memory_space<smem>>
    %broadcast_in_dim3A_4678 = vector.broadcast %get3A_4677 : f32 to vector<128x128xf32>
    %select_n3A_4679 = arith.select %and3A_4673, %broadcast_in_dim3A_4678, %select_n3A_4657 : vector<128x128xi1>, vector<128x128xf32>
    %get3A_4680 = arith.constant 15 : index
    %get3A_4681 = arith.constant 2 : index
    %get3A_4682 = memref.load %arg3[%get3A_4680, %get3A_4681] : memref<16x8xf32, #tpu.memory_space<smem>>
    %broadcast_in_dim3A_4683 = vector.broadcast %get3A_4682 : f32 to vector<128x128xf32>
    %select_n3A_4684 = arith.select %and3A_4673, %broadcast_in_dim3A_4683, %select_n3A_4662 : vector<128x128xi1>, vector<128x128xf32>
    %get3A_4685 = arith.constant 15 : index
    %get3A_4686 = arith.constant 3 : index
    %get3A_4687 = memref.load %arg0[%get3A_4685, %get3A_4686] : memref<16x8xi32, #tpu.memory_space<smem>>
    %eq3A_4688 = vector.broadcast %get3A_4687 : i32 to vector<128x128xi32>
    %eq3A_4689 = arith.cmpi eq, %iota3A_0, %eq3A_4688 : vector<128x128xi32>
    %get3A_4690 = arith.constant 15 : index
    %get3A_4691 = arith.constant 3 : index
    %get3A_4692 = memref.load %arg1[%get3A_4690, %get3A_4691] : memref<16x8xi32, #tpu.memory_space<smem>>
    %eq3A_4693 = vector.broadcast %get3A_4692 : i32 to vector<128x128xi32>
    %eq3A_4694 = arith.cmpi eq, %iota3A, %eq3A_4693 : vector<128x128xi32>
    %and3A_4695 = arith.andi %eq3A_4689, %eq3A_4694 : vector<128x128xi1>
    %or3A_4696 = arith.ori %or3A_4674, %and3A_4695 : vector<128x128xi1>
    %get3A_4697 = arith.constant 15 : index
    %get3A_4698 = arith.constant 3 : index
    %get3A_4699 = memref.load %arg2[%get3A_4697, %get3A_4698] : memref<16x8xf32, #tpu.memory_space<smem>>
    %broadcast_in_dim3A_4700 = vector.broadcast %get3A_4699 : f32 to vector<128x128xf32>
    %select_n3A_4701 = arith.select %and3A_4695, %broadcast_in_dim3A_4700, %select_n3A_4679 : vector<128x128xi1>, vector<128x128xf32>
    %get3A_4702 = arith.constant 15 : index
    %get3A_4703 = arith.constant 3 : index
    %get3A_4704 = memref.load %arg3[%get3A_4702, %get3A_4703] : memref<16x8xf32, #tpu.memory_space<smem>>
    %broadcast_in_dim3A_4705 = vector.broadcast %get3A_4704 : f32 to vector<128x128xf32>
    %select_n3A_4706 = arith.select %and3A_4695, %broadcast_in_dim3A_4705, %select_n3A_4684 : vector<128x128xi1>, vector<128x128xf32>
    %get3A_4707 = arith.constant 15 : index
    %get3A_4708 = arith.constant 4 : index
    %get3A_4709 = memref.load %arg0[%get3A_4707, %get3A_4708] : memref<16x8xi32, #tpu.memory_space<smem>>
    %eq3A_4710 = vector.broadcast %get3A_4709 : i32 to vector<128x128xi32>
    %eq3A_4711 = arith.cmpi eq, %iota3A_0, %eq3A_4710 : vector<128x128xi32>
    %get3A_4712 = arith.constant 15 : index
    %get3A_4713 = arith.constant 4 : index
    %get3A_4714 = memref.load %arg1[%get3A_4712, %get3A_4713] : memref<16x8xi32, #tpu.memory_space<smem>>
    %eq3A_4715 = vector.broadcast %get3A_4714 : i32 to vector<128x128xi32>
    %eq3A_4716 = arith.cmpi eq, %iota3A, %eq3A_4715 : vector<128x128xi32>
    %and3A_4717 = arith.andi %eq3A_4711, %eq3A_4716 : vector<128x128xi1>
    %or3A_4718 = arith.ori %or3A_4696, %and3A_4717 : vector<128x128xi1>
    %get3A_4719 = arith.constant 15 : index
    %get3A_4720 = arith.constant 4 : index
    %get3A_4721 = memref.load %arg2[%get3A_4719, %get3A_4720] : memref<16x8xf32, #tpu.memory_space<smem>>
    %broadcast_in_dim3A_4722 = vector.broadcast %get3A_4721 : f32 to vector<128x128xf32>
    %select_n3A_4723 = arith.select %and3A_4717, %broadcast_in_dim3A_4722, %select_n3A_4701 : vector<128x128xi1>, vector<128x128xf32>
    %get3A_4724 = arith.constant 15 : index
    %get3A_4725 = arith.constant 4 : index
    %get3A_4726 = memref.load %arg3[%get3A_4724, %get3A_4725] : memref<16x8xf32, #tpu.memory_space<smem>>
    %broadcast_in_dim3A_4727 = vector.broadcast %get3A_4726 : f32 to vector<128x128xf32>
    %select_n3A_4728 = arith.select %and3A_4717, %broadcast_in_dim3A_4727, %select_n3A_4706 : vector<128x128xi1>, vector<128x128xf32>
    %get3A_4729 = arith.constant 15 : index
    %get3A_4730 = arith.constant 5 : index
    %get3A_4731 = memref.load %arg0[%get3A_4729, %get3A_4730] : memref<16x8xi32, #tpu.memory_space<smem>>
    %eq3A_4732 = vector.broadcast %get3A_4731 : i32 to vector<128x128xi32>
    %eq3A_4733 = arith.cmpi eq, %iota3A_0, %eq3A_4732 : vector<128x128xi32>
    %get3A_4734 = arith.constant 15 : index
    %get3A_4735 = arith.constant 5 : index
    %get3A_4736 = memref.load %arg1[%get3A_4734, %get3A_4735] : memref<16x8xi32, #tpu.memory_space<smem>>
    %eq3A_4737 = vector.broadcast %get3A_4736 : i32 to vector<128x128xi32>
    %eq3A_4738 = arith.cmpi eq, %iota3A, %eq3A_4737 : vector<128x128xi32>
    %and3A_4739 = arith.andi %eq3A_4733, %eq3A_4738 : vector<128x128xi1>
    %or3A_4740 = arith.ori %or3A_4718, %and3A_4739 : vector<128x128xi1>
    %get3A_4741 = arith.constant 15 : index
    %get3A_4742 = arith.constant 5 : index
    %get3A_4743 = memref.load %arg2[%get3A_4741, %get3A_4742] : memref<16x8xf32, #tpu.memory_space<smem>>
    %broadcast_in_dim3A_4744 = vector.broadcast %get3A_4743 : f32 to vector<128x128xf32>
    %select_n3A_4745 = arith.select %and3A_4739, %broadcast_in_dim3A_4744, %select_n3A_4723 : vector<128x128xi1>, vector<128x128xf32>
    %get3A_4746 = arith.constant 15 : index
    %get3A_4747 = arith.constant 5 : index
    %get3A_4748 = memref.load %arg3[%get3A_4746, %get3A_4747] : memref<16x8xf32, #tpu.memory_space<smem>>
    %broadcast_in_dim3A_4749 = vector.broadcast %get3A_4748 : f32 to vector<128x128xf32>
    %select_n3A_4750 = arith.select %and3A_4739, %broadcast_in_dim3A_4749, %select_n3A_4728 : vector<128x128xi1>, vector<128x128xf32>
    %get3A_4751 = arith.constant 15 : index
    %get3A_4752 = arith.constant 6 : index
    %get3A_4753 = memref.load %arg0[%get3A_4751, %get3A_4752] : memref<16x8xi32, #tpu.memory_space<smem>>
    %eq3A_4754 = vector.broadcast %get3A_4753 : i32 to vector<128x128xi32>
    %eq3A_4755 = arith.cmpi eq, %iota3A_0, %eq3A_4754 : vector<128x128xi32>
    %get3A_4756 = arith.constant 15 : index
    %get3A_4757 = arith.constant 6 : index
    %get3A_4758 = memref.load %arg1[%get3A_4756, %get3A_4757] : memref<16x8xi32, #tpu.memory_space<smem>>
    %eq3A_4759 = vector.broadcast %get3A_4758 : i32 to vector<128x128xi32>
    %eq3A_4760 = arith.cmpi eq, %iota3A, %eq3A_4759 : vector<128x128xi32>
    %and3A_4761 = arith.andi %eq3A_4755, %eq3A_4760 : vector<128x128xi1>
    %or3A_4762 = arith.ori %or3A_4740, %and3A_4761 : vector<128x128xi1>
    %get3A_4763 = arith.constant 15 : index
    %get3A_4764 = arith.constant 6 : index
    %get3A_4765 = memref.load %arg2[%get3A_4763, %get3A_4764] : memref<16x8xf32, #tpu.memory_space<smem>>
    %broadcast_in_dim3A_4766 = vector.broadcast %get3A_4765 : f32 to vector<128x128xf32>
    %select_n3A_4767 = arith.select %and3A_4761, %broadcast_in_dim3A_4766, %select_n3A_4745 : vector<128x128xi1>, vector<128x128xf32>
    %get3A_4768 = arith.constant 15 : index
    %get3A_4769 = arith.constant 6 : index
    %get3A_4770 = memref.load %arg3[%get3A_4768, %get3A_4769] : memref<16x8xf32, #tpu.memory_space<smem>>
    %broadcast_in_dim3A_4771 = vector.broadcast %get3A_4770 : f32 to vector<128x128xf32>
    %select_n3A_4772 = arith.select %and3A_4761, %broadcast_in_dim3A_4771, %select_n3A_4750 : vector<128x128xi1>, vector<128x128xf32>
    %get3A_4773 = arith.constant 15 : index
    %get3A_4774 = arith.constant 7 : index
    %get3A_4775 = memref.load %arg0[%get3A_4773, %get3A_4774] : memref<16x8xi32, #tpu.memory_space<smem>>
    %eq3A_4776 = vector.broadcast %get3A_4775 : i32 to vector<128x128xi32>
    %eq3A_4777 = arith.cmpi eq, %iota3A_0, %eq3A_4776 : vector<128x128xi32>
    %get3A_4778 = arith.constant 15 : index
    %get3A_4779 = arith.constant 7 : index
    %get3A_4780 = memref.load %arg1[%get3A_4778, %get3A_4779] : memref<16x8xi32, #tpu.memory_space<smem>>
    %eq3A_4781 = vector.broadcast %get3A_4780 : i32 to vector<128x128xi32>
    %eq3A_4782 = arith.cmpi eq, %iota3A, %eq3A_4781 : vector<128x128xi32>
    %and3A_4783 = arith.andi %eq3A_4777, %eq3A_4782 : vector<128x128xi1>
    %or3A_4784 = arith.ori %or3A_4762, %and3A_4783 : vector<128x128xi1>
    %get3A_4785 = arith.constant 15 : index
    %get3A_4786 = arith.constant 7 : index
    %get3A_4787 = memref.load %arg2[%get3A_4785, %get3A_4786] : memref<16x8xf32, #tpu.memory_space<smem>>
    %broadcast_in_dim3A_4788 = vector.broadcast %get3A_4787 : f32 to vector<128x128xf32>
    %select_n3A_4789 = arith.select %and3A_4783, %broadcast_in_dim3A_4788, %select_n3A_4767 : vector<128x128xi1>, vector<128x128xf32>
    %get3A_4790 = arith.constant 15 : index
    %get3A_4791 = arith.constant 7 : index
    %get3A_4792 = memref.load %arg3[%get3A_4790, %get3A_4791] : memref<16x8xf32, #tpu.memory_space<smem>>
    %broadcast_in_dim3A_4793 = vector.broadcast %get3A_4792 : f32 to vector<128x128xf32>
    %select_n3A_4794 = arith.select %and3A_4783, %broadcast_in_dim3A_4793, %select_n3A_4772 : vector<128x128xi1>, vector<128x128xf32>
    %convert_element_type3A_4795 = arith.extui %or3A_4784 : vector<128x128xi1> to vector<128x128xi32>
    %convert_element_type3A_4796 = arith.sitofp %convert_element_type3A_4795 : vector<128x128xi32> to vector<128x128xf32>
    %neg3A_4797 = arith.constant 0.000000e+00 : f32
    %neg3A_4798 = vector.broadcast %neg3A_4797 : f32 to vector<128x128xf32>
    %neg3A_4799 = arith.subf %neg3A_4798, %get3A_4561 : vector<128x128xf32>
    %exp3A_4800 = math.exp %neg3A_4799 : vector<128x128xf32>
    %add3A_4801 = arith.constant 1.000000e+00 : f32
    %add3A_4802 = vector.broadcast %add3A_4801 : f32 to vector<128x128xf32>
    %add3A_4803 = arith.addf %add3A_4802, %exp3A_4800 : vector<128x128xf32>
    %div3A_4804 = arith.constant 1.000000e+00 : f32
    %div3A_4805 = vector.broadcast %div3A_4804 : f32 to vector<128x128xf32>
    %div3A_4806 = arith.divf %div3A_4805, %add3A_4803 : vector<128x128xf32>
    %jit3A_4807 = arith.constant 0xFF800000 : f32
    %broadcast_in_dim3A_4808 = vector.broadcast %jit3A_4807 : f32 to vector<128x128xf32>
    %select_n3A_4809 = arith.select %or3A_4784, %broadcast_in_dim3A_4808, %div3A_4806 : vector<128x128xi1>, vector<128x128xf32>
    %bitcast_convert_type3A_4810 = tpu.bitcast %select_n3A_4809 : vector<128x128xf32> -> vector<128x128xi32>
    %ge3A_4811 = arith.constant 0 : i32
    %ge3A_4812 = vector.broadcast %ge3A_4811 : i32 to vector<128x128xi32>
    %ge3A_4813 = arith.cmpi sge, %bitcast_convert_type3A_4810, %ge3A_4812 : vector<128x128xi32>
    %xor3A_4814 = arith.constant 2147483647 : i32
    %xor3A_4815 = vector.broadcast %xor3A_4814 : i32 to vector<128x128xi32>
    %xor3A_4816 = arith.xori %bitcast_convert_type3A_4810, %xor3A_4815 : vector<128x128xi32>
    %select_n3A_4817 = arith.select %ge3A_4813, %bitcast_convert_type3A_4810, %xor3A_4816 : vector<128x128xi1>, vector<128x128xi32>
    %max3A_4818 = arith.constant -1 : i32
    %max3A_4819 = vector.broadcast %max3A_4818 : i32 to vector<128x128xi32>
    %max3A_4820 = arith.maxsi %select_n3A_4817, %max3A_4819 : vector<128x128xi32>
    %swap3A_4821 = arith.constant 1920 : index
    %swap3A_4822 = arith.constant 0 : index
    %swap3A_4823 = vector.load %arg8[%swap3A_4821, %swap3A_4822] : memref<2048x128xi32, #tpu.memory_space<vmem>>, vector<128x128xi32>
    tpu.vector_store %arg8[%swap3A_4821, %swap3A_4822], %max3A_4820 {strides = array<i32>} : memref<2048x128xi32, #tpu.memory_space<vmem>>, vector<128x128xi32>,
    %swap3A_4824 = arith.constant 1920 : index
    %swap3A_4825 = arith.constant 0 : index
    %swap3A_4826 = vector.load %arg9[%swap3A_4824, %swap3A_4825] : memref<2048x128xf32, #tpu.memory_space<vmem>>, vector<128x128xf32>
    tpu.vector_store %arg9[%swap3A_4824, %swap3A_4825], %add3A_4592 {strides = array<i32>} : memref<2048x128xf32, #tpu.memory_space<vmem>>, vector<128x128xf32>,
    %reduce_sum3A_4827 = vector.shape_cast %mul3A_4612 : vector<128x128xf32> to vector<1x128x128xf32>
    %reduce_sum3A_4828 = arith.constant dense<0.000000e+00> : vector<1xf32>
    %reduce_sum3A_4829 = vector.multi_reduction <add>, %reduce_sum3A_4827, %reduce_sum3A_4828 [1, 2] : vector<1x128x128xf32> to vector<1xf32>
    %reduce_sum3A_4830 = vector.shape_cast %reduce_sum3A_4829 : vector<1xf32> to vector<1x1x1xf32>
    %reduce_sum3A_4831 = vector.extract %reduce_sum3A_4830[0, 0, 0] : f32 from vector<1x1x1xf32>
    %add3A_4832 = arith.addf %add3A_4527, %reduce_sum3A_4831 : f32
    %mul3A_4833 = arith.mulf %mul3A_4612, %convert_element_type3A_4796 : vector<128x128xf32>
    %reduce_sum3A_4834 = vector.shape_cast %mul3A_4833 : vector<128x128xf32> to vector<1x128x128xf32>
    %reduce_sum3A_4835 = arith.constant dense<0.000000e+00> : vector<1xf32>
    %reduce_sum3A_4836 = vector.multi_reduction <add>, %reduce_sum3A_4834, %reduce_sum3A_4835 [1, 2] : vector<1x128x128xf32> to vector<1xf32>
    %reduce_sum3A_4837 = vector.shape_cast %reduce_sum3A_4836 : vector<1xf32> to vector<1x1x1xf32>
    %reduce_sum3A_4838 = vector.extract %reduce_sum3A_4837[0, 0, 0] : f32 from vector<1x1x1xf32>
    %add3A_4839 = arith.addf %add3A_4534, %reduce_sum3A_4838 : f32
    %reduce_sum3A_4840 = vector.shape_cast %convert_element_type3A_4796 : vector<128x128xf32> to vector<1x128x128xf32>
    %reduce_sum3A_4841 = arith.constant dense<0.000000e+00> : vector<1xf32>
    %reduce_sum3A_4842 = vector.multi_reduction <add>, %reduce_sum3A_4840, %reduce_sum3A_4841 [1, 2] : vector<1x128x128xf32> to vector<1xf32>
    %reduce_sum3A_4843 = vector.shape_cast %reduce_sum3A_4842 : vector<1xf32> to vector<1x1x1xf32>
    %reduce_sum3A_4844 = vector.extract %reduce_sum3A_4843[0, 0, 0] : f32 from vector<1x1x1xf32>
    %add3A_4845 = arith.addf %add3A_4540, %reduce_sum3A_4844 : f32
    %get3A_4846 = arith.constant 1920 : index
    %get3A_4847 = arith.constant 0 : index
    %get3A_4848 = vector.load %arg6[%get3A_4846, %get3A_4847] : memref<2048x128xf32, #tpu.memory_space<vmem>>, vector<128x128xf32>
    %get3A_4849 = arith.constant 1920 : index
    %get3A_4850 = arith.constant 0 : index
    %get3A_4851 = vector.load %arg7[%get3A_4849, %get3A_4850] : memref<2048x128xf32, #tpu.memory_space<vmem>>, vector<128x128xf32>
    %sub3A_4852 = arith.subf %get3A_4848, %select_n3A_4789 : vector<128x128xf32>
    %abs3A_4853 = math.absf %sub3A_4852 : vector<128x128xf32>
    %sub3A_4854 = arith.subf %get3A_4851, %select_n3A_4794 : vector<128x128xf32>
    %abs3A_4855 = math.absf %sub3A_4854 : vector<128x128xf32>
    %add3A_4856 = arith.addf %abs3A_4853, %abs3A_4855 : vector<128x128xf32>
    %mul3A_4857 = arith.mulf %convert_element_type3A_4796, %add3A_4856 : vector<128x128xf32>
    %reduce_sum3A_4858 = vector.shape_cast %mul3A_4857 : vector<128x128xf32> to vector<1x128x128xf32>
    %reduce_sum3A_4859 = arith.constant dense<0.000000e+00> : vector<1xf32>
    %reduce_sum3A_4860 = vector.multi_reduction <add>, %reduce_sum3A_4858, %reduce_sum3A_4859 [1, 2] : vector<1x128x128xf32> to vector<1xf32>
    %reduce_sum3A_4861 = vector.shape_cast %reduce_sum3A_4860 : vector<1xf32> to vector<1x1x1xf32>
    %reduce_sum3A_4862 = vector.extract %reduce_sum3A_4861[0, 0, 0] : f32 from vector<1x1x1xf32>
    %add3A_4863 = arith.addf %add3A_4558, %reduce_sum3A_4862 : f32
    %convert_element_type3A_4864 = arith.fptosi %add3A_4845 : f32 to i32
    %get3A_4865 = arith.constant 0 : index
    %get3A_4866 = arith.constant 0 : index
    %get3A_4867 = vector.load %arg4[%get3A_4865, %get3A_4866] : memref<1x128xi32, #tpu.memory_space<vmem>>, vector<1x128xi32>
    %iota3A_4868 = tpu.iota {dimensions = array<i32: 1>} : vector<1x128xi32>
    %jit3A_4869 = arith.constant 8 : i32
    %eq3A_4870 = arith.constant 0 : i32
    %eq3A_4871 = arith.cmpi eq, %jit3A_4869, %eq3A_4870 : i32
    %jit3A_4872 = arith.constant 1 : i32
    %select_n3A_4873 = arith.select %eq3A_4871, %jit3A_4872, %jit3A_4869 : i32
    %rem3A = vector.broadcast %select_n3A_4873 : i32 to vector<1x128xi32>
    %rem3A_4874 = arith.remsi %iota3A_4868, %rem3A : vector<1x128xi32>
    %ne3A = arith.constant 0 : i32
    %ne3A_4875 = vector.broadcast %ne3A : i32 to vector<1x128xi32>
    %ne3A_4876 = arith.cmpi ne, %rem3A_4874, %ne3A_4875 : vector<1x128xi32>
    %lt3A = arith.constant 0 : i32
    %lt3A_4877 = vector.broadcast %lt3A : i32 to vector<1x128xi32>
    %lt3A_4878 = arith.cmpi slt, %rem3A_4874, %lt3A_4877 : vector<1x128xi32>
    %lt3A_4879 = arith.constant 0 : i32
    %lt3A_4880 = arith.cmpi slt, %select_n3A_4873, %lt3A_4879 : i32
    %ne3A_4881 = vector.broadcast %lt3A_4880 : i1 to vector<1x128xi1>
    %ne3A_4882 = vector.broadcast %ne3A_4881 : vector<1x128xi1> to vector<1x128xi1>
    %ne3A_4883 = arith.xori %lt3A_4878, %ne3A_4882 : vector<1x128xi1>
    %and3A_4884 = arith.andi %ne3A_4883, %ne3A_4876 : vector<1x128xi1>
    %add3A_4885 = vector.broadcast %select_n3A_4873 : i32 to vector<1x128xi32>
    %add3A_4886 = arith.addi %rem3A_4874, %add3A_4885 : vector<1x128xi32>
    %select_n3A_4887 = arith.select %and3A_4884, %add3A_4886, %rem3A_4874 : vector<1x128xi1>, vector<1x128xi32>
    %broadcast_in_dim3A_4888 = arith.constant false
    %broadcast_in_dim3A_4889 = vector.broadcast %broadcast_in_dim3A_4888 : i1 to vector<1x128xi1>
    %slice3A = vector.extract_strided_slice %get3A_4867 {offsets = [0, 1], sizes = [1, 127], strides = [1, 1]} : vector<1x128xi32> to vector<1x127xi32>
    %broadcast_in_dim3A_4890 = arith.constant 1073741824 : i32
    %broadcast_in_dim3A_4891 = vector.broadcast %broadcast_in_dim3A_4890 : i32 to vector<1x1xi32>
    %concatenate3A = tpu.concatenate %slice3A, %broadcast_in_dim3A_4891 in 1 : vector<1x127xi32>, vector<1x1xi32> -> vector<1x128xi32>
    %eq3A_4892 = arith.cmpi eq, %concatenate3A, %get3A_4867 : vector<1x128xi32>
    %lt3A_4893 = arith.constant 7 : i32
    %lt3A_4894 = vector.broadcast %lt3A_4893 : i32 to vector<1x128xi32>
    %lt3A_4895 = arith.cmpi slt, %select_n3A_4887, %lt3A_4894 : vector<1x128xi32>
    %and3A_4896 = arith.andi %eq3A_4892, %lt3A_4895 : vector<1x128xi1>
    %or3A_4897 = arith.ori %broadcast_in_dim3A_4889, %and3A_4896 : vector<1x128xi1>
    %slice3A_4898 = vector.extract_strided_slice %get3A_4867 {offsets = [0, 2], sizes = [1, 126], strides = [1, 1]} : vector<1x128xi32> to vector<1x126xi32>
    %broadcast_in_dim3A_4899 = arith.constant 1073741824 : i32
    %broadcast_in_dim3A_4900 = vector.broadcast %broadcast_in_dim3A_4899 : i32 to vector<1x2xi32>
    %concatenate3A_4901 = tpu.concatenate %slice3A_4898, %broadcast_in_dim3A_4900 in 1 : vector<1x126xi32>, vector<1x2xi32> -> vector<1x128xi32>
    %eq3A_4902 = arith.cmpi eq, %concatenate3A_4901, %get3A_4867 : vector<1x128xi32>
    %lt3A_4903 = arith.constant 6 : i32
    %lt3A_4904 = vector.broadcast %lt3A_4903 : i32 to vector<1x128xi32>
    %lt3A_4905 = arith.cmpi slt, %select_n3A_4887, %lt3A_4904 : vector<1x128xi32>
    %and3A_4906 = arith.andi %eq3A_4902, %lt3A_4905 : vector<1x128xi1>
    %or3A_4907 = arith.ori %or3A_4897, %and3A_4906 : vector<1x128xi1>
    %slice3A_4908 = vector.extract_strided_slice %get3A_4867 {offsets = [0, 3], sizes = [1, 125], strides = [1, 1]} : vector<1x128xi32> to vector<1x125xi32>
    %broadcast_in_dim3A_4909 = arith.constant 1073741824 : i32
    %broadcast_in_dim3A_4910 = vector.broadcast %broadcast_in_dim3A_4909 : i32 to vector<1x3xi32>
    %concatenate3A_4911 = tpu.concatenate %slice3A_4908, %broadcast_in_dim3A_4910 in 1 : vector<1x125xi32>, vector<1x3xi32> -> vector<1x128xi32>
    %eq3A_4912 = arith.cmpi eq, %concatenate3A_4911, %get3A_4867 : vector<1x128xi32>
    %lt3A_4913 = arith.constant 5 : i32
    %lt3A_4914 = vector.broadcast %lt3A_4913 : i32 to vector<1x128xi32>
    %lt3A_4915 = arith.cmpi slt, %select_n3A_4887, %lt3A_4914 : vector<1x128xi32>
    %and3A_4916 = arith.andi %eq3A_4912, %lt3A_4915 : vector<1x128xi1>
    %or3A_4917 = arith.ori %or3A_4907, %and3A_4916 : vector<1x128xi1>
    %slice3A_4918 = vector.extract_strided_slice %get3A_4867 {offsets = [0, 4], sizes = [1, 124], strides = [1, 1]} : vector<1x128xi32> to vector<1x124xi32>
    %broadcast_in_dim3A_4919 = arith.constant 1073741824 : i32
    %broadcast_in_dim3A_4920 = vector.broadcast %broadcast_in_dim3A_4919 : i32 to vector<1x4xi32>
    %concatenate3A_4921 = tpu.concatenate %slice3A_4918, %broadcast_in_dim3A_4920 in 1 : vector<1x124xi32>, vector<1x4xi32> -> vector<1x128xi32>
    %eq3A_4922 = arith.cmpi eq, %concatenate3A_4921, %get3A_4867 : vector<1x128xi32>
    %lt3A_4923 = arith.constant 4 : i32
    %lt3A_4924 = vector.broadcast %lt3A_4923 : i32 to vector<1x128xi32>
    %lt3A_4925 = arith.cmpi slt, %select_n3A_4887, %lt3A_4924 : vector<1x128xi32>
    %and3A_4926 = arith.andi %eq3A_4922, %lt3A_4925 : vector<1x128xi1>
    %or3A_4927 = arith.ori %or3A_4917, %and3A_4926 : vector<1x128xi1>
    %slice3A_4928 = vector.extract_strided_slice %get3A_4867 {offsets = [0, 5], sizes = [1, 123], strides = [1, 1]} : vector<1x128xi32> to vector<1x123xi32>
    %broadcast_in_dim3A_4929 = arith.constant 1073741824 : i32
    %broadcast_in_dim3A_4930 = vector.broadcast %broadcast_in_dim3A_4929 : i32 to vector<1x5xi32>
    %concatenate3A_4931 = tpu.concatenate %slice3A_4928, %broadcast_in_dim3A_4930 in 1 : vector<1x123xi32>, vector<1x5xi32> -> vector<1x128xi32>
    %eq3A_4932 = arith.cmpi eq, %concatenate3A_4931, %get3A_4867 : vector<1x128xi32>
    %lt3A_4933 = arith.constant 3 : i32
    %lt3A_4934 = vector.broadcast %lt3A_4933 : i32 to vector<1x128xi32>
    %lt3A_4935 = arith.cmpi slt, %select_n3A_4887, %lt3A_4934 : vector<1x128xi32>
    %and3A_4936 = arith.andi %eq3A_4932, %lt3A_4935 : vector<1x128xi1>
    %or3A_4937 = arith.ori %or3A_4927, %and3A_4936 : vector<1x128xi1>
    %slice3A_4938 = vector.extract_strided_slice %get3A_4867 {offsets = [0, 6], sizes = [1, 122], strides = [1, 1]} : vector<1x128xi32> to vector<1x122xi32>
    %broadcast_in_dim3A_4939 = arith.constant 1073741824 : i32
    %broadcast_in_dim3A_4940 = vector.broadcast %broadcast_in_dim3A_4939 : i32 to vector<1x6xi32>
    %concatenate3A_4941 = tpu.concatenate %slice3A_4938, %broadcast_in_dim3A_4940 in 1 : vector<1x122xi32>, vector<1x6xi32> -> vector<1x128xi32>
    %eq3A_4942 = arith.cmpi eq, %concatenate3A_4941, %get3A_4867 : vector<1x128xi32>
    %lt3A_4943 = arith.constant 2 : i32
    %lt3A_4944 = vector.broadcast %lt3A_4943 : i32 to vector<1x128xi32>
    %lt3A_4945 = arith.cmpi slt, %select_n3A_4887, %lt3A_4944 : vector<1x128xi32>
    %and3A_4946 = arith.andi %eq3A_4942, %lt3A_4945 : vector<1x128xi1>
    %or3A_4947 = arith.ori %or3A_4937, %and3A_4946 : vector<1x128xi1>
    %slice3A_4948 = vector.extract_strided_slice %get3A_4867 {offsets = [0, 7], sizes = [1, 121], strides = [1, 1]} : vector<1x128xi32> to vector<1x121xi32>
    %broadcast_in_dim3A_4949 = arith.constant 1073741824 : i32
    %broadcast_in_dim3A_4950 = vector.broadcast %broadcast_in_dim3A_4949 : i32 to vector<1x7xi32>
    %concatenate3A_4951 = tpu.concatenate %slice3A_4948, %broadcast_in_dim3A_4950 in 1 : vector<1x121xi32>, vector<1x7xi32> -> vector<1x128xi32>
    %eq3A_4952 = arith.cmpi eq, %concatenate3A_4951, %get3A_4867 : vector<1x128xi32>
    %lt3A_4953 = arith.constant 1 : i32
    %lt3A_4954 = vector.broadcast %lt3A_4953 : i32 to vector<1x128xi32>
    %lt3A_4955 = arith.cmpi slt, %select_n3A_4887, %lt3A_4954 : vector<1x128xi32>
    %and3A_4956 = arith.andi %eq3A_4952, %lt3A_4955 : vector<1x128xi1>
    %or3A_4957 = arith.ori %or3A_4947, %and3A_4956 : vector<1x128xi1>
    %jit3A_4958 = arith.constant 1073741824 : i32
    %broadcast_in_dim3A_4959 = vector.broadcast %jit3A_4958 : i32 to vector<1x128xi32>
    %select_n3A_4960 = arith.select %or3A_4957, %broadcast_in_dim3A_4959, %get3A_4867 : vector<1x128xi1>, vector<1x128xi32>
    %swap3A_4961 = arith.constant 0 : index
    %swap3A_4962 = arith.constant 0 : index
    %swap3A_4963 = vector.load %arg10[%swap3A_4961, %swap3A_4962] : memref<1x128xi32, #tpu.memory_space<vmem>>, vector<1x128xi32>
    tpu.vector_store %arg10[%swap3A_4961, %swap3A_4962], %select_n3A_4960 {strides = array<i32>} : memref<1x128xi32, #tpu.memory_space<vmem>>, vector<1x128xi32>,
    %get3A_4964 = arith.constant 0 : index
    %get3A_4965 = arith.constant 0 : index
    %get3A_4966 = vector.load %arg8[%get3A_4964, %get3A_4965] : memref<2048x128xi32, #tpu.memory_space<vmem>>, vector<2048x128xi32>
    %scan3A = arith.constant 0 : i32
    %scan3A_4967 = arith.constant 0 : i32
    %scan3A_4968 = arith.constant 30 : i32
    %scan3A_4969 = arith.addi %scan3A_4967, %scan3A_4968 : i32
    %scan3A_4970 = arith.constant 1 : i32
    %scan3A_4971 = scf.for %scan3A_5438 = %scan3A_4967 to %scan3A_4969 step %scan3A_4970 iter_args(%scan3A_5439 = %scan3A) -> (i32)  : i32 {
      %sub3A_5440 = arith.constant 29 : i32
      %sub3A_5441 = arith.subi %sub3A_5440, %scan3A_5438 : i32
      %shift_left3A = arith.constant 1 : i32
      %shift_left3A_5442 = arith.shli %shift_left3A, %sub3A_5441 : i32
      %add3A_5443 = arith.addi %scan3A_5439, %shift_left3A_5442 : i32
      %ge3A_5444 = vector.broadcast %add3A_5443 : i32 to vector<2048x128xi32>
      %ge3A_5445 = arith.cmpi sge, %get3A_4966, %ge3A_5444 : vector<2048x128xi32>
      %convert_element_type3A_5446 = arith.extui %ge3A_5445 : vector<2048x128xi1> to vector<2048x128xi32>
      %reduce_sum3A_5447 = vector.shape_cast %convert_element_type3A_5446 : vector<2048x128xi32> to vector<1x2048x128xi32>
      %reduce_sum3A_5448 = arith.constant dense<0> : vector<1xi32>
      %reduce_sum3A_5449 = vector.multi_reduction <add>, %reduce_sum3A_5447, %reduce_sum3A_5448 [1, 2] : vector<1x2048x128xi32> to vector<1xi32>
      %reduce_sum3A_5450 = vector.shape_cast %reduce_sum3A_5449 : vector<1xi32> to vector<1x1x1xi32>
      %reduce_sum3A_5451 = vector.extract %reduce_sum3A_5450[0, 0, 0] : i32 from vector<1x1x1xi32>
      %ge3A_5452 = arith.cmpi sge, %reduce_sum3A_5451, %convert_element_type3A_4864 : i32
      %select_n3A_5453 = arith.select %ge3A_5452, %add3A_5443, %scan3A_5439 : i32
      scf.yield %select_n3A_5453 : i32
    }
    %scan3A_4972 = arith.constant 30 : i32
    %add3A_4973 = arith.constant 1 : i32
    %add3A_4974 = arith.addi %scan3A_4971, %add3A_4973 : i32
    %ge3A_4975 = vector.broadcast %add3A_4974 : i32 to vector<2048x128xi32>
    %ge3A_4976 = arith.cmpi sge, %get3A_4966, %ge3A_4975 : vector<2048x128xi32>
    %convert_element_type3A_4977 = arith.extui %ge3A_4976 : vector<2048x128xi1> to vector<2048x128xi32>
    %reduce_sum3A_4978 = vector.shape_cast %convert_element_type3A_4977 : vector<2048x128xi32> to vector<1x2048x128xi32>
    %reduce_sum3A_4979 = arith.constant dense<0> : vector<1xi32>
    %reduce_sum3A_4980 = vector.multi_reduction <add>, %reduce_sum3A_4978, %reduce_sum3A_4979 [1, 2] : vector<1x2048x128xi32> to vector<1xi32>
    %reduce_sum3A_4981 = vector.shape_cast %reduce_sum3A_4980 : vector<1xi32> to vector<1x1x1xi32>
    %reduce_sum3A_4982 = vector.extract %reduce_sum3A_4981[0, 0, 0] : i32 from vector<1x1x1xi32>
    %sub3A_4983 = arith.subi %convert_element_type3A_4864, %reduce_sum3A_4982 : i32
    %iota3A_4984 = tpu.iota {dimensions = array<i32: 0>} : vector<2048x128xi32>
    %mul3A_4985 = arith.constant 128 : i32
    %mul3A_4986 = vector.broadcast %mul3A_4985 : i32 to vector<2048x128xi32>
    %mul3A_4987 = arith.muli %iota3A_4984, %mul3A_4986 : vector<2048x128xi32>
    %iota3A_4988 = tpu.iota {dimensions = array<i32: 1>} : vector<2048x128xi32>
    %add3A_4989 = arith.addi %mul3A_4987, %iota3A_4988 : vector<2048x128xi32>
    %eq3A_4990 = vector.broadcast %scan3A_4971 : i32 to vector<2048x128xi32>
    %eq3A_4991 = arith.cmpi eq, %get3A_4966, %eq3A_4990 : vector<2048x128xi32>
    %ge3A_4992 = vector.broadcast %scan3A_4971 : i32 to vector<2048x128xi32>
    %ge3A_4993 = arith.cmpi sge, %get3A_4966, %ge3A_4992 : vector<2048x128xi32>
    %convert_element_type3A_4994 = arith.extui %ge3A_4993 : vector<2048x128xi1> to vector<2048x128xi32>
    %reduce_sum3A_4995 = vector.shape_cast %convert_element_type3A_4994 : vector<2048x128xi32> to vector<1x2048x128xi32>
    %reduce_sum3A_4996 = arith.constant dense<0> : vector<1xi32>
    %reduce_sum3A_4997 = vector.multi_reduction <add>, %reduce_sum3A_4995, %reduce_sum3A_4996 [1, 2] : vector<1x2048x128xi32> to vector<1xi32>
    %reduce_sum3A_4998 = vector.shape_cast %reduce_sum3A_4997 : vector<1xi32> to vector<1x1x1xi32>
    %reduce_sum3A_4999 = vector.extract %reduce_sum3A_4998[0, 0, 0] : i32 from vector<1x1x1xi32>
    %eq3A_5000 = arith.cmpi eq, %reduce_sum3A_4999, %convert_element_type3A_4864 : i32
    %jit3A_5001 = arith.constant 0 : i32
    %jit3A_5002 = arith.constant 18 : i32
    %select_n3A_5003 = arith.select %eq3A_5000, %jit3A_5001, %jit3A_5002 : i32
    %while3A = arith.constant 0 : i32
    %while3A_5004 = arith.constant -1 : i32
    %while3A_5005 = arith.subi %select_n3A_5003, %while3A : i32
    %while3A_5006 = arith.addi %while3A, %while3A_5005 : i32
    %while3A_5007 = arith.constant 1 : i32
    %while3A_5008 = arith.divsi %while3A_5005, %while3A_5007 : i32
    %while3A_5009 = arith.muli %while3A_5008, %while3A_5007 : i32
    %while3A_5010 = arith.addi %while3A, %while3A_5009 : i32
    %while3A_5011 = arith.constant 1 : i32
    %while3A_5012 = scf.for %while3A_5438 = %while3A to %while3A_5010 step %while3A_5011 iter_args(%while3A_5439 = %while3A_5004) -> (i32)  : i32 {
      %sub3A_5440 = arith.constant 17 : i32
      %sub3A_5441 = arith.subi %sub3A_5440, %while3A_5438 : i32
      %shift_left3A = arith.constant 1 : i32
      %shift_left3A_5442 = arith.shli %shift_left3A, %sub3A_5441 : i32
      %add3A_5443 = arith.addi %while3A_5439, %shift_left3A_5442 : i32
      %le3A = vector.broadcast %add3A_5443 : i32 to vector<2048x128xi32>
      %le3A_5444 = arith.cmpi sle, %add3A_4989, %le3A : vector<2048x128xi32>
      %and3A_5445 = arith.andi %eq3A_4991, %le3A_5444 : vector<2048x128xi1>
      %convert_element_type3A_5446 = arith.extui %and3A_5445 : vector<2048x128xi1> to vector<2048x128xi32>
      %reduce_sum3A_5447 = vector.shape_cast %convert_element_type3A_5446 : vector<2048x128xi32> to vector<1x2048x128xi32>
      %reduce_sum3A_5448 = arith.constant dense<0> : vector<1xi32>
      %reduce_sum3A_5449 = vector.multi_reduction <add>, %reduce_sum3A_5447, %reduce_sum3A_5448 [1, 2] : vector<1x2048x128xi32> to vector<1xi32>
      %reduce_sum3A_5450 = vector.shape_cast %reduce_sum3A_5449 : vector<1xi32> to vector<1x1x1xi32>
      %reduce_sum3A_5451 = vector.extract %reduce_sum3A_5450[0, 0, 0] : i32 from vector<1x1x1xi32>
      %lt3A_5452 = arith.cmpi slt, %reduce_sum3A_5451, %sub3A_4983 : i32
      %select_n3A_5453 = arith.select %lt3A_5452, %add3A_5443, %while3A_5439 : i32
      scf.yield %select_n3A_5453 : i32
    }
    %while3A_5013 = arith.constant 1 : i32
    %while3A_5014 = scf.for %while3A_5438 = %while3A_5010 to %while3A_5006 step %while3A_5013 iter_args(%while3A_5439 = %while3A_5012) -> (i32)  : i32 {
      %sub3A_5440 = arith.constant 17 : i32
      %sub3A_5441 = arith.subi %sub3A_5440, %while3A_5438 : i32
      %shift_left3A = arith.constant 1 : i32
      %shift_left3A_5442 = arith.shli %shift_left3A, %sub3A_5441 : i32
      %add3A_5443 = arith.addi %while3A_5439, %shift_left3A_5442 : i32
      %le3A = vector.broadcast %add3A_5443 : i32 to vector<2048x128xi32>
      %le3A_5444 = arith.cmpi sle, %add3A_4989, %le3A : vector<2048x128xi32>
      %and3A_5445 = arith.andi %eq3A_4991, %le3A_5444 : vector<2048x128xi1>
      %convert_element_type3A_5446 = arith.extui %and3A_5445 : vector<2048x128xi1> to vector<2048x128xi32>
      %reduce_sum3A_5447 = vector.shape_cast %convert_element_type3A_5446 : vector<2048x128xi32> to vector<1x2048x128xi32>
      %reduce_sum3A_5448 = arith.constant dense<0> : vector<1xi32>
      %reduce_sum3A_5449 = vector.multi_reduction <add>, %reduce_sum3A_5447, %reduce_sum3A_5448 [1, 2] : vector<1x2048x128xi32> to vector<1xi32>
      %reduce_sum3A_5450 = vector.shape_cast %reduce_sum3A_5449 : vector<1xi32> to vector<1x1x1xi32>
      %reduce_sum3A_5451 = vector.extract %reduce_sum3A_5450[0, 0, 0] : i32 from vector<1x1x1xi32>
      %lt3A_5452 = arith.cmpi slt, %reduce_sum3A_5451, %sub3A_4983 : i32
      %select_n3A_5453 = arith.select %lt3A_5452, %add3A_5443, %while3A_5439 : i32
      scf.yield %select_n3A_5453 : i32
    }
    %eq3A_5015 = arith.cmpi eq, %reduce_sum3A_4999, %convert_element_type3A_4864 : i32
    %add3A_5016 = arith.constant 1 : i32
    %add3A_5017 = arith.addi %while3A_5014, %add3A_5016 : i32
    %jit3A_5018 = arith.constant 262144 : i32
    %select_n3A_5019 = arith.select %eq3A_5015, %jit3A_5018, %add3A_5017 : i32
    %lt3A_5020 = arith.constant 0 : i32
    %lt3A_5021 = vector.broadcast %lt3A_5020 : i32 to vector<1x128xi32>
    %lt3A_5022 = arith.cmpi slt, %select_n3A_4960, %lt3A_5021 : vector<1x128xi32>
    %convert_element_type3A_5023 = arith.extui %lt3A_5022 : vector<1x128xi1> to vector<1x128xi32>
    %reduce_sum3A_5024 = vector.shape_cast %convert_element_type3A_5023 : vector<1x128xi32> to vector<1x1x128xi32>
    %reduce_sum3A_5025 = arith.constant dense<0> : vector<1xi32>
    %reduce_sum3A_5026 = vector.multi_reduction <add>, %reduce_sum3A_5024, %reduce_sum3A_5025 [1, 2] : vector<1x1x128xi32> to vector<1xi32>
    %reduce_sum3A_5027 = vector.shape_cast %reduce_sum3A_5026 : vector<1xi32> to vector<1x1x1xi32>
    %reduce_sum3A_5028 = vector.extract %reduce_sum3A_5027[0, 0, 0] : i32 from vector<1x1x1xi32>
    %swap3A_5029 = arith.constant 0 : index
    %swap3A_5030 = memref.load %arg13[%swap3A_5029] : memref<32xi32, #tpu.memory_space<smem>>
    memref.store %reduce_sum3A_5028, %arg13[%swap3A_5029] : memref<32xi32, #tpu.memory_space<smem>>
    %lt3A_5031 = arith.constant 8192 : i32
    %lt3A_5032 = vector.broadcast %lt3A_5031 : i32 to vector<1x128xi32>
    %lt3A_5033 = arith.cmpi slt, %select_n3A_4960, %lt3A_5032 : vector<1x128xi32>
    %convert_element_type3A_5034 = arith.extui %lt3A_5033 : vector<1x128xi1> to vector<1x128xi32>
    %reduce_sum3A_5035 = vector.shape_cast %convert_element_type3A_5034 : vector<1x128xi32> to vector<1x1x128xi32>
    %reduce_sum3A_5036 = arith.constant dense<0> : vector<1xi32>
    %reduce_sum3A_5037 = vector.multi_reduction <add>, %reduce_sum3A_5035, %reduce_sum3A_5036 [1, 2] : vector<1x1x128xi32> to vector<1xi32>
    %reduce_sum3A_5038 = vector.shape_cast %reduce_sum3A_5037 : vector<1xi32> to vector<1x1x1xi32>
    %reduce_sum3A_5039 = vector.extract %reduce_sum3A_5038[0, 0, 0] : i32 from vector<1x1x1xi32>
    %swap3A_5040 = arith.constant 1 : index
    %swap3A_5041 = memref.load %arg13[%swap3A_5040] : memref<32xi32, #tpu.memory_space<smem>>
    memref.store %reduce_sum3A_5039, %arg13[%swap3A_5040] : memref<32xi32, #tpu.memory_space<smem>>
    %lt3A_5042 = arith.constant 16384 : i32
    %lt3A_5043 = vector.broadcast %lt3A_5042 : i32 to vector<1x128xi32>
    %lt3A_5044 = arith.cmpi slt, %select_n3A_4960, %lt3A_5043 : vector<1x128xi32>
    %convert_element_type3A_5045 = arith.extui %lt3A_5044 : vector<1x128xi1> to vector<1x128xi32>
    %reduce_sum3A_5046 = vector.shape_cast %convert_element_type3A_5045 : vector<1x128xi32> to vector<1x1x128xi32>
    %reduce_sum3A_5047 = arith.constant dense<0> : vector<1xi32>
    %reduce_sum3A_5048 = vector.multi_reduction <add>, %reduce_sum3A_5046, %reduce_sum3A_5047 [1, 2] : vector<1x1x128xi32> to vector<1xi32>
    %reduce_sum3A_5049 = vector.shape_cast %reduce_sum3A_5048 : vector<1xi32> to vector<1x1x1xi32>
    %reduce_sum3A_5050 = vector.extract %reduce_sum3A_5049[0, 0, 0] : i32 from vector<1x1x1xi32>
    %swap3A_5051 = arith.constant 2 : index
    %swap3A_5052 = memref.load %arg13[%swap3A_5051] : memref<32xi32, #tpu.memory_space<smem>>
    memref.store %reduce_sum3A_5050, %arg13[%swap3A_5051] : memref<32xi32, #tpu.memory_space<smem>>
    %lt3A_5053 = arith.constant 24576 : i32
    %lt3A_5054 = vector.broadcast %lt3A_5053 : i32 to vector<1x128xi32>
    %lt3A_5055 = arith.cmpi slt, %select_n3A_4960, %lt3A_5054 : vector<1x128xi32>
    %convert_element_type3A_5056 = arith.extui %lt3A_5055 : vector<1x128xi1> to vector<1x128xi32>
    %reduce_sum3A_5057 = vector.shape_cast %convert_element_type3A_5056 : vector<1x128xi32> to vector<1x1x128xi32>
    %reduce_sum3A_5058 = arith.constant dense<0> : vector<1xi32>
    %reduce_sum3A_5059 = vector.multi_reduction <add>, %reduce_sum3A_5057, %reduce_sum3A_5058 [1, 2] : vector<1x1x128xi32> to vector<1xi32>
    %reduce_sum3A_5060 = vector.shape_cast %reduce_sum3A_5059 : vector<1xi32> to vector<1x1x1xi32>
    %reduce_sum3A_5061 = vector.extract %reduce_sum3A_5060[0, 0, 0] : i32 from vector<1x1x1xi32>
    %swap3A_5062 = arith.constant 3 : index
    %swap3A_5063 = memref.load %arg13[%swap3A_5062] : memref<32xi32, #tpu.memory_space<smem>>
    memref.store %reduce_sum3A_5061, %arg13[%swap3A_5062] : memref<32xi32, #tpu.memory_space<smem>>
    %lt3A_5064 = arith.constant 32768 : i32
    %lt3A_5065 = vector.broadcast %lt3A_5064 : i32 to vector<1x128xi32>
    %lt3A_5066 = arith.cmpi slt, %select_n3A_4960, %lt3A_5065 : vector<1x128xi32>
    %convert_element_type3A_5067 = arith.extui %lt3A_5066 : vector<1x128xi1> to vector<1x128xi32>
    %reduce_sum3A_5068 = vector.shape_cast %convert_element_type3A_5067 : vector<1x128xi32> to vector<1x1x128xi32>
    %reduce_sum3A_5069 = arith.constant dense<0> : vector<1xi32>
    %reduce_sum3A_5070 = vector.multi_reduction <add>, %reduce_sum3A_5068, %reduce_sum3A_5069 [1, 2] : vector<1x1x128xi32> to vector<1xi32>
    %reduce_sum3A_5071 = vector.shape_cast %reduce_sum3A_5070 : vector<1xi32> to vector<1x1x1xi32>
    %reduce_sum3A_5072 = vector.extract %reduce_sum3A_5071[0, 0, 0] : i32 from vector<1x1x1xi32>
    %swap3A_5073 = arith.constant 4 : index
    %swap3A_5074 = memref.load %arg13[%swap3A_5073] : memref<32xi32, #tpu.memory_space<smem>>
    memref.store %reduce_sum3A_5072, %arg13[%swap3A_5073] : memref<32xi32, #tpu.memory_space<smem>>
    %lt3A_5075 = arith.constant 40960 : i32
    %lt3A_5076 = vector.broadcast %lt3A_5075 : i32 to vector<1x128xi32>
    %lt3A_5077 = arith.cmpi slt, %select_n3A_4960, %lt3A_5076 : vector<1x128xi32>
    %convert_element_type3A_5078 = arith.extui %lt3A_5077 : vector<1x128xi1> to vector<1x128xi32>
    %reduce_sum3A_5079 = vector.shape_cast %convert_element_type3A_5078 : vector<1x128xi32> to vector<1x1x128xi32>
    %reduce_sum3A_5080 = arith.constant dense<0> : vector<1xi32>
    %reduce_sum3A_5081 = vector.multi_reduction <add>, %reduce_sum3A_5079, %reduce_sum3A_5080 [1, 2] : vector<1x1x128xi32> to vector<1xi32>
    %reduce_sum3A_5082 = vector.shape_cast %reduce_sum3A_5081 : vector<1xi32> to vector<1x1x1xi32>
    %reduce_sum3A_5083 = vector.extract %reduce_sum3A_5082[0, 0, 0] : i32 from vector<1x1x1xi32>
    %swap3A_5084 = arith.constant 5 : index
    %swap3A_5085 = memref.load %arg13[%swap3A_5084] : memref<32xi32, #tpu.memory_space<smem>>
    memref.store %reduce_sum3A_5083, %arg13[%swap3A_5084] : memref<32xi32, #tpu.memory_space<smem>>
    %lt3A_5086 = arith.constant 49152 : i32
    %lt3A_5087 = vector.broadcast %lt3A_5086 : i32 to vector<1x128xi32>
    %lt3A_5088 = arith.cmpi slt, %select_n3A_4960, %lt3A_5087 : vector<1x128xi32>
    %convert_element_type3A_5089 = arith.extui %lt3A_5088 : vector<1x128xi1> to vector<1x128xi32>
    %reduce_sum3A_5090 = vector.shape_cast %convert_element_type3A_5089 : vector<1x128xi32> to vector<1x1x128xi32>
    %reduce_sum3A_5091 = arith.constant dense<0> : vector<1xi32>
    %reduce_sum3A_5092 = vector.multi_reduction <add>, %reduce_sum3A_5090, %reduce_sum3A_5091 [1, 2] : vector<1x1x128xi32> to vector<1xi32>
    %reduce_sum3A_5093 = vector.shape_cast %reduce_sum3A_5092 : vector<1xi32> to vector<1x1x1xi32>
    %reduce_sum3A_5094 = vector.extract %reduce_sum3A_5093[0, 0, 0] : i32 from vector<1x1x1xi32>
    %swap3A_5095 = arith.constant 6 : index
    %swap3A_5096 = memref.load %arg13[%swap3A_5095] : memref<32xi32, #tpu.memory_space<smem>>
    memref.store %reduce_sum3A_5094, %arg13[%swap3A_5095] : memref<32xi32, #tpu.memory_space<smem>>
    %lt3A_5097 = arith.constant 57344 : i32
    %lt3A_5098 = vector.broadcast %lt3A_5097 : i32 to vector<1x128xi32>
    %lt3A_5099 = arith.cmpi slt, %select_n3A_4960, %lt3A_5098 : vector<1x128xi32>
    %convert_element_type3A_5100 = arith.extui %lt3A_5099 : vector<1x128xi1> to vector<1x128xi32>
    %reduce_sum3A_5101 = vector.shape_cast %convert_element_type3A_5100 : vector<1x128xi32> to vector<1x1x128xi32>
    %reduce_sum3A_5102 = arith.constant dense<0> : vector<1xi32>
    %reduce_sum3A_5103 = vector.multi_reduction <add>, %reduce_sum3A_5101, %reduce_sum3A_5102 [1, 2] : vector<1x1x128xi32> to vector<1xi32>
    %reduce_sum3A_5104 = vector.shape_cast %reduce_sum3A_5103 : vector<1xi32> to vector<1x1x1xi32>
    %reduce_sum3A_5105 = vector.extract %reduce_sum3A_5104[0, 0, 0] : i32 from vector<1x1x1xi32>
    %swap3A_5106 = arith.constant 7 : index
    %swap3A_5107 = memref.load %arg13[%swap3A_5106] : memref<32xi32, #tpu.memory_space<smem>>
    memref.store %reduce_sum3A_5105, %arg13[%swap3A_5106] : memref<32xi32, #tpu.memory_space<smem>>
    %lt3A_5108 = arith.constant 65536 : i32
    %lt3A_5109 = vector.broadcast %lt3A_5108 : i32 to vector<1x128xi32>
    %lt3A_5110 = arith.cmpi slt, %select_n3A_4960, %lt3A_5109 : vector<1x128xi32>
    %convert_element_type3A_5111 = arith.extui %lt3A_5110 : vector<1x128xi1> to vector<1x128xi32>
    %reduce_sum3A_5112 = vector.shape_cast %convert_element_type3A_5111 : vector<1x128xi32> to vector<1x1x128xi32>
    %reduce_sum3A_5113 = arith.constant dense<0> : vector<1xi32>
    %reduce_sum3A_5114 = vector.multi_reduction <add>, %reduce_sum3A_5112, %reduce_sum3A_5113 [1, 2] : vector<1x1x128xi32> to vector<1xi32>
    %reduce_sum3A_5115 = vector.shape_cast %reduce_sum3A_5114 : vector<1xi32> to vector<1x1x1xi32>
    %reduce_sum3A_5116 = vector.extract %reduce_sum3A_5115[0, 0, 0] : i32 from vector<1x1x1xi32>
    %swap3A_5117 = arith.constant 8 : index
    %swap3A_5118 = memref.load %arg13[%swap3A_5117] : memref<32xi32, #tpu.memory_space<smem>>
    memref.store %reduce_sum3A_5116, %arg13[%swap3A_5117] : memref<32xi32, #tpu.memory_space<smem>>
    %lt3A_5119 = arith.constant 73728 : i32
    %lt3A_5120 = vector.broadcast %lt3A_5119 : i32 to vector<1x128xi32>
    %lt3A_5121 = arith.cmpi slt, %select_n3A_4960, %lt3A_5120 : vector<1x128xi32>
    %convert_element_type3A_5122 = arith.extui %lt3A_5121 : vector<1x128xi1> to vector<1x128xi32>
    %reduce_sum3A_5123 = vector.shape_cast %convert_element_type3A_5122 : vector<1x128xi32> to vector<1x1x128xi32>
    %reduce_sum3A_5124 = arith.constant dense<0> : vector<1xi32>
    %reduce_sum3A_5125 = vector.multi_reduction <add>, %reduce_sum3A_5123, %reduce_sum3A_5124 [1, 2] : vector<1x1x128xi32> to vector<1xi32>
    %reduce_sum3A_5126 = vector.shape_cast %reduce_sum3A_5125 : vector<1xi32> to vector<1x1x1xi32>
    %reduce_sum3A_5127 = vector.extract %reduce_sum3A_5126[0, 0, 0] : i32 from vector<1x1x1xi32>
    %swap3A_5128 = arith.constant 9 : index
    %swap3A_5129 = memref.load %arg13[%swap3A_5128] : memref<32xi32, #tpu.memory_space<smem>>
    memref.store %reduce_sum3A_5127, %arg13[%swap3A_5128] : memref<32xi32, #tpu.memory_space<smem>>
    %lt3A_5130 = arith.constant 81920 : i32
    %lt3A_5131 = vector.broadcast %lt3A_5130 : i32 to vector<1x128xi32>
    %lt3A_5132 = arith.cmpi slt, %select_n3A_4960, %lt3A_5131 : vector<1x128xi32>
    %convert_element_type3A_5133 = arith.extui %lt3A_5132 : vector<1x128xi1> to vector<1x128xi32>
    %reduce_sum3A_5134 = vector.shape_cast %convert_element_type3A_5133 : vector<1x128xi32> to vector<1x1x128xi32>
    %reduce_sum3A_5135 = arith.constant dense<0> : vector<1xi32>
    %reduce_sum3A_5136 = vector.multi_reduction <add>, %reduce_sum3A_5134, %reduce_sum3A_5135 [1, 2] : vector<1x1x128xi32> to vector<1xi32>
    %reduce_sum3A_5137 = vector.shape_cast %reduce_sum3A_5136 : vector<1xi32> to vector<1x1x1xi32>
    %reduce_sum3A_5138 = vector.extract %reduce_sum3A_5137[0, 0, 0] : i32 from vector<1x1x1xi32>
    %swap3A_5139 = arith.constant 10 : index
    %swap3A_5140 = memref.load %arg13[%swap3A_5139] : memref<32xi32, #tpu.memory_space<smem>>
    memref.store %reduce_sum3A_5138, %arg13[%swap3A_5139] : memref<32xi32, #tpu.memory_space<smem>>
    %lt3A_5141 = arith.constant 90112 : i32
    %lt3A_5142 = vector.broadcast %lt3A_5141 : i32 to vector<1x128xi32>
    %lt3A_5143 = arith.cmpi slt, %select_n3A_4960, %lt3A_5142 : vector<1x128xi32>
    %convert_element_type3A_5144 = arith.extui %lt3A_5143 : vector<1x128xi1> to vector<1x128xi32>
    %reduce_sum3A_5145 = vector.shape_cast %convert_element_type3A_5144 : vector<1x128xi32> to vector<1x1x128xi32>
    %reduce_sum3A_5146 = arith.constant dense<0> : vector<1xi32>
    %reduce_sum3A_5147 = vector.multi_reduction <add>, %reduce_sum3A_5145, %reduce_sum3A_5146 [1, 2] : vector<1x1x128xi32> to vector<1xi32>
    %reduce_sum3A_5148 = vector.shape_cast %reduce_sum3A_5147 : vector<1xi32> to vector<1x1x1xi32>
    %reduce_sum3A_5149 = vector.extract %reduce_sum3A_5148[0, 0, 0] : i32 from vector<1x1x1xi32>
    %swap3A_5150 = arith.constant 11 : index
    %swap3A_5151 = memref.load %arg13[%swap3A_5150] : memref<32xi32, #tpu.memory_space<smem>>
    memref.store %reduce_sum3A_5149, %arg13[%swap3A_5150] : memref<32xi32, #tpu.memory_space<smem>>
    %lt3A_5152 = arith.constant 98304 : i32
    %lt3A_5153 = vector.broadcast %lt3A_5152 : i32 to vector<1x128xi32>
    %lt3A_5154 = arith.cmpi slt, %select_n3A_4960, %lt3A_5153 : vector<1x128xi32>
    %convert_element_type3A_5155 = arith.extui %lt3A_5154 : vector<1x128xi1> to vector<1x128xi32>
    %reduce_sum3A_5156 = vector.shape_cast %convert_element_type3A_5155 : vector<1x128xi32> to vector<1x1x128xi32>
    %reduce_sum3A_5157 = arith.constant dense<0> : vector<1xi32>
    %reduce_sum3A_5158 = vector.multi_reduction <add>, %reduce_sum3A_5156, %reduce_sum3A_5157 [1, 2] : vector<1x1x128xi32> to vector<1xi32>
    %reduce_sum3A_5159 = vector.shape_cast %reduce_sum3A_5158 : vector<1xi32> to vector<1x1x1xi32>
    %reduce_sum3A_5160 = vector.extract %reduce_sum3A_5159[0, 0, 0] : i32 from vector<1x1x1xi32>
    %swap3A_5161 = arith.constant 12 : index
    %swap3A_5162 = memref.load %arg13[%swap3A_5161] : memref<32xi32, #tpu.memory_space<smem>>
    memref.store %reduce_sum3A_5160, %arg13[%swap3A_5161] : memref<32xi32, #tpu.memory_space<smem>>
    %lt3A_5163 = arith.constant 106496 : i32
    %lt3A_5164 = vector.broadcast %lt3A_5163 : i32 to vector<1x128xi32>
    %lt3A_5165 = arith.cmpi slt, %select_n3A_4960, %lt3A_5164 : vector<1x128xi32>
    %convert_element_type3A_5166 = arith.extui %lt3A_5165 : vector<1x128xi1> to vector<1x128xi32>
    %reduce_sum3A_5167 = vector.shape_cast %convert_element_type3A_5166 : vector<1x128xi32> to vector<1x1x128xi32>
    %reduce_sum3A_5168 = arith.constant dense<0> : vector<1xi32>
    %reduce_sum3A_5169 = vector.multi_reduction <add>, %reduce_sum3A_5167, %reduce_sum3A_5168 [1, 2] : vector<1x1x128xi32> to vector<1xi32>
    %reduce_sum3A_5170 = vector.shape_cast %reduce_sum3A_5169 : vector<1xi32> to vector<1x1x1xi32>
    %reduce_sum3A_5171 = vector.extract %reduce_sum3A_5170[0, 0, 0] : i32 from vector<1x1x1xi32>
    %swap3A_5172 = arith.constant 13 : index
    %swap3A_5173 = memref.load %arg13[%swap3A_5172] : memref<32xi32, #tpu.memory_space<smem>>
    memref.store %reduce_sum3A_5171, %arg13[%swap3A_5172] : memref<32xi32, #tpu.memory_space<smem>>
    %lt3A_5174 = arith.constant 114688 : i32
    %lt3A_5175 = vector.broadcast %lt3A_5174 : i32 to vector<1x128xi32>
    %lt3A_5176 = arith.cmpi slt, %select_n3A_4960, %lt3A_5175 : vector<1x128xi32>
    %convert_element_type3A_5177 = arith.extui %lt3A_5176 : vector<1x128xi1> to vector<1x128xi32>
    %reduce_sum3A_5178 = vector.shape_cast %convert_element_type3A_5177 : vector<1x128xi32> to vector<1x1x128xi32>
    %reduce_sum3A_5179 = arith.constant dense<0> : vector<1xi32>
    %reduce_sum3A_5180 = vector.multi_reduction <add>, %reduce_sum3A_5178, %reduce_sum3A_5179 [1, 2] : vector<1x1x128xi32> to vector<1xi32>
    %reduce_sum3A_5181 = vector.shape_cast %reduce_sum3A_5180 : vector<1xi32> to vector<1x1x1xi32>
    %reduce_sum3A_5182 = vector.extract %reduce_sum3A_5181[0, 0, 0] : i32 from vector<1x1x1xi32>
    %swap3A_5183 = arith.constant 14 : index
    %swap3A_5184 = memref.load %arg13[%swap3A_5183] : memref<32xi32, #tpu.memory_space<smem>>
    memref.store %reduce_sum3A_5182, %arg13[%swap3A_5183] : memref<32xi32, #tpu.memory_space<smem>>
    %lt3A_5185 = arith.constant 122880 : i32
    %lt3A_5186 = vector.broadcast %lt3A_5185 : i32 to vector<1x128xi32>
    %lt3A_5187 = arith.cmpi slt, %select_n3A_4960, %lt3A_5186 : vector<1x128xi32>
    %convert_element_type3A_5188 = arith.extui %lt3A_5187 : vector<1x128xi1> to vector<1x128xi32>
    %reduce_sum3A_5189 = vector.shape_cast %convert_element_type3A_5188 : vector<1x128xi32> to vector<1x1x128xi32>
    %reduce_sum3A_5190 = arith.constant dense<0> : vector<1xi32>
    %reduce_sum3A_5191 = vector.multi_reduction <add>, %reduce_sum3A_5189, %reduce_sum3A_5190 [1, 2] : vector<1x1x128xi32> to vector<1xi32>
    %reduce_sum3A_5192 = vector.shape_cast %reduce_sum3A_5191 : vector<1xi32> to vector<1x1x1xi32>
    %reduce_sum3A_5193 = vector.extract %reduce_sum3A_5192[0, 0, 0] : i32 from vector<1x1x1xi32>
    %swap3A_5194 = arith.constant 15 : index
    %swap3A_5195 = memref.load %arg13[%swap3A_5194] : memref<32xi32, #tpu.memory_space<smem>>
    memref.store %reduce_sum3A_5193, %arg13[%swap3A_5194] : memref<32xi32, #tpu.memory_space<smem>>
    %lt3A_5196 = arith.constant 131072 : i32
    %lt3A_5197 = vector.broadcast %lt3A_5196 : i32 to vector<1x128xi32>
    %lt3A_5198 = arith.cmpi slt, %select_n3A_4960, %lt3A_5197 : vector<1x128xi32>
    %convert_element_type3A_5199 = arith.extui %lt3A_5198 : vector<1x128xi1> to vector<1x128xi32>
    %reduce_sum3A_5200 = vector.shape_cast %convert_element_type3A_5199 : vector<1x128xi32> to vector<1x1x128xi32>
    %reduce_sum3A_5201 = arith.constant dense<0> : vector<1xi32>
    %reduce_sum3A_5202 = vector.multi_reduction <add>, %reduce_sum3A_5200, %reduce_sum3A_5201 [1, 2] : vector<1x1x128xi32> to vector<1xi32>
    %reduce_sum3A_5203 = vector.shape_cast %reduce_sum3A_5202 : vector<1xi32> to vector<1x1x1xi32>
    %reduce_sum3A_5204 = vector.extract %reduce_sum3A_5203[0, 0, 0] : i32 from vector<1x1x1xi32>
    %swap3A_5205 = arith.constant 16 : index
    %swap3A_5206 = memref.load %arg13[%swap3A_5205] : memref<32xi32, #tpu.memory_space<smem>>
    memref.store %reduce_sum3A_5204, %arg13[%swap3A_5205] : memref<32xi32, #tpu.memory_space<smem>>
    %lt3A_5207 = arith.constant 139264 : i32
    %lt3A_5208 = vector.broadcast %lt3A_5207 : i32 to vector<1x128xi32>
    %lt3A_5209 = arith.cmpi slt, %select_n3A_4960, %lt3A_5208 : vector<1x128xi32>
    %convert_element_type3A_5210 = arith.extui %lt3A_5209 : vector<1x128xi1> to vector<1x128xi32>
    %reduce_sum3A_5211 = vector.shape_cast %convert_element_type3A_5210 : vector<1x128xi32> to vector<1x1x128xi32>
    %reduce_sum3A_5212 = arith.constant dense<0> : vector<1xi32>
    %reduce_sum3A_5213 = vector.multi_reduction <add>, %reduce_sum3A_5211, %reduce_sum3A_5212 [1, 2] : vector<1x1x128xi32> to vector<1xi32>
    %reduce_sum3A_5214 = vector.shape_cast %reduce_sum3A_5213 : vector<1xi32> to vector<1x1x1xi32>
    %reduce_sum3A_5215 = vector.extract %reduce_sum3A_5214[0, 0, 0] : i32 from vector<1x1x1xi32>
    %swap3A_5216 = arith.constant 17 : index
    %swap3A_5217 = memref.load %arg13[%swap3A_5216] : memref<32xi32, #tpu.memory_space<smem>>
    memref.store %reduce_sum3A_5215, %arg13[%swap3A_5216] : memref<32xi32, #tpu.memory_space<smem>>
    %lt3A_5218 = arith.constant 147456 : i32
    %lt3A_5219 = vector.broadcast %lt3A_5218 : i32 to vector<1x128xi32>
    %lt3A_5220 = arith.cmpi slt, %select_n3A_4960, %lt3A_5219 : vector<1x128xi32>
    %convert_element_type3A_5221 = arith.extui %lt3A_5220 : vector<1x128xi1> to vector<1x128xi32>
    %reduce_sum3A_5222 = vector.shape_cast %convert_element_type3A_5221 : vector<1x128xi32> to vector<1x1x128xi32>
    %reduce_sum3A_5223 = arith.constant dense<0> : vector<1xi32>
    %reduce_sum3A_5224 = vector.multi_reduction <add>, %reduce_sum3A_5222, %reduce_sum3A_5223 [1, 2] : vector<1x1x128xi32> to vector<1xi32>
    %reduce_sum3A_5225 = vector.shape_cast %reduce_sum3A_5224 : vector<1xi32> to vector<1x1x1xi32>
    %reduce_sum3A_5226 = vector.extract %reduce_sum3A_5225[0, 0, 0] : i32 from vector<1x1x1xi32>
    %swap3A_5227 = arith.constant 18 : index
    %swap3A_5228 = memref.load %arg13[%swap3A_5227] : memref<32xi32, #tpu.memory_space<smem>>
    memref.store %reduce_sum3A_5226, %arg13[%swap3A_5227] : memref<32xi32, #tpu.memory_space<smem>>
    %lt3A_5229 = arith.constant 155648 : i32
    %lt3A_5230 = vector.broadcast %lt3A_5229 : i32 to vector<1x128xi32>
    %lt3A_5231 = arith.cmpi slt, %select_n3A_4960, %lt3A_5230 : vector<1x128xi32>
    %convert_element_type3A_5232 = arith.extui %lt3A_5231 : vector<1x128xi1> to vector<1x128xi32>
    %reduce_sum3A_5233 = vector.shape_cast %convert_element_type3A_5232 : vector<1x128xi32> to vector<1x1x128xi32>
    %reduce_sum3A_5234 = arith.constant dense<0> : vector<1xi32>
    %reduce_sum3A_5235 = vector.multi_reduction <add>, %reduce_sum3A_5233, %reduce_sum3A_5234 [1, 2] : vector<1x1x128xi32> to vector<1xi32>
    %reduce_sum3A_5236 = vector.shape_cast %reduce_sum3A_5235 : vector<1xi32> to vector<1x1x1xi32>
    %reduce_sum3A_5237 = vector.extract %reduce_sum3A_5236[0, 0, 0] : i32 from vector<1x1x1xi32>
    %swap3A_5238 = arith.constant 19 : index
    %swap3A_5239 = memref.load %arg13[%swap3A_5238] : memref<32xi32, #tpu.memory_space<smem>>
    memref.store %reduce_sum3A_5237, %arg13[%swap3A_5238] : memref<32xi32, #tpu.memory_space<smem>>
    %lt3A_5240 = arith.constant 163840 : i32
    %lt3A_5241 = vector.broadcast %lt3A_5240 : i32 to vector<1x128xi32>
    %lt3A_5242 = arith.cmpi slt, %select_n3A_4960, %lt3A_5241 : vector<1x128xi32>
    %convert_element_type3A_5243 = arith.extui %lt3A_5242 : vector<1x128xi1> to vector<1x128xi32>
    %reduce_sum3A_5244 = vector.shape_cast %convert_element_type3A_5243 : vector<1x128xi32> to vector<1x1x128xi32>
    %reduce_sum3A_5245 = arith.constant dense<0> : vector<1xi32>
    %reduce_sum3A_5246 = vector.multi_reduction <add>, %reduce_sum3A_5244, %reduce_sum3A_5245 [1, 2] : vector<1x1x128xi32> to vector<1xi32>
    %reduce_sum3A_5247 = vector.shape_cast %reduce_sum3A_5246 : vector<1xi32> to vector<1x1x1xi32>
    %reduce_sum3A_5248 = vector.extract %reduce_sum3A_5247[0, 0, 0] : i32 from vector<1x1x1xi32>
    %swap3A_5249 = arith.constant 20 : index
    %swap3A_5250 = memref.load %arg13[%swap3A_5249] : memref<32xi32, #tpu.memory_space<smem>>
    memref.store %reduce_sum3A_5248, %arg13[%swap3A_5249] : memref<32xi32, #tpu.memory_space<smem>>
    %lt3A_5251 = arith.constant 172032 : i32
    %lt3A_5252 = vector.broadcast %lt3A_5251 : i32 to vector<1x128xi32>
    %lt3A_5253 = arith.cmpi slt, %select_n3A_4960, %lt3A_5252 : vector<1x128xi32>
    %convert_element_type3A_5254 = arith.extui %lt3A_5253 : vector<1x128xi1> to vector<1x128xi32>
    %reduce_sum3A_5255 = vector.shape_cast %convert_element_type3A_5254 : vector<1x128xi32> to vector<1x1x128xi32>
    %reduce_sum3A_5256 = arith.constant dense<0> : vector<1xi32>
    %reduce_sum3A_5257 = vector.multi_reduction <add>, %reduce_sum3A_5255, %reduce_sum3A_5256 [1, 2] : vector<1x1x128xi32> to vector<1xi32>
    %reduce_sum3A_5258 = vector.shape_cast %reduce_sum3A_5257 : vector<1xi32> to vector<1x1x1xi32>
    %reduce_sum3A_5259 = vector.extract %reduce_sum3A_5258[0, 0, 0] : i32 from vector<1x1x1xi32>
    %swap3A_5260 = arith.constant 21 : index
    %swap3A_5261 = memref.load %arg13[%swap3A_5260] : memref<32xi32, #tpu.memory_space<smem>>
    memref.store %reduce_sum3A_5259, %arg13[%swap3A_5260] : memref<32xi32, #tpu.memory_space<smem>>
    %lt3A_5262 = arith.constant 180224 : i32
    %lt3A_5263 = vector.broadcast %lt3A_5262 : i32 to vector<1x128xi32>
    %lt3A_5264 = arith.cmpi slt, %select_n3A_4960, %lt3A_5263 : vector<1x128xi32>
    %convert_element_type3A_5265 = arith.extui %lt3A_5264 : vector<1x128xi1> to vector<1x128xi32>
    %reduce_sum3A_5266 = vector.shape_cast %convert_element_type3A_5265 : vector<1x128xi32> to vector<1x1x128xi32>
    %reduce_sum3A_5267 = arith.constant dense<0> : vector<1xi32>
    %reduce_sum3A_5268 = vector.multi_reduction <add>, %reduce_sum3A_5266, %reduce_sum3A_5267 [1, 2] : vector<1x1x128xi32> to vector<1xi32>
    %reduce_sum3A_5269 = vector.shape_cast %reduce_sum3A_5268 : vector<1xi32> to vector<1x1x1xi32>
    %reduce_sum3A_5270 = vector.extract %reduce_sum3A_5269[0, 0, 0] : i32 from vector<1x1x1xi32>
    %swap3A_5271 = arith.constant 22 : index
    %swap3A_5272 = memref.load %arg13[%swap3A_5271] : memref<32xi32, #tpu.memory_space<smem>>
    memref.store %reduce_sum3A_5270, %arg13[%swap3A_5271] : memref<32xi32, #tpu.memory_space<smem>>
    %lt3A_5273 = arith.constant 188416 : i32
    %lt3A_5274 = vector.broadcast %lt3A_5273 : i32 to vector<1x128xi32>
    %lt3A_5275 = arith.cmpi slt, %select_n3A_4960, %lt3A_5274 : vector<1x128xi32>
    %convert_element_type3A_5276 = arith.extui %lt3A_5275 : vector<1x128xi1> to vector<1x128xi32>
    %reduce_sum3A_5277 = vector.shape_cast %convert_element_type3A_5276 : vector<1x128xi32> to vector<1x1x128xi32>
    %reduce_sum3A_5278 = arith.constant dense<0> : vector<1xi32>
    %reduce_sum3A_5279 = vector.multi_reduction <add>, %reduce_sum3A_5277, %reduce_sum3A_5278 [1, 2] : vector<1x1x128xi32> to vector<1xi32>
    %reduce_sum3A_5280 = vector.shape_cast %reduce_sum3A_5279 : vector<1xi32> to vector<1x1x1xi32>
    %reduce_sum3A_5281 = vector.extract %reduce_sum3A_5280[0, 0, 0] : i32 from vector<1x1x1xi32>
    %swap3A_5282 = arith.constant 23 : index
    %swap3A_5283 = memref.load %arg13[%swap3A_5282] : memref<32xi32, #tpu.memory_space<smem>>
    memref.store %reduce_sum3A_5281, %arg13[%swap3A_5282] : memref<32xi32, #tpu.memory_space<smem>>
    %lt3A_5284 = arith.constant 196608 : i32
    %lt3A_5285 = vector.broadcast %lt3A_5284 : i32 to vector<1x128xi32>
    %lt3A_5286 = arith.cmpi slt, %select_n3A_4960, %lt3A_5285 : vector<1x128xi32>
    %convert_element_type3A_5287 = arith.extui %lt3A_5286 : vector<1x128xi1> to vector<1x128xi32>
    %reduce_sum3A_5288 = vector.shape_cast %convert_element_type3A_5287 : vector<1x128xi32> to vector<1x1x128xi32>
    %reduce_sum3A_5289 = arith.constant dense<0> : vector<1xi32>
    %reduce_sum3A_5290 = vector.multi_reduction <add>, %reduce_sum3A_5288, %reduce_sum3A_5289 [1, 2] : vector<1x1x128xi32> to vector<1xi32>
    %reduce_sum3A_5291 = vector.shape_cast %reduce_sum3A_5290 : vector<1xi32> to vector<1x1x1xi32>
    %reduce_sum3A_5292 = vector.extract %reduce_sum3A_5291[0, 0, 0] : i32 from vector<1x1x1xi32>
    %swap3A_5293 = arith.constant 24 : index
    %swap3A_5294 = memref.load %arg13[%swap3A_5293] : memref<32xi32, #tpu.memory_space<smem>>
    memref.store %reduce_sum3A_5292, %arg13[%swap3A_5293] : memref<32xi32, #tpu.memory_space<smem>>
    %lt3A_5295 = arith.constant 204800 : i32
    %lt3A_5296 = vector.broadcast %lt3A_5295 : i32 to vector<1x128xi32>
    %lt3A_5297 = arith.cmpi slt, %select_n3A_4960, %lt3A_5296 : vector<1x128xi32>
    %convert_element_type3A_5298 = arith.extui %lt3A_5297 : vector<1x128xi1> to vector<1x128xi32>
    %reduce_sum3A_5299 = vector.shape_cast %convert_element_type3A_5298 : vector<1x128xi32> to vector<1x1x128xi32>
    %reduce_sum3A_5300 = arith.constant dense<0> : vector<1xi32>
    %reduce_sum3A_5301 = vector.multi_reduction <add>, %reduce_sum3A_5299, %reduce_sum3A_5300 [1, 2] : vector<1x1x128xi32> to vector<1xi32>
    %reduce_sum3A_5302 = vector.shape_cast %reduce_sum3A_5301 : vector<1xi32> to vector<1x1x1xi32>
    %reduce_sum3A_5303 = vector.extract %reduce_sum3A_5302[0, 0, 0] : i32 from vector<1x1x1xi32>
    %swap3A_5304 = arith.constant 25 : index
    %swap3A_5305 = memref.load %arg13[%swap3A_5304] : memref<32xi32, #tpu.memory_space<smem>>
    memref.store %reduce_sum3A_5303, %arg13[%swap3A_5304] : memref<32xi32, #tpu.memory_space<smem>>
    %lt3A_5306 = arith.constant 212992 : i32
    %lt3A_5307 = vector.broadcast %lt3A_5306 : i32 to vector<1x128xi32>
    %lt3A_5308 = arith.cmpi slt, %select_n3A_4960, %lt3A_5307 : vector<1x128xi32>
    %convert_element_type3A_5309 = arith.extui %lt3A_5308 : vector<1x128xi1> to vector<1x128xi32>
    %reduce_sum3A_5310 = vector.shape_cast %convert_element_type3A_5309 : vector<1x128xi32> to vector<1x1x128xi32>
    %reduce_sum3A_5311 = arith.constant dense<0> : vector<1xi32>
    %reduce_sum3A_5312 = vector.multi_reduction <add>, %reduce_sum3A_5310, %reduce_sum3A_5311 [1, 2] : vector<1x1x128xi32> to vector<1xi32>
    %reduce_sum3A_5313 = vector.shape_cast %reduce_sum3A_5312 : vector<1xi32> to vector<1x1x1xi32>
    %reduce_sum3A_5314 = vector.extract %reduce_sum3A_5313[0, 0, 0] : i32 from vector<1x1x1xi32>
    %swap3A_5315 = arith.constant 26 : index
    %swap3A_5316 = memref.load %arg13[%swap3A_5315] : memref<32xi32, #tpu.memory_space<smem>>
    memref.store %reduce_sum3A_5314, %arg13[%swap3A_5315] : memref<32xi32, #tpu.memory_space<smem>>
    %lt3A_5317 = arith.constant 221184 : i32
    %lt3A_5318 = vector.broadcast %lt3A_5317 : i32 to vector<1x128xi32>
    %lt3A_5319 = arith.cmpi slt, %select_n3A_4960, %lt3A_5318 : vector<1x128xi32>
    %convert_element_type3A_5320 = arith.extui %lt3A_5319 : vector<1x128xi1> to vector<1x128xi32>
    %reduce_sum3A_5321 = vector.shape_cast %convert_element_type3A_5320 : vector<1x128xi32> to vector<1x1x128xi32>
    %reduce_sum3A_5322 = arith.constant dense<0> : vector<1xi32>
    %reduce_sum3A_5323 = vector.multi_reduction <add>, %reduce_sum3A_5321, %reduce_sum3A_5322 [1, 2] : vector<1x1x128xi32> to vector<1xi32>
    %reduce_sum3A_5324 = vector.shape_cast %reduce_sum3A_5323 : vector<1xi32> to vector<1x1x1xi32>
    %reduce_sum3A_5325 = vector.extract %reduce_sum3A_5324[0, 0, 0] : i32 from vector<1x1x1xi32>
    %swap3A_5326 = arith.constant 27 : index
    %swap3A_5327 = memref.load %arg13[%swap3A_5326] : memref<32xi32, #tpu.memory_space<smem>>
    memref.store %reduce_sum3A_5325, %arg13[%swap3A_5326] : memref<32xi32, #tpu.memory_space<smem>>
    %lt3A_5328 = arith.constant 229376 : i32
    %lt3A_5329 = vector.broadcast %lt3A_5328 : i32 to vector<1x128xi32>
    %lt3A_5330 = arith.cmpi slt, %select_n3A_4960, %lt3A_5329 : vector<1x128xi32>
    %convert_element_type3A_5331 = arith.extui %lt3A_5330 : vector<1x128xi1> to vector<1x128xi32>
    %reduce_sum3A_5332 = vector.shape_cast %convert_element_type3A_5331 : vector<1x128xi32> to vector<1x1x128xi32>
    %reduce_sum3A_5333 = arith.constant dense<0> : vector<1xi32>
    %reduce_sum3A_5334 = vector.multi_reduction <add>, %reduce_sum3A_5332, %reduce_sum3A_5333 [1, 2] : vector<1x1x128xi32> to vector<1xi32>
    %reduce_sum3A_5335 = vector.shape_cast %reduce_sum3A_5334 : vector<1xi32> to vector<1x1x1xi32>
    %reduce_sum3A_5336 = vector.extract %reduce_sum3A_5335[0, 0, 0] : i32 from vector<1x1x1xi32>
    %swap3A_5337 = arith.constant 28 : index
    %swap3A_5338 = memref.load %arg13[%swap3A_5337] : memref<32xi32, #tpu.memory_space<smem>>
    memref.store %reduce_sum3A_5336, %arg13[%swap3A_5337] : memref<32xi32, #tpu.memory_space<smem>>
    %lt3A_5339 = arith.constant 237568 : i32
    %lt3A_5340 = vector.broadcast %lt3A_5339 : i32 to vector<1x128xi32>
    %lt3A_5341 = arith.cmpi slt, %select_n3A_4960, %lt3A_5340 : vector<1x128xi32>
    %convert_element_type3A_5342 = arith.extui %lt3A_5341 : vector<1x128xi1> to vector<1x128xi32>
    %reduce_sum3A_5343 = vector.shape_cast %convert_element_type3A_5342 : vector<1x128xi32> to vector<1x1x128xi32>
    %reduce_sum3A_5344 = arith.constant dense<0> : vector<1xi32>
    %reduce_sum3A_5345 = vector.multi_reduction <add>, %reduce_sum3A_5343, %reduce_sum3A_5344 [1, 2] : vector<1x1x128xi32> to vector<1xi32>
    %reduce_sum3A_5346 = vector.shape_cast %reduce_sum3A_5345 : vector<1xi32> to vector<1x1x1xi32>
    %reduce_sum3A_5347 = vector.extract %reduce_sum3A_5346[0, 0, 0] : i32 from vector<1x1x1xi32>
    %swap3A_5348 = arith.constant 29 : index
    %swap3A_5349 = memref.load %arg13[%swap3A_5348] : memref<32xi32, #tpu.memory_space<smem>>
    memref.store %reduce_sum3A_5347, %arg13[%swap3A_5348] : memref<32xi32, #tpu.memory_space<smem>>
    %lt3A_5350 = arith.constant 245760 : i32
    %lt3A_5351 = vector.broadcast %lt3A_5350 : i32 to vector<1x128xi32>
    %lt3A_5352 = arith.cmpi slt, %select_n3A_4960, %lt3A_5351 : vector<1x128xi32>
    %convert_element_type3A_5353 = arith.extui %lt3A_5352 : vector<1x128xi1> to vector<1x128xi32>
    %reduce_sum3A_5354 = vector.shape_cast %convert_element_type3A_5353 : vector<1x128xi32> to vector<1x1x128xi32>
    %reduce_sum3A_5355 = arith.constant dense<0> : vector<1xi32>
    %reduce_sum3A_5356 = vector.multi_reduction <add>, %reduce_sum3A_5354, %reduce_sum3A_5355 [1, 2] : vector<1x1x128xi32> to vector<1xi32>
    %reduce_sum3A_5357 = vector.shape_cast %reduce_sum3A_5356 : vector<1xi32> to vector<1x1x1xi32>
    %reduce_sum3A_5358 = vector.extract %reduce_sum3A_5357[0, 0, 0] : i32 from vector<1x1x1xi32>
    %swap3A_5359 = arith.constant 30 : index
    %swap3A_5360 = memref.load %arg13[%swap3A_5359] : memref<32xi32, #tpu.memory_space<smem>>
    memref.store %reduce_sum3A_5358, %arg13[%swap3A_5359] : memref<32xi32, #tpu.memory_space<smem>>
    %lt3A_5361 = arith.constant 253952 : i32
    %lt3A_5362 = vector.broadcast %lt3A_5361 : i32 to vector<1x128xi32>
    %lt3A_5363 = arith.cmpi slt, %select_n3A_4960, %lt3A_5362 : vector<1x128xi32>
    %convert_element_type3A_5364 = arith.extui %lt3A_5363 : vector<1x128xi1> to vector<1x128xi32>
    %reduce_sum3A_5365 = vector.shape_cast %convert_element_type3A_5364 : vector<1x128xi32> to vector<1x1x128xi32>
    %reduce_sum3A_5366 = arith.constant dense<0> : vector<1xi32>
    %reduce_sum3A_5367 = vector.multi_reduction <add>, %reduce_sum3A_5365, %reduce_sum3A_5366 [1, 2] : vector<1x1x128xi32> to vector<1xi32>
    %reduce_sum3A_5368 = vector.shape_cast %reduce_sum3A_5367 : vector<1xi32> to vector<1x1x1xi32>
    %reduce_sum3A_5369 = vector.extract %reduce_sum3A_5368[0, 0, 0] : i32 from vector<1x1x1xi32>
    %swap3A_5370 = arith.constant 31 : index
    %swap3A_5371 = memref.load %arg13[%swap3A_5370] : memref<32xi32, #tpu.memory_space<smem>>
    memref.store %reduce_sum3A_5369, %arg13[%swap3A_5370] : memref<32xi32, #tpu.memory_space<smem>>
    %swap3A_5372 = arith.constant 0 : index
    %swap3A_5373 = memref.load %arg11[%swap3A_5372] : memref<16xi32, #tpu.memory_space<smem>>
    memref.store %scan3A_4971, %arg11[%swap3A_5372] : memref<16xi32, #tpu.memory_space<smem>>
    %swap3A_5374 = arith.constant 1 : index
    %swap3A_5375 = memref.load %arg11[%swap3A_5374] : memref<16xi32, #tpu.memory_space<smem>>
    memref.store %select_n3A_5019, %arg11[%swap3A_5374] : memref<16xi32, #tpu.memory_space<smem>>
    %swap3A_5376 = arith.constant 0 : i32
    %swap3A_5377 = arith.constant 2 : index
    %swap3A_5378 = memref.load %arg11[%swap3A_5377] : memref<16xi32, #tpu.memory_space<smem>>
    memref.store %swap3A_5376, %arg11[%swap3A_5377] : memref<16xi32, #tpu.memory_space<smem>>
    %swap3A_5379 = arith.constant 0 : i32
    %swap3A_5380 = arith.constant 3 : index
    %swap3A_5381 = memref.load %arg11[%swap3A_5380] : memref<16xi32, #tpu.memory_space<smem>>
    memref.store %swap3A_5379, %arg11[%swap3A_5380] : memref<16xi32, #tpu.memory_space<smem>>
    %swap3A_5382 = arith.constant 0 : i32
    %swap3A_5383 = arith.constant 4 : index
    %swap3A_5384 = memref.load %arg11[%swap3A_5383] : memref<16xi32, #tpu.memory_space<smem>>
    memref.store %swap3A_5382, %arg11[%swap3A_5383] : memref<16xi32, #tpu.memory_space<smem>>
    %swap3A_5385 = arith.constant 0 : i32
    %swap3A_5386 = arith.constant 5 : index
    %swap3A_5387 = memref.load %arg11[%swap3A_5386] : memref<16xi32, #tpu.memory_space<smem>>
    memref.store %swap3A_5385, %arg11[%swap3A_5386] : memref<16xi32, #tpu.memory_space<smem>>
    %swap3A_5388 = arith.constant 0 : i32
    %swap3A_5389 = arith.constant 6 : index
    %swap3A_5390 = memref.load %arg11[%swap3A_5389] : memref<16xi32, #tpu.memory_space<smem>>
    memref.store %swap3A_5388, %arg11[%swap3A_5389] : memref<16xi32, #tpu.memory_space<smem>>
    %swap3A_5391 = arith.constant 0 : i32
    %swap3A_5392 = arith.constant 7 : index
    %swap3A_5393 = memref.load %arg11[%swap3A_5392] : memref<16xi32, #tpu.memory_space<smem>>
    memref.store %swap3A_5391, %arg11[%swap3A_5392] : memref<16xi32, #tpu.memory_space<smem>>
    %swap3A_5394 = arith.constant 0 : i32
    %swap3A_5395 = arith.constant 8 : index
    %swap3A_5396 = memref.load %arg11[%swap3A_5395] : memref<16xi32, #tpu.memory_space<smem>>
    memref.store %swap3A_5394, %arg11[%swap3A_5395] : memref<16xi32, #tpu.memory_space<smem>>
    %swap3A_5397 = arith.constant 0 : i32
    %swap3A_5398 = arith.constant 9 : index
    %swap3A_5399 = memref.load %arg11[%swap3A_5398] : memref<16xi32, #tpu.memory_space<smem>>
    memref.store %swap3A_5397, %arg11[%swap3A_5398] : memref<16xi32, #tpu.memory_space<smem>>
    %swap3A_5400 = arith.constant 0 : i32
    %swap3A_5401 = arith.constant 10 : index
    %swap3A_5402 = memref.load %arg11[%swap3A_5401] : memref<16xi32, #tpu.memory_space<smem>>
    memref.store %swap3A_5400, %arg11[%swap3A_5401] : memref<16xi32, #tpu.memory_space<smem>>
    %swap3A_5403 = arith.constant 0 : i32
    %swap3A_5404 = arith.constant 11 : index
    %swap3A_5405 = memref.load %arg11[%swap3A_5404] : memref<16xi32, #tpu.memory_space<smem>>
    memref.store %swap3A_5403, %arg11[%swap3A_5404] : memref<16xi32, #tpu.memory_space<smem>>
    %swap3A_5406 = arith.constant 0 : i32
    %swap3A_5407 = arith.constant 12 : index
    %swap3A_5408 = memref.load %arg11[%swap3A_5407] : memref<16xi32, #tpu.memory_space<smem>>
    memref.store %swap3A_5406, %arg11[%swap3A_5407] : memref<16xi32, #tpu.memory_space<smem>>
    %swap3A_5409 = arith.constant 0 : i32
    %swap3A_5410 = arith.constant 13 : index
    %swap3A_5411 = memref.load %arg11[%swap3A_5410] : memref<16xi32, #tpu.memory_space<smem>>
    memref.store %swap3A_5409, %arg11[%swap3A_5410] : memref<16xi32, #tpu.memory_space<smem>>
    %swap3A_5412 = arith.constant 0 : i32
    %swap3A_5413 = arith.constant 14 : index
    %swap3A_5414 = memref.load %arg11[%swap3A_5413] : memref<16xi32, #tpu.memory_space<smem>>
    memref.store %swap3A_5412, %arg11[%swap3A_5413] : memref<16xi32, #tpu.memory_space<smem>>
    %swap3A_5415 = arith.constant 0 : i32
    %swap3A_5416 = arith.constant 15 : index
    %swap3A_5417 = memref.load %arg11[%swap3A_5416] : memref<16xi32, #tpu.memory_space<smem>>
    memref.store %swap3A_5415, %arg11[%swap3A_5416] : memref<16xi32, #tpu.memory_space<smem>>
    %swap3A_5418 = arith.constant 0 : index
    %swap3A_5419 = memref.load %arg12[%swap3A_5418] : memref<8xf32, #tpu.memory_space<smem>>
    memref.store %add3A_4832, %arg12[%swap3A_5418] : memref<8xf32, #tpu.memory_space<smem>>
    %swap3A_5420 = arith.constant 1 : index
    %swap3A_5421 = memref.load %arg12[%swap3A_5420] : memref<8xf32, #tpu.memory_space<smem>>
    memref.store %add3A_4839, %arg12[%swap3A_5420] : memref<8xf32, #tpu.memory_space<smem>>
    %swap3A_5422 = arith.constant 2 : index
    %swap3A_5423 = memref.load %arg12[%swap3A_5422] : memref<8xf32, #tpu.memory_space<smem>>
    memref.store %add3A_4845, %arg12[%swap3A_5422] : memref<8xf32, #tpu.memory_space<smem>>
    %swap3A_5424 = arith.constant 3 : index
    %swap3A_5425 = memref.load %arg12[%swap3A_5424] : memref<8xf32, #tpu.memory_space<smem>>
    memref.store %add3A_4863, %arg12[%swap3A_5424] : memref<8xf32, #tpu.memory_space<smem>>
    %swap3A_5426 = arith.constant 0.000000e+00 : f32
    %swap3A_5427 = arith.constant 4 : index
    %swap3A_5428 = memref.load %arg12[%swap3A_5427] : memref<8xf32, #tpu.memory_space<smem>>
    memref.store %swap3A_5426, %arg12[%swap3A_5427] : memref<8xf32, #tpu.memory_space<smem>>
    %swap3A_5429 = arith.constant 0.000000e+00 : f32
    %swap3A_5430 = arith.constant 5 : index
    %swap3A_5431 = memref.load %arg12[%swap3A_5430] : memref<8xf32, #tpu.memory_space<smem>>
    memref.store %swap3A_5429, %arg12[%swap3A_5430] : memref<8xf32, #tpu.memory_space<smem>>
    %swap3A_5432 = arith.constant 0.000000e+00 : f32
    %swap3A_5433 = arith.constant 6 : index
    %swap3A_5434 = memref.load %arg12[%swap3A_5433] : memref<8xf32, #tpu.memory_space<smem>>
    memref.store %swap3A_5432, %arg12[%swap3A_5433] : memref<8xf32, #tpu.memory_space<smem>>
    %swap3A_5435 = arith.constant 0.000000e+00 : f32
    %swap3A_5436 = arith.constant 7 : index
    %swap3A_5437 = memref.load %arg12[%swap3A_5436] : memref<8xf32, #tpu.memory_space<smem>>
    memref.store %swap3A_5435, %arg12[%swap3A_5436] : memref<8xf32, #tpu.memory_space<smem>>
    return
  }
}

</mosaic_0001>

<sc_bundles>
// kernel: _run.4.cloned.1.call-start
scs
__scs_entry_jumppad:
0x0: {  	(pc) =	sbr.rel $0x88, $3  }
0x1: {  	(tag) =	ssettag $0x0;
	lr =	simm.s32 $0x1  }
0x2: {  	[smem:$0x3F9F] =	sst lr;
	_ =	strace $0xD0000000  }
0x3: {  	_ = 	snop  }
0x4: {  	_ = 	snop  }
0x5: {  	_ = 	snop  }
0x6: {  	_ = 	snop  }
0x7: {  	_ = 	snop  }
__scs_overlays_trampoline_lowered:
0x8: {  	[smem:$0x3FAE] =	sst s0  }
0x9: {  	[smem:$0x3FAF] =	sst s1  }
0xa: {  	[smem:$0x3FB0] =	sst s2  }
0xb: {  	[smem:$0x3FB1] =	sst s3  }
0xc: {  	[smem:$0x3FB2] =	sst s4  }
0xd: {  	[smem:$0x3FB3] =	sst s5  }
0xe: {  	[smem:$0x3FB4] =	sst s6  }
0xf: {  	[smem:$0x3FB5] =	sst s7  }
0x10: {  	[smem:$0x3FB6] =	sst s8  }
0x11: {  	[smem:$0x3FB7] =	sst s9;
	s0 =	simm.s32 @!p0 $0x0  }
0x12: {  	s1 =	sld [smem:$0x3F9D];
	s0 =	simm.s32 @p0 $0x1  }
0x13: {  	[smem:$0x3FB8] =	sst s0;
	s0 =	simm.s32 @!p1 $0x0  }
0x14: {  	s2 =	sld [smem:$0x3F9C];
	s0 =	simm.s32 @p1 $0x1  }
0x15: {  	[smem:$0x3FB9] =	sst s0;
	s0 =	simm.s32 @!p2 $0x0  }
0x16: {  	s3 =	sld [smem:$0x3FDB];
	s0 =	simm.s32 @p2 $0x1  }
0x17: {  	s4 =	simm.s32 $0x1BF5;
	[smem:$0x3FBB] =	sst s0  }
0x18: {  	s0 =	sld [smem:$0x3F9E];
	_ =	swait.ge [sflag:s4], $0x0  }
0x19: {  	s7 =	sld [smem:$0x3F9F]  }
0x1a: {  	s8 =	sadd.s32 $0xFFFFE003, lr  }
0x1b: {  	s9 =	sadd.s32 $0xFFFFFEF7, lr;
	s5 =	simm.s32 $0xFFFFFFFF;
	p2 =	slt.u32 s8, $0xFFFFF086  }
0x1c: {  	p1 =	slt.u32 s9, $0xF7A;
	s5 =	simm.s32 @!p2 $0x0  }
0x1d: {  	s5 =	simm.s32 @p1 $0x1;
	p0 =	seq.s32 s7, s2  }
0x1e: {  	s7 =	smul.u32 @!p0 $0xF7A, s2;
	p2 =	seq.s32 @!p0 s5, $0x0  }
0x1f: {  	s9 =	smul.u32 $0xF7A, s1;
	s8 =	simm.s32 @!p0 $0x1BF5;
	p2 =	por !p2, p0  }
0x20: {  	[sflag:s8] =	ssyncset.s32 @!p0 $0xFFFFF086;
	s6 =	sadd.s32 @!p0 s3, s7;
	s7 =	simm.s32 @!p0 $0x108  }
0x21: {  	s3 =	sadd.s32 s3, s9;
	s6 =	sadd.s32 @!p0 $0x88, s6;
	s7 =	simm.s32 @p2 $0x1082  }
0x22: {  	[simem:s7], [sflag:s8] =	dma.local @!p0 [hbm:s6], $0xF7A  }
0x23: {  	s9 =	sor.u32 $0xD0000000, s2;
	s6 =	simm.s32 $0x108;
	_ =	swait.ge @!p0 [sflag:s8], $0x0  }
0x24: {  	s3 =	sadd.s32 $0x88, s3;
	s6 =	simm.s32 @!p1 $0x1082;
	[sflag:s4] =	ssyncset.s32 $0xFFFFF086  }
0x25: {  	[simem:s6], [sflag:s4] =	dma.local [hbm:s3], $0xF7A  }
0x26: {  	[smem:$0x3F9F] =	sst s1;
	(tag) =	ssettag s2;
	_ =	strace s9  }
0x27: {  	s1 =	sld [smem:$0x3FAF]  }
0x28: {  	s2 =	sld [smem:$0x3FB0]  }
0x29: {  	s4 =	sld [smem:$0x3FB2]  }
0x2a: {  	p0 =	seq.s32 s5, $0x0;
	s5 =	sld [smem:$0x3FB3]  }
0x2b: {  	s6 =	sld [smem:$0x3FB4]  }
0x2c: {  	s7 =	sld [smem:$0x3FB5]  }
0x2d: {  	s3 =	simm.s32 $0x108;
	s8 =	sld [smem:$0x3FB6]  }
0x2e: {  	s3 =	simm.s32 @!p0 $0x1082;
	s9 =	sld [smem:$0x3FB7]  }
0x2f: {  	lr =	sadd.s32 s0, s3;
	s0 =	sld [smem:$0x3FAE]  }
0x30: {  	s3 =	sld [smem:$0x3FB1]  }
0x31: {  	[smem:$0x3FBA] =	sst s10  }
0x32: {  	s10 =	sld [smem:$0x3FB8];
	_ =	sdelay $0x3  }
0x33: {  	p0 =	seq.s32 s10, $0x1;
	s10 =	sld [smem:$0x3FBA];
	_ =	sdelay $0x3  }
0x34: {  	[smem:$0x3FBA] =	sst s10  }
0x35: {  	s10 =	sld [smem:$0x3FB9];
	_ =	sdelay $0x3  }
0x36: {  	p1 =	seq.s32 s10, $0x1;
	s10 =	sld [smem:$0x3FBA];
	_ =	sdelay $0x3  }
0x37: {  	[smem:$0x3FBA] =	sst s10  }
0x38: {  	s10 =	sld [smem:$0x3FBB]  }
0x39: {  	_ = 	snop;
	(pc) =	sbr.ind lr, $3  }
0x3a: {  	_ = 	snop  }
0x3b: {  	_ = 	snop  }
0x3c: {  	p2 =	seq.s32 s10, $0x1;
	s10 =	sld [smem:$0x3FBA]  }
0x3d: {  	_ =	shalt  }
0x3e: {  	_ =	shalt  }
0x3f: {  	_ =	shalt  }
0x40: {  	_ =	shalt  }
0x41: {  	_ =	shalt  }
0x42: {  	_ =	shalt  }
0x43: {  	_ =	shalt  }
0x44: {  	_ =	shalt  }
0x45: {  	_ =	shalt  }
0x46: {  	_ =	shalt  }
0x47: {  	_ =	shalt  }
0x48: {  	_ =	shalt  }
0x49: {  	_ =	shalt  }
0x4a: {  	_ =	shalt  }
0x4b: {  	_ =	shalt  }
0x4c: {  	_ =	shalt  }
0x4d: {  	_ =	shalt  }
0x4e: {  	_ =	shalt  }
0x4f: {  	_ =	shalt  }
0x50: {  	_ =	shalt  }
0x51: {  	_ =	shalt  }
0x52: {  	_ =	shalt  }
0x53: {  	_ =	shalt  }
0x54: {  	_ =	shalt  }
0x55: {  	_ =	shalt  }
0x56: {  	_ =	shalt  }
0x57: {  	_ =	shalt  }
0x58: {  	_ =	shalt  }
0x59: {  	_ =	shalt  }
0x5a: {  	_ =	shalt  }
0x5b: {  	_ =	shalt  }
0x5c: {  	_ =	shalt  }
0x5d: {  	_ =	shalt  }
0x5e: {  	_ =	shalt  }
0x5f: {  	_ =	shalt  }
0x60: {  	_ =	shalt  }
0x61: {  	_ =	shalt  }
0x62: {  	_ =	shalt  }
0x63: {  	_ =	shalt  }
0x64: {  	_ =	shalt  }
0x65: {  	_ =	shalt  }
0x66: {  	_ =	shalt  }
0x67: {  	_ =	shalt  }
0x68: {  	_ =	shalt  }
0x69: {  	_ =	shalt  }
0x6a: {  	_ =	shalt  }
0x6b: {  	_ =	shalt  }
0x6c: {  	_ =	shalt  }
0x6d: {  	_ =	shalt  }
0x6e: {  	_ =	shalt  }
0x6f: {  	_ =	shalt  }
0x70: {  	_ =	shalt  }
0x71: {  	_ =	shalt  }
0x72: {  	_ =	shalt  }
0x73: {  	_ =	shalt  }
0x74: {  	_ =	shalt  }
0x75: {  	_ =	shalt  }
0x76: {  	_ =	shalt  }
0x77: {  	_ =	shalt  }
0x78: {  	_ =	shalt  }
0x79: {  	_ =	shalt  }
0x7a: {  	_ =	shalt  }
0x7b: {  	_ =	shalt  }
0x7c: {  	_ =	shalt  }
0x7d: {  	_ =	shalt  }
0x7e: {  	_ =	shalt  }
0x7f: {  	_ =	shalt  }
0x80: {  	_ =	shalt  }
0x81: {  	_ =	shalt  }
0x82: {  	_ =	shalt  }
0x83: {  	_ =	shalt  }
0x84: {  	_ =	shalt  }
0x85: {  	_ =	shalt  }
0x86: {  	_ =	shalt  }
0x87: {  	_ =	shalt  }
.Lfunc_end0:
.L_simem_size_0:
called_computation_lowered:
.L_overlay_start_0:
0x88: {  	s2 =	sld [smem:$0x3FD9]  }
0x89: {  	s3 =	sld [smem:$0x3FFE];
	_ =	sdelay $0x1  }
0x8a: {  	s1 =	srdreg.scid  }
0x8b: {  	s0 =	sand.u32 $0x1, s1  }
0x8c: {  	s16 =	sshll.u32 s0, $0xA;
	s2 =	sadd.s32 s3, s2  }
0x8d: {  	s2 =	sadd.s32 s2, s16  }
0x8e: {  	[smem:$0x3FC6] =	sst s2  }
0x8f: {  	_ = 	snop  }
0x90: {  	(tm) =	ssettm $0x1  }
0x91: {  	s17 =	sld [smem:$0x3FFB];
	_ =	sdelay $0x3  }
0x92: {  	_ =	strace s17  }
0x93: {  	s2 =	sld [smem:$0x3FFC];
	_ =	sdelay $0x3  }
0x94: {  	_ =	strace s2  }
0x95: {  	s2 =	sld [smem:$0x3FFD];
	_ =	sdelay $0x3  }
0x96: {  	_ =	strace s2  }
0x97: {  	_ =	strace $0x8FFFFFFF  }
0x98: {  	s18 =	sld [smem:$0x3FDB];
	_ =	sdelay $0x1  }
0x99: {  	s19 =	simm.s32 $_scs_section_size  }
0x9a: {  	s4 =	simm.s32 $_size__tile_overlayer_lowered;
	s5 =	simm.s32 $_tile_overlayer_lowered  }
0x9b: {  	s22 =	simm.s32 $0x1BFF;
	s21 =	sshll.u32 s5, $0x1;
	s2 =	sadd.s32 s19, s18  }
0x9c: {  	s6 =	simm.s32 $0x0;
	s20 =	sshll.u32 s4, $0x1;
	s4 =	sadd.s32 s21, s2  }
0x9d: {  	[timem:s6], [sflag:s22] =	dma.local [hbm:s4], s20  }
0x9e: {  	_ =	swait.ge [sflag:s22], s20  }
0x9f: {  	s3 =	ssub.s32 $0x0, s20;
	[sflag:s22] =	ssyncset.done $0x0  }
0xa0: {  	[sflag:s22] =	ssyncadd.s32 s3;
	_ =	sdelay $0x1  }
0xa1: {  	s23 =	simm.s32 $0x1B8B  }
0xa2: {  	_ =	swait.ge [sflag:s23], $0x1  }
0xa3: {  	[sflag:s23] =	ssyncset.done $0x0  }
0xa4: {  	s25 =	simm.s32 $0x1B8E;
	s24 =	sld [smem:$0x3FFE];
	[sflag:s23] =	ssyncadd.s32 $0xFFFFFFFF  }
0xa5: {  	s26 =	simm.s32 $execute0_lowered;
	[smem:$0x3FD2] =	sst s25  }
0xa6: {  	s4 =	sshll.u32 s26, $0x1;
	_ =	strace $0x80000046;
	[dreg:$0x1] =	wrdreg $0xFFFFFFFF  }
0xa7: {  	s28 =	simm.s32 $_size_execute0_lowered;
	s2 =	sadd.s32 s2, s4;
	[dreg:$0x0] =	wrdreg $0x0  }
0xa8: {  	s4 =	sshll.u32 s28, $0x1;
	[dreg:$0x2] =	wrdreg s2  }
0xa9: {  	[dreg:$0x3] =	wrdreg s4  }
0xaa: {  	[dreg:$0x4] =	wrdreg $0xC0  }
0xab: {  	_ =	task [dreg:s6], $0x5FFFF  }
0xac: {  	[dreg:$0x1] =	wrdreg $0xFFFFFFFF  }
0xad: {  	[dreg:$0x0] =	wrdreg $0x60  }
0xae: {  	[dreg:$0x2] =	wrdreg s24  }
0xaf: {  	[dreg:$0x3] =	wrdreg $0x9  }
0xb0: {  	_ =	task.clear_ibuf [dreg:s6], $0x4FFFF;
	_ =	strace $0x90000046  }
0xb1: {  	s29 =	simm.s32 $0x9;
	_ =	strace $0x80000048  }
0xb2: {  	_ =	swait.ge [sflag:s29], $0x1  }
0xb3: {  	[sflag:s29] =	ssyncadd.s32 $0xFFFFFFFF  }
0xb4: {  	_ =	strace $0x90000048  }
0xb5: {  	_ =	sfence  }
0xb6: {  	s30 =	sld [smem:$0x0];
	_ =	sdelay $0x2  }
0xb7: {  	s31 =	sshll.u32 s1, $0xD;
	s1 =	sshrl.u32 s1, $0x2  }
0xb8: {  	s3 =	sand.u32 $0x4000, s31;
	s1 =	sadd.s32 s1, s30  }
0xb9: {  	s0 =	sor.u32 s3, s0;
	s1 =	sshll.u32 s1, $0x11  }
0xba: {  	s0 =	sor.u32 s1, s0  }
0xbb: {  	s0 =	sadd.s32 $0x8F2B, s0  }
0xbc: {  	[sflag:s0] =	ssyncadd.remote.s32 $0x1  }
0xbd: {  	_ =	sfence.sel $0xFFFF  }
0xbe: {  	[dreg:$0x0] =	wrdreg $0xFFFFFFFF;
	(pc) =	sbr.abs _section_cstart, $3  }
0xbf: {  	[dreg:$0x1] =	wrdreg $0xFFFFFFFF  }
0xc0: {  	_ =	task.clear_ibuf [dreg:s6], $0x2FFFF;
	_ =	strace $0x9FFFFFFF  }
0xc1: {  	(tm) =	ssettm $0x7FFFFFFF  }
tec
execute0_lowered:
.L_overlay_start_1:
0x0: {  	(tag) =	ssettag $0x1  }
0x1: {  	s1 =	srdreg.scid  }
0x2: {  	s0 =	stileid.u32;
	s4 =	rddreg [dreg:$0x0];
	s2 =	simm.s32 $0x0  }
0x3: {  	s14 =	simm.s32 $0x2080;
	s15 =	simm.s32 $0x4880;
	s16 =	simm.s32 $0x4900  }
0x4: {  	s17 =	simm.s32 $0x4980;
	s18 =	simm.s32 $0x4080;
	s19 =	simm.s32 $0x4A00  }
0x5: {  	s20 =	simm.s32 $0x0;
	s7 =	sand.u32 $0x1, s1;
	s1 =	rddreg [dreg:$0x1]  }
0x6: {  	s3 =	sshll.u32 s0, $0x1;
	[smem:$0x7FF] =	sst s2;
	s9 =	sadd.s32 $0x8C00, s4  }
0x7: {  	s30 =	sshll.u32 s0, $0xE;
	s5 =	sor.u32 s7, s3;
	_ =	strace $0x80000047  }
0x8: {  	s12 =	ssub.s32 $0x2, s7;
	s31 =	sshll.u32 s7, $0xD;
	s6 =	sshll.u32 s5, $0xA  }
0x9: {  	s3 =	sshll.u32 s5, $0xD;
	s10 =	sshll.u32 s5, $0x1;
	s5 =	sshll.u32 s5, $0x4  }
0xa: {  	s26 =	sshrl.u32 s12, $0x1;
	s8 =	sadd.s32 s6, s4;
	s11 =	sadd.s32 $0xFFFFFF80, s3  }
0xb: {  	s10 =	sadd.s32 s10, s4;
	s3 =	sadd.s32 $0x11000, s4;
	s13 =	sadd.s32 s5, s4  }
0xc: {  	s29 =	ssub.s32 s12, s26;
	s6 =	sadd.s32 s9, s6;
	s12 =	sor.u32 s31, s30  }
0xd: {  	p0 =	sgt.s32 s11, $0x0;
	s4 =	sadd.s32 $0xC00, s8;
	s7 =	sadd.s32 $0x10C00, s13  }
0xe: {  	v0 =	vmov s11;
	s8 =	sadd.s32 $0x10E00, s10;
	s10 =	smax.u32 s29, $0x1;
	s11 =	simm.s32 @!p0 $0x0  }
0xf: {  	v1 =	vsub.s32 $0x0, v0;
	v0 =	vlaneseq.u32;
	s28 =	sshrl.u32 s11, $0x3;
	s11 =	sor.u32 $0x10, s12;
	s12 =	simm.s32 $0x1  }
0x10: {  	v2 =	vimm.s32 $0x0;
	v1 =	vbroadcast v1, $0x0;
	v3 =	vmul.u32 $0x80, v0;
	s5 =	sadd.s32 s9, s28;
	s9 =	sadd.s32 $0x11200, s13;
	s13 =	simm.s32 $0x2000  }
.LBB2_1:
0x11: {  	[tilespmem:s2], [sflag:$0x1] =	stream.linear.gather [hbm4b:s4+s2], $0x2000, $0x38;
	[tilespmem:$0x4A80] =	vst v63  }
0x12: {  	_ =	swait.ge [sflag:s12], $0x2000  }
0x13: {  	[sflag:s12] =	ssyncset.done $0x0  }
0x14: {  	[sflag:s12] =	ssyncadd.s32 $0xFFFFE000  }
0x15: {  	[tilespmem:s13], [sflag:$0x1] =	stream.linear.gather [hbm4b:s5+s2], $0x80, $0x38;
	[tilespmem:$0x4A80] =	vst v63  }
0x16: {  	_ =	swait.ge [sflag:s12], $0x80  }
0x17: {  	[sflag:s12] =	ssyncset.done $0x0  }
0x18: {  	[sflag:s12] =	ssyncadd.s32 $0xFFFFFF80  }
0x19: {  	[tilespmem:s14], [sflag:$0x1] =	stream.linear.gather [hbm4b:s6+s2], $0x2000, $0x38;
	[tilespmem:$0x4A80] =	vst v63  }
0x1a: {  	_ =	swait.ge [sflag:s12], $0x2000  }
0x1b: {  	[sflag:s12] =	ssyncset.done $0x0  }
0x1c: {  	[sflag:s12] =	ssyncadd.s32 $0xFFFFE000  }
0x1d: {  	[tilespmem:s15], [sflag:$0x1] =	stream.linear.gather [hbm4b:s7+s2], $0x80, $0x38;
	[tilespmem:$0x4A80] =	vst v63  }
0x1e: {  	_ =	swait.ge [sflag:s12], $0x80  }
0x1f: {  	[sflag:s12] =	ssyncset.done $0x0  }
0x20: {  	[sflag:s12] =	ssyncadd.s32 $0xFFFFFF80  }
0x21: {  	[tilespmem:s16], [sflag:$0x1] =	stream.linear.gather [hbm4b:s8+s2], $0x10, $0x38;
	[tilespmem:$0x4A80] =	vst v63  }
0x22: {  	_ =	swait.ge [sflag:s12], $0x10  }
0x23: {  	[sflag:s12] =	ssyncset.done $0x0  }
0x24: {  	[sflag:s12] =	ssyncadd.s32 $0xFFFFFFF0  }
0x25: {  	[tilespmem:s17], [sflag:$0x1] =	stream.linear.gather [hbm4b:s3+s2], $0x80, $0x38;
	[tilespmem:$0x4A80] =	vst v63  }
0x26: {  	_ =	swait.ge [sflag:s12], $0x80  }
0x27: {  	[sflag:s12] =	ssyncset.done $0x0  }
0x28: {  	s21 =	smov.u32 s11;
	s22 =	simm.s32 $0x0;
	v4 =	vimm.s32 $0x0;
	[sflag:s12] =	ssyncadd.s32 $0xFFFFFF80  }
.LBB2_2:
0x29: {  	v5 =	vld [tilespmem:$0x4980]  }
0x2a: {  	v6 =	vld [tilespmem:$0x4990];
	s23 =	sshra.s32 s22, $0x2  }
0x2b: {  	v7 =	vld [tilespmem:s23+$0x0];
	_ =	sdelay $0x2  }
0x2c: {  	s24 =	sadd.s32 $0xFFFFFFF0, s21  }
0x2d: {  	v8 =	vor.u32 s24, v0  }
0x2e: {  	vm1 =	vle.s32 v8, v6;
	vm0 =	veq.s32 v7, v5  }
0x2f: {  	vm2 =	vgt.s32 v7, v5;
	vm0 =	vmand vm1, vm0  }
0x30: {  	vm1 =	vmxor vm2, vm0  }
0x31: {  	v7 =	vadd.s32 v3, v4;
	_ =	sdelay $0x4  }
0x32: {  	[tilespmem:v7+s18+$0x0] =	vst.idx.msk vm1, v8  }
0x33: {  	v7 =	vld [tilespmem:s23+$0x10];
	_ =	sdelay $0x2  }
0x34: {  	v9 =	vor.u32 s21, v0  }
0x35: {  	vm14 =	vle.s32 v9, v6  }
0x36: {  	v63 =	vsel vm2, $0x1, v2;
	v10 =	vsel vm0, $0x1, v2;
	vm13 =	veq.s32 v7, v5  }
0x37: {  	v4 =	vadd.s32 v63, v4;
	vm15 =	vgt.s32 v7, v5;
	vm0 =	vmand vm14, vm13  }
0x38: {  	v4 =	vadd.s32 v10, v4;
	vm1 =	vmxor vm15, vm0  }
0x39: {  	p0 =	sne.s32 s22, $0x7F80;
	v5 =	vadd.s32 v3, v4  }
.Ltmp0:
0x3a: {  	_ = 	snop;
	(pc) =	sbr.rel @p0 .LBB2_2-.Ltmp0, $4  }
0x3b: {  	_ = 	snop  }
0x3c: {  	v6 =	vsel vm15, $0x1, v2;
	v7 =	vsel vm0, $0x1, v2  }
0x3d: {  	v6 =	vadd.s32 v6, v7  }
0x3e: {  	s21 =	sadd.s32 $0x20, s21;
	s22 =	sadd.s32 $0x80, s22;
	v4 =	vadd.s32 v4, v6;
	[tilespmem:v5+s18+$0x0] =	vst.idx.msk vm1, v9  }
0x3f: {  	s23 =	simm.s32 $0x0  }
0x40: {  	v5 =	vor.u32 s23, v3;
	_ =	sdelay $0x2  }
0x41: {  	v6 =	vld [tilespmem:$0x4900]  }
0x42: {  	v7 =	vld [tilespmem:$0x4880]  }
0x43: {  	v5 =	vld.idx.msk [tilespmem:v5+s18+$0x0], $0xffff  }
0x44: {  	v8 =	vld [tilespmem:$0x4890]  }
0x45: {  	v9 =	vld [tilespmem:$0x48A0]  }
0x46: {  	v10 =	vld [tilespmem:$0x48B0]  }
0x47: {  	s21 =	simm.s32 $0x1;
	v12 =	vld [tilespmem:$0x48C0]  }
0x48: {  	v13 =	vld [tilespmem:$0x48D0];
	v11 =	vor.u32 s21, v3;
	vm0 =	vge.s32 v5, v7;
	v7 =	vadd.s32 v1, v5  }
0x49: {  	v15 =	vld [tilespmem:$0x48E0];
	v14 =	vsel vm0, $0xFFFFFFFF, v2;
	vm0 =	vge.s32 v5, v8;
	v6 =	vsub.s32 v7, v6  }
0x4a: {  	v8 =	vsel vm0, $0xFFFFFFFF, v2;
	vm0 =	vge.s32 v5, v9;
	v9 =	vld [tilespmem:$0x48F0];
	v6 =	vadd.s32 v14, v6  }
0x4b: {  	v14 =	vsel vm0, $0xFFFFFFFF, v2;
	vm0 =	vge.s32 v5, v10;
	v6 =	vadd.s32 v8, v6  }
0x4c: {  	v7 =	vld [tilespmem:$0x4900];
	v10 =	vsel vm0, $0xFFFFFFFF, v2;
	vm0 =	vge.s32 v5, v12;
	v6 =	vadd.s32 v14, v6  }
0x4d: {  	v8 =	vld.idx.msk [tilespmem:v11+s18+$0x0], $0xffff;
	v11 =	vsel vm0, $0xFFFFFFFF, v2;
	vm0 =	vge.s32 v5, v13;
	v6 =	vadd.s32 v10, v6  }
0x4e: {  	v14 =	vld [tilespmem:$0x4880];
	v12 =	vsel vm0, $0xFFFFFFFF, v2;
	vm0 =	vge.s32 v5, v15;
	v6 =	vadd.s32 v11, v6  }
0x4f: {  	v10 =	vld [tilespmem:$0x4890];
	v13 =	vsel vm0, $0xFFFFFFFF, v2;
	vm0 =	vge.s32 v5, v9;
	v6 =	vadd.s32 v12, v6  }
0x50: {  	v11 =	vld [tilespmem:$0x48A0];
	v9 =	vsel vm0, $0xFFFFFFFF, v2;
	v6 =	vadd.s32 v13, v6  }
0x51: {  	v12 =	vld [tilespmem:$0x48B0];
	vm0 =	vgt.s32 v4, s23;
	v6 =	vadd.s32 v9, v6  }
0x52: {  	s22 =	simm.s32 $0x2;
	v5 =	vimm.f32 $0.0e+00;
	v13 =	vld [tilespmem:$0x48C0];
	v6 =	vnsel vm0, $0x0, v6  }
0x53: {  	s23 =	simm.s32 $0x3;
	v15 =	vadd.s32 v1, v8;
	v9 =	vor.u32 s22, v3;
	vm1 =	vge.s32 v8, v14;
	v14 =	vld [tilespmem:$0x48D0]  }
.LBB2_4:
0x54: {  	p0 =	sne.s32 s23, $0x7F;
	v16 =	vsel vm1, $0xFFFFFFFF, v2;
	vm1 =	vge.s32 v8, v10;
	v10 =	vld [tilespmem:$0x48E0];
	v7 =	vsub.s32 v15, v7  }
0x55: {  	v15 =	vsel vm1, $0xFFFFFFFF, v2;
	vm1 =	vge.s32 v8, v11;
	v11 =	vld [tilespmem:$0x48F0];
	v16 =	vadd.s32 v16, v7  }
0x56: {  	v7 =	vld [tilespmem:$0x4900];
	v17 =	vsel vm1, $0xFFFFFFFF, v2;
	vm1 =	vge.s32 v8, v12;
	v12 =	vadd.s32 v15, v16  }
0x57: {  	v15 =	vsel vm1, $0xFFFFFFFF, v2;
	vm1 =	vge.s32 v8, v13;
	v12 =	vadd.s32 v17, v12;
	v16 =	vld.idx.msk [tilespmem:v6+s13+$0x0], $0xffff  }
0x58: {  	v17 =	vld.idx.msk [tilespmem:v9+s18+$0x0], $0xffff;
	v6 =	vsel vm1, $0xFFFFFFFF, v2;
	vm1 =	vge.s32 v8, v14;
	v9 =	vadd.s32 v15, v12  }
0x59: {  	v14 =	vld [tilespmem:$0x4880];
	v12 =	vsel vm1, $0xFFFFFFFF, v2;
	vm1 =	vge.s32 v8, v10;
	v6 =	vadd.s32 v6, v9  }
.Ltmp1:
0x5a: {  	v10 =	vld [tilespmem:$0x4890];
	v9 =	vsel vm1, $0xFFFFFFFF, v2;
	vm1 =	vge.s32 v8, v11;
	v6 =	vadd.s32 v12, v6;
	(pc) =	sbr.rel @p0 .LBB2_4-.Ltmp1, $4  }
0x5b: {  	v11 =	vld [tilespmem:$0x48A0];
	v8 =	vsel vm1, $0xFFFFFFFF, v2;
	v6 =	vadd.s32 v9, v6;
	vm1 =	vmmov vm0  }
0x5c: {  	vm0 =	vgt.s32 v4, s21;
	s21 =	smov.u32 s22;
	s22 =	smov.u32 s23;
	v12 =	vld [tilespmem:$0x48B0];
	v6 =	vadd.s32 v8, v6  }
0x5d: {  	v9 =	vor.u32 s23, v3;
	v16 =	vnsel vm1, $0x0, v16;
	v13 =	vld [tilespmem:$0x48C0];
	v6 =	vnsel vm0, $0x0, v6  }
0x5e: {  	s23 =	sadd.s32 $0x1, s23;
	v15 =	vadd.s32 v1, v17;
	v5 =	vadd.f32 v16, v5;
	vm1 =	vge.s32 v17, v14;
	v14 =	vld [tilespmem:$0x48D0];
	v8 =	vmovc v17  }
0x5f: {  	_ = 	snop  }
0x60: {  	v16 =	vld [tilespmem:$0x48E0]  }
0x61: {  	v42 =	vld [tilespmem:$0x48F0]  }
0x62: {  	v44 =	vld [tilespmem:$0x4900]  }
0x63: {  	v9 =	vld.idx.msk [tilespmem:v9+s18+$0x0], $0xffff  }
0x64: {  	v46 =	vld [tilespmem:$0x4880]  }
0x65: {  	v48 =	vld [tilespmem:$0x4890]  }
0x66: {  	v17 =	vsel vm1, $0xFFFFFFFF, v2;
	vm10 =	vge.s32 v8, v10;
	v7 =	vsub.s32 v15, v7;
	v49 =	vld [tilespmem:$0x48A0]  }
0x67: {  	v50 =	vld [tilespmem:$0x48B0];
	vm5 =	vgt.s32 v4, s21;
	v43 =	vsel vm10, $0xFFFFFFFF, v2;
	vm11 =	vge.s32 v8, v11  }
0x68: {  	v51 =	vld [tilespmem:$0x48C0];
	v7 =	vadd.s32 v17, v7;
	v45 =	vsel vm11, $0xFFFFFFFF, v2;
	vm12 =	vge.s32 v8, v12  }
0x69: {  	v52 =	vld [tilespmem:$0x48D0];
	v7 =	vadd.s32 v43, v7;
	v12 =	vsel vm12, $0xFFFFFFFF, v2;
	vm13 =	vge.s32 v8, v13  }
0x6a: {  	v55 =	vld [tilespmem:$0x48E0];
	v7 =	vadd.s32 v45, v7;
	v47 =	vsel vm13, $0xFFFFFFFF, v2;
	vm14 =	vge.s32 v8, v14  }
0x6b: {  	v7 =	vadd.s32 v12, v7;
	v14 =	vsel vm14, $0xFFFFFFFF, v2;
	vm15 =	vge.s32 v8, v16  }
0x6c: {  	v7 =	vadd.s32 v47, v7;
	vm4 =	vge.s32 v8, v42;
	vm2 =	vge.s32 v9, v46  }
0x6d: {  	v53 =	vadd.s32 v1, v9;
	vm6 =	vge.s32 v9, v48;
	vm7 =	vge.s32 v9, v49  }
0x6e: {  	vm8 =	vge.s32 v9, v50;
	vm9 =	vge.s32 v9, v51;
	vm10 =	vge.s32 v9, v52  }
0x6f: {  	vm11 =	vge.s32 v9, v55;
	v54 =	vsel vm2, $0xFFFFFFFF, v2;
	v11 =	vsub.s32 v53, v44  }
0x70: {  	v57 =	vld [tilespmem:$0x48F0];
	v16 =	vsel vm15, $0xFFFFFFFF, v2;
	v56 =	vsel vm6, $0xFFFFFFFF, v2;
	v11 =	vadd.s32 v54, v11  }
0x71: {  	v7 =	vadd.s32 v14, v7;
	v58 =	vsel vm7, $0xFFFFFFFF, v2;
	v59 =	vadd.s32 v56, v11  }
0x72: {  	v10 =	vsel vm4, $0xFFFFFFFF, v2;
	v60 =	vsel vm8, $0xFFFFFFFF, v2;
	v8 =	vadd.s32 v58, v59  }
0x73: {  	v61 =	vsel vm9, $0xFFFFFFFF, v2;
	v7 =	vadd.s32 v16, v7;
	v8 =	vadd.s32 v60, v8  }
0x74: {  	v7 =	vadd.s32 v10, v7;
	v10 =	vsel vm10, $0xFFFFFFFF, v2;
	v8 =	vadd.s32 v61, v8  }
0x75: {  	vm12 =	vge.s32 v9, v57;
	v62 =	vsel vm11, $0xFFFFFFFF, v2;
	v8 =	vadd.s32 v10, v8  }
0x76: {  	v9 =	vsel vm12, $0xFFFFFFFF, v2;
	v7 =	vnsel vm5, $0x0, v7;
	v8 =	vadd.s32 v62, v8  }
0x77: {  	vm13 =	vgt.s32 v4, s22;
	v4 =	vadd.s32 v9, v8  }
0x78: {  	v4 =	vnsel vm13, $0x0, v4  }
0x79: {  	v6 =	vld.idx.msk [tilespmem:v6+s13+$0x0], $0xffff;
	_ =	sdelay $0x1  }
0x7a: {  	v7 =	vld.idx.msk [tilespmem:v7+s13+$0x0], $0xffff;
	_ =	sdelay $0x1  }
0x7b: {  	vm0 =	vmmov vm0;
	v4 =	vld.idx.msk [tilespmem:v4+s13+$0x0], $0xffff  }
0x7c: {  	v6 =	vnsel vm0, $0x0, v6  }
0x7d: {  	vm14 =	vmmov vm5;
	v5 =	vadd.f32 v6, v5  }
0x7e: {  	v63 =	vnsel vm14, $0x0, v7  }
0x7f: {  	vm15 =	vmmov vm13;
	v5 =	vadd.f32 v63, v5  }
0x80: {  	v4 =	vnsel vm15, $0x0, v4  }
0x81: {  	s20 =	sadd.s32 $0x1, s20;
	v4 =	vadd.f32 v4, v5  }
0x82: {  	p0 =	sne.s32 s20, s10  }
.Ltmp2:
0x83: {  	[tilespmem:$0x4A00] =	vst v4;
	(pc) =	sbr.rel @p0 .LBB2_1-.Ltmp2, $4  }
0x84: {  	[hbm4b:s9+s2] =	stream.linear.scatter [tilespmem:s19], [sflag:$0x1], $0x80, $0x38;
	[tilespmem:$0x4A80] =	vst v63  }
0x85: {  	_ =	swait.ge [sflag:s12], $0x80  }
0x86: {  	[sflag:s12] =	ssyncset.done $0x0  }
0x87: {  	[sflag:s12] =	ssyncadd.s32 $0xFFFFFF80  }
0x88: {  	_ =	sfence.sel $0x180000  }
0x89: {  	[bflag:$0x0] =	sbarrier.arrive $0xFFFF  }
0x8a: {  	p0 =	sne.s32 s0, $0x0;
	_ =	strace $0x90000047  }
0x8b: {  	s0 =	sadd.s32 @!p0 $0x100000, s1;
	[bflag:$0x2] =	sbarrier.arrive $0xFFFF  }
0x8c: {  	[sflag:s0] =	ssyncadd.tile.s32 @!p0 $0x1;
	_ =	shalt  }
.Lfunc_end2:
_tile_overlayer_lowered:
.L_overlay_start_2:
0x8d: {  	(tag) =	ssettag $0x2  }
0x8e: {  	s0 =	rddreg [dreg:$0x0];
	s2 =	stileid.u32  }
0x8f: {  	s1 =	rddreg [dreg:$0x1];
	p0 =	sne.s32 s2, $0x0  }
0x90: {  	s3 =	rddreg [dreg:$0x2];
	[bflag:$0x3] =	sbarrier.arrive $0xFFFF;
	s2 =	simm.s32 @!p0 $0x1C01  }
0x91: {  	[timem:s3], [sflag:s2] =	dma.local @!p0 [hbm:s0], s1  }
0x92: {  	s0 =	simm.s32 @!p0 $0x1  }
0x93: {  	_ =	swait.ge @!p0 [sflag:s0], s1  }
0x94: {  	s1 =	ssub.s32 @!p0 $0x0, s1;
	[sflag:s0] =	ssyncset.done @!p0 $0x0  }
0x95: {  	[sflag:s0] =	ssyncadd.s32 @!p0 s1  }
0x96: {  	[bflag:$0x3] =	sbarrier.arrive $0xFFFF  }
0x97: {  	_ =	shalt  }

</sc_bundles>
